<compile_context>
chip_gen: v7x
topology: tpu7x:2x2x1
jax: 0.10.2.dev20260603
libtpu: 0.0.44.dev20260713+nightly
codegen_flags: <defaults>
</compile_context>

<pallas_src>
import functools

import jax
import jax.numpy as jnp
from jax import lax
from jax.experimental import pallas as pl
from jax.experimental.pallas import tpu as pltpu
from jax.experimental.pallas import tpu_sc as plsc

_B = 8
_N = 2048
_TOTAL = 8192
_E = 262144
_D = 512
_BN = 512

_NTILE = 16
_EP = _E // _NTILE
_NG = _EP // 16
_NROWS = 128
_CHUNK = (_N // 8) * _N
_TRASH = _CHUNK
_HUGE = 1 << 30



def _dense_body(batch_ref, x_ref, out_ref, cum_smem, buf0, buf1, iota_v,
                sem0, sem1):
    b = pl.program_id(0)
    j = pl.program_id(1)
    nj = _N // _BN
    step = b * nj + j
    bufs = (buf0, buf1)
    sems = (sem0, sem1)
    L = _BN * _D
    o_max = _TOTAL * _D - L

    def src_off(k):
        bb = k // nj
        jj = k % nj
        o = (cum_smem[bb] + jj * _BN) * _D
        return jnp.minimum(o, o_max)

    def start(k, buf, sem):
        pltpu.make_async_copy(x_ref.at[pl.ds(src_off(k), L)], buf, sem).start()

    def wait(k, buf, sem):
        pltpu.make_async_copy(x_ref.at[pl.ds(src_off(k), L)], buf, sem).wait()

    @pl.when(step == 0)
    def _():
        bi = batch_ref[...]
        for k in range(_B + 1):
            cum_smem[k] = jnp.sum((bi < k).astype(jnp.int32))
        start(0, buf0, sem0)
        start(1, buf1, sem1)
        iota_v[...] = lax.broadcasted_iota(jnp.int32, (L,), 0)

    parity = step % 2
    nsteps = _B * nj

    for par in range(2):
        @pl.when(parity == par)
        def _():
            buf, sem = bufs[par], sems[par]
            wait(step, buf, sem)
            o = (cum_smem[b] + j * _BN) * _D
            dlt = o - jnp.minimum(o, o_max)
            thr = (cum_smem[b + 1] - cum_smem[b] - j * _BN) * _D

            @pl.when((thr >= L) & (dlt == 0))
            def _():
                out_ref[...] = buf[...]

            @pl.when(thr <= 0)
            def _():
                out_ref[...] = jnp.zeros((L,), jnp.float32)

            @pl.when((thr > 0) & (thr < L) & (dlt == 0))
            def _():
                out_ref[...] = jnp.where(iota_v[...] < thr, buf[...], 0.0)

            @pl.when((thr > 0) & (dlt > 0))
            def _():
                nr = thr // _D
                nck = nr // 64
                nrem = nr - nck * 64
                ck = 64 * _D

                def fire_ck(k, c):
                    pltpu.make_async_copy(
                        x_ref.at[pl.ds(o + k * ck, ck)],
                        buf.at[pl.ds(k * ck, ck)], sem).start()
                    return c

                def fire_r(r2, c):
                    pltpu.make_async_copy(
                        x_ref.at[pl.ds(o + nck * ck + r2 * _D, _D)],
                        buf.at[pl.ds(nck * ck + r2 * _D, _D)], sem).start()
                    return c

                def drain_ck(k, c):
                    pltpu.make_async_copy(
                        x_ref.at[pl.ds(o + k * ck, ck)],
                        buf.at[pl.ds(k * ck, ck)], sem).wait()
                    return c

                def drain_r(r2, c):
                    pltpu.make_async_copy(
                        x_ref.at[pl.ds(o + nck * ck + r2 * _D, _D)],
                        buf.at[pl.ds(nck * ck + r2 * _D, _D)], sem).wait()
                    return c

                lax.fori_loop(0, nck, fire_ck, 0)
                lax.fori_loop(0, nrem, fire_r, 0)
                lax.fori_loop(0, nck, drain_ck, 0)
                lax.fori_loop(0, nrem, drain_r, 0)
                out_ref[...] = jnp.where(iota_v[...] < thr, buf[...], 0.0)

            @pl.when(step + 2 < nsteps)
            def _():
                start(step + 2, buf, sem)


def _dense_x(x, batch_idx):
    batch2d = batch_idx.reshape(_TOTAL // 128, 128)
    out = pl.pallas_call(
        _dense_body,
        grid=(_B, _N // _BN),
        in_specs=[
            pl.BlockSpec((_TOTAL // 128, 128), lambda b, j: (0, 0)),
            pl.BlockSpec(memory_space=pltpu.MemorySpace.HBM),
        ],
        out_specs=pl.BlockSpec((_BN * _D,), lambda b, j: (b * (_N // _BN) + j,)),
        out_shape=jax.ShapeDtypeStruct((_B * _N * _D,), jnp.float32),
        scratch_shapes=[
            pltpu.SMEM((_B + 1,), jnp.int32),
            pltpu.VMEM((_BN * _D,), jnp.float32),
            pltpu.VMEM((_BN * _D,), jnp.float32),
            pltpu.VMEM((_BN * _D,), jnp.int32),
            pltpu.SemaphoreType.DMA,
            pltpu.SemaphoreType.DMA,
        ],
    )(batch2d, x.reshape(-1))
    return out.reshape(_B, _N, _D)



_MESH = plsc.VectorSubcoreMesh(core_axis_name="c", subcore_axis_name="s")


_CROWS = 256
_CHUNKW = _CROWS * _N
_TRASHW = _CHUNKW


@functools.partial(
    pl.kernel,
    out_type=jax.ShapeDtypeStruct((_N, _N), jnp.float32),
    mesh=_MESH,
    compiler_params=pltpu.CompilerParams(needs_layout_passes=False),
    scratch_types=[
        pltpu.VMEM((_EP // 2,), jnp.int32),
        pltpu.VMEM((_EP // 2,), jnp.int32),
        pltpu.VMEM((_EP + 16,), jnp.int32),
        pltpu.VMEM((_TOTAL,), jnp.int32),
        pltpu.VMEM((16,), jnp.int32),
        pltpu.VMEM((256,), jnp.int32),
        pltpu.VMEM((_NROWS + 1, 128), jnp.int32),
        pltpu.VMEM((_NROWS + 1, 128), jnp.int32),
        pltpu.VMEM((128,), jnp.float32),
        pltpu.VMEM((8192,), jnp.float32),
        pltpu.VMEM_SHARED((_CHUNKW + 64,), jnp.float32),
        pltpu.VMEM_SHARED((256,), jnp.int32),
        pltpu.SemaphoreType.DMA,
    ],
)
def _adj_kernel(edge_ref, batch_ref, adj_ref,
                src_v, dst_v, vlist, batch_v, cumtab, cumbuf, idx2d, idx2db,
                ones_v, zeros_v, accum, cumstage, dsem):
    cid = lax.axis_index("c")
    sid = lax.axis_index("s")
    base_e = sid * _EP
    pltpu.async_copy(edge_ref.at[0, pl.ds(base_e, _EP // 2)], src_v, dsem)
    pltpu.async_copy(edge_ref.at[1, pl.ds(base_e, _EP // 2)], dst_v, dsem)
    pltpu.async_copy(batch_ref, batch_v, dsem)

    zero16f = jnp.zeros((16,), jnp.float32)

    def fill_z(i, c):
        zeros_v[pl.ds(i * 16, 16)] = zero16f
        return c

    lax.fori_loop(0, 8192 // 16, fill_z, 0)
    one16f = jnp.ones((16,), jnp.float32)
    for i in range(128 // 16):
        ones_v[pl.ds(i * 16, 16)] = one16f

    pltpu.make_async_copy(edge_ref.at[0, pl.ds(base_e, _EP // 2)], src_v,
                          dsem).wait()
    pltpu.make_async_copy(edge_ref.at[1, pl.ds(base_e, _EP // 2)], dst_v,
                          dsem).wait()
    pltpu.make_async_copy(batch_ref, batch_v, dsem).wait()

    one_b = jnp.full((16,), 1, jnp.int32)
    zero_b = jnp.full((16,), 0, jnp.int32)
    lanes = lax.broadcasted_iota(jnp.int32, (16,), 0)
    kconsts = [jnp.full((16,), k + 1, jnp.int32) for k in range(7)]

    gdn = lax.GatherDimensionNumbers(
        offset_dims=(), collapsed_slice_dims=(0,), start_index_map=(0,))

    def gat(v, idx):
        return lax.gather(v, idx[:, None], gdn, (1,),
                          mode=lax.GatherScatterMode.PROMISE_IN_BOUNDS)

    def lane_sum(v):
        for sh in (8, 4, 2, 1):
            v = v + gat(v, jnp.bitwise_xor(lanes, jnp.full((16,), sh,
                                                           jnp.int32)))
        return v

    def cum_body(g, accs):
        v = batch_v[pl.ds((sid * 32 + g) * 16, 16)]
        return tuple(a + jnp.where(v < kconsts[k], one_b, zero_b)
                     for k, a in enumerate(accs))

    accs = lax.fori_loop(0, 32, cum_body, tuple(zero_b for _ in range(7)))
    part = zero_b
    for k in range(7):
        part = jnp.where(lanes == kconsts[k], lane_sum(accs[k]), part)
    cumtab[pl.ds(0, 16)] = part
    pltpu.sync_copy(cumtab, cumstage.at[pl.ds(sid * 16, 16)])
    plsc.subcore_barrier()
    pltpu.sync_copy(cumstage, cumbuf)
    tot = zero_b
    for t in range(_NTILE):
        tot = tot + cumbuf[pl.ds(t * 16, 16)]
    cumtab[pl.ds(0, 16)] = tot

    n_b = jnp.full((16,), _N, jnp.int32)
    c1n = jnp.minimum(gat(tot, one_b), n_b)

    pidx = [jnp.maximum(lanes - jnp.full((16,), sh, jnp.int32), zero_b)
            for sh in (1, 2, 4, 8)]
    pmask = [lanes >= jnp.full((16,), sh, jnp.int32) for sh in (1, 2, 4, 8)]

    def prefix16(v):
        for i in range(4):
            v = v + jnp.where(pmask[i], gat(v, pidx[i]), zero_b)
        return v

    huge_b = jnp.full((16,), _HUGE, jnp.int32)
    c11_b = jnp.full((16,), 11, jnp.int32)
    m11_b = jnp.full((16,), 2047, jnp.int32)
    c7s_b = jnp.full((16,), 7, jnp.int32)
    m127_b = jnp.full((16,), 127, jnp.int32)
    c3s_b = jnp.full((16,), 3, jnp.int32)
    m7_b = jnp.full((16,), 7, jnp.int32)
    lim_b = jnp.full((16,), _CROWS, jnp.int32)
    trash_b = jnp.full((16,), _TRASHW, jnp.int32)

    def build(g, off):
        s = src_v[pl.ds(g * 16, 16)]
        t = dst_v[pl.ds(g * 16, 16)]
        bdst = plsc.load_gather(batch_v, [t])
        csel = plsc.load_gather(cumtab, [bdst])
        i2 = t - csel
        m = (s < c1n) & (i2 < n_b)
        gidx = lax.shift_left(s, c11_b) + i2
        plsc.store_compressed(vlist.at[pl.ds(off, 16)], gidx, mask=m)
        pc = plsc.all_reduce_population_count(m)
        return off + pc[0]

    nv = lax.fori_loop(0, _NG // 2, build, jnp.int32(0))
    pltpu.sync_copy(edge_ref.at[0, pl.ds(base_e + _EP // 2, _EP // 2)], src_v)
    pltpu.sync_copy(edge_ref.at[1, pl.ds(base_e + _EP // 2, _EP // 2)], dst_v)
    nv = lax.fori_loop(0, _NG // 2, build, nv)
    vlist[pl.ds(nv, 16)] = huge_b
    ngv = (nv + 15) // 16

    tile_zw = _CHUNKW // _NTILE

    for half in range(4):
        p = cid * 4 + half

        zslices = [(0, 8192), (8192, 8192), (16384, 8192), (24576, 8192)]
        for (zo, zl) in zslices:
            pltpu.async_copy(zeros_v.at[pl.ds(0, zl)],
                             accum.at[pl.ds(sid * tile_zw + zo, zl)], dsem)

        @pl.when(sid == 0)
        def _():
            pltpu.async_copy(zeros_v.at[pl.ds(0, 64)],
                             accum.at[pl.ds(_CHUNKW, 64)], dsem)

        pb = jnp.full((16,), p, jnp.int32)

        def mkloc(g, offs):
            offa, offb = offs
            gv = vlist[pl.ds(g * 16, 16)]
            i1 = lax.shift_right_logical(gv, c11_b)
            i2 = jnp.bitwise_and(gv, m11_b)
            r = lax.shift_right_logical(i1, c3s_b)
            m = (jnp.bitwise_and(i1, m7_b) == pb) & (r < lim_b)
            loc = jnp.bitwise_or(lax.shift_left(r, c11_b), i2)
            par = jnp.bitwise_and(loc, one_b)
            ma = m & (par == zero_b)
            mb = m & (par == one_b)
            for (buf2d, mm, off) in ((idx2d, ma, offa), (idx2db, mb, offb)):
                m01 = jnp.where(mm, one_b, zero_b)
                pos = off + prefix16(m01) - m01
                plsc.store_scatter(
                    buf2d,
                    [lax.shift_right_logical(pos, c7s_b),
                     jnp.bitwise_and(pos, m127_b)],
                    loc, mask=mm)
            return (offa + plsc.all_reduce_population_count(ma),
                    offb + plsc.all_reduce_population_count(mb))

        offa_b, offb_b = lax.fori_loop(0, ngv, mkloc, (zero_b, zero_b))

        for (buf2d, off) in ((idx2d, offa_b), (idx2db, offb_b)):
            for k in range(8):
                pos = off + jnp.full((16,), k * 16, jnp.int32) + lanes
                plsc.store_scatter(
                    buf2d,
                    [lax.shift_right_logical(pos, c7s_b),
                     jnp.bitwise_and(pos, m127_b)],
                    trash_b)

        nsa = (offa_b[0] + 127) // 128
        nsb = (offb_b[0] + 127) // 128

        for (zo, zl) in zslices:
            pltpu.make_async_copy(
                zeros_v.at[pl.ds(0, zl)],
                accum.at[pl.ds(sid * tile_zw + zo, zl)], dsem).wait()

        @pl.when(sid == 0)
        def _():
            pltpu.make_async_copy(zeros_v.at[pl.ds(0, 64)],
                                  accum.at[pl.ds(_CHUNKW, 64)], dsem).wait()

        plsc.subcore_barrier()

        def scata(j, c):
            pltpu.sync_copy(ones_v, accum.at[idx2d.at[j]], add=True)
            return c

        def scatb(j, c):
            pltpu.sync_copy(ones_v, accum.at[idx2db.at[j]], add=True)
            return c

        def round_body(t, c):
            @pl.when(sid == t)
            def _():
                lax.fori_loop(0, nsa, scata, 0)

            @pl.when(sid == t + 8)
            def _():
                lax.fori_loop(0, nsb, scatb, 0)

            plsc.subcore_barrier()

            @pl.when(sid == t)
            def _():
                lax.fori_loop(0, nsb, scatb, 0)

            @pl.when(sid == t + 8)
            def _():
                lax.fori_loop(0, nsa, scata, 0)

            plsc.subcore_barrier()
            return c

        lax.fori_loop(0, 8, round_body, 0)
        plsc.subcore_barrier()

        def cout(q, c):
            r = q * 16 + sid
            pltpu.async_copy(accum.at[pl.ds(r * _N, _N)],
                             adj_ref.at[8 * r + p], dsem)
            return c

        lax.fori_loop(0, 16, cout, 0)

        def cdrain(q, c):
            r = q * 16 + sid
            pltpu.make_async_copy(accum.at[pl.ds(r * _N, _N)],
                                  adj_ref.at[8 * r + p], dsem).wait()
            return c

        lax.fori_loop(0, 16, cdrain, 0)
        plsc.subcore_barrier()



def kernel(x, edge_index, batch_idx, B, N):
    adj0 = _adj_kernel(edge_index, batch_idx)
    dense_x = _dense_x(x, batch_idx)
    return (dense_x, adj0)

# --- scband reference (transcript-rebuilt; emitter-appended) ---
"""Pipeline reference for scband-sparse-to-dense-7430293422124 (READ-ONLY COPY).

The authoritative reference and input builder live on the scoring server;
editing this copy changes nothing except your own understanding.
"""

import jax, jax.numpy as jnp
import numpy as np


def setup_inputs(seed: int = 0) -> dict:
    key = jax.random.key(seed)
    k1, k2, k3 = jax.random.split(key, 3)
    total_nodes = 8192
    d = 512
    E = 262144
    B = 8
    N = 2048
    x = jax.random.normal(k1, (total_nodes, d), dtype=jnp.float32)
    edge_index = jax.random.randint(k2, (2, E), 0, total_nodes, dtype=jnp.int32)
    batch_idx = jnp.sort(jax.random.randint(k3, (total_nodes,), 0, B, dtype=jnp.int32))
    return {"x": x, "edge_index": edge_index, "batch_idx": batch_idx, "B": B, "N": N}


def reference(x, edge_index, batch_idx, B, N):
    # Faithful port of torch_geometric.utils.to_dense_batch / to_dense_adj
    total_nodes = x.shape[0]
    d = x.shape[1]
    B_static = 8
    N_static = 2048
    counts = jnp.bincount(batch_idx, length=B_static) + (B - B)
    cum_nodes = jnp.concatenate([jnp.zeros((1,), dtype=counts.dtype), jnp.cumsum(counts)])[:B_static]
    # local position of each node within its own graph
    pos = jnp.arange(total_nodes, dtype=jnp.int32) - cum_nodes[batch_idx].astype(jnp.int32)
    # --- to_dense_batch (mask nodes with pos >= N by routing to overflow row) ---
    pos_safe = jnp.where(pos < N, pos, N)
    dense_x = jnp.zeros((B_static, N_static + 1, d), dtype=x.dtype).at[batch_idx, pos_safe].set(x)
    dense_x = dense_x[:, :N_static, :]
    # --- to_dense_adj ---
    src = edge_index[0]
    dst = edge_index[1]
    b_src = batch_idx[src]
    idx1 = src.astype(jnp.int32) - cum_nodes[b_src].astype(jnp.int32)
    idx2 = dst.astype(jnp.int32) - cum_nodes[batch_idx[dst]].astype(jnp.int32)
    valid = (idx1 >= 0) & (idx1 < N) & (idx2 >= 0) & (idx2 < N)
    i1 = jnp.where(valid, idx1, N)
    i2 = jnp.where(valid, idx2, N)
    w = valid.astype(x.dtype)
    adj = jnp.zeros((B_static, N_static + 1, N_static + 1), dtype=x.dtype).at[b_src, i1, i2].add(w)
    adj = adj[:, :N_static, :N_static]
    # original module indexes [0] on the adj tensor -> first graph's adjacency
    return (dense_x, adj[0])

if __name__ == "__main__":
    import jax
    _d = setup_inputs()
    print(jax.jit(kernel)(*tuple(_d.values())))

</pallas_src>

<mosaic_0001>
#map = affine_map<(d0, d1) -> (0, 0)>
#map1 = affine_map<(d0, d1) -> (0)>
module attributes {stable_mosaic.version = 14 : i64} {
  func.func @_adj_kernel(%arg0: i32, %arg1: i32, %arg2: memref<2x262144xi32, #tpu.memory_space<hbm>>, %arg3: memref<8192xi32, #tpu.memory_space<hbm>>, %arg4: memref<2048x2048xf32, #tpu.memory_space<hbm>>, %arg5: memref<8192xi32, #tpu.memory_space<vmem>>, %arg6: memref<8192xi32, #tpu.memory_space<vmem>>, %arg7: memref<16400xi32, #tpu.memory_space<vmem>>, %arg8: memref<8192xi32, #tpu.memory_space<vmem>>, %arg9: memref<16xi32, #tpu.memory_space<vmem>>, %arg10: memref<256xi32, #tpu.memory_space<vmem>>, %arg11: memref<129x128xi32, #tpu.memory_space<vmem>>, %arg12: memref<129x128xi32, #tpu.memory_space<vmem>>, %arg13: memref<128xf32, #tpu.memory_space<vmem>>, %arg14: memref<8192xf32, #tpu.memory_space<vmem>>, %arg15: memref<524352xf32, #tpu.memory_space<vmem_shared>>, %arg16: memref<256xi32, #tpu.memory_space<vmem_shared>>, %arg17: memref<!tpu.dma_semaphore, #tpu.memory_space<semaphore_mem>>) attributes {dimension_semantics = [#tpu.dimension_semantics<core_parallel>, #tpu.dimension_semantics<subcore_parallel>], iteration_bounds = array<i64: 2, 16>, scalar_prefetch = 0 : i64, scratch_operands = 13 : i64, tpu.core_type = #tpu.core_type<sc_vector_subcore>, window_params = [{transform_indices = #map}, {transform_indices = #map1}, {transform_indices = #map}]} {
    %mul3A = arith.constant 16384 : i32
    %mul3A_0 = arith.muli %arg1, %mul3A : i32
    %dma_start3A = arith.constant 0 : i32
    %dma_start3A_1 = tpu.memref_slice %arg2[%dma_start3A, %mul3A_0] : memref<2x262144xi32, #tpu.memory_space<hbm>> -> memref<1x8192xi32, #tpu.memory_space<hbm>>
    %dma_start3A_2 = tpu.memref_squeeze %dma_start3A_1 : memref<1x8192xi32, #tpu.memory_space<hbm>> -> memref<8192xi32, #tpu.memory_space<hbm>>
    %dma_start3A_3 = tpu.memref_slice %arg2[%dma_start3A, %mul3A_0] : memref<2x262144xi32, #tpu.memory_space<hbm>> -> memref<1x8192xi32, #tpu.memory_space<hbm>>
    %dma_start3A_4 = tpu.memref_squeeze %dma_start3A_3 : memref<1x8192xi32, #tpu.memory_space<hbm>> -> memref<8192xi32, #tpu.memory_space<hbm>>
    tpu.enqueue_dma source(%dma_start3A_4 : memref<8192xi32, #tpu.memory_space<hbm>>) target(%arg5 : memref<8192xi32, #tpu.memory_space<vmem>>) target_semaphore(%arg17 : memref<!tpu.dma_semaphore, #tpu.memory_space<semaphore_mem>>)
    %dma_start3A_5 = arith.constant 1 : i32
    %dma_start3A_6 = tpu.memref_slice %arg2[%dma_start3A_5, %mul3A_0] : memref<2x262144xi32, #tpu.memory_space<hbm>> -> memref<1x8192xi32, #tpu.memory_space<hbm>>
    %dma_start3A_7 = tpu.memref_squeeze %dma_start3A_6 : memref<1x8192xi32, #tpu.memory_space<hbm>> -> memref<8192xi32, #tpu.memory_space<hbm>>
    %dma_start3A_8 = tpu.memref_slice %arg2[%dma_start3A_5, %mul3A_0] : memref<2x262144xi32, #tpu.memory_space<hbm>> -> memref<1x8192xi32, #tpu.memory_space<hbm>>
    %dma_start3A_9 = tpu.memref_squeeze %dma_start3A_8 : memref<1x8192xi32, #tpu.memory_space<hbm>> -> memref<8192xi32, #tpu.memory_space<hbm>>
    tpu.enqueue_dma source(%dma_start3A_9 : memref<8192xi32, #tpu.memory_space<hbm>>) target(%arg6 : memref<8192xi32, #tpu.memory_space<vmem>>) target_semaphore(%arg17 : memref<!tpu.dma_semaphore, #tpu.memory_space<semaphore_mem>>)
    tpu.enqueue_dma source(%arg3 : memref<8192xi32, #tpu.memory_space<hbm>>) target(%arg8 : memref<8192xi32, #tpu.memory_space<vmem>>) target_semaphore(%arg17 : memref<!tpu.dma_semaphore, #tpu.memory_space<semaphore_mem>>)
    %broadcast_in_dim3A = arith.constant 0.000000e+00 : f32
    %broadcast_in_dim3A_10 = vector.broadcast %broadcast_in_dim3A : f32 to vector<16xf32>
    %scan3A = arith.constant 0 : i32
    %scan3A_11 = arith.constant 0 : i32
    %scan3A_12 = arith.constant 512 : i32
    %scan3A_13 = arith.addi %scan3A_11, %scan3A_12 : i32
    %scan3A_14 = arith.constant 1 : i32
    scf.for %scan3A_1522 = %scan3A_11 to %scan3A_13 step %scan3A_14  : i32 {
      %mul3A_1523 = arith.constant 16 : i32
      %mul3A_1524 = arith.muli %scan3A_1522, %mul3A_1523 : i32
      %swap3A_1525 = arith.index_cast %mul3A_1524 : i32 to index
      %swap3A_1526 = tpu.vector_load %arg14[%swap3A_1525] {strides = array<i32>} : memref<8192xf32, #tpu.memory_space<vmem>>, vector<16xf32>,
      tpu.vector_store %arg14[%swap3A_1525], %broadcast_in_dim3A_10 {strides = array<i32>} : memref<8192xf32, #tpu.memory_space<vmem>>, vector<16xf32>,
    }
    %scan3A_15 = arith.constant 512 : i32
    %broadcast_in_dim3A_16 = arith.constant 1.000000e+00 : f32
    %broadcast_in_dim3A_17 = vector.broadcast %broadcast_in_dim3A_16 : f32 to vector<16xf32>
    %swap3A = arith.constant 0 : index
    %swap3A_18 = tpu.vector_load %arg13[%swap3A] {strides = array<i32>} : memref<128xf32, #tpu.memory_space<vmem>>, vector<16xf32>,
    tpu.vector_store %arg13[%swap3A], %broadcast_in_dim3A_17 {strides = array<i32>} : memref<128xf32, #tpu.memory_space<vmem>>, vector<16xf32>,
    %swap3A_19 = arith.constant 16 : index
    %swap3A_20 = tpu.vector_load %arg13[%swap3A_19] {strides = array<i32>} : memref<128xf32, #tpu.memory_space<vmem>>, vector<16xf32>,
    tpu.vector_store %arg13[%swap3A_19], %broadcast_in_dim3A_17 {strides = array<i32>} : memref<128xf32, #tpu.memory_space<vmem>>, vector<16xf32>,
    %swap3A_21 = arith.constant 32 : index
    %swap3A_22 = tpu.vector_load %arg13[%swap3A_21] {strides = array<i32>} : memref<128xf32, #tpu.memory_space<vmem>>, vector<16xf32>,
    tpu.vector_store %arg13[%swap3A_21], %broadcast_in_dim3A_17 {strides = array<i32>} : memref<128xf32, #tpu.memory_space<vmem>>, vector<16xf32>,
    %swap3A_23 = arith.constant 48 : index
    %swap3A_24 = tpu.vector_load %arg13[%swap3A_23] {strides = array<i32>} : memref<128xf32, #tpu.memory_space<vmem>>, vector<16xf32>,
    tpu.vector_store %arg13[%swap3A_23], %broadcast_in_dim3A_17 {strides = array<i32>} : memref<128xf32, #tpu.memory_space<vmem>>, vector<16xf32>,
    %swap3A_25 = arith.constant 64 : index
    %swap3A_26 = tpu.vector_load %arg13[%swap3A_25] {strides = array<i32>} : memref<128xf32, #tpu.memory_space<vmem>>, vector<16xf32>,
    tpu.vector_store %arg13[%swap3A_25], %broadcast_in_dim3A_17 {strides = array<i32>} : memref<128xf32, #tpu.memory_space<vmem>>, vector<16xf32>,
    %swap3A_27 = arith.constant 80 : index
    %swap3A_28 = tpu.vector_load %arg13[%swap3A_27] {strides = array<i32>} : memref<128xf32, #tpu.memory_space<vmem>>, vector<16xf32>,
    tpu.vector_store %arg13[%swap3A_27], %broadcast_in_dim3A_17 {strides = array<i32>} : memref<128xf32, #tpu.memory_space<vmem>>, vector<16xf32>,
    %swap3A_29 = arith.constant 96 : index
    %swap3A_30 = tpu.vector_load %arg13[%swap3A_29] {strides = array<i32>} : memref<128xf32, #tpu.memory_space<vmem>>, vector<16xf32>,
    tpu.vector_store %arg13[%swap3A_29], %broadcast_in_dim3A_17 {strides = array<i32>} : memref<128xf32, #tpu.memory_space<vmem>>, vector<16xf32>,
    %swap3A_31 = arith.constant 112 : index
    %swap3A_32 = tpu.vector_load %arg13[%swap3A_31] {strides = array<i32>} : memref<128xf32, #tpu.memory_space<vmem>>, vector<16xf32>,
    tpu.vector_store %arg13[%swap3A_31], %broadcast_in_dim3A_17 {strides = array<i32>} : memref<128xf32, #tpu.memory_space<vmem>>, vector<16xf32>,
    %dma_wait3A = arith.constant 0 : i32
    %dma_wait3A_33 = tpu.memref_slice %arg2[%dma_wait3A, %mul3A_0] : memref<2x262144xi32, #tpu.memory_space<hbm>> -> memref<1x8192xi32, #tpu.memory_space<hbm>>
    %dma_wait3A_34 = tpu.memref_squeeze %dma_wait3A_33 : memref<1x8192xi32, #tpu.memory_space<hbm>> -> memref<8192xi32, #tpu.memory_space<hbm>>
    %dma_wait3A_35 = tpu.memref_slice %arg2[%dma_wait3A, %mul3A_0] : memref<2x262144xi32, #tpu.memory_space<hbm>> -> memref<1x8192xi32, #tpu.memory_space<hbm>>
    %dma_wait3A_36 = tpu.memref_squeeze %dma_wait3A_35 : memref<1x8192xi32, #tpu.memory_space<hbm>> -> memref<8192xi32, #tpu.memory_space<hbm>>
    tpu.wait_dma2 semaphore(%arg17 : memref<!tpu.dma_semaphore, #tpu.memory_space<semaphore_mem>>) src(%dma_wait3A_36 : memref<8192xi32, #tpu.memory_space<hbm>>) dst(%arg5 : memref<8192xi32, #tpu.memory_space<vmem>>)
    %dma_wait3A_37 = arith.constant 1 : i32
    %dma_wait3A_38 = tpu.memref_slice %arg2[%dma_wait3A_37, %mul3A_0] : memref<2x262144xi32, #tpu.memory_space<hbm>> -> memref<1x8192xi32, #tpu.memory_space<hbm>>
    %dma_wait3A_39 = tpu.memref_squeeze %dma_wait3A_38 : memref<1x8192xi32, #tpu.memory_space<hbm>> -> memref<8192xi32, #tpu.memory_space<hbm>>
    %dma_wait3A_40 = tpu.memref_slice %arg2[%dma_wait3A_37, %mul3A_0] : memref<2x262144xi32, #tpu.memory_space<hbm>> -> memref<1x8192xi32, #tpu.memory_space<hbm>>
    %dma_wait3A_41 = tpu.memref_squeeze %dma_wait3A_40 : memref<1x8192xi32, #tpu.memory_space<hbm>> -> memref<8192xi32, #tpu.memory_space<hbm>>
    tpu.wait_dma2 semaphore(%arg17 : memref<!tpu.dma_semaphore, #tpu.memory_space<semaphore_mem>>) src(%dma_wait3A_41 : memref<8192xi32, #tpu.memory_space<hbm>>) dst(%arg6 : memref<8192xi32, #tpu.memory_space<vmem>>)
    tpu.wait_dma2 semaphore(%arg17 : memref<!tpu.dma_semaphore, #tpu.memory_space<semaphore_mem>>) src(%arg3 : memref<8192xi32, #tpu.memory_space<hbm>>) dst(%arg8 : memref<8192xi32, #tpu.memory_space<vmem>>)
    %broadcast_in_dim3A_42 = arith.constant 1 : i32
    %broadcast_in_dim3A_43 = vector.broadcast %broadcast_in_dim3A_42 : i32 to vector<16xi32>
    %broadcast_in_dim3A_44 = arith.constant 0 : i32
    %broadcast_in_dim3A_45 = vector.broadcast %broadcast_in_dim3A_44 : i32 to vector<16xi32>
    %iota3A = tpu.iota {dimensions = array<i32: 0>} : vector<16xi32>
    %broadcast_in_dim3A_46 = arith.constant 1 : i32
    %broadcast_in_dim3A_47 = vector.broadcast %broadcast_in_dim3A_46 : i32 to vector<16xi32>
    %broadcast_in_dim3A_48 = arith.constant 2 : i32
    %broadcast_in_dim3A_49 = vector.broadcast %broadcast_in_dim3A_48 : i32 to vector<16xi32>
    %broadcast_in_dim3A_50 = arith.constant 3 : i32
    %broadcast_in_dim3A_51 = vector.broadcast %broadcast_in_dim3A_50 : i32 to vector<16xi32>
    %broadcast_in_dim3A_52 = arith.constant 4 : i32
    %broadcast_in_dim3A_53 = vector.broadcast %broadcast_in_dim3A_52 : i32 to vector<16xi32>
    %broadcast_in_dim3A_54 = arith.constant 5 : i32
    %broadcast_in_dim3A_55 = vector.broadcast %broadcast_in_dim3A_54 : i32 to vector<16xi32>
    %broadcast_in_dim3A_56 = arith.constant 6 : i32
    %broadcast_in_dim3A_57 = vector.broadcast %broadcast_in_dim3A_56 : i32 to vector<16xi32>
    %broadcast_in_dim3A_58 = arith.constant 7 : i32
    %broadcast_in_dim3A_59 = vector.broadcast %broadcast_in_dim3A_58 : i32 to vector<16xi32>
    %scan3A_60 = arith.constant 0 : i32
    %scan3A_61 = arith.constant 32 : i32
    %scan3A_62 = arith.addi %scan3A_60, %scan3A_61 : i32
    %scan3A_63 = arith.constant 1 : i32
    %scan3A_64:7 = scf.for %scan3A_1522 = %scan3A_60 to %scan3A_62 step %scan3A_63 iter_args(%scan3A_1523 = %broadcast_in_dim3A_45, %scan3A_1524 = %broadcast_in_dim3A_45, %scan3A_1525 = %broadcast_in_dim3A_45, %scan3A_1526 = %broadcast_in_dim3A_45, %scan3A_1527 = %broadcast_in_dim3A_45, %scan3A_1528 = %broadcast_in_dim3A_45, %scan3A_1529 = %broadcast_in_dim3A_45) -> (vector<16xi32>, vector<16xi32>, vector<16xi32>, vector<16xi32>, vector<16xi32>, vector<16xi32>, vector<16xi32>)  : i32 {
      %mul3A_1530 = arith.constant 32 : i32
      %mul3A_1531 = arith.muli %arg1, %mul3A_1530 : i32
      %add3A_1532 = arith.addi %mul3A_1531, %scan3A_1522 : i32
      %mul3A_1533 = arith.constant 16 : i32
      %mul3A_1534 = arith.muli %add3A_1532, %mul3A_1533 : i32
      %get3A_1535 = arith.index_cast %mul3A_1534 : i32 to index
      %get3A_1536 = tpu.vector_load %arg8[%get3A_1535] {strides = array<i32>} : memref<8192xi32, #tpu.memory_space<vmem>>, vector<16xi32>,
      %lt3A = arith.cmpi slt, %get3A_1536, %broadcast_in_dim3A_47 : vector<16xi32>
      %select_n3A_1537 = arith.select %lt3A, %broadcast_in_dim3A_43, %broadcast_in_dim3A_45 : vector<16xi1>, vector<16xi32>
      %add3A_1538 = arith.addi %scan3A_1523, %select_n3A_1537 : vector<16xi32>
      %lt3A_1539 = arith.cmpi slt, %get3A_1536, %broadcast_in_dim3A_49 : vector<16xi32>
      %select_n3A_1540 = arith.select %lt3A_1539, %broadcast_in_dim3A_43, %broadcast_in_dim3A_45 : vector<16xi1>, vector<16xi32>
      %add3A_1541 = arith.addi %scan3A_1524, %select_n3A_1540 : vector<16xi32>
      %lt3A_1542 = arith.cmpi slt, %get3A_1536, %broadcast_in_dim3A_51 : vector<16xi32>
      %select_n3A_1543 = arith.select %lt3A_1542, %broadcast_in_dim3A_43, %broadcast_in_dim3A_45 : vector<16xi1>, vector<16xi32>
      %add3A_1544 = arith.addi %scan3A_1525, %select_n3A_1543 : vector<16xi32>
      %lt3A_1545 = arith.cmpi slt, %get3A_1536, %broadcast_in_dim3A_53 : vector<16xi32>
      %select_n3A_1546 = arith.select %lt3A_1545, %broadcast_in_dim3A_43, %broadcast_in_dim3A_45 : vector<16xi1>, vector<16xi32>
      %add3A_1547 = arith.addi %scan3A_1526, %select_n3A_1546 : vector<16xi32>
      %lt3A_1548 = arith.cmpi slt, %get3A_1536, %broadcast_in_dim3A_55 : vector<16xi32>
      %select_n3A_1549 = arith.select %lt3A_1548, %broadcast_in_dim3A_43, %broadcast_in_dim3A_45 : vector<16xi1>, vector<16xi32>
      %add3A_1550 = arith.addi %scan3A_1527, %select_n3A_1549 : vector<16xi32>
      %lt3A_1551 = arith.cmpi slt, %get3A_1536, %broadcast_in_dim3A_57 : vector<16xi32>
      %select_n3A_1552 = arith.select %lt3A_1551, %broadcast_in_dim3A_43, %broadcast_in_dim3A_45 : vector<16xi1>, vector<16xi32>
      %add3A_1553 = arith.addi %scan3A_1528, %select_n3A_1552 : vector<16xi32>
      %lt3A_1554 = arith.cmpi slt, %get3A_1536, %broadcast_in_dim3A_59 : vector<16xi32>
      %select_n3A_1555 = arith.select %lt3A_1554, %broadcast_in_dim3A_43, %broadcast_in_dim3A_45 : vector<16xi1>, vector<16xi32>
      %add3A_1556 = arith.addi %scan3A_1529, %select_n3A_1555 : vector<16xi32>
      scf.yield %add3A_1538, %add3A_1541, %add3A_1544, %add3A_1547, %add3A_1550, %add3A_1553, %add3A_1556 : vector<16xi32>, vector<16xi32>, vector<16xi32>, vector<16xi32>, vector<16xi32>, vector<16xi32>, vector<16xi32>
    }
    %scan3A_65 = arith.constant 32 : i32
    %eq3A = arith.cmpi eq, %iota3A, %broadcast_in_dim3A_47 : vector<16xi32>
    %broadcast_in_dim3A_66 = arith.constant 8 : i32
    %broadcast_in_dim3A_67 = vector.broadcast %broadcast_in_dim3A_66 : i32 to vector<16xi32>
    %xor3A = arith.xori %iota3A, %broadcast_in_dim3A_67 : vector<16xi32>
    %broadcast_in_dim3A_68 = vector.shape_cast %xor3A : vector<16xi32> to vector<16x1xi32>
    %gather3A = vector.shape_cast %broadcast_in_dim3A_68 : vector<16x1xi32> to vector<16xi32>
    %gather3A_69 = tpu.dynamic_gather %scan3A_64#0[%gather3A] in [0] : vector<16xi32>, vector<16xi32> -> vector<16xi32>
    %add3A = arith.addi %scan3A_64#0, %gather3A_69 : vector<16xi32>
    %broadcast_in_dim3A_70 = arith.constant 4 : i32
    %broadcast_in_dim3A_71 = vector.broadcast %broadcast_in_dim3A_70 : i32 to vector<16xi32>
    %xor3A_72 = arith.xori %iota3A, %broadcast_in_dim3A_71 : vector<16xi32>
    %broadcast_in_dim3A_73 = vector.shape_cast %xor3A_72 : vector<16xi32> to vector<16x1xi32>
    %gather3A_74 = vector.shape_cast %broadcast_in_dim3A_73 : vector<16x1xi32> to vector<16xi32>
    %gather3A_75 = tpu.dynamic_gather %add3A[%gather3A_74] in [0] : vector<16xi32>, vector<16xi32> -> vector<16xi32>
    %add3A_76 = arith.addi %add3A, %gather3A_75 : vector<16xi32>
    %broadcast_in_dim3A_77 = arith.constant 2 : i32
    %broadcast_in_dim3A_78 = vector.broadcast %broadcast_in_dim3A_77 : i32 to vector<16xi32>
    %xor3A_79 = arith.xori %iota3A, %broadcast_in_dim3A_78 : vector<16xi32>
    %broadcast_in_dim3A_80 = vector.shape_cast %xor3A_79 : vector<16xi32> to vector<16x1xi32>
    %gather3A_81 = vector.shape_cast %broadcast_in_dim3A_80 : vector<16x1xi32> to vector<16xi32>
    %gather3A_82 = tpu.dynamic_gather %add3A_76[%gather3A_81] in [0] : vector<16xi32>, vector<16xi32> -> vector<16xi32>
    %add3A_83 = arith.addi %add3A_76, %gather3A_82 : vector<16xi32>
    %broadcast_in_dim3A_84 = arith.constant 1 : i32
    %broadcast_in_dim3A_85 = vector.broadcast %broadcast_in_dim3A_84 : i32 to vector<16xi32>
    %xor3A_86 = arith.xori %iota3A, %broadcast_in_dim3A_85 : vector<16xi32>
    %broadcast_in_dim3A_87 = vector.shape_cast %xor3A_86 : vector<16xi32> to vector<16x1xi32>
    %gather3A_88 = vector.shape_cast %broadcast_in_dim3A_87 : vector<16x1xi32> to vector<16xi32>
    %gather3A_89 = tpu.dynamic_gather %add3A_83[%gather3A_88] in [0] : vector<16xi32>, vector<16xi32> -> vector<16xi32>
    %add3A_90 = arith.addi %add3A_83, %gather3A_89 : vector<16xi32>
    %select_n3A = arith.select %eq3A, %add3A_90, %broadcast_in_dim3A_45 : vector<16xi1>, vector<16xi32>
    %eq3A_91 = arith.cmpi eq, %iota3A, %broadcast_in_dim3A_49 : vector<16xi32>
    %broadcast_in_dim3A_92 = arith.constant 8 : i32
    %broadcast_in_dim3A_93 = vector.broadcast %broadcast_in_dim3A_92 : i32 to vector<16xi32>
    %xor3A_94 = arith.xori %iota3A, %broadcast_in_dim3A_93 : vector<16xi32>
    %broadcast_in_dim3A_95 = vector.shape_cast %xor3A_94 : vector<16xi32> to vector<16x1xi32>
    %gather3A_96 = vector.shape_cast %broadcast_in_dim3A_95 : vector<16x1xi32> to vector<16xi32>
    %gather3A_97 = tpu.dynamic_gather %scan3A_64#1[%gather3A_96] in [0] : vector<16xi32>, vector<16xi32> -> vector<16xi32>
    %add3A_98 = arith.addi %scan3A_64#1, %gather3A_97 : vector<16xi32>
    %broadcast_in_dim3A_99 = arith.constant 4 : i32
    %broadcast_in_dim3A_100 = vector.broadcast %broadcast_in_dim3A_99 : i32 to vector<16xi32>
    %xor3A_101 = arith.xori %iota3A, %broadcast_in_dim3A_100 : vector<16xi32>
    %broadcast_in_dim3A_102 = vector.shape_cast %xor3A_101 : vector<16xi32> to vector<16x1xi32>
    %gather3A_103 = vector.shape_cast %broadcast_in_dim3A_102 : vector<16x1xi32> to vector<16xi32>
    %gather3A_104 = tpu.dynamic_gather %add3A_98[%gather3A_103] in [0] : vector<16xi32>, vector<16xi32> -> vector<16xi32>
    %add3A_105 = arith.addi %add3A_98, %gather3A_104 : vector<16xi32>
    %broadcast_in_dim3A_106 = arith.constant 2 : i32
    %broadcast_in_dim3A_107 = vector.broadcast %broadcast_in_dim3A_106 : i32 to vector<16xi32>
    %xor3A_108 = arith.xori %iota3A, %broadcast_in_dim3A_107 : vector<16xi32>
    %broadcast_in_dim3A_109 = vector.shape_cast %xor3A_108 : vector<16xi32> to vector<16x1xi32>
    %gather3A_110 = vector.shape_cast %broadcast_in_dim3A_109 : vector<16x1xi32> to vector<16xi32>
    %gather3A_111 = tpu.dynamic_gather %add3A_105[%gather3A_110] in [0] : vector<16xi32>, vector<16xi32> -> vector<16xi32>
    %add3A_112 = arith.addi %add3A_105, %gather3A_111 : vector<16xi32>
    %broadcast_in_dim3A_113 = arith.constant 1 : i32
    %broadcast_in_dim3A_114 = vector.broadcast %broadcast_in_dim3A_113 : i32 to vector<16xi32>
    %xor3A_115 = arith.xori %iota3A, %broadcast_in_dim3A_114 : vector<16xi32>
    %broadcast_in_dim3A_116 = vector.shape_cast %xor3A_115 : vector<16xi32> to vector<16x1xi32>
    %gather3A_117 = vector.shape_cast %broadcast_in_dim3A_116 : vector<16x1xi32> to vector<16xi32>
    %gather3A_118 = tpu.dynamic_gather %add3A_112[%gather3A_117] in [0] : vector<16xi32>, vector<16xi32> -> vector<16xi32>
    %add3A_119 = arith.addi %add3A_112, %gather3A_118 : vector<16xi32>
    %select_n3A_120 = arith.select %eq3A_91, %add3A_119, %select_n3A : vector<16xi1>, vector<16xi32>
    %eq3A_121 = arith.cmpi eq, %iota3A, %broadcast_in_dim3A_51 : vector<16xi32>
    %broadcast_in_dim3A_122 = arith.constant 8 : i32
    %broadcast_in_dim3A_123 = vector.broadcast %broadcast_in_dim3A_122 : i32 to vector<16xi32>
    %xor3A_124 = arith.xori %iota3A, %broadcast_in_dim3A_123 : vector<16xi32>
    %broadcast_in_dim3A_125 = vector.shape_cast %xor3A_124 : vector<16xi32> to vector<16x1xi32>
    %gather3A_126 = vector.shape_cast %broadcast_in_dim3A_125 : vector<16x1xi32> to vector<16xi32>
    %gather3A_127 = tpu.dynamic_gather %scan3A_64#2[%gather3A_126] in [0] : vector<16xi32>, vector<16xi32> -> vector<16xi32>
    %add3A_128 = arith.addi %scan3A_64#2, %gather3A_127 : vector<16xi32>
    %broadcast_in_dim3A_129 = arith.constant 4 : i32
    %broadcast_in_dim3A_130 = vector.broadcast %broadcast_in_dim3A_129 : i32 to vector<16xi32>
    %xor3A_131 = arith.xori %iota3A, %broadcast_in_dim3A_130 : vector<16xi32>
    %broadcast_in_dim3A_132 = vector.shape_cast %xor3A_131 : vector<16xi32> to vector<16x1xi32>
    %gather3A_133 = vector.shape_cast %broadcast_in_dim3A_132 : vector<16x1xi32> to vector<16xi32>
    %gather3A_134 = tpu.dynamic_gather %add3A_128[%gather3A_133] in [0] : vector<16xi32>, vector<16xi32> -> vector<16xi32>
    %add3A_135 = arith.addi %add3A_128, %gather3A_134 : vector<16xi32>
    %broadcast_in_dim3A_136 = arith.constant 2 : i32
    %broadcast_in_dim3A_137 = vector.broadcast %broadcast_in_dim3A_136 : i32 to vector<16xi32>
    %xor3A_138 = arith.xori %iota3A, %broadcast_in_dim3A_137 : vector<16xi32>
    %broadcast_in_dim3A_139 = vector.shape_cast %xor3A_138 : vector<16xi32> to vector<16x1xi32>
    %gather3A_140 = vector.shape_cast %broadcast_in_dim3A_139 : vector<16x1xi32> to vector<16xi32>
    %gather3A_141 = tpu.dynamic_gather %add3A_135[%gather3A_140] in [0] : vector<16xi32>, vector<16xi32> -> vector<16xi32>
    %add3A_142 = arith.addi %add3A_135, %gather3A_141 : vector<16xi32>
    %broadcast_in_dim3A_143 = arith.constant 1 : i32
    %broadcast_in_dim3A_144 = vector.broadcast %broadcast_in_dim3A_143 : i32 to vector<16xi32>
    %xor3A_145 = arith.xori %iota3A, %broadcast_in_dim3A_144 : vector<16xi32>
    %broadcast_in_dim3A_146 = vector.shape_cast %xor3A_145 : vector<16xi32> to vector<16x1xi32>
    %gather3A_147 = vector.shape_cast %broadcast_in_dim3A_146 : vector<16x1xi32> to vector<16xi32>
    %gather3A_148 = tpu.dynamic_gather %add3A_142[%gather3A_147] in [0] : vector<16xi32>, vector<16xi32> -> vector<16xi32>
    %add3A_149 = arith.addi %add3A_142, %gather3A_148 : vector<16xi32>
    %select_n3A_150 = arith.select %eq3A_121, %add3A_149, %select_n3A_120 : vector<16xi1>, vector<16xi32>
    %eq3A_151 = arith.cmpi eq, %iota3A, %broadcast_in_dim3A_53 : vector<16xi32>
    %broadcast_in_dim3A_152 = arith.constant 8 : i32
    %broadcast_in_dim3A_153 = vector.broadcast %broadcast_in_dim3A_152 : i32 to vector<16xi32>
    %xor3A_154 = arith.xori %iota3A, %broadcast_in_dim3A_153 : vector<16xi32>
    %broadcast_in_dim3A_155 = vector.shape_cast %xor3A_154 : vector<16xi32> to vector<16x1xi32>
    %gather3A_156 = vector.shape_cast %broadcast_in_dim3A_155 : vector<16x1xi32> to vector<16xi32>
    %gather3A_157 = tpu.dynamic_gather %scan3A_64#3[%gather3A_156] in [0] : vector<16xi32>, vector<16xi32> -> vector<16xi32>
    %add3A_158 = arith.addi %scan3A_64#3, %gather3A_157 : vector<16xi32>
    %broadcast_in_dim3A_159 = arith.constant 4 : i32
    %broadcast_in_dim3A_160 = vector.broadcast %broadcast_in_dim3A_159 : i32 to vector<16xi32>
    %xor3A_161 = arith.xori %iota3A, %broadcast_in_dim3A_160 : vector<16xi32>
    %broadcast_in_dim3A_162 = vector.shape_cast %xor3A_161 : vector<16xi32> to vector<16x1xi32>
    %gather3A_163 = vector.shape_cast %broadcast_in_dim3A_162 : vector<16x1xi32> to vector<16xi32>
    %gather3A_164 = tpu.dynamic_gather %add3A_158[%gather3A_163] in [0] : vector<16xi32>, vector<16xi32> -> vector<16xi32>
    %add3A_165 = arith.addi %add3A_158, %gather3A_164 : vector<16xi32>
    %broadcast_in_dim3A_166 = arith.constant 2 : i32
    %broadcast_in_dim3A_167 = vector.broadcast %broadcast_in_dim3A_166 : i32 to vector<16xi32>
    %xor3A_168 = arith.xori %iota3A, %broadcast_in_dim3A_167 : vector<16xi32>
    %broadcast_in_dim3A_169 = vector.shape_cast %xor3A_168 : vector<16xi32> to vector<16x1xi32>
    %gather3A_170 = vector.shape_cast %broadcast_in_dim3A_169 : vector<16x1xi32> to vector<16xi32>
    %gather3A_171 = tpu.dynamic_gather %add3A_165[%gather3A_170] in [0] : vector<16xi32>, vector<16xi32> -> vector<16xi32>
    %add3A_172 = arith.addi %add3A_165, %gather3A_171 : vector<16xi32>
    %broadcast_in_dim3A_173 = arith.constant 1 : i32
    %broadcast_in_dim3A_174 = vector.broadcast %broadcast_in_dim3A_173 : i32 to vector<16xi32>
    %xor3A_175 = arith.xori %iota3A, %broadcast_in_dim3A_174 : vector<16xi32>
    %broadcast_in_dim3A_176 = vector.shape_cast %xor3A_175 : vector<16xi32> to vector<16x1xi32>
    %gather3A_177 = vector.shape_cast %broadcast_in_dim3A_176 : vector<16x1xi32> to vector<16xi32>
    %gather3A_178 = tpu.dynamic_gather %add3A_172[%gather3A_177] in [0] : vector<16xi32>, vector<16xi32> -> vector<16xi32>
    %add3A_179 = arith.addi %add3A_172, %gather3A_178 : vector<16xi32>
    %select_n3A_180 = arith.select %eq3A_151, %add3A_179, %select_n3A_150 : vector<16xi1>, vector<16xi32>
    %eq3A_181 = arith.cmpi eq, %iota3A, %broadcast_in_dim3A_55 : vector<16xi32>
    %broadcast_in_dim3A_182 = arith.constant 8 : i32
    %broadcast_in_dim3A_183 = vector.broadcast %broadcast_in_dim3A_182 : i32 to vector<16xi32>
    %xor3A_184 = arith.xori %iota3A, %broadcast_in_dim3A_183 : vector<16xi32>
    %broadcast_in_dim3A_185 = vector.shape_cast %xor3A_184 : vector<16xi32> to vector<16x1xi32>
    %gather3A_186 = vector.shape_cast %broadcast_in_dim3A_185 : vector<16x1xi32> to vector<16xi32>
    %gather3A_187 = tpu.dynamic_gather %scan3A_64#4[%gather3A_186] in [0] : vector<16xi32>, vector<16xi32> -> vector<16xi32>
    %add3A_188 = arith.addi %scan3A_64#4, %gather3A_187 : vector<16xi32>
    %broadcast_in_dim3A_189 = arith.constant 4 : i32
    %broadcast_in_dim3A_190 = vector.broadcast %broadcast_in_dim3A_189 : i32 to vector<16xi32>
    %xor3A_191 = arith.xori %iota3A, %broadcast_in_dim3A_190 : vector<16xi32>
    %broadcast_in_dim3A_192 = vector.shape_cast %xor3A_191 : vector<16xi32> to vector<16x1xi32>
    %gather3A_193 = vector.shape_cast %broadcast_in_dim3A_192 : vector<16x1xi32> to vector<16xi32>
    %gather3A_194 = tpu.dynamic_gather %add3A_188[%gather3A_193] in [0] : vector<16xi32>, vector<16xi32> -> vector<16xi32>
    %add3A_195 = arith.addi %add3A_188, %gather3A_194 : vector<16xi32>
    %broadcast_in_dim3A_196 = arith.constant 2 : i32
    %broadcast_in_dim3A_197 = vector.broadcast %broadcast_in_dim3A_196 : i32 to vector<16xi32>
    %xor3A_198 = arith.xori %iota3A, %broadcast_in_dim3A_197 : vector<16xi32>
    %broadcast_in_dim3A_199 = vector.shape_cast %xor3A_198 : vector<16xi32> to vector<16x1xi32>
    %gather3A_200 = vector.shape_cast %broadcast_in_dim3A_199 : vector<16x1xi32> to vector<16xi32>
    %gather3A_201 = tpu.dynamic_gather %add3A_195[%gather3A_200] in [0] : vector<16xi32>, vector<16xi32> -> vector<16xi32>
    %add3A_202 = arith.addi %add3A_195, %gather3A_201 : vector<16xi32>
    %broadcast_in_dim3A_203 = arith.constant 1 : i32
    %broadcast_in_dim3A_204 = vector.broadcast %broadcast_in_dim3A_203 : i32 to vector<16xi32>
    %xor3A_205 = arith.xori %iota3A, %broadcast_in_dim3A_204 : vector<16xi32>
    %broadcast_in_dim3A_206 = vector.shape_cast %xor3A_205 : vector<16xi32> to vector<16x1xi32>
    %gather3A_207 = vector.shape_cast %broadcast_in_dim3A_206 : vector<16x1xi32> to vector<16xi32>
    %gather3A_208 = tpu.dynamic_gather %add3A_202[%gather3A_207] in [0] : vector<16xi32>, vector<16xi32> -> vector<16xi32>
    %add3A_209 = arith.addi %add3A_202, %gather3A_208 : vector<16xi32>
    %select_n3A_210 = arith.select %eq3A_181, %add3A_209, %select_n3A_180 : vector<16xi1>, vector<16xi32>
    %eq3A_211 = arith.cmpi eq, %iota3A, %broadcast_in_dim3A_57 : vector<16xi32>
    %broadcast_in_dim3A_212 = arith.constant 8 : i32
    %broadcast_in_dim3A_213 = vector.broadcast %broadcast_in_dim3A_212 : i32 to vector<16xi32>
    %xor3A_214 = arith.xori %iota3A, %broadcast_in_dim3A_213 : vector<16xi32>
    %broadcast_in_dim3A_215 = vector.shape_cast %xor3A_214 : vector<16xi32> to vector<16x1xi32>
    %gather3A_216 = vector.shape_cast %broadcast_in_dim3A_215 : vector<16x1xi32> to vector<16xi32>
    %gather3A_217 = tpu.dynamic_gather %scan3A_64#5[%gather3A_216] in [0] : vector<16xi32>, vector<16xi32> -> vector<16xi32>
    %add3A_218 = arith.addi %scan3A_64#5, %gather3A_217 : vector<16xi32>
    %broadcast_in_dim3A_219 = arith.constant 4 : i32
    %broadcast_in_dim3A_220 = vector.broadcast %broadcast_in_dim3A_219 : i32 to vector<16xi32>
    %xor3A_221 = arith.xori %iota3A, %broadcast_in_dim3A_220 : vector<16xi32>
    %broadcast_in_dim3A_222 = vector.shape_cast %xor3A_221 : vector<16xi32> to vector<16x1xi32>
    %gather3A_223 = vector.shape_cast %broadcast_in_dim3A_222 : vector<16x1xi32> to vector<16xi32>
    %gather3A_224 = tpu.dynamic_gather %add3A_218[%gather3A_223] in [0] : vector<16xi32>, vector<16xi32> -> vector<16xi32>
    %add3A_225 = arith.addi %add3A_218, %gather3A_224 : vector<16xi32>
    %broadcast_in_dim3A_226 = arith.constant 2 : i32
    %broadcast_in_dim3A_227 = vector.broadcast %broadcast_in_dim3A_226 : i32 to vector<16xi32>
    %xor3A_228 = arith.xori %iota3A, %broadcast_in_dim3A_227 : vector<16xi32>
    %broadcast_in_dim3A_229 = vector.shape_cast %xor3A_228 : vector<16xi32> to vector<16x1xi32>
    %gather3A_230 = vector.shape_cast %broadcast_in_dim3A_229 : vector<16x1xi32> to vector<16xi32>
    %gather3A_231 = tpu.dynamic_gather %add3A_225[%gather3A_230] in [0] : vector<16xi32>, vector<16xi32> -> vector<16xi32>
    %add3A_232 = arith.addi %add3A_225, %gather3A_231 : vector<16xi32>
    %broadcast_in_dim3A_233 = arith.constant 1 : i32
    %broadcast_in_dim3A_234 = vector.broadcast %broadcast_in_dim3A_233 : i32 to vector<16xi32>
    %xor3A_235 = arith.xori %iota3A, %broadcast_in_dim3A_234 : vector<16xi32>
    %broadcast_in_dim3A_236 = vector.shape_cast %xor3A_235 : vector<16xi32> to vector<16x1xi32>
    %gather3A_237 = vector.shape_cast %broadcast_in_dim3A_236 : vector<16x1xi32> to vector<16xi32>
    %gather3A_238 = tpu.dynamic_gather %add3A_232[%gather3A_237] in [0] : vector<16xi32>, vector<16xi32> -> vector<16xi32>
    %add3A_239 = arith.addi %add3A_232, %gather3A_238 : vector<16xi32>
    %select_n3A_240 = arith.select %eq3A_211, %add3A_239, %select_n3A_210 : vector<16xi1>, vector<16xi32>
    %eq3A_241 = arith.cmpi eq, %iota3A, %broadcast_in_dim3A_59 : vector<16xi32>
    %broadcast_in_dim3A_242 = arith.constant 8 : i32
    %broadcast_in_dim3A_243 = vector.broadcast %broadcast_in_dim3A_242 : i32 to vector<16xi32>
    %xor3A_244 = arith.xori %iota3A, %broadcast_in_dim3A_243 : vector<16xi32>
    %broadcast_in_dim3A_245 = vector.shape_cast %xor3A_244 : vector<16xi32> to vector<16x1xi32>
    %gather3A_246 = vector.shape_cast %broadcast_in_dim3A_245 : vector<16x1xi32> to vector<16xi32>
    %gather3A_247 = tpu.dynamic_gather %scan3A_64#6[%gather3A_246] in [0] : vector<16xi32>, vector<16xi32> -> vector<16xi32>
    %add3A_248 = arith.addi %scan3A_64#6, %gather3A_247 : vector<16xi32>
    %broadcast_in_dim3A_249 = arith.constant 4 : i32
    %broadcast_in_dim3A_250 = vector.broadcast %broadcast_in_dim3A_249 : i32 to vector<16xi32>
    %xor3A_251 = arith.xori %iota3A, %broadcast_in_dim3A_250 : vector<16xi32>
    %broadcast_in_dim3A_252 = vector.shape_cast %xor3A_251 : vector<16xi32> to vector<16x1xi32>
    %gather3A_253 = vector.shape_cast %broadcast_in_dim3A_252 : vector<16x1xi32> to vector<16xi32>
    %gather3A_254 = tpu.dynamic_gather %add3A_248[%gather3A_253] in [0] : vector<16xi32>, vector<16xi32> -> vector<16xi32>
    %add3A_255 = arith.addi %add3A_248, %gather3A_254 : vector<16xi32>
    %broadcast_in_dim3A_256 = arith.constant 2 : i32
    %broadcast_in_dim3A_257 = vector.broadcast %broadcast_in_dim3A_256 : i32 to vector<16xi32>
    %xor3A_258 = arith.xori %iota3A, %broadcast_in_dim3A_257 : vector<16xi32>
    %broadcast_in_dim3A_259 = vector.shape_cast %xor3A_258 : vector<16xi32> to vector<16x1xi32>
    %gather3A_260 = vector.shape_cast %broadcast_in_dim3A_259 : vector<16x1xi32> to vector<16xi32>
    %gather3A_261 = tpu.dynamic_gather %add3A_255[%gather3A_260] in [0] : vector<16xi32>, vector<16xi32> -> vector<16xi32>
    %add3A_262 = arith.addi %add3A_255, %gather3A_261 : vector<16xi32>
    %broadcast_in_dim3A_263 = arith.constant 1 : i32
    %broadcast_in_dim3A_264 = vector.broadcast %broadcast_in_dim3A_263 : i32 to vector<16xi32>
    %xor3A_265 = arith.xori %iota3A, %broadcast_in_dim3A_264 : vector<16xi32>
    %broadcast_in_dim3A_266 = vector.shape_cast %xor3A_265 : vector<16xi32> to vector<16x1xi32>
    %gather3A_267 = vector.shape_cast %broadcast_in_dim3A_266 : vector<16x1xi32> to vector<16xi32>
    %gather3A_268 = tpu.dynamic_gather %add3A_262[%gather3A_267] in [0] : vector<16xi32>, vector<16xi32> -> vector<16xi32>
    %add3A_269 = arith.addi %add3A_262, %gather3A_268 : vector<16xi32>
    %select_n3A_270 = arith.select %eq3A_241, %add3A_269, %select_n3A_240 : vector<16xi1>, vector<16xi32>
    %swap3A_271 = arith.constant 0 : index
    %swap3A_272 = tpu.vector_load %arg9[%swap3A_271] {strides = array<i32>} : memref<16xi32, #tpu.memory_space<vmem>>, vector<16xi32>,
    tpu.vector_store %arg9[%swap3A_271], %select_n3A_270 {strides = array<i32>} : memref<16xi32, #tpu.memory_space<vmem>>, vector<16xi32>,
    %mul3A_273 = arith.constant 16 : i32
    %mul3A_274 = arith.muli %arg1, %mul3A_273 : i32
    "tpu.region"() ({
      %run_scoped3A_1522 = tpu.sem_alloc : memref<!tpu.dma_semaphore, #tpu.memory_space<semaphore_mem>>
      %dma_start3A_1523 = tpu.memref_slice %arg16[%mul3A_274] : memref<256xi32, #tpu.memory_space<vmem_shared>> -> memref<16xi32, #tpu.memory_space<vmem_shared>>
      %dma_start3A_1524 = tpu.memref_slice %arg16[%mul3A_274] : memref<256xi32, #tpu.memory_space<vmem_shared>> -> memref<16xi32, #tpu.memory_space<vmem_shared>>
      tpu.enqueue_dma source(%arg9 : memref<16xi32, #tpu.memory_space<vmem>>) target(%dma_start3A_1524 : memref<16xi32, #tpu.memory_space<vmem_shared>>) target_semaphore(%run_scoped3A_1522 : memref<!tpu.dma_semaphore, #tpu.memory_space<semaphore_mem>>)
      %dma_wait3A_1525 = tpu.memref_slice %arg16[%mul3A_274] : memref<256xi32, #tpu.memory_space<vmem_shared>> -> memref<16xi32, #tpu.memory_space<vmem_shared>>
      %dma_wait3A_1526 = tpu.memref_slice %arg16[%mul3A_274] : memref<256xi32, #tpu.memory_space<vmem_shared>> -> memref<16xi32, #tpu.memory_space<vmem_shared>>
      tpu.wait_dma2 semaphore(%run_scoped3A_1522 : memref<!tpu.dma_semaphore, #tpu.memory_space<semaphore_mem>>) src(%arg9 : memref<16xi32, #tpu.memory_space<vmem>>) dst(%dma_wait3A_1526 : memref<16xi32, #tpu.memory_space<vmem_shared>>)
      tpu.yield
    }) : () -> ()
    %barrier3A = arith.constant 0 : index
    tpu.barrier barrier_id(%barrier3A)
    "tpu.region"() ({
      %run_scoped3A_1522 = tpu.sem_alloc : memref<!tpu.dma_semaphore, #tpu.memory_space<semaphore_mem>>
      tpu.enqueue_dma source(%arg16 : memref<256xi32, #tpu.memory_space<vmem_shared>>) target(%arg10 : memref<256xi32, #tpu.memory_space<vmem>>) target_semaphore(%run_scoped3A_1522 : memref<!tpu.dma_semaphore, #tpu.memory_space<semaphore_mem>>)
      tpu.wait_dma2 semaphore(%run_scoped3A_1522 : memref<!tpu.dma_semaphore, #tpu.memory_space<semaphore_mem>>) src(%arg16 : memref<256xi32, #tpu.memory_space<vmem_shared>>) dst(%arg10 : memref<256xi32, #tpu.memory_space<vmem>>)
      tpu.yield
    }) : () -> ()
    %get3A = arith.constant 0 : index
    %get3A_275 = tpu.vector_load %arg10[%get3A] {strides = array<i32>} : memref<256xi32, #tpu.memory_space<vmem>>, vector<16xi32>,
    %add3A_276 = arith.addi %broadcast_in_dim3A_45, %get3A_275 : vector<16xi32>
    %get3A_277 = arith.constant 16 : index
    %get3A_278 = tpu.vector_load %arg10[%get3A_277] {strides = array<i32>} : memref<256xi32, #tpu.memory_space<vmem>>, vector<16xi32>,
    %add3A_279 = arith.addi %add3A_276, %get3A_278 : vector<16xi32>
    %get3A_280 = arith.constant 32 : index
    %get3A_281 = tpu.vector_load %arg10[%get3A_280] {strides = array<i32>} : memref<256xi32, #tpu.memory_space<vmem>>, vector<16xi32>,
    %add3A_282 = arith.addi %add3A_279, %get3A_281 : vector<16xi32>
    %get3A_283 = arith.constant 48 : index
    %get3A_284 = tpu.vector_load %arg10[%get3A_283] {strides = array<i32>} : memref<256xi32, #tpu.memory_space<vmem>>, vector<16xi32>,
    %add3A_285 = arith.addi %add3A_282, %get3A_284 : vector<16xi32>
    %get3A_286 = arith.constant 64 : index
    %get3A_287 = tpu.vector_load %arg10[%get3A_286] {strides = array<i32>} : memref<256xi32, #tpu.memory_space<vmem>>, vector<16xi32>,
    %add3A_288 = arith.addi %add3A_285, %get3A_287 : vector<16xi32>
    %get3A_289 = arith.constant 80 : index
    %get3A_290 = tpu.vector_load %arg10[%get3A_289] {strides = array<i32>} : memref<256xi32, #tpu.memory_space<vmem>>, vector<16xi32>,
    %add3A_291 = arith.addi %add3A_288, %get3A_290 : vector<16xi32>
    %get3A_292 = arith.constant 96 : index
    %get3A_293 = tpu.vector_load %arg10[%get3A_292] {strides = array<i32>} : memref<256xi32, #tpu.memory_space<vmem>>, vector<16xi32>,
    %add3A_294 = arith.addi %add3A_291, %get3A_293 : vector<16xi32>
    %get3A_295 = arith.constant 112 : index
    %get3A_296 = tpu.vector_load %arg10[%get3A_295] {strides = array<i32>} : memref<256xi32, #tpu.memory_space<vmem>>, vector<16xi32>,
    %add3A_297 = arith.addi %add3A_294, %get3A_296 : vector<16xi32>
    %get3A_298 = arith.constant 128 : index
    %get3A_299 = tpu.vector_load %arg10[%get3A_298] {strides = array<i32>} : memref<256xi32, #tpu.memory_space<vmem>>, vector<16xi32>,
    %add3A_300 = arith.addi %add3A_297, %get3A_299 : vector<16xi32>
    %get3A_301 = arith.constant 144 : index
    %get3A_302 = tpu.vector_load %arg10[%get3A_301] {strides = array<i32>} : memref<256xi32, #tpu.memory_space<vmem>>, vector<16xi32>,
    %add3A_303 = arith.addi %add3A_300, %get3A_302 : vector<16xi32>
    %get3A_304 = arith.constant 160 : index
    %get3A_305 = tpu.vector_load %arg10[%get3A_304] {strides = array<i32>} : memref<256xi32, #tpu.memory_space<vmem>>, vector<16xi32>,
    %add3A_306 = arith.addi %add3A_303, %get3A_305 : vector<16xi32>
    %get3A_307 = arith.constant 176 : index
    %get3A_308 = tpu.vector_load %arg10[%get3A_307] {strides = array<i32>} : memref<256xi32, #tpu.memory_space<vmem>>, vector<16xi32>,
    %add3A_309 = arith.addi %add3A_306, %get3A_308 : vector<16xi32>
    %get3A_310 = arith.constant 192 : index
    %get3A_311 = tpu.vector_load %arg10[%get3A_310] {strides = array<i32>} : memref<256xi32, #tpu.memory_space<vmem>>, vector<16xi32>,
    %add3A_312 = arith.addi %add3A_309, %get3A_311 : vector<16xi32>
    %get3A_313 = arith.constant 208 : index
    %get3A_314 = tpu.vector_load %arg10[%get3A_313] {strides = array<i32>} : memref<256xi32, #tpu.memory_space<vmem>>, vector<16xi32>,
    %add3A_315 = arith.addi %add3A_312, %get3A_314 : vector<16xi32>
    %get3A_316 = arith.constant 224 : index
    %get3A_317 = tpu.vector_load %arg10[%get3A_316] {strides = array<i32>} : memref<256xi32, #tpu.memory_space<vmem>>, vector<16xi32>,
    %add3A_318 = arith.addi %add3A_315, %get3A_317 : vector<16xi32>
    %get3A_319 = arith.constant 240 : index
    %get3A_320 = tpu.vector_load %arg10[%get3A_319] {strides = array<i32>} : memref<256xi32, #tpu.memory_space<vmem>>, vector<16xi32>,
    %add3A_321 = arith.addi %add3A_318, %get3A_320 : vector<16xi32>
    %swap3A_322 = arith.constant 0 : index
    %swap3A_323 = tpu.vector_load %arg9[%swap3A_322] {strides = array<i32>} : memref<16xi32, #tpu.memory_space<vmem>>, vector<16xi32>,
    tpu.vector_store %arg9[%swap3A_322], %add3A_321 {strides = array<i32>} : memref<16xi32, #tpu.memory_space<vmem>>, vector<16xi32>,
    %broadcast_in_dim3A_324 = arith.constant 2048 : i32
    %broadcast_in_dim3A_325 = vector.broadcast %broadcast_in_dim3A_324 : i32 to vector<16xi32>
    %broadcast_in_dim3A_326 = vector.shape_cast %broadcast_in_dim3A_43 : vector<16xi32> to vector<16x1xi32>
    %gather3A_327 = vector.shape_cast %broadcast_in_dim3A_326 : vector<16x1xi32> to vector<16xi32>
    %gather3A_328 = tpu.dynamic_gather %add3A_321[%gather3A_327] in [0] : vector<16xi32>, vector<16xi32> -> vector<16xi32>
    %min3A = arith.minsi %gather3A_328, %broadcast_in_dim3A_325 : vector<16xi32>
    %broadcast_in_dim3A_329 = arith.constant 1 : i32
    %broadcast_in_dim3A_330 = vector.broadcast %broadcast_in_dim3A_329 : i32 to vector<16xi32>
    %sub3A = arith.subi %iota3A, %broadcast_in_dim3A_330 : vector<16xi32>
    %max3A = arith.maxsi %sub3A, %broadcast_in_dim3A_45 : vector<16xi32>
    %broadcast_in_dim3A_331 = arith.constant 2 : i32
    %broadcast_in_dim3A_332 = vector.broadcast %broadcast_in_dim3A_331 : i32 to vector<16xi32>
    %sub3A_333 = arith.subi %iota3A, %broadcast_in_dim3A_332 : vector<16xi32>
    %max3A_334 = arith.maxsi %sub3A_333, %broadcast_in_dim3A_45 : vector<16xi32>
    %broadcast_in_dim3A_335 = arith.constant 4 : i32
    %broadcast_in_dim3A_336 = vector.broadcast %broadcast_in_dim3A_335 : i32 to vector<16xi32>
    %sub3A_337 = arith.subi %iota3A, %broadcast_in_dim3A_336 : vector<16xi32>
    %max3A_338 = arith.maxsi %sub3A_337, %broadcast_in_dim3A_45 : vector<16xi32>
    %broadcast_in_dim3A_339 = arith.constant 8 : i32
    %broadcast_in_dim3A_340 = vector.broadcast %broadcast_in_dim3A_339 : i32 to vector<16xi32>
    %sub3A_341 = arith.subi %iota3A, %broadcast_in_dim3A_340 : vector<16xi32>
    %max3A_342 = arith.maxsi %sub3A_341, %broadcast_in_dim3A_45 : vector<16xi32>
    %broadcast_in_dim3A_343 = arith.constant 1 : i32
    %broadcast_in_dim3A_344 = vector.broadcast %broadcast_in_dim3A_343 : i32 to vector<16xi32>
    %ge3A = arith.cmpi sge, %iota3A, %broadcast_in_dim3A_344 : vector<16xi32>
    %broadcast_in_dim3A_345 = arith.constant 2 : i32
    %broadcast_in_dim3A_346 = vector.broadcast %broadcast_in_dim3A_345 : i32 to vector<16xi32>
    %ge3A_347 = arith.cmpi sge, %iota3A, %broadcast_in_dim3A_346 : vector<16xi32>
    %broadcast_in_dim3A_348 = arith.constant 4 : i32
    %broadcast_in_dim3A_349 = vector.broadcast %broadcast_in_dim3A_348 : i32 to vector<16xi32>
    %ge3A_350 = arith.cmpi sge, %iota3A, %broadcast_in_dim3A_349 : vector<16xi32>
    %broadcast_in_dim3A_351 = arith.constant 8 : i32
    %broadcast_in_dim3A_352 = vector.broadcast %broadcast_in_dim3A_351 : i32 to vector<16xi32>
    %ge3A_353 = arith.cmpi sge, %iota3A, %broadcast_in_dim3A_352 : vector<16xi32>
    %broadcast_in_dim3A_354 = arith.constant 1073741824 : i32
    %broadcast_in_dim3A_355 = vector.broadcast %broadcast_in_dim3A_354 : i32 to vector<16xi32>
    %broadcast_in_dim3A_356 = arith.constant 11 : i32
    %broadcast_in_dim3A_357 = vector.broadcast %broadcast_in_dim3A_356 : i32 to vector<16xi32>
    %broadcast_in_dim3A_358 = arith.constant 2047 : i32
    %broadcast_in_dim3A_359 = vector.broadcast %broadcast_in_dim3A_358 : i32 to vector<16xi32>
    %broadcast_in_dim3A_360 = arith.constant 7 : i32
    %broadcast_in_dim3A_361 = vector.broadcast %broadcast_in_dim3A_360 : i32 to vector<16xi32>
    %broadcast_in_dim3A_362 = arith.constant 127 : i32
    %broadcast_in_dim3A_363 = vector.broadcast %broadcast_in_dim3A_362 : i32 to vector<16xi32>
    %broadcast_in_dim3A_364 = arith.constant 3 : i32
    %broadcast_in_dim3A_365 = vector.broadcast %broadcast_in_dim3A_364 : i32 to vector<16xi32>
    %broadcast_in_dim3A_366 = arith.constant 7 : i32
    %broadcast_in_dim3A_367 = vector.broadcast %broadcast_in_dim3A_366 : i32 to vector<16xi32>
    %broadcast_in_dim3A_368 = arith.constant 256 : i32
    %broadcast_in_dim3A_369 = vector.broadcast %broadcast_in_dim3A_368 : i32 to vector<16xi32>
    %broadcast_in_dim3A_370 = arith.constant 524288 : i32
    %broadcast_in_dim3A_371 = vector.broadcast %broadcast_in_dim3A_370 : i32 to vector<16xi32>
    %scan3A_372 = arith.constant 0 : i32
    %scan3A_373 = arith.constant 0 : i32
    %scan3A_374 = arith.constant 512 : i32
    %scan3A_375 = arith.addi %scan3A_373, %scan3A_374 : i32
    %scan3A_376 = arith.constant 1 : i32
    %scan3A_377 = scf.for %scan3A_1522 = %scan3A_373 to %scan3A_375 step %scan3A_376 iter_args(%scan3A_1523 = %scan3A_372) -> (i32)  : i32 {
      %mul3A_1524 = arith.constant 16 : i32
      %mul3A_1525 = arith.muli %scan3A_1522, %mul3A_1524 : i32
      %get3A_1526 = arith.index_cast %mul3A_1525 : i32 to index
      %get3A_1527 = tpu.vector_load %arg5[%get3A_1526] {strides = array<i32>} : memref<8192xi32, #tpu.memory_space<vmem>>, vector<16xi32>,
      %mul3A_1528 = arith.constant 16 : i32
      %mul3A_1529 = arith.muli %scan3A_1522, %mul3A_1528 : i32
      %get3A_1530 = arith.index_cast %mul3A_1529 : i32 to index
      %get3A_1531 = tpu.vector_load %arg6[%get3A_1530] {strides = array<i32>} : memref<8192xi32, #tpu.memory_space<vmem>>, vector<16xi32>,
      %gather3A_1532 = tpu.vector_load_idx %arg8[%get3A_1531] : memref<8192xi32, #tpu.memory_space<vmem>>[vector<16xi32>], vector<16xi32>,
      %gather3A_1533 = tpu.vector_load_idx %arg9[%gather3A_1532] : memref<16xi32, #tpu.memory_space<vmem>>[vector<16xi32>], vector<16xi32>,
      %sub3A_1534 = arith.subi %get3A_1531, %gather3A_1533 : vector<16xi32>
      %lt3A = arith.cmpi slt, %get3A_1527, %min3A : vector<16xi32>
      %lt3A_1535 = arith.cmpi slt, %sub3A_1534, %broadcast_in_dim3A_325 : vector<16xi32>
      %and3A_1536 = arith.andi %lt3A, %lt3A_1535 : vector<16xi1>
      %shift_left3A = arith.shli %get3A_1527, %broadcast_in_dim3A_357 : vector<16xi32>
      %add3A_1537 = arith.addi %shift_left3A, %sub3A_1534 : vector<16xi32>
      %swap3A_1538 = arith.index_cast %scan3A_1523 : i32 to index
      %swap3A_1539 = tpu.vector_load %arg7[%swap3A_1538] masked %and3A_1536 {strides = array<i32>} : memref<16400xi32, #tpu.memory_space<vmem>>, vector<16xi32>, vector<16xi1>
      tpu.vector_store %arg7[%swap3A_1538], %add3A_1537 masked %and3A_1536 {strides = array<i32>} : memref<16400xi32, #tpu.memory_space<vmem>>, vector<16xi32>, vector<16xi1>
      %all_reduce_population_count3A = tpu.all_reduce %and3A_1536 {dim = 0 : i64, kind = #tpu.reduction_kind<sum>} : vector<16xi1> -> vector<16xi32>
      %slice3A_1540 = vector.extract_strided_slice %all_reduce_population_count3A {offsets = [0], sizes = [1], strides = [1]} : vector<16xi32> to vector<1xi32>
      %squeeze3A_1541 = vector.extract %slice3A_1540[0] : i32 from vector<1xi32>
      %add3A_1542 = arith.addi %scan3A_1523, %squeeze3A_1541 : i32
      scf.yield %add3A_1542 : i32
    }
    %scan3A_378 = arith.constant 512 : i32
    %add3A_379 = arith.constant 8192 : i32
    %add3A_380 = arith.addi %mul3A_0, %add3A_379 : i32
    %run_scoped3A = arith.constant 0 : i32
    "tpu.region"() ({
      %run_scoped3A_1522 = tpu.sem_alloc : memref<!tpu.dma_semaphore, #tpu.memory_space<semaphore_mem>>
      %dma_start3A_1523 = tpu.memref_slice %arg2[%run_scoped3A, %add3A_380] : memref<2x262144xi32, #tpu.memory_space<hbm>> -> memref<1x8192xi32, #tpu.memory_space<hbm>>
      %dma_start3A_1524 = tpu.memref_squeeze %dma_start3A_1523 : memref<1x8192xi32, #tpu.memory_space<hbm>> -> memref<8192xi32, #tpu.memory_space<hbm>>
      %dma_start3A_1525 = tpu.memref_slice %arg2[%run_scoped3A, %add3A_380] : memref<2x262144xi32, #tpu.memory_space<hbm>> -> memref<1x8192xi32, #tpu.memory_space<hbm>>
      %dma_start3A_1526 = tpu.memref_squeeze %dma_start3A_1525 : memref<1x8192xi32, #tpu.memory_space<hbm>> -> memref<8192xi32, #tpu.memory_space<hbm>>
      tpu.enqueue_dma source(%dma_start3A_1526 : memref<8192xi32, #tpu.memory_space<hbm>>) target(%arg5 : memref<8192xi32, #tpu.memory_space<vmem>>) target_semaphore(%run_scoped3A_1522 : memref<!tpu.dma_semaphore, #tpu.memory_space<semaphore_mem>>)
      %dma_wait3A_1527 = tpu.memref_slice %arg2[%run_scoped3A, %add3A_380] : memref<2x262144xi32, #tpu.memory_space<hbm>> -> memref<1x8192xi32, #tpu.memory_space<hbm>>
      %dma_wait3A_1528 = tpu.memref_squeeze %dma_wait3A_1527 : memref<1x8192xi32, #tpu.memory_space<hbm>> -> memref<8192xi32, #tpu.memory_space<hbm>>
      %dma_wait3A_1529 = tpu.memref_slice %arg2[%run_scoped3A, %add3A_380] : memref<2x262144xi32, #tpu.memory_space<hbm>> -> memref<1x8192xi32, #tpu.memory_space<hbm>>
      %dma_wait3A_1530 = tpu.memref_squeeze %dma_wait3A_1529 : memref<1x8192xi32, #tpu.memory_space<hbm>> -> memref<8192xi32, #tpu.memory_space<hbm>>
      tpu.wait_dma2 semaphore(%run_scoped3A_1522 : memref<!tpu.dma_semaphore, #tpu.memory_space<semaphore_mem>>) src(%dma_wait3A_1530 : memref<8192xi32, #tpu.memory_space<hbm>>) dst(%arg5 : memref<8192xi32, #tpu.memory_space<vmem>>)
      tpu.yield
    }) : () -> ()
    %add3A_381 = arith.constant 8192 : i32
    %add3A_382 = arith.addi %mul3A_0, %add3A_381 : i32
    %run_scoped3A_383 = arith.constant 1 : i32
    "tpu.region"() ({
      %run_scoped3A_1522 = tpu.sem_alloc : memref<!tpu.dma_semaphore, #tpu.memory_space<semaphore_mem>>
      %dma_start3A_1523 = tpu.memref_slice %arg2[%run_scoped3A_383, %add3A_382] : memref<2x262144xi32, #tpu.memory_space<hbm>> -> memref<1x8192xi32, #tpu.memory_space<hbm>>
      %dma_start3A_1524 = tpu.memref_squeeze %dma_start3A_1523 : memref<1x8192xi32, #tpu.memory_space<hbm>> -> memref<8192xi32, #tpu.memory_space<hbm>>
      %dma_start3A_1525 = tpu.memref_slice %arg2[%run_scoped3A_383, %add3A_382] : memref<2x262144xi32, #tpu.memory_space<hbm>> -> memref<1x8192xi32, #tpu.memory_space<hbm>>
      %dma_start3A_1526 = tpu.memref_squeeze %dma_start3A_1525 : memref<1x8192xi32, #tpu.memory_space<hbm>> -> memref<8192xi32, #tpu.memory_space<hbm>>
      tpu.enqueue_dma source(%dma_start3A_1526 : memref<8192xi32, #tpu.memory_space<hbm>>) target(%arg6 : memref<8192xi32, #tpu.memory_space<vmem>>) target_semaphore(%run_scoped3A_1522 : memref<!tpu.dma_semaphore, #tpu.memory_space<semaphore_mem>>)
      %dma_wait3A_1527 = tpu.memref_slice %arg2[%run_scoped3A_383, %add3A_382] : memref<2x262144xi32, #tpu.memory_space<hbm>> -> memref<1x8192xi32, #tpu.memory_space<hbm>>
      %dma_wait3A_1528 = tpu.memref_squeeze %dma_wait3A_1527 : memref<1x8192xi32, #tpu.memory_space<hbm>> -> memref<8192xi32, #tpu.memory_space<hbm>>
      %dma_wait3A_1529 = tpu.memref_slice %arg2[%run_scoped3A_383, %add3A_382] : memref<2x262144xi32, #tpu.memory_space<hbm>> -> memref<1x8192xi32, #tpu.memory_space<hbm>>
      %dma_wait3A_1530 = tpu.memref_squeeze %dma_wait3A_1529 : memref<1x8192xi32, #tpu.memory_space<hbm>> -> memref<8192xi32, #tpu.memory_space<hbm>>
      tpu.wait_dma2 semaphore(%run_scoped3A_1522 : memref<!tpu.dma_semaphore, #tpu.memory_space<semaphore_mem>>) src(%dma_wait3A_1530 : memref<8192xi32, #tpu.memory_space<hbm>>) dst(%arg6 : memref<8192xi32, #tpu.memory_space<vmem>>)
      tpu.yield
    }) : () -> ()
    %scan3A_384 = arith.constant 0 : i32
    %scan3A_385 = arith.constant 512 : i32
    %scan3A_386 = arith.addi %scan3A_384, %scan3A_385 : i32
    %scan3A_387 = arith.constant 1 : i32
    %scan3A_388 = scf.for %scan3A_1522 = %scan3A_384 to %scan3A_386 step %scan3A_387 iter_args(%scan3A_1523 = %scan3A_377) -> (i32)  : i32 {
      %mul3A_1524 = arith.constant 16 : i32
      %mul3A_1525 = arith.muli %scan3A_1522, %mul3A_1524 : i32
      %get3A_1526 = arith.index_cast %mul3A_1525 : i32 to index
      %get3A_1527 = tpu.vector_load %arg5[%get3A_1526] {strides = array<i32>} : memref<8192xi32, #tpu.memory_space<vmem>>, vector<16xi32>,
      %mul3A_1528 = arith.constant 16 : i32
      %mul3A_1529 = arith.muli %scan3A_1522, %mul3A_1528 : i32
      %get3A_1530 = arith.index_cast %mul3A_1529 : i32 to index
      %get3A_1531 = tpu.vector_load %arg6[%get3A_1530] {strides = array<i32>} : memref<8192xi32, #tpu.memory_space<vmem>>, vector<16xi32>,
      %gather3A_1532 = tpu.vector_load_idx %arg8[%get3A_1531] : memref<8192xi32, #tpu.memory_space<vmem>>[vector<16xi32>], vector<16xi32>,
      %gather3A_1533 = tpu.vector_load_idx %arg9[%gather3A_1532] : memref<16xi32, #tpu.memory_space<vmem>>[vector<16xi32>], vector<16xi32>,
      %sub3A_1534 = arith.subi %get3A_1531, %gather3A_1533 : vector<16xi32>
      %lt3A = arith.cmpi slt, %get3A_1527, %min3A : vector<16xi32>
      %lt3A_1535 = arith.cmpi slt, %sub3A_1534, %broadcast_in_dim3A_325 : vector<16xi32>
      %and3A_1536 = arith.andi %lt3A, %lt3A_1535 : vector<16xi1>
      %shift_left3A = arith.shli %get3A_1527, %broadcast_in_dim3A_357 : vector<16xi32>
      %add3A_1537 = arith.addi %shift_left3A, %sub3A_1534 : vector<16xi32>
      %swap3A_1538 = arith.index_cast %scan3A_1523 : i32 to index
      %swap3A_1539 = tpu.vector_load %arg7[%swap3A_1538] masked %and3A_1536 {strides = array<i32>} : memref<16400xi32, #tpu.memory_space<vmem>>, vector<16xi32>, vector<16xi1>
      tpu.vector_store %arg7[%swap3A_1538], %add3A_1537 masked %and3A_1536 {strides = array<i32>} : memref<16400xi32, #tpu.memory_space<vmem>>, vector<16xi32>, vector<16xi1>
      %all_reduce_population_count3A = tpu.all_reduce %and3A_1536 {dim = 0 : i64, kind = #tpu.reduction_kind<sum>} : vector<16xi1> -> vector<16xi32>
      %slice3A_1540 = vector.extract_strided_slice %all_reduce_population_count3A {offsets = [0], sizes = [1], strides = [1]} : vector<16xi32> to vector<1xi32>
      %squeeze3A_1541 = vector.extract %slice3A_1540[0] : i32 from vector<1xi32>
      %add3A_1542 = arith.addi %scan3A_1523, %squeeze3A_1541 : i32
      scf.yield %add3A_1542 : i32
    }
    %scan3A_389 = arith.constant 512 : i32
    %swap3A_390 = arith.index_cast %scan3A_388 : i32 to index
    %swap3A_391 = tpu.vector_load %arg7[%swap3A_390] {strides = array<i32>} : memref<16400xi32, #tpu.memory_space<vmem>>, vector<16xi32>,
    tpu.vector_store %arg7[%swap3A_390], %broadcast_in_dim3A_355 {strides = array<i32>} : memref<16400xi32, #tpu.memory_space<vmem>>, vector<16xi32>,
    %add3A_392 = arith.constant 15 : i32
    %add3A_393 = arith.addi %scan3A_388, %add3A_392 : i32
    %jit3A = arith.constant 16 : i32
    %div3A = arith.divsi %add3A_393, %jit3A : i32
    %sign3A = arith.constant 0 : i32
    %sign3A_394 = arith.cmpi sgt, %add3A_393, %sign3A : i32
    %sign3A_395 = arith.extui %sign3A_394 : i1 to i32
    %sign3A_396 = arith.constant 0 : i32
    %sign3A_397 = arith.cmpi slt, %add3A_393, %sign3A_396 : i32
    %sign3A_398 = arith.extui %sign3A_397 : i1 to i32
    %sign3A_399 = arith.subi %sign3A_395, %sign3A_398 : i32
    %sign3A_400 = arith.constant 0 : i32
    %sign3A_401 = arith.cmpi sgt, %jit3A, %sign3A_400 : i32
    %sign3A_402 = arith.extui %sign3A_401 : i1 to i32
    %sign3A_403 = arith.constant 0 : i32
    %sign3A_404 = arith.cmpi slt, %jit3A, %sign3A_403 : i32
    %sign3A_405 = arith.extui %sign3A_404 : i1 to i32
    %sign3A_406 = arith.subi %sign3A_402, %sign3A_405 : i32
    %ne3A = arith.cmpi ne, %sign3A_399, %sign3A_406 : i32
    %rem3A = arith.remsi %add3A_393, %jit3A : i32
    %ne3A_407 = arith.constant 0 : i32
    %ne3A_408 = arith.cmpi ne, %rem3A, %ne3A_407 : i32
    %and3A = arith.andi %ne3A, %ne3A_408 : i1
    %sub3A_409 = arith.constant 1 : i32
    %sub3A_410 = arith.subi %div3A, %sub3A_409 : i32
    %select_n3A_411 = arith.select %and3A, %sub3A_410, %div3A : i32
    %mul3A_412 = arith.constant 4 : i32
    %mul3A_413 = arith.muli %arg0, %mul3A_412 : i32
    %add3A_414 = arith.constant 0 : i32
    %add3A_415 = arith.addi %mul3A_413, %add3A_414 : i32
    %mul3A_416 = arith.constant 32768 : i32
    %mul3A_417 = arith.muli %arg1, %mul3A_416 : i32
    %add3A_418 = arith.constant 0 : i32
    %add3A_419 = arith.addi %mul3A_417, %add3A_418 : i32
    %dma_start3A_420 = arith.constant 0 : i32
    %dma_start3A_421 = tpu.memref_slice %arg14[%dma_start3A_420] : memref<8192xf32, #tpu.memory_space<vmem>> -> memref<8192xf32, #tpu.memory_space<vmem>>
    %dma_start3A_422 = tpu.memref_slice %arg15[%add3A_419] : memref<524352xf32, #tpu.memory_space<vmem_shared>> -> memref<8192xf32, #tpu.memory_space<vmem_shared>>
    %dma_start3A_423 = tpu.memref_slice %arg15[%add3A_419] : memref<524352xf32, #tpu.memory_space<vmem_shared>> -> memref<8192xf32, #tpu.memory_space<vmem_shared>>
    %dma_start3A_424 = arith.constant 0 : i32
    %dma_start3A_425 = tpu.memref_slice %arg14[%dma_start3A_424] : memref<8192xf32, #tpu.memory_space<vmem>> -> memref<8192xf32, #tpu.memory_space<vmem>>
    tpu.enqueue_dma source(%dma_start3A_425 : memref<8192xf32, #tpu.memory_space<vmem>>) target(%dma_start3A_423 : memref<8192xf32, #tpu.memory_space<vmem_shared>>) target_semaphore(%arg17 : memref<!tpu.dma_semaphore, #tpu.memory_space<semaphore_mem>>)
    %mul3A_426 = arith.constant 32768 : i32
    %mul3A_427 = arith.muli %arg1, %mul3A_426 : i32
    %add3A_428 = arith.constant 8192 : i32
    %add3A_429 = arith.addi %mul3A_427, %add3A_428 : i32
    %dma_start3A_430 = arith.constant 0 : i32
    %dma_start3A_431 = tpu.memref_slice %arg14[%dma_start3A_430] : memref<8192xf32, #tpu.memory_space<vmem>> -> memref<8192xf32, #tpu.memory_space<vmem>>
    %dma_start3A_432 = tpu.memref_slice %arg15[%add3A_429] : memref<524352xf32, #tpu.memory_space<vmem_shared>> -> memref<8192xf32, #tpu.memory_space<vmem_shared>>
    %dma_start3A_433 = tpu.memref_slice %arg15[%add3A_429] : memref<524352xf32, #tpu.memory_space<vmem_shared>> -> memref<8192xf32, #tpu.memory_space<vmem_shared>>
    %dma_start3A_434 = arith.constant 0 : i32
    %dma_start3A_435 = tpu.memref_slice %arg14[%dma_start3A_434] : memref<8192xf32, #tpu.memory_space<vmem>> -> memref<8192xf32, #tpu.memory_space<vmem>>
    tpu.enqueue_dma source(%dma_start3A_435 : memref<8192xf32, #tpu.memory_space<vmem>>) target(%dma_start3A_433 : memref<8192xf32, #tpu.memory_space<vmem_shared>>) target_semaphore(%arg17 : memref<!tpu.dma_semaphore, #tpu.memory_space<semaphore_mem>>)
    %mul3A_436 = arith.constant 32768 : i32
    %mul3A_437 = arith.muli %arg1, %mul3A_436 : i32
    %add3A_438 = arith.constant 16384 : i32
    %add3A_439 = arith.addi %mul3A_437, %add3A_438 : i32
    %dma_start3A_440 = arith.constant 0 : i32
    %dma_start3A_441 = tpu.memref_slice %arg14[%dma_start3A_440] : memref<8192xf32, #tpu.memory_space<vmem>> -> memref<8192xf32, #tpu.memory_space<vmem>>
    %dma_start3A_442 = tpu.memref_slice %arg15[%add3A_439] : memref<524352xf32, #tpu.memory_space<vmem_shared>> -> memref<8192xf32, #tpu.memory_space<vmem_shared>>
    %dma_start3A_443 = tpu.memref_slice %arg15[%add3A_439] : memref<524352xf32, #tpu.memory_space<vmem_shared>> -> memref<8192xf32, #tpu.memory_space<vmem_shared>>
    %dma_start3A_444 = arith.constant 0 : i32
    %dma_start3A_445 = tpu.memref_slice %arg14[%dma_start3A_444] : memref<8192xf32, #tpu.memory_space<vmem>> -> memref<8192xf32, #tpu.memory_space<vmem>>
    tpu.enqueue_dma source(%dma_start3A_445 : memref<8192xf32, #tpu.memory_space<vmem>>) target(%dma_start3A_443 : memref<8192xf32, #tpu.memory_space<vmem_shared>>) target_semaphore(%arg17 : memref<!tpu.dma_semaphore, #tpu.memory_space<semaphore_mem>>)
    %mul3A_446 = arith.constant 32768 : i32
    %mul3A_447 = arith.muli %arg1, %mul3A_446 : i32
    %add3A_448 = arith.constant 24576 : i32
    %add3A_449 = arith.addi %mul3A_447, %add3A_448 : i32
    %dma_start3A_450 = arith.constant 0 : i32
    %dma_start3A_451 = tpu.memref_slice %arg14[%dma_start3A_450] : memref<8192xf32, #tpu.memory_space<vmem>> -> memref<8192xf32, #tpu.memory_space<vmem>>
    %dma_start3A_452 = tpu.memref_slice %arg15[%add3A_449] : memref<524352xf32, #tpu.memory_space<vmem_shared>> -> memref<8192xf32, #tpu.memory_space<vmem_shared>>
    %dma_start3A_453 = tpu.memref_slice %arg15[%add3A_449] : memref<524352xf32, #tpu.memory_space<vmem_shared>> -> memref<8192xf32, #tpu.memory_space<vmem_shared>>
    %dma_start3A_454 = arith.constant 0 : i32
    %dma_start3A_455 = tpu.memref_slice %arg14[%dma_start3A_454] : memref<8192xf32, #tpu.memory_space<vmem>> -> memref<8192xf32, #tpu.memory_space<vmem>>
    tpu.enqueue_dma source(%dma_start3A_455 : memref<8192xf32, #tpu.memory_space<vmem>>) target(%dma_start3A_453 : memref<8192xf32, #tpu.memory_space<vmem_shared>>) target_semaphore(%arg17 : memref<!tpu.dma_semaphore, #tpu.memory_space<semaphore_mem>>)
    %eq3A_456 = arith.constant 0 : i32
    %eq3A_457 = arith.cmpi eq, %arg1, %eq3A_456 : i32
    %convert_element_type3A = arith.extui %eq3A_457 : i1 to i32
    %cond3A = arith.constant 0 : i32
    %cond3A_458 = arith.cmpi ne, %convert_element_type3A, %cond3A : i32
    scf.if %cond3A_458 {
      %dma_start3A_1522 = arith.constant 0 : i32
      %dma_start3A_1523 = tpu.memref_slice %arg14[%dma_start3A_1522] : memref<8192xf32, #tpu.memory_space<vmem>> -> memref<64xf32, #tpu.memory_space<vmem>>
      %dma_start3A_1524 = arith.constant 524288 : i32
      %dma_start3A_1525 = tpu.memref_slice %arg15[%dma_start3A_1524] : memref<524352xf32, #tpu.memory_space<vmem_shared>> -> memref<64xf32, #tpu.memory_space<vmem_shared>>
      %dma_start3A_1526 = arith.constant 524288 : i32
      %dma_start3A_1527 = tpu.memref_slice %arg15[%dma_start3A_1526] : memref<524352xf32, #tpu.memory_space<vmem_shared>> -> memref<64xf32, #tpu.memory_space<vmem_shared>>
      %dma_start3A_1528 = arith.constant 0 : i32
      %dma_start3A_1529 = tpu.memref_slice %arg14[%dma_start3A_1528] : memref<8192xf32, #tpu.memory_space<vmem>> -> memref<64xf32, #tpu.memory_space<vmem>>
      tpu.enqueue_dma source(%dma_start3A_1529 : memref<64xf32, #tpu.memory_space<vmem>>) target(%dma_start3A_1527 : memref<64xf32, #tpu.memory_space<vmem_shared>>) target_semaphore(%arg17 : memref<!tpu.dma_semaphore, #tpu.memory_space<semaphore_mem>>)
    } else {
    }
    %broadcast_in_dim3A_459 = vector.broadcast %add3A_415 : i32 to vector<16xi32>
    %while3A = arith.constant 0 : i32
    %while3A_460 = arith.subi %select_n3A_411, %while3A : i32
    %while3A_461 = arith.addi %while3A, %while3A_460 : i32
    %while3A_462 = arith.constant 1 : i32
    %while3A_463 = arith.divsi %while3A_460, %while3A_462 : i32
    %while3A_464 = arith.muli %while3A_463, %while3A_462 : i32
    %while3A_465 = arith.addi %while3A, %while3A_464 : i32
    %while3A_466 = arith.constant 1 : i32
    %while3A_467:2 = scf.for %while3A_1522 = %while3A to %while3A_465 step %while3A_466 iter_args(%while3A_1523 = %broadcast_in_dim3A_45, %while3A_1524 = %broadcast_in_dim3A_45) -> (vector<16xi32>, vector<16xi32>)  : i32 {
      %mul3A_1525 = arith.constant 16 : i32
      %mul3A_1526 = arith.muli %while3A_1522, %mul3A_1525 : i32
      %get3A_1527 = arith.index_cast %mul3A_1526 : i32 to index
      %get3A_1528 = tpu.vector_load %arg7[%get3A_1527] {strides = array<i32>} : memref<16400xi32, #tpu.memory_space<vmem>>, vector<16xi32>,
      %shift_right_logical3A_1529 = arith.shrui %get3A_1528, %broadcast_in_dim3A_357 : vector<16xi32>
      %and3A_1530 = arith.andi %get3A_1528, %broadcast_in_dim3A_359 : vector<16xi32>
      %shift_right_logical3A_1531 = arith.shrui %shift_right_logical3A_1529, %broadcast_in_dim3A_365 : vector<16xi32>
      %and3A_1532 = arith.andi %shift_right_logical3A_1529, %broadcast_in_dim3A_367 : vector<16xi32>
      %eq3A_1533 = arith.cmpi eq, %and3A_1532, %broadcast_in_dim3A_459 : vector<16xi32>
      %lt3A = arith.cmpi slt, %shift_right_logical3A_1531, %broadcast_in_dim3A_369 : vector<16xi32>
      %and3A_1534 = arith.andi %eq3A_1533, %lt3A : vector<16xi1>
      %shift_left3A = arith.shli %shift_right_logical3A_1531, %broadcast_in_dim3A_357 : vector<16xi32>
      %or3A = arith.ori %shift_left3A, %and3A_1530 : vector<16xi32>
      %and3A_1535 = arith.andi %or3A, %broadcast_in_dim3A_43 : vector<16xi32>
      %eq3A_1536 = arith.cmpi eq, %and3A_1535, %broadcast_in_dim3A_45 : vector<16xi32>
      %and3A_1537 = arith.andi %and3A_1534, %eq3A_1536 : vector<16xi1>
      %eq3A_1538 = arith.cmpi eq, %and3A_1535, %broadcast_in_dim3A_43 : vector<16xi32>
      %and3A_1539 = arith.andi %and3A_1534, %eq3A_1538 : vector<16xi1>
      %select_n3A_1540 = arith.select %and3A_1537, %broadcast_in_dim3A_43, %broadcast_in_dim3A_45 : vector<16xi1>, vector<16xi32>
      %broadcast_in_dim3A_1541 = vector.shape_cast %max3A : vector<16xi32> to vector<16x1xi32>
      %gather3A_1542 = vector.shape_cast %broadcast_in_dim3A_1541 : vector<16x1xi32> to vector<16xi32>
      %gather3A_1543 = tpu.dynamic_gather %select_n3A_1540[%gather3A_1542] in [0] : vector<16xi32>, vector<16xi32> -> vector<16xi32>
      %select_n3A_1544 = arith.select %ge3A, %gather3A_1543, %broadcast_in_dim3A_45 : vector<16xi1>, vector<16xi32>
      %add3A_1545 = arith.addi %select_n3A_1540, %select_n3A_1544 : vector<16xi32>
      %broadcast_in_dim3A_1546 = vector.shape_cast %max3A_334 : vector<16xi32> to vector<16x1xi32>
      %gather3A_1547 = vector.shape_cast %broadcast_in_dim3A_1546 : vector<16x1xi32> to vector<16xi32>
      %gather3A_1548 = tpu.dynamic_gather %add3A_1545[%gather3A_1547] in [0] : vector<16xi32>, vector<16xi32> -> vector<16xi32>
      %select_n3A_1549 = arith.select %ge3A_347, %gather3A_1548, %broadcast_in_dim3A_45 : vector<16xi1>, vector<16xi32>
      %add3A_1550 = arith.addi %add3A_1545, %select_n3A_1549 : vector<16xi32>
      %broadcast_in_dim3A_1551 = vector.shape_cast %max3A_338 : vector<16xi32> to vector<16x1xi32>
      %gather3A_1552 = vector.shape_cast %broadcast_in_dim3A_1551 : vector<16x1xi32> to vector<16xi32>
      %gather3A_1553 = tpu.dynamic_gather %add3A_1550[%gather3A_1552] in [0] : vector<16xi32>, vector<16xi32> -> vector<16xi32>
      %select_n3A_1554 = arith.select %ge3A_350, %gather3A_1553, %broadcast_in_dim3A_45 : vector<16xi1>, vector<16xi32>
      %add3A_1555 = arith.addi %add3A_1550, %select_n3A_1554 : vector<16xi32>
      %broadcast_in_dim3A_1556 = vector.shape_cast %max3A_342 : vector<16xi32> to vector<16x1xi32>
      %gather3A_1557 = vector.shape_cast %broadcast_in_dim3A_1556 : vector<16x1xi32> to vector<16xi32>
      %gather3A_1558 = tpu.dynamic_gather %add3A_1555[%gather3A_1557] in [0] : vector<16xi32>, vector<16xi32> -> vector<16xi32>
      %select_n3A_1559 = arith.select %ge3A_353, %gather3A_1558, %broadcast_in_dim3A_45 : vector<16xi1>, vector<16xi32>
      %add3A_1560 = arith.addi %add3A_1555, %select_n3A_1559 : vector<16xi32>
      %add3A_1561 = arith.addi %while3A_1523, %add3A_1560 : vector<16xi32>
      %sub3A_1562 = arith.subi %add3A_1561, %select_n3A_1540 : vector<16xi32>
      %shift_right_logical3A_1563 = arith.shrui %sub3A_1562, %broadcast_in_dim3A_361 : vector<16xi32>
      %and3A_1564 = arith.andi %sub3A_1562, %broadcast_in_dim3A_363 : vector<16xi32>
      tpu.vector_store_idx %arg11[%shift_right_logical3A_1563, %and3A_1564], %or3A masked %and3A_1537 : memref<129x128xi32, #tpu.memory_space<vmem>>[vector<16xi32>, vector<16xi32>], vector<16xi32>, vector<16xi1>
      %select_n3A_1565 = arith.select %and3A_1539, %broadcast_in_dim3A_43, %broadcast_in_dim3A_45 : vector<16xi1>, vector<16xi32>
      %broadcast_in_dim3A_1566 = vector.shape_cast %max3A : vector<16xi32> to vector<16x1xi32>
      %gather3A_1567 = vector.shape_cast %broadcast_in_dim3A_1566 : vector<16x1xi32> to vector<16xi32>
      %gather3A_1568 = tpu.dynamic_gather %select_n3A_1565[%gather3A_1567] in [0] : vector<16xi32>, vector<16xi32> -> vector<16xi32>
      %select_n3A_1569 = arith.select %ge3A, %gather3A_1568, %broadcast_in_dim3A_45 : vector<16xi1>, vector<16xi32>
      %add3A_1570 = arith.addi %select_n3A_1565, %select_n3A_1569 : vector<16xi32>
      %broadcast_in_dim3A_1571 = vector.shape_cast %max3A_334 : vector<16xi32> to vector<16x1xi32>
      %gather3A_1572 = vector.shape_cast %broadcast_in_dim3A_1571 : vector<16x1xi32> to vector<16xi32>
      %gather3A_1573 = tpu.dynamic_gather %add3A_1570[%gather3A_1572] in [0] : vector<16xi32>, vector<16xi32> -> vector<16xi32>
      %select_n3A_1574 = arith.select %ge3A_347, %gather3A_1573, %broadcast_in_dim3A_45 : vector<16xi1>, vector<16xi32>
      %add3A_1575 = arith.addi %add3A_1570, %select_n3A_1574 : vector<16xi32>
      %broadcast_in_dim3A_1576 = vector.shape_cast %max3A_338 : vector<16xi32> to vector<16x1xi32>
      %gather3A_1577 = vector.shape_cast %broadcast_in_dim3A_1576 : vector<16x1xi32> to vector<16xi32>
      %gather3A_1578 = tpu.dynamic_gather %add3A_1575[%gather3A_1577] in [0] : vector<16xi32>, vector<16xi32> -> vector<16xi32>
      %select_n3A_1579 = arith.select %ge3A_350, %gather3A_1578, %broadcast_in_dim3A_45 : vector<16xi1>, vector<16xi32>
      %add3A_1580 = arith.addi %add3A_1575, %select_n3A_1579 : vector<16xi32>
      %broadcast_in_dim3A_1581 = vector.shape_cast %max3A_342 : vector<16xi32> to vector<16x1xi32>
      %gather3A_1582 = vector.shape_cast %broadcast_in_dim3A_1581 : vector<16x1xi32> to vector<16xi32>
      %gather3A_1583 = tpu.dynamic_gather %add3A_1580[%gather3A_1582] in [0] : vector<16xi32>, vector<16xi32> -> vector<16xi32>
      %select_n3A_1584 = arith.select %ge3A_353, %gather3A_1583, %broadcast_in_dim3A_45 : vector<16xi1>, vector<16xi32>
      %add3A_1585 = arith.addi %add3A_1580, %select_n3A_1584 : vector<16xi32>
      %add3A_1586 = arith.addi %while3A_1524, %add3A_1585 : vector<16xi32>
      %sub3A_1587 = arith.subi %add3A_1586, %select_n3A_1565 : vector<16xi32>
      %shift_right_logical3A_1588 = arith.shrui %sub3A_1587, %broadcast_in_dim3A_361 : vector<16xi32>
      %and3A_1589 = arith.andi %sub3A_1587, %broadcast_in_dim3A_363 : vector<16xi32>
      tpu.vector_store_idx %arg12[%shift_right_logical3A_1588, %and3A_1589], %or3A masked %and3A_1539 : memref<129x128xi32, #tpu.memory_space<vmem>>[vector<16xi32>, vector<16xi32>], vector<16xi32>, vector<16xi1>
      %all_reduce_population_count3A = tpu.all_reduce %and3A_1537 {dim = 0 : i64, kind = #tpu.reduction_kind<sum>} : vector<16xi1> -> vector<16xi32>
      %add3A_1590 = arith.addi %while3A_1523, %all_reduce_population_count3A : vector<16xi32>
      %all_reduce_population_count3A_1591 = tpu.all_reduce %and3A_1539 {dim = 0 : i64, kind = #tpu.reduction_kind<sum>} : vector<16xi1> -> vector<16xi32>
      %add3A_1592 = arith.addi %while3A_1524, %all_reduce_population_count3A_1591 : vector<16xi32>
      scf.yield %add3A_1590, %add3A_1592 : vector<16xi32>, vector<16xi32>
    }
    %while3A_468 = arith.constant 1 : i32
    %while3A_469:2 = scf.for %while3A_1522 = %while3A_465 to %while3A_461 step %while3A_468 iter_args(%while3A_1523 = %while3A_467#0, %while3A_1524 = %while3A_467#1) -> (vector<16xi32>, vector<16xi32>)  : i32 {
      %mul3A_1525 = arith.constant 16 : i32
      %mul3A_1526 = arith.muli %while3A_1522, %mul3A_1525 : i32
      %get3A_1527 = arith.index_cast %mul3A_1526 : i32 to index
      %get3A_1528 = tpu.vector_load %arg7[%get3A_1527] {strides = array<i32>} : memref<16400xi32, #tpu.memory_space<vmem>>, vector<16xi32>,
      %shift_right_logical3A_1529 = arith.shrui %get3A_1528, %broadcast_in_dim3A_357 : vector<16xi32>
      %and3A_1530 = arith.andi %get3A_1528, %broadcast_in_dim3A_359 : vector<16xi32>
      %shift_right_logical3A_1531 = arith.shrui %shift_right_logical3A_1529, %broadcast_in_dim3A_365 : vector<16xi32>
      %and3A_1532 = arith.andi %shift_right_logical3A_1529, %broadcast_in_dim3A_367 : vector<16xi32>
      %eq3A_1533 = arith.cmpi eq, %and3A_1532, %broadcast_in_dim3A_459 : vector<16xi32>
      %lt3A = arith.cmpi slt, %shift_right_logical3A_1531, %broadcast_in_dim3A_369 : vector<16xi32>
      %and3A_1534 = arith.andi %eq3A_1533, %lt3A : vector<16xi1>
      %shift_left3A = arith.shli %shift_right_logical3A_1531, %broadcast_in_dim3A_357 : vector<16xi32>
      %or3A = arith.ori %shift_left3A, %and3A_1530 : vector<16xi32>
      %and3A_1535 = arith.andi %or3A, %broadcast_in_dim3A_43 : vector<16xi32>
      %eq3A_1536 = arith.cmpi eq, %and3A_1535, %broadcast_in_dim3A_45 : vector<16xi32>
      %and3A_1537 = arith.andi %and3A_1534, %eq3A_1536 : vector<16xi1>
      %eq3A_1538 = arith.cmpi eq, %and3A_1535, %broadcast_in_dim3A_43 : vector<16xi32>
      %and3A_1539 = arith.andi %and3A_1534, %eq3A_1538 : vector<16xi1>
      %select_n3A_1540 = arith.select %and3A_1537, %broadcast_in_dim3A_43, %broadcast_in_dim3A_45 : vector<16xi1>, vector<16xi32>
      %broadcast_in_dim3A_1541 = vector.shape_cast %max3A : vector<16xi32> to vector<16x1xi32>
      %gather3A_1542 = vector.shape_cast %broadcast_in_dim3A_1541 : vector<16x1xi32> to vector<16xi32>
      %gather3A_1543 = tpu.dynamic_gather %select_n3A_1540[%gather3A_1542] in [0] : vector<16xi32>, vector<16xi32> -> vector<16xi32>
      %select_n3A_1544 = arith.select %ge3A, %gather3A_1543, %broadcast_in_dim3A_45 : vector<16xi1>, vector<16xi32>
      %add3A_1545 = arith.addi %select_n3A_1540, %select_n3A_1544 : vector<16xi32>
      %broadcast_in_dim3A_1546 = vector.shape_cast %max3A_334 : vector<16xi32> to vector<16x1xi32>
      %gather3A_1547 = vector.shape_cast %broadcast_in_dim3A_1546 : vector<16x1xi32> to vector<16xi32>
      %gather3A_1548 = tpu.dynamic_gather %add3A_1545[%gather3A_1547] in [0] : vector<16xi32>, vector<16xi32> -> vector<16xi32>
      %select_n3A_1549 = arith.select %ge3A_347, %gather3A_1548, %broadcast_in_dim3A_45 : vector<16xi1>, vector<16xi32>
      %add3A_1550 = arith.addi %add3A_1545, %select_n3A_1549 : vector<16xi32>
      %broadcast_in_dim3A_1551 = vector.shape_cast %max3A_338 : vector<16xi32> to vector<16x1xi32>
      %gather3A_1552 = vector.shape_cast %broadcast_in_dim3A_1551 : vector<16x1xi32> to vector<16xi32>
      %gather3A_1553 = tpu.dynamic_gather %add3A_1550[%gather3A_1552] in [0] : vector<16xi32>, vector<16xi32> -> vector<16xi32>
      %select_n3A_1554 = arith.select %ge3A_350, %gather3A_1553, %broadcast_in_dim3A_45 : vector<16xi1>, vector<16xi32>
      %add3A_1555 = arith.addi %add3A_1550, %select_n3A_1554 : vector<16xi32>
      %broadcast_in_dim3A_1556 = vector.shape_cast %max3A_342 : vector<16xi32> to vector<16x1xi32>
      %gather3A_1557 = vector.shape_cast %broadcast_in_dim3A_1556 : vector<16x1xi32> to vector<16xi32>
      %gather3A_1558 = tpu.dynamic_gather %add3A_1555[%gather3A_1557] in [0] : vector<16xi32>, vector<16xi32> -> vector<16xi32>
      %select_n3A_1559 = arith.select %ge3A_353, %gather3A_1558, %broadcast_in_dim3A_45 : vector<16xi1>, vector<16xi32>
      %add3A_1560 = arith.addi %add3A_1555, %select_n3A_1559 : vector<16xi32>
      %add3A_1561 = arith.addi %while3A_1523, %add3A_1560 : vector<16xi32>
      %sub3A_1562 = arith.subi %add3A_1561, %select_n3A_1540 : vector<16xi32>
      %shift_right_logical3A_1563 = arith.shrui %sub3A_1562, %broadcast_in_dim3A_361 : vector<16xi32>
      %and3A_1564 = arith.andi %sub3A_1562, %broadcast_in_dim3A_363 : vector<16xi32>
      tpu.vector_store_idx %arg11[%shift_right_logical3A_1563, %and3A_1564], %or3A masked %and3A_1537 : memref<129x128xi32, #tpu.memory_space<vmem>>[vector<16xi32>, vector<16xi32>], vector<16xi32>, vector<16xi1>
      %select_n3A_1565 = arith.select %and3A_1539, %broadcast_in_dim3A_43, %broadcast_in_dim3A_45 : vector<16xi1>, vector<16xi32>
      %broadcast_in_dim3A_1566 = vector.shape_cast %max3A : vector<16xi32> to vector<16x1xi32>
      %gather3A_1567 = vector.shape_cast %broadcast_in_dim3A_1566 : vector<16x1xi32> to vector<16xi32>
      %gather3A_1568 = tpu.dynamic_gather %select_n3A_1565[%gather3A_1567] in [0] : vector<16xi32>, vector<16xi32> -> vector<16xi32>
      %select_n3A_1569 = arith.select %ge3A, %gather3A_1568, %broadcast_in_dim3A_45 : vector<16xi1>, vector<16xi32>
      %add3A_1570 = arith.addi %select_n3A_1565, %select_n3A_1569 : vector<16xi32>
      %broadcast_in_dim3A_1571 = vector.shape_cast %max3A_334 : vector<16xi32> to vector<16x1xi32>
      %gather3A_1572 = vector.shape_cast %broadcast_in_dim3A_1571 : vector<16x1xi32> to vector<16xi32>
      %gather3A_1573 = tpu.dynamic_gather %add3A_1570[%gather3A_1572] in [0] : vector<16xi32>, vector<16xi32> -> vector<16xi32>
      %select_n3A_1574 = arith.select %ge3A_347, %gather3A_1573, %broadcast_in_dim3A_45 : vector<16xi1>, vector<16xi32>
      %add3A_1575 = arith.addi %add3A_1570, %select_n3A_1574 : vector<16xi32>
      %broadcast_in_dim3A_1576 = vector.shape_cast %max3A_338 : vector<16xi32> to vector<16x1xi32>
      %gather3A_1577 = vector.shape_cast %broadcast_in_dim3A_1576 : vector<16x1xi32> to vector<16xi32>
      %gather3A_1578 = tpu.dynamic_gather %add3A_1575[%gather3A_1577] in [0] : vector<16xi32>, vector<16xi32> -> vector<16xi32>
      %select_n3A_1579 = arith.select %ge3A_350, %gather3A_1578, %broadcast_in_dim3A_45 : vector<16xi1>, vector<16xi32>
      %add3A_1580 = arith.addi %add3A_1575, %select_n3A_1579 : vector<16xi32>
      %broadcast_in_dim3A_1581 = vector.shape_cast %max3A_342 : vector<16xi32> to vector<16x1xi32>
      %gather3A_1582 = vector.shape_cast %broadcast_in_dim3A_1581 : vector<16x1xi32> to vector<16xi32>
      %gather3A_1583 = tpu.dynamic_gather %add3A_1580[%gather3A_1582] in [0] : vector<16xi32>, vector<16xi32> -> vector<16xi32>
      %select_n3A_1584 = arith.select %ge3A_353, %gather3A_1583, %broadcast_in_dim3A_45 : vector<16xi1>, vector<16xi32>
      %add3A_1585 = arith.addi %add3A_1580, %select_n3A_1584 : vector<16xi32>
      %add3A_1586 = arith.addi %while3A_1524, %add3A_1585 : vector<16xi32>
      %sub3A_1587 = arith.subi %add3A_1586, %select_n3A_1565 : vector<16xi32>
      %shift_right_logical3A_1588 = arith.shrui %sub3A_1587, %broadcast_in_dim3A_361 : vector<16xi32>
      %and3A_1589 = arith.andi %sub3A_1587, %broadcast_in_dim3A_363 : vector<16xi32>
      tpu.vector_store_idx %arg12[%shift_right_logical3A_1588, %and3A_1589], %or3A masked %and3A_1539 : memref<129x128xi32, #tpu.memory_space<vmem>>[vector<16xi32>, vector<16xi32>], vector<16xi32>, vector<16xi1>
      %all_reduce_population_count3A = tpu.all_reduce %and3A_1537 {dim = 0 : i64, kind = #tpu.reduction_kind<sum>} : vector<16xi1> -> vector<16xi32>
      %add3A_1590 = arith.addi %while3A_1523, %all_reduce_population_count3A : vector<16xi32>
      %all_reduce_population_count3A_1591 = tpu.all_reduce %and3A_1539 {dim = 0 : i64, kind = #tpu.reduction_kind<sum>} : vector<16xi1> -> vector<16xi32>
      %add3A_1592 = arith.addi %while3A_1524, %all_reduce_population_count3A_1591 : vector<16xi32>
      scf.yield %add3A_1590, %add3A_1592 : vector<16xi32>, vector<16xi32>
    }
    %broadcast_in_dim3A_470 = arith.constant 0 : i32
    %broadcast_in_dim3A_471 = vector.broadcast %broadcast_in_dim3A_470 : i32 to vector<16xi32>
    %add3A_472 = arith.addi %while3A_469#0, %broadcast_in_dim3A_471 : vector<16xi32>
    %add3A_473 = arith.addi %add3A_472, %iota3A : vector<16xi32>
    %shift_right_logical3A = arith.shrui %add3A_473, %broadcast_in_dim3A_361 : vector<16xi32>
    %and3A_474 = arith.andi %add3A_473, %broadcast_in_dim3A_363 : vector<16xi32>
    tpu.vector_store_idx %arg11[%shift_right_logical3A, %and3A_474], %broadcast_in_dim3A_371 : memref<129x128xi32, #tpu.memory_space<vmem>>[vector<16xi32>, vector<16xi32>], vector<16xi32>,
    %broadcast_in_dim3A_475 = arith.constant 16 : i32
    %broadcast_in_dim3A_476 = vector.broadcast %broadcast_in_dim3A_475 : i32 to vector<16xi32>
    %add3A_477 = arith.addi %while3A_469#0, %broadcast_in_dim3A_476 : vector<16xi32>
    %add3A_478 = arith.addi %add3A_477, %iota3A : vector<16xi32>
    %shift_right_logical3A_479 = arith.shrui %add3A_478, %broadcast_in_dim3A_361 : vector<16xi32>
    %and3A_480 = arith.andi %add3A_478, %broadcast_in_dim3A_363 : vector<16xi32>
    tpu.vector_store_idx %arg11[%shift_right_logical3A_479, %and3A_480], %broadcast_in_dim3A_371 : memref<129x128xi32, #tpu.memory_space<vmem>>[vector<16xi32>, vector<16xi32>], vector<16xi32>,
    %broadcast_in_dim3A_481 = arith.constant 32 : i32
    %broadcast_in_dim3A_482 = vector.broadcast %broadcast_in_dim3A_481 : i32 to vector<16xi32>
    %add3A_483 = arith.addi %while3A_469#0, %broadcast_in_dim3A_482 : vector<16xi32>
    %add3A_484 = arith.addi %add3A_483, %iota3A : vector<16xi32>
    %shift_right_logical3A_485 = arith.shrui %add3A_484, %broadcast_in_dim3A_361 : vector<16xi32>
    %and3A_486 = arith.andi %add3A_484, %broadcast_in_dim3A_363 : vector<16xi32>
    tpu.vector_store_idx %arg11[%shift_right_logical3A_485, %and3A_486], %broadcast_in_dim3A_371 : memref<129x128xi32, #tpu.memory_space<vmem>>[vector<16xi32>, vector<16xi32>], vector<16xi32>,
    %broadcast_in_dim3A_487 = arith.constant 48 : i32
    %broadcast_in_dim3A_488 = vector.broadcast %broadcast_in_dim3A_487 : i32 to vector<16xi32>
    %add3A_489 = arith.addi %while3A_469#0, %broadcast_in_dim3A_488 : vector<16xi32>
    %add3A_490 = arith.addi %add3A_489, %iota3A : vector<16xi32>
    %shift_right_logical3A_491 = arith.shrui %add3A_490, %broadcast_in_dim3A_361 : vector<16xi32>
    %and3A_492 = arith.andi %add3A_490, %broadcast_in_dim3A_363 : vector<16xi32>
    tpu.vector_store_idx %arg11[%shift_right_logical3A_491, %and3A_492], %broadcast_in_dim3A_371 : memref<129x128xi32, #tpu.memory_space<vmem>>[vector<16xi32>, vector<16xi32>], vector<16xi32>,
    %broadcast_in_dim3A_493 = arith.constant 64 : i32
    %broadcast_in_dim3A_494 = vector.broadcast %broadcast_in_dim3A_493 : i32 to vector<16xi32>
    %add3A_495 = arith.addi %while3A_469#0, %broadcast_in_dim3A_494 : vector<16xi32>
    %add3A_496 = arith.addi %add3A_495, %iota3A : vector<16xi32>
    %shift_right_logical3A_497 = arith.shrui %add3A_496, %broadcast_in_dim3A_361 : vector<16xi32>
    %and3A_498 = arith.andi %add3A_496, %broadcast_in_dim3A_363 : vector<16xi32>
    tpu.vector_store_idx %arg11[%shift_right_logical3A_497, %and3A_498], %broadcast_in_dim3A_371 : memref<129x128xi32, #tpu.memory_space<vmem>>[vector<16xi32>, vector<16xi32>], vector<16xi32>,
    %broadcast_in_dim3A_499 = arith.constant 80 : i32
    %broadcast_in_dim3A_500 = vector.broadcast %broadcast_in_dim3A_499 : i32 to vector<16xi32>
    %add3A_501 = arith.addi %while3A_469#0, %broadcast_in_dim3A_500 : vector<16xi32>
    %add3A_502 = arith.addi %add3A_501, %iota3A : vector<16xi32>
    %shift_right_logical3A_503 = arith.shrui %add3A_502, %broadcast_in_dim3A_361 : vector<16xi32>
    %and3A_504 = arith.andi %add3A_502, %broadcast_in_dim3A_363 : vector<16xi32>
    tpu.vector_store_idx %arg11[%shift_right_logical3A_503, %and3A_504], %broadcast_in_dim3A_371 : memref<129x128xi32, #tpu.memory_space<vmem>>[vector<16xi32>, vector<16xi32>], vector<16xi32>,
    %broadcast_in_dim3A_505 = arith.constant 96 : i32
    %broadcast_in_dim3A_506 = vector.broadcast %broadcast_in_dim3A_505 : i32 to vector<16xi32>
    %add3A_507 = arith.addi %while3A_469#0, %broadcast_in_dim3A_506 : vector<16xi32>
    %add3A_508 = arith.addi %add3A_507, %iota3A : vector<16xi32>
    %shift_right_logical3A_509 = arith.shrui %add3A_508, %broadcast_in_dim3A_361 : vector<16xi32>
    %and3A_510 = arith.andi %add3A_508, %broadcast_in_dim3A_363 : vector<16xi32>
    tpu.vector_store_idx %arg11[%shift_right_logical3A_509, %and3A_510], %broadcast_in_dim3A_371 : memref<129x128xi32, #tpu.memory_space<vmem>>[vector<16xi32>, vector<16xi32>], vector<16xi32>,
    %broadcast_in_dim3A_511 = arith.constant 112 : i32
    %broadcast_in_dim3A_512 = vector.broadcast %broadcast_in_dim3A_511 : i32 to vector<16xi32>
    %add3A_513 = arith.addi %while3A_469#0, %broadcast_in_dim3A_512 : vector<16xi32>
    %add3A_514 = arith.addi %add3A_513, %iota3A : vector<16xi32>
    %shift_right_logical3A_515 = arith.shrui %add3A_514, %broadcast_in_dim3A_361 : vector<16xi32>
    %and3A_516 = arith.andi %add3A_514, %broadcast_in_dim3A_363 : vector<16xi32>
    tpu.vector_store_idx %arg11[%shift_right_logical3A_515, %and3A_516], %broadcast_in_dim3A_371 : memref<129x128xi32, #tpu.memory_space<vmem>>[vector<16xi32>, vector<16xi32>], vector<16xi32>,
    %broadcast_in_dim3A_517 = arith.constant 0 : i32
    %broadcast_in_dim3A_518 = vector.broadcast %broadcast_in_dim3A_517 : i32 to vector<16xi32>
    %add3A_519 = arith.addi %while3A_469#1, %broadcast_in_dim3A_518 : vector<16xi32>
    %add3A_520 = arith.addi %add3A_519, %iota3A : vector<16xi32>
    %shift_right_logical3A_521 = arith.shrui %add3A_520, %broadcast_in_dim3A_361 : vector<16xi32>
    %and3A_522 = arith.andi %add3A_520, %broadcast_in_dim3A_363 : vector<16xi32>
    tpu.vector_store_idx %arg12[%shift_right_logical3A_521, %and3A_522], %broadcast_in_dim3A_371 : memref<129x128xi32, #tpu.memory_space<vmem>>[vector<16xi32>, vector<16xi32>], vector<16xi32>,
    %broadcast_in_dim3A_523 = arith.constant 16 : i32
    %broadcast_in_dim3A_524 = vector.broadcast %broadcast_in_dim3A_523 : i32 to vector<16xi32>
    %add3A_525 = arith.addi %while3A_469#1, %broadcast_in_dim3A_524 : vector<16xi32>
    %add3A_526 = arith.addi %add3A_525, %iota3A : vector<16xi32>
    %shift_right_logical3A_527 = arith.shrui %add3A_526, %broadcast_in_dim3A_361 : vector<16xi32>
    %and3A_528 = arith.andi %add3A_526, %broadcast_in_dim3A_363 : vector<16xi32>
    tpu.vector_store_idx %arg12[%shift_right_logical3A_527, %and3A_528], %broadcast_in_dim3A_371 : memref<129x128xi32, #tpu.memory_space<vmem>>[vector<16xi32>, vector<16xi32>], vector<16xi32>,
    %broadcast_in_dim3A_529 = arith.constant 32 : i32
    %broadcast_in_dim3A_530 = vector.broadcast %broadcast_in_dim3A_529 : i32 to vector<16xi32>
    %add3A_531 = arith.addi %while3A_469#1, %broadcast_in_dim3A_530 : vector<16xi32>
    %add3A_532 = arith.addi %add3A_531, %iota3A : vector<16xi32>
    %shift_right_logical3A_533 = arith.shrui %add3A_532, %broadcast_in_dim3A_361 : vector<16xi32>
    %and3A_534 = arith.andi %add3A_532, %broadcast_in_dim3A_363 : vector<16xi32>
    tpu.vector_store_idx %arg12[%shift_right_logical3A_533, %and3A_534], %broadcast_in_dim3A_371 : memref<129x128xi32, #tpu.memory_space<vmem>>[vector<16xi32>, vector<16xi32>], vector<16xi32>,
    %broadcast_in_dim3A_535 = arith.constant 48 : i32
    %broadcast_in_dim3A_536 = vector.broadcast %broadcast_in_dim3A_535 : i32 to vector<16xi32>
    %add3A_537 = arith.addi %while3A_469#1, %broadcast_in_dim3A_536 : vector<16xi32>
    %add3A_538 = arith.addi %add3A_537, %iota3A : vector<16xi32>
    %shift_right_logical3A_539 = arith.shrui %add3A_538, %broadcast_in_dim3A_361 : vector<16xi32>
    %and3A_540 = arith.andi %add3A_538, %broadcast_in_dim3A_363 : vector<16xi32>
    tpu.vector_store_idx %arg12[%shift_right_logical3A_539, %and3A_540], %broadcast_in_dim3A_371 : memref<129x128xi32, #tpu.memory_space<vmem>>[vector<16xi32>, vector<16xi32>], vector<16xi32>,
    %broadcast_in_dim3A_541 = arith.constant 64 : i32
    %broadcast_in_dim3A_542 = vector.broadcast %broadcast_in_dim3A_541 : i32 to vector<16xi32>
    %add3A_543 = arith.addi %while3A_469#1, %broadcast_in_dim3A_542 : vector<16xi32>
    %add3A_544 = arith.addi %add3A_543, %iota3A : vector<16xi32>
    %shift_right_logical3A_545 = arith.shrui %add3A_544, %broadcast_in_dim3A_361 : vector<16xi32>
    %and3A_546 = arith.andi %add3A_544, %broadcast_in_dim3A_363 : vector<16xi32>
    tpu.vector_store_idx %arg12[%shift_right_logical3A_545, %and3A_546], %broadcast_in_dim3A_371 : memref<129x128xi32, #tpu.memory_space<vmem>>[vector<16xi32>, vector<16xi32>], vector<16xi32>,
    %broadcast_in_dim3A_547 = arith.constant 80 : i32
    %broadcast_in_dim3A_548 = vector.broadcast %broadcast_in_dim3A_547 : i32 to vector<16xi32>
    %add3A_549 = arith.addi %while3A_469#1, %broadcast_in_dim3A_548 : vector<16xi32>
    %add3A_550 = arith.addi %add3A_549, %iota3A : vector<16xi32>
    %shift_right_logical3A_551 = arith.shrui %add3A_550, %broadcast_in_dim3A_361 : vector<16xi32>
    %and3A_552 = arith.andi %add3A_550, %broadcast_in_dim3A_363 : vector<16xi32>
    tpu.vector_store_idx %arg12[%shift_right_logical3A_551, %and3A_552], %broadcast_in_dim3A_371 : memref<129x128xi32, #tpu.memory_space<vmem>>[vector<16xi32>, vector<16xi32>], vector<16xi32>,
    %broadcast_in_dim3A_553 = arith.constant 96 : i32
    %broadcast_in_dim3A_554 = vector.broadcast %broadcast_in_dim3A_553 : i32 to vector<16xi32>
    %add3A_555 = arith.addi %while3A_469#1, %broadcast_in_dim3A_554 : vector<16xi32>
    %add3A_556 = arith.addi %add3A_555, %iota3A : vector<16xi32>
    %shift_right_logical3A_557 = arith.shrui %add3A_556, %broadcast_in_dim3A_361 : vector<16xi32>
    %and3A_558 = arith.andi %add3A_556, %broadcast_in_dim3A_363 : vector<16xi32>
    tpu.vector_store_idx %arg12[%shift_right_logical3A_557, %and3A_558], %broadcast_in_dim3A_371 : memref<129x128xi32, #tpu.memory_space<vmem>>[vector<16xi32>, vector<16xi32>], vector<16xi32>,
    %broadcast_in_dim3A_559 = arith.constant 112 : i32
    %broadcast_in_dim3A_560 = vector.broadcast %broadcast_in_dim3A_559 : i32 to vector<16xi32>
    %add3A_561 = arith.addi %while3A_469#1, %broadcast_in_dim3A_560 : vector<16xi32>
    %add3A_562 = arith.addi %add3A_561, %iota3A : vector<16xi32>
    %shift_right_logical3A_563 = arith.shrui %add3A_562, %broadcast_in_dim3A_361 : vector<16xi32>
    %and3A_564 = arith.andi %add3A_562, %broadcast_in_dim3A_363 : vector<16xi32>
    tpu.vector_store_idx %arg12[%shift_right_logical3A_563, %and3A_564], %broadcast_in_dim3A_371 : memref<129x128xi32, #tpu.memory_space<vmem>>[vector<16xi32>, vector<16xi32>], vector<16xi32>,
    %slice3A = vector.extract_strided_slice %while3A_469#0 {offsets = [0], sizes = [1], strides = [1]} : vector<16xi32> to vector<1xi32>
    %squeeze3A = vector.extract %slice3A[0] : i32 from vector<1xi32>
    %add3A_565 = arith.constant 127 : i32
    %add3A_566 = arith.addi %squeeze3A, %add3A_565 : i32
    %jit3A_567 = arith.constant 128 : i32
    %div3A_568 = arith.divsi %add3A_566, %jit3A_567 : i32
    %sign3A_569 = arith.constant 0 : i32
    %sign3A_570 = arith.cmpi sgt, %add3A_566, %sign3A_569 : i32
    %sign3A_571 = arith.extui %sign3A_570 : i1 to i32
    %sign3A_572 = arith.constant 0 : i32
    %sign3A_573 = arith.cmpi slt, %add3A_566, %sign3A_572 : i32
    %sign3A_574 = arith.extui %sign3A_573 : i1 to i32
    %sign3A_575 = arith.subi %sign3A_571, %sign3A_574 : i32
    %sign3A_576 = arith.constant 0 : i32
    %sign3A_577 = arith.cmpi sgt, %jit3A_567, %sign3A_576 : i32
    %sign3A_578 = arith.extui %sign3A_577 : i1 to i32
    %sign3A_579 = arith.constant 0 : i32
    %sign3A_580 = arith.cmpi slt, %jit3A_567, %sign3A_579 : i32
    %sign3A_581 = arith.extui %sign3A_580 : i1 to i32
    %sign3A_582 = arith.subi %sign3A_578, %sign3A_581 : i32
    %ne3A_583 = arith.cmpi ne, %sign3A_575, %sign3A_582 : i32
    %rem3A_584 = arith.remsi %add3A_566, %jit3A_567 : i32
    %ne3A_585 = arith.constant 0 : i32
    %ne3A_586 = arith.cmpi ne, %rem3A_584, %ne3A_585 : i32
    %and3A_587 = arith.andi %ne3A_583, %ne3A_586 : i1
    %sub3A_588 = arith.constant 1 : i32
    %sub3A_589 = arith.subi %div3A_568, %sub3A_588 : i32
    %select_n3A_590 = arith.select %and3A_587, %sub3A_589, %div3A_568 : i32
    %slice3A_591 = vector.extract_strided_slice %while3A_469#1 {offsets = [0], sizes = [1], strides = [1]} : vector<16xi32> to vector<1xi32>
    %squeeze3A_592 = vector.extract %slice3A_591[0] : i32 from vector<1xi32>
    %add3A_593 = arith.constant 127 : i32
    %add3A_594 = arith.addi %squeeze3A_592, %add3A_593 : i32
    %jit3A_595 = arith.constant 128 : i32
    %div3A_596 = arith.divsi %add3A_594, %jit3A_595 : i32
    %sign3A_597 = arith.constant 0 : i32
    %sign3A_598 = arith.cmpi sgt, %add3A_594, %sign3A_597 : i32
    %sign3A_599 = arith.extui %sign3A_598 : i1 to i32
    %sign3A_600 = arith.constant 0 : i32
    %sign3A_601 = arith.cmpi slt, %add3A_594, %sign3A_600 : i32
    %sign3A_602 = arith.extui %sign3A_601 : i1 to i32
    %sign3A_603 = arith.subi %sign3A_599, %sign3A_602 : i32
    %sign3A_604 = arith.constant 0 : i32
    %sign3A_605 = arith.cmpi sgt, %jit3A_595, %sign3A_604 : i32
    %sign3A_606 = arith.extui %sign3A_605 : i1 to i32
    %sign3A_607 = arith.constant 0 : i32
    %sign3A_608 = arith.cmpi slt, %jit3A_595, %sign3A_607 : i32
    %sign3A_609 = arith.extui %sign3A_608 : i1 to i32
    %sign3A_610 = arith.subi %sign3A_606, %sign3A_609 : i32
    %ne3A_611 = arith.cmpi ne, %sign3A_603, %sign3A_610 : i32
    %rem3A_612 = arith.remsi %add3A_594, %jit3A_595 : i32
    %ne3A_613 = arith.constant 0 : i32
    %ne3A_614 = arith.cmpi ne, %rem3A_612, %ne3A_613 : i32
    %and3A_615 = arith.andi %ne3A_611, %ne3A_614 : i1
    %sub3A_616 = arith.constant 1 : i32
    %sub3A_617 = arith.subi %div3A_596, %sub3A_616 : i32
    %select_n3A_618 = arith.select %and3A_615, %sub3A_617, %div3A_596 : i32
    %mul3A_619 = arith.constant 32768 : i32
    %mul3A_620 = arith.muli %arg1, %mul3A_619 : i32
    %add3A_621 = arith.constant 0 : i32
    %add3A_622 = arith.addi %mul3A_620, %add3A_621 : i32
    %dma_wait3A_623 = arith.constant 0 : i32
    %dma_wait3A_624 = tpu.memref_slice %arg14[%dma_wait3A_623] : memref<8192xf32, #tpu.memory_space<vmem>> -> memref<8192xf32, #tpu.memory_space<vmem>>
    %dma_wait3A_625 = tpu.memref_slice %arg15[%add3A_622] : memref<524352xf32, #tpu.memory_space<vmem_shared>> -> memref<8192xf32, #tpu.memory_space<vmem_shared>>
    %dma_wait3A_626 = tpu.memref_slice %arg15[%add3A_622] : memref<524352xf32, #tpu.memory_space<vmem_shared>> -> memref<8192xf32, #tpu.memory_space<vmem_shared>>
    %dma_wait3A_627 = arith.constant 0 : i32
    %dma_wait3A_628 = tpu.memref_slice %arg14[%dma_wait3A_627] : memref<8192xf32, #tpu.memory_space<vmem>> -> memref<8192xf32, #tpu.memory_space<vmem>>
    tpu.wait_dma2 semaphore(%arg17 : memref<!tpu.dma_semaphore, #tpu.memory_space<semaphore_mem>>) src(%dma_wait3A_628 : memref<8192xf32, #tpu.memory_space<vmem>>) dst(%dma_wait3A_626 : memref<8192xf32, #tpu.memory_space<vmem_shared>>)
    %mul3A_629 = arith.constant 32768 : i32
    %mul3A_630 = arith.muli %arg1, %mul3A_629 : i32
    %add3A_631 = arith.constant 8192 : i32
    %add3A_632 = arith.addi %mul3A_630, %add3A_631 : i32
    %dma_wait3A_633 = arith.constant 0 : i32
    %dma_wait3A_634 = tpu.memref_slice %arg14[%dma_wait3A_633] : memref<8192xf32, #tpu.memory_space<vmem>> -> memref<8192xf32, #tpu.memory_space<vmem>>
    %dma_wait3A_635 = tpu.memref_slice %arg15[%add3A_632] : memref<524352xf32, #tpu.memory_space<vmem_shared>> -> memref<8192xf32, #tpu.memory_space<vmem_shared>>
    %dma_wait3A_636 = tpu.memref_slice %arg15[%add3A_632] : memref<524352xf32, #tpu.memory_space<vmem_shared>> -> memref<8192xf32, #tpu.memory_space<vmem_shared>>
    %dma_wait3A_637 = arith.constant 0 : i32
    %dma_wait3A_638 = tpu.memref_slice %arg14[%dma_wait3A_637] : memref<8192xf32, #tpu.memory_space<vmem>> -> memref<8192xf32, #tpu.memory_space<vmem>>
    tpu.wait_dma2 semaphore(%arg17 : memref<!tpu.dma_semaphore, #tpu.memory_space<semaphore_mem>>) src(%dma_wait3A_638 : memref<8192xf32, #tpu.memory_space<vmem>>) dst(%dma_wait3A_636 : memref<8192xf32, #tpu.memory_space<vmem_shared>>)
    %mul3A_639 = arith.constant 32768 : i32
    %mul3A_640 = arith.muli %arg1, %mul3A_639 : i32
    %add3A_641 = arith.constant 16384 : i32
    %add3A_642 = arith.addi %mul3A_640, %add3A_641 : i32
    %dma_wait3A_643 = arith.constant 0 : i32
    %dma_wait3A_644 = tpu.memref_slice %arg14[%dma_wait3A_643] : memref<8192xf32, #tpu.memory_space<vmem>> -> memref<8192xf32, #tpu.memory_space<vmem>>
    %dma_wait3A_645 = tpu.memref_slice %arg15[%add3A_642] : memref<524352xf32, #tpu.memory_space<vmem_shared>> -> memref<8192xf32, #tpu.memory_space<vmem_shared>>
    %dma_wait3A_646 = tpu.memref_slice %arg15[%add3A_642] : memref<524352xf32, #tpu.memory_space<vmem_shared>> -> memref<8192xf32, #tpu.memory_space<vmem_shared>>
    %dma_wait3A_647 = arith.constant 0 : i32
    %dma_wait3A_648 = tpu.memref_slice %arg14[%dma_wait3A_647] : memref<8192xf32, #tpu.memory_space<vmem>> -> memref<8192xf32, #tpu.memory_space<vmem>>
    tpu.wait_dma2 semaphore(%arg17 : memref<!tpu.dma_semaphore, #tpu.memory_space<semaphore_mem>>) src(%dma_wait3A_648 : memref<8192xf32, #tpu.memory_space<vmem>>) dst(%dma_wait3A_646 : memref<8192xf32, #tpu.memory_space<vmem_shared>>)
    %mul3A_649 = arith.constant 32768 : i32
    %mul3A_650 = arith.muli %arg1, %mul3A_649 : i32
    %add3A_651 = arith.constant 24576 : i32
    %add3A_652 = arith.addi %mul3A_650, %add3A_651 : i32
    %dma_wait3A_653 = arith.constant 0 : i32
    %dma_wait3A_654 = tpu.memref_slice %arg14[%dma_wait3A_653] : memref<8192xf32, #tpu.memory_space<vmem>> -> memref<8192xf32, #tpu.memory_space<vmem>>
    %dma_wait3A_655 = tpu.memref_slice %arg15[%add3A_652] : memref<524352xf32, #tpu.memory_space<vmem_shared>> -> memref<8192xf32, #tpu.memory_space<vmem_shared>>
    %dma_wait3A_656 = tpu.memref_slice %arg15[%add3A_652] : memref<524352xf32, #tpu.memory_space<vmem_shared>> -> memref<8192xf32, #tpu.memory_space<vmem_shared>>
    %dma_wait3A_657 = arith.constant 0 : i32
    %dma_wait3A_658 = tpu.memref_slice %arg14[%dma_wait3A_657] : memref<8192xf32, #tpu.memory_space<vmem>> -> memref<8192xf32, #tpu.memory_space<vmem>>
    tpu.wait_dma2 semaphore(%arg17 : memref<!tpu.dma_semaphore, #tpu.memory_space<semaphore_mem>>) src(%dma_wait3A_658 : memref<8192xf32, #tpu.memory_space<vmem>>) dst(%dma_wait3A_656 : memref<8192xf32, #tpu.memory_space<vmem_shared>>)
    %eq3A_659 = arith.constant 0 : i32
    %eq3A_660 = arith.cmpi eq, %arg1, %eq3A_659 : i32
    %convert_element_type3A_661 = arith.extui %eq3A_660 : i1 to i32
    %cond3A_662 = arith.constant 0 : i32
    %cond3A_663 = arith.cmpi ne, %convert_element_type3A_661, %cond3A_662 : i32
    scf.if %cond3A_663 {
      %dma_wait3A_1522 = arith.constant 0 : i32
      %dma_wait3A_1523 = tpu.memref_slice %arg14[%dma_wait3A_1522] : memref<8192xf32, #tpu.memory_space<vmem>> -> memref<64xf32, #tpu.memory_space<vmem>>
      %dma_wait3A_1524 = arith.constant 524288 : i32
      %dma_wait3A_1525 = tpu.memref_slice %arg15[%dma_wait3A_1524] : memref<524352xf32, #tpu.memory_space<vmem_shared>> -> memref<64xf32, #tpu.memory_space<vmem_shared>>
      %dma_wait3A_1526 = arith.constant 524288 : i32
      %dma_wait3A_1527 = tpu.memref_slice %arg15[%dma_wait3A_1526] : memref<524352xf32, #tpu.memory_space<vmem_shared>> -> memref<64xf32, #tpu.memory_space<vmem_shared>>
      %dma_wait3A_1528 = arith.constant 0 : i32
      %dma_wait3A_1529 = tpu.memref_slice %arg14[%dma_wait3A_1528] : memref<8192xf32, #tpu.memory_space<vmem>> -> memref<64xf32, #tpu.memory_space<vmem>>
      tpu.wait_dma2 semaphore(%arg17 : memref<!tpu.dma_semaphore, #tpu.memory_space<semaphore_mem>>) src(%dma_wait3A_1529 : memref<64xf32, #tpu.memory_space<vmem>>) dst(%dma_wait3A_1527 : memref<64xf32, #tpu.memory_space<vmem_shared>>)
    } else {
    }
    %barrier3A_664 = arith.constant 0 : index
    tpu.barrier barrier_id(%barrier3A_664)
    %scan3A_665 = arith.constant 0 : i32
    %scan3A_666 = arith.constant 0 : i32
    %scan3A_667 = arith.constant 8 : i32
    %scan3A_668 = arith.addi %scan3A_666, %scan3A_667 : i32
    %scan3A_669 = arith.constant 1 : i32
    scf.for %scan3A_1522 = %scan3A_666 to %scan3A_668 step %scan3A_669  : i32 {
      %eq3A_1523 = arith.cmpi eq, %arg1, %scan3A_1522 : i32
      %convert_element_type3A_1524 = arith.extui %eq3A_1523 : i1 to i32
      %cond3A_1525 = arith.constant 0 : i32
      %cond3A_1526 = arith.cmpi ne, %convert_element_type3A_1524, %cond3A_1525 : i32
      scf.if %cond3A_1526 {
        %while3A_1545 = arith.constant 0 : i32
        %while3A_1546 = arith.constant 0 : i32
        %while3A_1547 = arith.subi %select_n3A_590, %while3A_1546 : i32
        %while3A_1548 = arith.addi %while3A_1546, %while3A_1547 : i32
        %while3A_1549 = arith.constant 1 : i32
        %while3A_1550 = arith.divsi %while3A_1547, %while3A_1549 : i32
        %while3A_1551 = arith.muli %while3A_1550, %while3A_1549 : i32
        %while3A_1552 = arith.addi %while3A_1546, %while3A_1551 : i32
        %while3A_1553 = arith.constant 1 : i32
        scf.for %while3A_1555 = %while3A_1546 to %while3A_1552 step %while3A_1553  : i32 {
          "tpu.region"() ({
            %run_scoped3A_1556 = tpu.sem_alloc : memref<!tpu.dma_semaphore, #tpu.memory_space<semaphore_mem>>
            %dma_start3A_1557 = arith.constant 0 : i32
            %dma_start3A_1558 = tpu.memref_slice %arg11[%while3A_1555, %dma_start3A_1557] : memref<129x128xi32, #tpu.memory_space<vmem>> -> memref<1x128xi32, #tpu.memory_space<vmem>>
            %dma_start3A_1559 = tpu.memref_squeeze %dma_start3A_1558 : memref<1x128xi32, #tpu.memory_space<vmem>> -> memref<128xi32, #tpu.memory_space<vmem>>
            %dma_start3A_1560 = arith.constant 0 : i32
            %dma_start3A_1561 = tpu.memref_slice %arg15[%dma_start3A_1560] : memref<524352xf32, #tpu.memory_space<vmem_shared>> -> memref<524352xf32, #tpu.memory_space<vmem_shared>>
            tpu.enqueue_indirect_dma source(%arg13 : memref<128xf32, #tpu.memory_space<vmem>>) target(%dma_start3A_1561 : memref<524352xf32, #tpu.memory_space<vmem_shared>>) offsets(%dma_start3A_1559 : memref<128xi32, #tpu.memory_space<vmem>>) semaphore(%run_scoped3A_1556 : memref<!tpu.dma_semaphore, #tpu.memory_space<semaphore_mem>>) {add = true}
            %dma_wait3A_1562 = arith.constant 0 : i32
            %dma_wait3A_1563 = tpu.memref_slice %arg11[%while3A_1555, %dma_wait3A_1562] : memref<129x128xi32, #tpu.memory_space<vmem>> -> memref<1x128xi32, #tpu.memory_space<vmem>>
            %dma_wait3A_1564 = tpu.memref_squeeze %dma_wait3A_1563 : memref<1x128xi32, #tpu.memory_space<vmem>> -> memref<128xi32, #tpu.memory_space<vmem>>
            %dma_wait3A_1565 = arith.constant 0 : i32
            %dma_wait3A_1566 = tpu.memref_slice %arg15[%dma_wait3A_1565] : memref<524352xf32, #tpu.memory_space<vmem_shared>> -> memref<524352xf32, #tpu.memory_space<vmem_shared>>
            tpu.wait_indirect_dma semaphore(%run_scoped3A_1556 : memref<!tpu.dma_semaphore, #tpu.memory_space<semaphore_mem>>) src(%arg13 : memref<128xf32, #tpu.memory_space<vmem>>) dst(%dma_wait3A_1566 : memref<524352xf32, #tpu.memory_space<vmem_shared>>)
            tpu.yield
          }) : () -> ()
        }
        %while3A_1554 = arith.constant 1 : i32
        scf.for %while3A_1555 = %while3A_1552 to %while3A_1548 step %while3A_1554  : i32 {
          "tpu.region"() ({
            %run_scoped3A_1556 = tpu.sem_alloc : memref<!tpu.dma_semaphore, #tpu.memory_space<semaphore_mem>>
            %dma_start3A_1557 = arith.constant 0 : i32
            %dma_start3A_1558 = tpu.memref_slice %arg11[%while3A_1555, %dma_start3A_1557] : memref<129x128xi32, #tpu.memory_space<vmem>> -> memref<1x128xi32, #tpu.memory_space<vmem>>
            %dma_start3A_1559 = tpu.memref_squeeze %dma_start3A_1558 : memref<1x128xi32, #tpu.memory_space<vmem>> -> memref<128xi32, #tpu.memory_space<vmem>>
            %dma_start3A_1560 = arith.constant 0 : i32
            %dma_start3A_1561 = tpu.memref_slice %arg15[%dma_start3A_1560] : memref<524352xf32, #tpu.memory_space<vmem_shared>> -> memref<524352xf32, #tpu.memory_space<vmem_shared>>
            tpu.enqueue_indirect_dma source(%arg13 : memref<128xf32, #tpu.memory_space<vmem>>) target(%dma_start3A_1561 : memref<524352xf32, #tpu.memory_space<vmem_shared>>) offsets(%dma_start3A_1559 : memref<128xi32, #tpu.memory_space<vmem>>) semaphore(%run_scoped3A_1556 : memref<!tpu.dma_semaphore, #tpu.memory_space<semaphore_mem>>) {add = true}
            %dma_wait3A_1562 = arith.constant 0 : i32
            %dma_wait3A_1563 = tpu.memref_slice %arg11[%while3A_1555, %dma_wait3A_1562] : memref<129x128xi32, #tpu.memory_space<vmem>> -> memref<1x128xi32, #tpu.memory_space<vmem>>
            %dma_wait3A_1564 = tpu.memref_squeeze %dma_wait3A_1563 : memref<1x128xi32, #tpu.memory_space<vmem>> -> memref<128xi32, #tpu.memory_space<vmem>>
            %dma_wait3A_1565 = arith.constant 0 : i32
            %dma_wait3A_1566 = tpu.memref_slice %arg15[%dma_wait3A_1565] : memref<524352xf32, #tpu.memory_space<vmem_shared>> -> memref<524352xf32, #tpu.memory_space<vmem_shared>>
            tpu.wait_indirect_dma semaphore(%run_scoped3A_1556 : memref<!tpu.dma_semaphore, #tpu.memory_space<semaphore_mem>>) src(%arg13 : memref<128xf32, #tpu.memory_space<vmem>>) dst(%dma_wait3A_1566 : memref<524352xf32, #tpu.memory_space<vmem_shared>>)
            tpu.yield
          }) : () -> ()
        }
      } else {
      }
      %add3A_1527 = arith.constant 8 : i32
      %add3A_1528 = arith.addi %scan3A_1522, %add3A_1527 : i32
      %eq3A_1529 = arith.cmpi eq, %arg1, %add3A_1528 : i32
      %convert_element_type3A_1530 = arith.extui %eq3A_1529 : i1 to i32
      %cond3A_1531 = arith.constant 0 : i32
      %cond3A_1532 = arith.cmpi ne, %convert_element_type3A_1530, %cond3A_1531 : i32
      scf.if %cond3A_1532 {
        %while3A_1545 = arith.constant 0 : i32
        %while3A_1546 = arith.constant 0 : i32
        %while3A_1547 = arith.subi %select_n3A_618, %while3A_1546 : i32
        %while3A_1548 = arith.addi %while3A_1546, %while3A_1547 : i32
        %while3A_1549 = arith.constant 1 : i32
        %while3A_1550 = arith.divsi %while3A_1547, %while3A_1549 : i32
        %while3A_1551 = arith.muli %while3A_1550, %while3A_1549 : i32
        %while3A_1552 = arith.addi %while3A_1546, %while3A_1551 : i32
        %while3A_1553 = arith.constant 1 : i32
        scf.for %while3A_1555 = %while3A_1546 to %while3A_1552 step %while3A_1553  : i32 {
          "tpu.region"() ({
            %run_scoped3A_1556 = tpu.sem_alloc : memref<!tpu.dma_semaphore, #tpu.memory_space<semaphore_mem>>
            %dma_start3A_1557 = arith.constant 0 : i32
            %dma_start3A_1558 = tpu.memref_slice %arg12[%while3A_1555, %dma_start3A_1557] : memref<129x128xi32, #tpu.memory_space<vmem>> -> memref<1x128xi32, #tpu.memory_space<vmem>>
            %dma_start3A_1559 = tpu.memref_squeeze %dma_start3A_1558 : memref<1x128xi32, #tpu.memory_space<vmem>> -> memref<128xi32, #tpu.memory_space<vmem>>
            %dma_start3A_1560 = arith.constant 0 : i32
            %dma_start3A_1561 = tpu.memref_slice %arg15[%dma_start3A_1560] : memref<524352xf32, #tpu.memory_space<vmem_shared>> -> memref<524352xf32, #tpu.memory_space<vmem_shared>>
            tpu.enqueue_indirect_dma source(%arg13 : memref<128xf32, #tpu.memory_space<vmem>>) target(%dma_start3A_1561 : memref<524352xf32, #tpu.memory_space<vmem_shared>>) offsets(%dma_start3A_1559 : memref<128xi32, #tpu.memory_space<vmem>>) semaphore(%run_scoped3A_1556 : memref<!tpu.dma_semaphore, #tpu.memory_space<semaphore_mem>>) {add = true}
            %dma_wait3A_1562 = arith.constant 0 : i32
            %dma_wait3A_1563 = tpu.memref_slice %arg12[%while3A_1555, %dma_wait3A_1562] : memref<129x128xi32, #tpu.memory_space<vmem>> -> memref<1x128xi32, #tpu.memory_space<vmem>>
            %dma_wait3A_1564 = tpu.memref_squeeze %dma_wait3A_1563 : memref<1x128xi32, #tpu.memory_space<vmem>> -> memref<128xi32, #tpu.memory_space<vmem>>
            %dma_wait3A_1565 = arith.constant 0 : i32
            %dma_wait3A_1566 = tpu.memref_slice %arg15[%dma_wait3A_1565] : memref<524352xf32, #tpu.memory_space<vmem_shared>> -> memref<524352xf32, #tpu.memory_space<vmem_shared>>
            tpu.wait_indirect_dma semaphore(%run_scoped3A_1556 : memref<!tpu.dma_semaphore, #tpu.memory_space<semaphore_mem>>) src(%arg13 : memref<128xf32, #tpu.memory_space<vmem>>) dst(%dma_wait3A_1566 : memref<524352xf32, #tpu.memory_space<vmem_shared>>)
            tpu.yield
          }) : () -> ()
        }
        %while3A_1554 = arith.constant 1 : i32
        scf.for %while3A_1555 = %while3A_1552 to %while3A_1548 step %while3A_1554  : i32 {
          "tpu.region"() ({
            %run_scoped3A_1556 = tpu.sem_alloc : memref<!tpu.dma_semaphore, #tpu.memory_space<semaphore_mem>>
            %dma_start3A_1557 = arith.constant 0 : i32
            %dma_start3A_1558 = tpu.memref_slice %arg12[%while3A_1555, %dma_start3A_1557] : memref<129x128xi32, #tpu.memory_space<vmem>> -> memref<1x128xi32, #tpu.memory_space<vmem>>
            %dma_start3A_1559 = tpu.memref_squeeze %dma_start3A_1558 : memref<1x128xi32, #tpu.memory_space<vmem>> -> memref<128xi32, #tpu.memory_space<vmem>>
            %dma_start3A_1560 = arith.constant 0 : i32
            %dma_start3A_1561 = tpu.memref_slice %arg15[%dma_start3A_1560] : memref<524352xf32, #tpu.memory_space<vmem_shared>> -> memref<524352xf32, #tpu.memory_space<vmem_shared>>
            tpu.enqueue_indirect_dma source(%arg13 : memref<128xf32, #tpu.memory_space<vmem>>) target(%dma_start3A_1561 : memref<524352xf32, #tpu.memory_space<vmem_shared>>) offsets(%dma_start3A_1559 : memref<128xi32, #tpu.memory_space<vmem>>) semaphore(%run_scoped3A_1556 : memref<!tpu.dma_semaphore, #tpu.memory_space<semaphore_mem>>) {add = true}
            %dma_wait3A_1562 = arith.constant 0 : i32
            %dma_wait3A_1563 = tpu.memref_slice %arg12[%while3A_1555, %dma_wait3A_1562] : memref<129x128xi32, #tpu.memory_space<vmem>> -> memref<1x128xi32, #tpu.memory_space<vmem>>
            %dma_wait3A_1564 = tpu.memref_squeeze %dma_wait3A_1563 : memref<1x128xi32, #tpu.memory_space<vmem>> -> memref<128xi32, #tpu.memory_space<vmem>>
            %dma_wait3A_1565 = arith.constant 0 : i32
            %dma_wait3A_1566 = tpu.memref_slice %arg15[%dma_wait3A_1565] : memref<524352xf32, #tpu.memory_space<vmem_shared>> -> memref<524352xf32, #tpu.memory_space<vmem_shared>>
            tpu.wait_indirect_dma semaphore(%run_scoped3A_1556 : memref<!tpu.dma_semaphore, #tpu.memory_space<semaphore_mem>>) src(%arg13 : memref<128xf32, #tpu.memory_space<vmem>>) dst(%dma_wait3A_1566 : memref<524352xf32, #tpu.memory_space<vmem_shared>>)
            tpu.yield
          }) : () -> ()
        }
      } else {
      }
      %barrier3A_1533 = arith.constant 0 : index
      tpu.barrier barrier_id(%barrier3A_1533)
      %eq3A_1534 = arith.cmpi eq, %arg1, %scan3A_1522 : i32
      %convert_element_type3A_1535 = arith.extui %eq3A_1534 : i1 to i32
      %cond3A_1536 = arith.constant 0 : i32
      %cond3A_1537 = arith.cmpi ne, %convert_element_type3A_1535, %cond3A_1536 : i32
      scf.if %cond3A_1537 {
        %while3A_1545 = arith.constant 0 : i32
        %while3A_1546 = arith.constant 0 : i32
        %while3A_1547 = arith.subi %select_n3A_618, %while3A_1546 : i32
        %while3A_1548 = arith.addi %while3A_1546, %while3A_1547 : i32
        %while3A_1549 = arith.constant 1 : i32
        %while3A_1550 = arith.divsi %while3A_1547, %while3A_1549 : i32
        %while3A_1551 = arith.muli %while3A_1550, %while3A_1549 : i32
        %while3A_1552 = arith.addi %while3A_1546, %while3A_1551 : i32
        %while3A_1553 = arith.constant 1 : i32
        scf.for %while3A_1555 = %while3A_1546 to %while3A_1552 step %while3A_1553  : i32 {
          "tpu.region"() ({
            %run_scoped3A_1556 = tpu.sem_alloc : memref<!tpu.dma_semaphore, #tpu.memory_space<semaphore_mem>>
            %dma_start3A_1557 = arith.constant 0 : i32
            %dma_start3A_1558 = tpu.memref_slice %arg12[%while3A_1555, %dma_start3A_1557] : memref<129x128xi32, #tpu.memory_space<vmem>> -> memref<1x128xi32, #tpu.memory_space<vmem>>
            %dma_start3A_1559 = tpu.memref_squeeze %dma_start3A_1558 : memref<1x128xi32, #tpu.memory_space<vmem>> -> memref<128xi32, #tpu.memory_space<vmem>>
            %dma_start3A_1560 = arith.constant 0 : i32
            %dma_start3A_1561 = tpu.memref_slice %arg15[%dma_start3A_1560] : memref<524352xf32, #tpu.memory_space<vmem_shared>> -> memref<524352xf32, #tpu.memory_space<vmem_shared>>
            tpu.enqueue_indirect_dma source(%arg13 : memref<128xf32, #tpu.memory_space<vmem>>) target(%dma_start3A_1561 : memref<524352xf32, #tpu.memory_space<vmem_shared>>) offsets(%dma_start3A_1559 : memref<128xi32, #tpu.memory_space<vmem>>) semaphore(%run_scoped3A_1556 : memref<!tpu.dma_semaphore, #tpu.memory_space<semaphore_mem>>) {add = true}
            %dma_wait3A_1562 = arith.constant 0 : i32
            %dma_wait3A_1563 = tpu.memref_slice %arg12[%while3A_1555, %dma_wait3A_1562] : memref<129x128xi32, #tpu.memory_space<vmem>> -> memref<1x128xi32, #tpu.memory_space<vmem>>
            %dma_wait3A_1564 = tpu.memref_squeeze %dma_wait3A_1563 : memref<1x128xi32, #tpu.memory_space<vmem>> -> memref<128xi32, #tpu.memory_space<vmem>>
            %dma_wait3A_1565 = arith.constant 0 : i32
            %dma_wait3A_1566 = tpu.memref_slice %arg15[%dma_wait3A_1565] : memref<524352xf32, #tpu.memory_space<vmem_shared>> -> memref<524352xf32, #tpu.memory_space<vmem_shared>>
            tpu.wait_indirect_dma semaphore(%run_scoped3A_1556 : memref<!tpu.dma_semaphore, #tpu.memory_space<semaphore_mem>>) src(%arg13 : memref<128xf32, #tpu.memory_space<vmem>>) dst(%dma_wait3A_1566 : memref<524352xf32, #tpu.memory_space<vmem_shared>>)
            tpu.yield
          }) : () -> ()
        }
        %while3A_1554 = arith.constant 1 : i32
        scf.for %while3A_1555 = %while3A_1552 to %while3A_1548 step %while3A_1554  : i32 {
          "tpu.region"() ({
            %run_scoped3A_1556 = tpu.sem_alloc : memref<!tpu.dma_semaphore, #tpu.memory_space<semaphore_mem>>
            %dma_start3A_1557 = arith.constant 0 : i32
            %dma_start3A_1558 = tpu.memref_slice %arg12[%while3A_1555, %dma_start3A_1557] : memref<129x128xi32, #tpu.memory_space<vmem>> -> memref<1x128xi32, #tpu.memory_space<vmem>>
            %dma_start3A_1559 = tpu.memref_squeeze %dma_start3A_1558 : memref<1x128xi32, #tpu.memory_space<vmem>> -> memref<128xi32, #tpu.memory_space<vmem>>
            %dma_start3A_1560 = arith.constant 0 : i32
            %dma_start3A_1561 = tpu.memref_slice %arg15[%dma_start3A_1560] : memref<524352xf32, #tpu.memory_space<vmem_shared>> -> memref<524352xf32, #tpu.memory_space<vmem_shared>>
            tpu.enqueue_indirect_dma source(%arg13 : memref<128xf32, #tpu.memory_space<vmem>>) target(%dma_start3A_1561 : memref<524352xf32, #tpu.memory_space<vmem_shared>>) offsets(%dma_start3A_1559 : memref<128xi32, #tpu.memory_space<vmem>>) semaphore(%run_scoped3A_1556 : memref<!tpu.dma_semaphore, #tpu.memory_space<semaphore_mem>>) {add = true}
            %dma_wait3A_1562 = arith.constant 0 : i32
            %dma_wait3A_1563 = tpu.memref_slice %arg12[%while3A_1555, %dma_wait3A_1562] : memref<129x128xi32, #tpu.memory_space<vmem>> -> memref<1x128xi32, #tpu.memory_space<vmem>>
            %dma_wait3A_1564 = tpu.memref_squeeze %dma_wait3A_1563 : memref<1x128xi32, #tpu.memory_space<vmem>> -> memref<128xi32, #tpu.memory_space<vmem>>
            %dma_wait3A_1565 = arith.constant 0 : i32
            %dma_wait3A_1566 = tpu.memref_slice %arg15[%dma_wait3A_1565] : memref<524352xf32, #tpu.memory_space<vmem_shared>> -> memref<524352xf32, #tpu.memory_space<vmem_shared>>
            tpu.wait_indirect_dma semaphore(%run_scoped3A_1556 : memref<!tpu.dma_semaphore, #tpu.memory_space<semaphore_mem>>) src(%arg13 : memref<128xf32, #tpu.memory_space<vmem>>) dst(%dma_wait3A_1566 : memref<524352xf32, #tpu.memory_space<vmem_shared>>)
            tpu.yield
          }) : () -> ()
        }
      } else {
      }
      %add3A_1538 = arith.constant 8 : i32
      %add3A_1539 = arith.addi %scan3A_1522, %add3A_1538 : i32
      %eq3A_1540 = arith.cmpi eq, %arg1, %add3A_1539 : i32
      %convert_element_type3A_1541 = arith.extui %eq3A_1540 : i1 to i32
      %cond3A_1542 = arith.constant 0 : i32
      %cond3A_1543 = arith.cmpi ne, %convert_element_type3A_1541, %cond3A_1542 : i32
      scf.if %cond3A_1543 {
        %while3A_1545 = arith.constant 0 : i32
        %while3A_1546 = arith.constant 0 : i32
        %while3A_1547 = arith.subi %select_n3A_590, %while3A_1546 : i32
        %while3A_1548 = arith.addi %while3A_1546, %while3A_1547 : i32
        %while3A_1549 = arith.constant 1 : i32
        %while3A_1550 = arith.divsi %while3A_1547, %while3A_1549 : i32
        %while3A_1551 = arith.muli %while3A_1550, %while3A_1549 : i32
        %while3A_1552 = arith.addi %while3A_1546, %while3A_1551 : i32
        %while3A_1553 = arith.constant 1 : i32
        scf.for %while3A_1555 = %while3A_1546 to %while3A_1552 step %while3A_1553  : i32 {
          "tpu.region"() ({
            %run_scoped3A_1556 = tpu.sem_alloc : memref<!tpu.dma_semaphore, #tpu.memory_space<semaphore_mem>>
            %dma_start3A_1557 = arith.constant 0 : i32
            %dma_start3A_1558 = tpu.memref_slice %arg11[%while3A_1555, %dma_start3A_1557] : memref<129x128xi32, #tpu.memory_space<vmem>> -> memref<1x128xi32, #tpu.memory_space<vmem>>
            %dma_start3A_1559 = tpu.memref_squeeze %dma_start3A_1558 : memref<1x128xi32, #tpu.memory_space<vmem>> -> memref<128xi32, #tpu.memory_space<vmem>>
            %dma_start3A_1560 = arith.constant 0 : i32
            %dma_start3A_1561 = tpu.memref_slice %arg15[%dma_start3A_1560] : memref<524352xf32, #tpu.memory_space<vmem_shared>> -> memref<524352xf32, #tpu.memory_space<vmem_shared>>
            tpu.enqueue_indirect_dma source(%arg13 : memref<128xf32, #tpu.memory_space<vmem>>) target(%dma_start3A_1561 : memref<524352xf32, #tpu.memory_space<vmem_shared>>) offsets(%dma_start3A_1559 : memref<128xi32, #tpu.memory_space<vmem>>) semaphore(%run_scoped3A_1556 : memref<!tpu.dma_semaphore, #tpu.memory_space<semaphore_mem>>) {add = true}
            %dma_wait3A_1562 = arith.constant 0 : i32
            %dma_wait3A_1563 = tpu.memref_slice %arg11[%while3A_1555, %dma_wait3A_1562] : memref<129x128xi32, #tpu.memory_space<vmem>> -> memref<1x128xi32, #tpu.memory_space<vmem>>
            %dma_wait3A_1564 = tpu.memref_squeeze %dma_wait3A_1563 : memref<1x128xi32, #tpu.memory_space<vmem>> -> memref<128xi32, #tpu.memory_space<vmem>>
            %dma_wait3A_1565 = arith.constant 0 : i32
            %dma_wait3A_1566 = tpu.memref_slice %arg15[%dma_wait3A_1565] : memref<524352xf32, #tpu.memory_space<vmem_shared>> -> memref<524352xf32, #tpu.memory_space<vmem_shared>>
            tpu.wait_indirect_dma semaphore(%run_scoped3A_1556 : memref<!tpu.dma_semaphore, #tpu.memory_space<semaphore_mem>>) src(%arg13 : memref<128xf32, #tpu.memory_space<vmem>>) dst(%dma_wait3A_1566 : memref<524352xf32, #tpu.memory_space<vmem_shared>>)
            tpu.yield
          }) : () -> ()
        }
        %while3A_1554 = arith.constant 1 : i32
        scf.for %while3A_1555 = %while3A_1552 to %while3A_1548 step %while3A_1554  : i32 {
          "tpu.region"() ({
            %run_scoped3A_1556 = tpu.sem_alloc : memref<!tpu.dma_semaphore, #tpu.memory_space<semaphore_mem>>
            %dma_start3A_1557 = arith.constant 0 : i32
            %dma_start3A_1558 = tpu.memref_slice %arg11[%while3A_1555, %dma_start3A_1557] : memref<129x128xi32, #tpu.memory_space<vmem>> -> memref<1x128xi32, #tpu.memory_space<vmem>>
            %dma_start3A_1559 = tpu.memref_squeeze %dma_start3A_1558 : memref<1x128xi32, #tpu.memory_space<vmem>> -> memref<128xi32, #tpu.memory_space<vmem>>
            %dma_start3A_1560 = arith.constant 0 : i32
            %dma_start3A_1561 = tpu.memref_slice %arg15[%dma_start3A_1560] : memref<524352xf32, #tpu.memory_space<vmem_shared>> -> memref<524352xf32, #tpu.memory_space<vmem_shared>>
            tpu.enqueue_indirect_dma source(%arg13 : memref<128xf32, #tpu.memory_space<vmem>>) target(%dma_start3A_1561 : memref<524352xf32, #tpu.memory_space<vmem_shared>>) offsets(%dma_start3A_1559 : memref<128xi32, #tpu.memory_space<vmem>>) semaphore(%run_scoped3A_1556 : memref<!tpu.dma_semaphore, #tpu.memory_space<semaphore_mem>>) {add = true}
            %dma_wait3A_1562 = arith.constant 0 : i32
            %dma_wait3A_1563 = tpu.memref_slice %arg11[%while3A_1555, %dma_wait3A_1562] : memref<129x128xi32, #tpu.memory_space<vmem>> -> memref<1x128xi32, #tpu.memory_space<vmem>>
            %dma_wait3A_1564 = tpu.memref_squeeze %dma_wait3A_1563 : memref<1x128xi32, #tpu.memory_space<vmem>> -> memref<128xi32, #tpu.memory_space<vmem>>
            %dma_wait3A_1565 = arith.constant 0 : i32
            %dma_wait3A_1566 = tpu.memref_slice %arg15[%dma_wait3A_1565] : memref<524352xf32, #tpu.memory_space<vmem_shared>> -> memref<524352xf32, #tpu.memory_space<vmem_shared>>
            tpu.wait_indirect_dma semaphore(%run_scoped3A_1556 : memref<!tpu.dma_semaphore, #tpu.memory_space<semaphore_mem>>) src(%arg13 : memref<128xf32, #tpu.memory_space<vmem>>) dst(%dma_wait3A_1566 : memref<524352xf32, #tpu.memory_space<vmem_shared>>)
            tpu.yield
          }) : () -> ()
        }
      } else {
      }
      %barrier3A_1544 = arith.constant 0 : index
      tpu.barrier barrier_id(%barrier3A_1544)
    }
    %scan3A_670 = arith.constant 8 : i32
    %barrier3A_671 = arith.constant 0 : index
    tpu.barrier barrier_id(%barrier3A_671)
    %scan3A_672 = arith.constant 0 : i32
    %scan3A_673 = arith.constant 0 : i32
    %scan3A_674 = arith.constant 16 : i32
    %scan3A_675 = arith.addi %scan3A_673, %scan3A_674 : i32
    %scan3A_676 = arith.constant 1 : i32
    scf.for %scan3A_1522 = %scan3A_673 to %scan3A_675 step %scan3A_676  : i32 {
      %mul3A_1523 = arith.constant 16 : i32
      %mul3A_1524 = arith.muli %scan3A_1522, %mul3A_1523 : i32
      %add3A_1525 = arith.addi %mul3A_1524, %arg1 : i32
      %mul3A_1526 = arith.constant 2048 : i32
      %mul3A_1527 = arith.muli %add3A_1525, %mul3A_1526 : i32
      %mul3A_1528 = arith.constant 8 : i32
      %mul3A_1529 = arith.muli %mul3A_1528, %add3A_1525 : i32
      %add3A_1530 = arith.addi %mul3A_1529, %add3A_415 : i32
      %dma_start3A_1531 = arith.constant 0 : i32
      %dma_start3A_1532 = tpu.memref_slice %arg4[%add3A_1530, %dma_start3A_1531] : memref<2048x2048xf32, #tpu.memory_space<hbm>> -> memref<1x2048xf32, #tpu.memory_space<hbm>>
      %dma_start3A_1533 = tpu.memref_squeeze %dma_start3A_1532 : memref<1x2048xf32, #tpu.memory_space<hbm>> -> memref<2048xf32, #tpu.memory_space<hbm>>
      %dma_start3A_1534 = tpu.memref_slice %arg15[%mul3A_1527] : memref<524352xf32, #tpu.memory_space<vmem_shared>> -> memref<2048xf32, #tpu.memory_space<vmem_shared>>
      tpu.enqueue_dma source(%dma_start3A_1534 : memref<2048xf32, #tpu.memory_space<vmem_shared>>) target(%dma_start3A_1533 : memref<2048xf32, #tpu.memory_space<hbm>>) target_semaphore(%arg17 : memref<!tpu.dma_semaphore, #tpu.memory_space<semaphore_mem>>)
    }
    %scan3A_677 = arith.constant 16 : i32
    %scan3A_678 = arith.constant 0 : i32
    %scan3A_679 = arith.constant 0 : i32
    %scan3A_680 = arith.constant 16 : i32
    %scan3A_681 = arith.addi %scan3A_679, %scan3A_680 : i32
    %scan3A_682 = arith.constant 1 : i32
    scf.for %scan3A_1522 = %scan3A_679 to %scan3A_681 step %scan3A_682  : i32 {
      %mul3A_1523 = arith.constant 16 : i32
      %mul3A_1524 = arith.muli %scan3A_1522, %mul3A_1523 : i32
      %add3A_1525 = arith.addi %mul3A_1524, %arg1 : i32
      %mul3A_1526 = arith.constant 2048 : i32
      %mul3A_1527 = arith.muli %add3A_1525, %mul3A_1526 : i32
      %mul3A_1528 = arith.constant 8 : i32
      %mul3A_1529 = arith.muli %mul3A_1528, %add3A_1525 : i32
      %add3A_1530 = arith.addi %mul3A_1529, %add3A_415 : i32
      %dma_wait3A_1531 = arith.constant 0 : i32
      %dma_wait3A_1532 = tpu.memref_slice %arg4[%add3A_1530, %dma_wait3A_1531] : memref<2048x2048xf32, #tpu.memory_space<hbm>> -> memref<1x2048xf32, #tpu.memory_space<hbm>>
      %dma_wait3A_1533 = tpu.memref_squeeze %dma_wait3A_1532 : memref<1x2048xf32, #tpu.memory_space<hbm>> -> memref<2048xf32, #tpu.memory_space<hbm>>
      %dma_wait3A_1534 = tpu.memref_slice %arg15[%mul3A_1527] : memref<524352xf32, #tpu.memory_space<vmem_shared>> -> memref<2048xf32, #tpu.memory_space<vmem_shared>>
      tpu.wait_dma2 semaphore(%arg17 : memref<!tpu.dma_semaphore, #tpu.memory_space<semaphore_mem>>) src(%dma_wait3A_1534 : memref<2048xf32, #tpu.memory_space<vmem_shared>>) dst(%dma_wait3A_1533 : memref<2048xf32, #tpu.memory_space<hbm>>)
    }
    %scan3A_683 = arith.constant 16 : i32
    %barrier3A_684 = arith.constant 0 : index
    tpu.barrier barrier_id(%barrier3A_684)
    %mul3A_685 = arith.constant 4 : i32
    %mul3A_686 = arith.muli %arg0, %mul3A_685 : i32
    %add3A_687 = arith.constant 1 : i32
    %add3A_688 = arith.addi %mul3A_686, %add3A_687 : i32
    %mul3A_689 = arith.constant 32768 : i32
    %mul3A_690 = arith.muli %arg1, %mul3A_689 : i32
    %add3A_691 = arith.constant 0 : i32
    %add3A_692 = arith.addi %mul3A_690, %add3A_691 : i32
    %dma_start3A_693 = arith.constant 0 : i32
    %dma_start3A_694 = tpu.memref_slice %arg14[%dma_start3A_693] : memref<8192xf32, #tpu.memory_space<vmem>> -> memref<8192xf32, #tpu.memory_space<vmem>>
    %dma_start3A_695 = tpu.memref_slice %arg15[%add3A_692] : memref<524352xf32, #tpu.memory_space<vmem_shared>> -> memref<8192xf32, #tpu.memory_space<vmem_shared>>
    %dma_start3A_696 = tpu.memref_slice %arg15[%add3A_692] : memref<524352xf32, #tpu.memory_space<vmem_shared>> -> memref<8192xf32, #tpu.memory_space<vmem_shared>>
    %dma_start3A_697 = arith.constant 0 : i32
    %dma_start3A_698 = tpu.memref_slice %arg14[%dma_start3A_697] : memref<8192xf32, #tpu.memory_space<vmem>> -> memref<8192xf32, #tpu.memory_space<vmem>>
    tpu.enqueue_dma source(%dma_start3A_698 : memref<8192xf32, #tpu.memory_space<vmem>>) target(%dma_start3A_696 : memref<8192xf32, #tpu.memory_space<vmem_shared>>) target_semaphore(%arg17 : memref<!tpu.dma_semaphore, #tpu.memory_space<semaphore_mem>>)
    %mul3A_699 = arith.constant 32768 : i32
    %mul3A_700 = arith.muli %arg1, %mul3A_699 : i32
    %add3A_701 = arith.constant 8192 : i32
    %add3A_702 = arith.addi %mul3A_700, %add3A_701 : i32
    %dma_start3A_703 = arith.constant 0 : i32
    %dma_start3A_704 = tpu.memref_slice %arg14[%dma_start3A_703] : memref<8192xf32, #tpu.memory_space<vmem>> -> memref<8192xf32, #tpu.memory_space<vmem>>
    %dma_start3A_705 = tpu.memref_slice %arg15[%add3A_702] : memref<524352xf32, #tpu.memory_space<vmem_shared>> -> memref<8192xf32, #tpu.memory_space<vmem_shared>>
    %dma_start3A_706 = tpu.memref_slice %arg15[%add3A_702] : memref<524352xf32, #tpu.memory_space<vmem_shared>> -> memref<8192xf32, #tpu.memory_space<vmem_shared>>
    %dma_start3A_707 = arith.constant 0 : i32
    %dma_start3A_708 = tpu.memref_slice %arg14[%dma_start3A_707] : memref<8192xf32, #tpu.memory_space<vmem>> -> memref<8192xf32, #tpu.memory_space<vmem>>
    tpu.enqueue_dma source(%dma_start3A_708 : memref<8192xf32, #tpu.memory_space<vmem>>) target(%dma_start3A_706 : memref<8192xf32, #tpu.memory_space<vmem_shared>>) target_semaphore(%arg17 : memref<!tpu.dma_semaphore, #tpu.memory_space<semaphore_mem>>)
    %mul3A_709 = arith.constant 32768 : i32
    %mul3A_710 = arith.muli %arg1, %mul3A_709 : i32
    %add3A_711 = arith.constant 16384 : i32
    %add3A_712 = arith.addi %mul3A_710, %add3A_711 : i32
    %dma_start3A_713 = arith.constant 0 : i32
    %dma_start3A_714 = tpu.memref_slice %arg14[%dma_start3A_713] : memref<8192xf32, #tpu.memory_space<vmem>> -> memref<8192xf32, #tpu.memory_space<vmem>>
    %dma_start3A_715 = tpu.memref_slice %arg15[%add3A_712] : memref<524352xf32, #tpu.memory_space<vmem_shared>> -> memref<8192xf32, #tpu.memory_space<vmem_shared>>
    %dma_start3A_716 = tpu.memref_slice %arg15[%add3A_712] : memref<524352xf32, #tpu.memory_space<vmem_shared>> -> memref<8192xf32, #tpu.memory_space<vmem_shared>>
    %dma_start3A_717 = arith.constant 0 : i32
    %dma_start3A_718 = tpu.memref_slice %arg14[%dma_start3A_717] : memref<8192xf32, #tpu.memory_space<vmem>> -> memref<8192xf32, #tpu.memory_space<vmem>>
    tpu.enqueue_dma source(%dma_start3A_718 : memref<8192xf32, #tpu.memory_space<vmem>>) target(%dma_start3A_716 : memref<8192xf32, #tpu.memory_space<vmem_shared>>) target_semaphore(%arg17 : memref<!tpu.dma_semaphore, #tpu.memory_space<semaphore_mem>>)
    %mul3A_719 = arith.constant 32768 : i32
    %mul3A_720 = arith.muli %arg1, %mul3A_719 : i32
    %add3A_721 = arith.constant 24576 : i32
    %add3A_722 = arith.addi %mul3A_720, %add3A_721 : i32
    %dma_start3A_723 = arith.constant 0 : i32
    %dma_start3A_724 = tpu.memref_slice %arg14[%dma_start3A_723] : memref<8192xf32, #tpu.memory_space<vmem>> -> memref<8192xf32, #tpu.memory_space<vmem>>
    %dma_start3A_725 = tpu.memref_slice %arg15[%add3A_722] : memref<524352xf32, #tpu.memory_space<vmem_shared>> -> memref<8192xf32, #tpu.memory_space<vmem_shared>>
    %dma_start3A_726 = tpu.memref_slice %arg15[%add3A_722] : memref<524352xf32, #tpu.memory_space<vmem_shared>> -> memref<8192xf32, #tpu.memory_space<vmem_shared>>
    %dma_start3A_727 = arith.constant 0 : i32
    %dma_start3A_728 = tpu.memref_slice %arg14[%dma_start3A_727] : memref<8192xf32, #tpu.memory_space<vmem>> -> memref<8192xf32, #tpu.memory_space<vmem>>
    tpu.enqueue_dma source(%dma_start3A_728 : memref<8192xf32, #tpu.memory_space<vmem>>) target(%dma_start3A_726 : memref<8192xf32, #tpu.memory_space<vmem_shared>>) target_semaphore(%arg17 : memref<!tpu.dma_semaphore, #tpu.memory_space<semaphore_mem>>)
    %eq3A_729 = arith.constant 0 : i32
    %eq3A_730 = arith.cmpi eq, %arg1, %eq3A_729 : i32
    %convert_element_type3A_731 = arith.extui %eq3A_730 : i1 to i32
    %cond3A_732 = arith.constant 0 : i32
    %cond3A_733 = arith.cmpi ne, %convert_element_type3A_731, %cond3A_732 : i32
    scf.if %cond3A_733 {
      %dma_start3A_1522 = arith.constant 0 : i32
      %dma_start3A_1523 = tpu.memref_slice %arg14[%dma_start3A_1522] : memref<8192xf32, #tpu.memory_space<vmem>> -> memref<64xf32, #tpu.memory_space<vmem>>
      %dma_start3A_1524 = arith.constant 524288 : i32
      %dma_start3A_1525 = tpu.memref_slice %arg15[%dma_start3A_1524] : memref<524352xf32, #tpu.memory_space<vmem_shared>> -> memref<64xf32, #tpu.memory_space<vmem_shared>>
      %dma_start3A_1526 = arith.constant 524288 : i32
      %dma_start3A_1527 = tpu.memref_slice %arg15[%dma_start3A_1526] : memref<524352xf32, #tpu.memory_space<vmem_shared>> -> memref<64xf32, #tpu.memory_space<vmem_shared>>
      %dma_start3A_1528 = arith.constant 0 : i32
      %dma_start3A_1529 = tpu.memref_slice %arg14[%dma_start3A_1528] : memref<8192xf32, #tpu.memory_space<vmem>> -> memref<64xf32, #tpu.memory_space<vmem>>
      tpu.enqueue_dma source(%dma_start3A_1529 : memref<64xf32, #tpu.memory_space<vmem>>) target(%dma_start3A_1527 : memref<64xf32, #tpu.memory_space<vmem_shared>>) target_semaphore(%arg17 : memref<!tpu.dma_semaphore, #tpu.memory_space<semaphore_mem>>)
    } else {
    }
    %broadcast_in_dim3A_734 = vector.broadcast %add3A_688 : i32 to vector<16xi32>
    %while3A_735 = arith.constant 0 : i32
    %while3A_736 = arith.subi %select_n3A_411, %while3A_735 : i32
    %while3A_737 = arith.addi %while3A_735, %while3A_736 : i32
    %while3A_738 = arith.constant 1 : i32
    %while3A_739 = arith.divsi %while3A_736, %while3A_738 : i32
    %while3A_740 = arith.muli %while3A_739, %while3A_738 : i32
    %while3A_741 = arith.addi %while3A_735, %while3A_740 : i32
    %while3A_742 = arith.constant 1 : i32
    %while3A_743:2 = scf.for %while3A_1522 = %while3A_735 to %while3A_741 step %while3A_742 iter_args(%while3A_1523 = %broadcast_in_dim3A_45, %while3A_1524 = %broadcast_in_dim3A_45) -> (vector<16xi32>, vector<16xi32>)  : i32 {
      %mul3A_1525 = arith.constant 16 : i32
      %mul3A_1526 = arith.muli %while3A_1522, %mul3A_1525 : i32
      %get3A_1527 = arith.index_cast %mul3A_1526 : i32 to index
      %get3A_1528 = tpu.vector_load %arg7[%get3A_1527] {strides = array<i32>} : memref<16400xi32, #tpu.memory_space<vmem>>, vector<16xi32>,
      %shift_right_logical3A_1529 = arith.shrui %get3A_1528, %broadcast_in_dim3A_357 : vector<16xi32>
      %and3A_1530 = arith.andi %get3A_1528, %broadcast_in_dim3A_359 : vector<16xi32>
      %shift_right_logical3A_1531 = arith.shrui %shift_right_logical3A_1529, %broadcast_in_dim3A_365 : vector<16xi32>
      %and3A_1532 = arith.andi %shift_right_logical3A_1529, %broadcast_in_dim3A_367 : vector<16xi32>
      %eq3A_1533 = arith.cmpi eq, %and3A_1532, %broadcast_in_dim3A_734 : vector<16xi32>
      %lt3A = arith.cmpi slt, %shift_right_logical3A_1531, %broadcast_in_dim3A_369 : vector<16xi32>
      %and3A_1534 = arith.andi %eq3A_1533, %lt3A : vector<16xi1>
      %shift_left3A = arith.shli %shift_right_logical3A_1531, %broadcast_in_dim3A_357 : vector<16xi32>
      %or3A = arith.ori %shift_left3A, %and3A_1530 : vector<16xi32>
      %and3A_1535 = arith.andi %or3A, %broadcast_in_dim3A_43 : vector<16xi32>
      %eq3A_1536 = arith.cmpi eq, %and3A_1535, %broadcast_in_dim3A_45 : vector<16xi32>
      %and3A_1537 = arith.andi %and3A_1534, %eq3A_1536 : vector<16xi1>
      %eq3A_1538 = arith.cmpi eq, %and3A_1535, %broadcast_in_dim3A_43 : vector<16xi32>
      %and3A_1539 = arith.andi %and3A_1534, %eq3A_1538 : vector<16xi1>
      %select_n3A_1540 = arith.select %and3A_1537, %broadcast_in_dim3A_43, %broadcast_in_dim3A_45 : vector<16xi1>, vector<16xi32>
      %broadcast_in_dim3A_1541 = vector.shape_cast %max3A : vector<16xi32> to vector<16x1xi32>
      %gather3A_1542 = vector.shape_cast %broadcast_in_dim3A_1541 : vector<16x1xi32> to vector<16xi32>
      %gather3A_1543 = tpu.dynamic_gather %select_n3A_1540[%gather3A_1542] in [0] : vector<16xi32>, vector<16xi32> -> vector<16xi32>
      %select_n3A_1544 = arith.select %ge3A, %gather3A_1543, %broadcast_in_dim3A_45 : vector<16xi1>, vector<16xi32>
      %add3A_1545 = arith.addi %select_n3A_1540, %select_n3A_1544 : vector<16xi32>
      %broadcast_in_dim3A_1546 = vector.shape_cast %max3A_334 : vector<16xi32> to vector<16x1xi32>
      %gather3A_1547 = vector.shape_cast %broadcast_in_dim3A_1546 : vector<16x1xi32> to vector<16xi32>
      %gather3A_1548 = tpu.dynamic_gather %add3A_1545[%gather3A_1547] in [0] : vector<16xi32>, vector<16xi32> -> vector<16xi32>
      %select_n3A_1549 = arith.select %ge3A_347, %gather3A_1548, %broadcast_in_dim3A_45 : vector<16xi1>, vector<16xi32>
      %add3A_1550 = arith.addi %add3A_1545, %select_n3A_1549 : vector<16xi32>
      %broadcast_in_dim3A_1551 = vector.shape_cast %max3A_338 : vector<16xi32> to vector<16x1xi32>
      %gather3A_1552 = vector.shape_cast %broadcast_in_dim3A_1551 : vector<16x1xi32> to vector<16xi32>
      %gather3A_1553 = tpu.dynamic_gather %add3A_1550[%gather3A_1552] in [0] : vector<16xi32>, vector<16xi32> -> vector<16xi32>
      %select_n3A_1554 = arith.select %ge3A_350, %gather3A_1553, %broadcast_in_dim3A_45 : vector<16xi1>, vector<16xi32>
      %add3A_1555 = arith.addi %add3A_1550, %select_n3A_1554 : vector<16xi32>
      %broadcast_in_dim3A_1556 = vector.shape_cast %max3A_342 : vector<16xi32> to vector<16x1xi32>
      %gather3A_1557 = vector.shape_cast %broadcast_in_dim3A_1556 : vector<16x1xi32> to vector<16xi32>
      %gather3A_1558 = tpu.dynamic_gather %add3A_1555[%gather3A_1557] in [0] : vector<16xi32>, vector<16xi32> -> vector<16xi32>
      %select_n3A_1559 = arith.select %ge3A_353, %gather3A_1558, %broadcast_in_dim3A_45 : vector<16xi1>, vector<16xi32>
      %add3A_1560 = arith.addi %add3A_1555, %select_n3A_1559 : vector<16xi32>
      %add3A_1561 = arith.addi %while3A_1523, %add3A_1560 : vector<16xi32>
      %sub3A_1562 = arith.subi %add3A_1561, %select_n3A_1540 : vector<16xi32>
      %shift_right_logical3A_1563 = arith.shrui %sub3A_1562, %broadcast_in_dim3A_361 : vector<16xi32>
      %and3A_1564 = arith.andi %sub3A_1562, %broadcast_in_dim3A_363 : vector<16xi32>
      tpu.vector_store_idx %arg11[%shift_right_logical3A_1563, %and3A_1564], %or3A masked %and3A_1537 : memref<129x128xi32, #tpu.memory_space<vmem>>[vector<16xi32>, vector<16xi32>], vector<16xi32>, vector<16xi1>
      %select_n3A_1565 = arith.select %and3A_1539, %broadcast_in_dim3A_43, %broadcast_in_dim3A_45 : vector<16xi1>, vector<16xi32>
      %broadcast_in_dim3A_1566 = vector.shape_cast %max3A : vector<16xi32> to vector<16x1xi32>
      %gather3A_1567 = vector.shape_cast %broadcast_in_dim3A_1566 : vector<16x1xi32> to vector<16xi32>
      %gather3A_1568 = tpu.dynamic_gather %select_n3A_1565[%gather3A_1567] in [0] : vector<16xi32>, vector<16xi32> -> vector<16xi32>
      %select_n3A_1569 = arith.select %ge3A, %gather3A_1568, %broadcast_in_dim3A_45 : vector<16xi1>, vector<16xi32>
      %add3A_1570 = arith.addi %select_n3A_1565, %select_n3A_1569 : vector<16xi32>
      %broadcast_in_dim3A_1571 = vector.shape_cast %max3A_334 : vector<16xi32> to vector<16x1xi32>
      %gather3A_1572 = vector.shape_cast %broadcast_in_dim3A_1571 : vector<16x1xi32> to vector<16xi32>
      %gather3A_1573 = tpu.dynamic_gather %add3A_1570[%gather3A_1572] in [0] : vector<16xi32>, vector<16xi32> -> vector<16xi32>
      %select_n3A_1574 = arith.select %ge3A_347, %gather3A_1573, %broadcast_in_dim3A_45 : vector<16xi1>, vector<16xi32>
      %add3A_1575 = arith.addi %add3A_1570, %select_n3A_1574 : vector<16xi32>
      %broadcast_in_dim3A_1576 = vector.shape_cast %max3A_338 : vector<16xi32> to vector<16x1xi32>
      %gather3A_1577 = vector.shape_cast %broadcast_in_dim3A_1576 : vector<16x1xi32> to vector<16xi32>
      %gather3A_1578 = tpu.dynamic_gather %add3A_1575[%gather3A_1577] in [0] : vector<16xi32>, vector<16xi32> -> vector<16xi32>
      %select_n3A_1579 = arith.select %ge3A_350, %gather3A_1578, %broadcast_in_dim3A_45 : vector<16xi1>, vector<16xi32>
      %add3A_1580 = arith.addi %add3A_1575, %select_n3A_1579 : vector<16xi32>
      %broadcast_in_dim3A_1581 = vector.shape_cast %max3A_342 : vector<16xi32> to vector<16x1xi32>
      %gather3A_1582 = vector.shape_cast %broadcast_in_dim3A_1581 : vector<16x1xi32> to vector<16xi32>
      %gather3A_1583 = tpu.dynamic_gather %add3A_1580[%gather3A_1582] in [0] : vector<16xi32>, vector<16xi32> -> vector<16xi32>
      %select_n3A_1584 = arith.select %ge3A_353, %gather3A_1583, %broadcast_in_dim3A_45 : vector<16xi1>, vector<16xi32>
      %add3A_1585 = arith.addi %add3A_1580, %select_n3A_1584 : vector<16xi32>
      %add3A_1586 = arith.addi %while3A_1524, %add3A_1585 : vector<16xi32>
      %sub3A_1587 = arith.subi %add3A_1586, %select_n3A_1565 : vector<16xi32>
      %shift_right_logical3A_1588 = arith.shrui %sub3A_1587, %broadcast_in_dim3A_361 : vector<16xi32>
      %and3A_1589 = arith.andi %sub3A_1587, %broadcast_in_dim3A_363 : vector<16xi32>
      tpu.vector_store_idx %arg12[%shift_right_logical3A_1588, %and3A_1589], %or3A masked %and3A_1539 : memref<129x128xi32, #tpu.memory_space<vmem>>[vector<16xi32>, vector<16xi32>], vector<16xi32>, vector<16xi1>
      %all_reduce_population_count3A = tpu.all_reduce %and3A_1537 {dim = 0 : i64, kind = #tpu.reduction_kind<sum>} : vector<16xi1> -> vector<16xi32>
      %add3A_1590 = arith.addi %while3A_1523, %all_reduce_population_count3A : vector<16xi32>
      %all_reduce_population_count3A_1591 = tpu.all_reduce %and3A_1539 {dim = 0 : i64, kind = #tpu.reduction_kind<sum>} : vector<16xi1> -> vector<16xi32>
      %add3A_1592 = arith.addi %while3A_1524, %all_reduce_population_count3A_1591 : vector<16xi32>
      scf.yield %add3A_1590, %add3A_1592 : vector<16xi32>, vector<16xi32>
    }
    %while3A_744 = arith.constant 1 : i32
    %while3A_745:2 = scf.for %while3A_1522 = %while3A_741 to %while3A_737 step %while3A_744 iter_args(%while3A_1523 = %while3A_743#0, %while3A_1524 = %while3A_743#1) -> (vector<16xi32>, vector<16xi32>)  : i32 {
      %mul3A_1525 = arith.constant 16 : i32
      %mul3A_1526 = arith.muli %while3A_1522, %mul3A_1525 : i32
      %get3A_1527 = arith.index_cast %mul3A_1526 : i32 to index
      %get3A_1528 = tpu.vector_load %arg7[%get3A_1527] {strides = array<i32>} : memref<16400xi32, #tpu.memory_space<vmem>>, vector<16xi32>,
      %shift_right_logical3A_1529 = arith.shrui %get3A_1528, %broadcast_in_dim3A_357 : vector<16xi32>
      %and3A_1530 = arith.andi %get3A_1528, %broadcast_in_dim3A_359 : vector<16xi32>
      %shift_right_logical3A_1531 = arith.shrui %shift_right_logical3A_1529, %broadcast_in_dim3A_365 : vector<16xi32>
      %and3A_1532 = arith.andi %shift_right_logical3A_1529, %broadcast_in_dim3A_367 : vector<16xi32>
      %eq3A_1533 = arith.cmpi eq, %and3A_1532, %broadcast_in_dim3A_734 : vector<16xi32>
      %lt3A = arith.cmpi slt, %shift_right_logical3A_1531, %broadcast_in_dim3A_369 : vector<16xi32>
      %and3A_1534 = arith.andi %eq3A_1533, %lt3A : vector<16xi1>
      %shift_left3A = arith.shli %shift_right_logical3A_1531, %broadcast_in_dim3A_357 : vector<16xi32>
      %or3A = arith.ori %shift_left3A, %and3A_1530 : vector<16xi32>
      %and3A_1535 = arith.andi %or3A, %broadcast_in_dim3A_43 : vector<16xi32>
      %eq3A_1536 = arith.cmpi eq, %and3A_1535, %broadcast_in_dim3A_45 : vector<16xi32>
      %and3A_1537 = arith.andi %and3A_1534, %eq3A_1536 : vector<16xi1>
      %eq3A_1538 = arith.cmpi eq, %and3A_1535, %broadcast_in_dim3A_43 : vector<16xi32>
      %and3A_1539 = arith.andi %and3A_1534, %eq3A_1538 : vector<16xi1>
      %select_n3A_1540 = arith.select %and3A_1537, %broadcast_in_dim3A_43, %broadcast_in_dim3A_45 : vector<16xi1>, vector<16xi32>
      %broadcast_in_dim3A_1541 = vector.shape_cast %max3A : vector<16xi32> to vector<16x1xi32>
      %gather3A_1542 = vector.shape_cast %broadcast_in_dim3A_1541 : vector<16x1xi32> to vector<16xi32>
      %gather3A_1543 = tpu.dynamic_gather %select_n3A_1540[%gather3A_1542] in [0] : vector<16xi32>, vector<16xi32> -> vector<16xi32>
      %select_n3A_1544 = arith.select %ge3A, %gather3A_1543, %broadcast_in_dim3A_45 : vector<16xi1>, vector<16xi32>
      %add3A_1545 = arith.addi %select_n3A_1540, %select_n3A_1544 : vector<16xi32>
      %broadcast_in_dim3A_1546 = vector.shape_cast %max3A_334 : vector<16xi32> to vector<16x1xi32>
      %gather3A_1547 = vector.shape_cast %broadcast_in_dim3A_1546 : vector<16x1xi32> to vector<16xi32>
      %gather3A_1548 = tpu.dynamic_gather %add3A_1545[%gather3A_1547] in [0] : vector<16xi32>, vector<16xi32> -> vector<16xi32>
      %select_n3A_1549 = arith.select %ge3A_347, %gather3A_1548, %broadcast_in_dim3A_45 : vector<16xi1>, vector<16xi32>
      %add3A_1550 = arith.addi %add3A_1545, %select_n3A_1549 : vector<16xi32>
      %broadcast_in_dim3A_1551 = vector.shape_cast %max3A_338 : vector<16xi32> to vector<16x1xi32>
      %gather3A_1552 = vector.shape_cast %broadcast_in_dim3A_1551 : vector<16x1xi32> to vector<16xi32>
      %gather3A_1553 = tpu.dynamic_gather %add3A_1550[%gather3A_1552] in [0] : vector<16xi32>, vector<16xi32> -> vector<16xi32>
      %select_n3A_1554 = arith.select %ge3A_350, %gather3A_1553, %broadcast_in_dim3A_45 : vector<16xi1>, vector<16xi32>
      %add3A_1555 = arith.addi %add3A_1550, %select_n3A_1554 : vector<16xi32>
      %broadcast_in_dim3A_1556 = vector.shape_cast %max3A_342 : vector<16xi32> to vector<16x1xi32>
      %gather3A_1557 = vector.shape_cast %broadcast_in_dim3A_1556 : vector<16x1xi32> to vector<16xi32>
      %gather3A_1558 = tpu.dynamic_gather %add3A_1555[%gather3A_1557] in [0] : vector<16xi32>, vector<16xi32> -> vector<16xi32>
      %select_n3A_1559 = arith.select %ge3A_353, %gather3A_1558, %broadcast_in_dim3A_45 : vector<16xi1>, vector<16xi32>
      %add3A_1560 = arith.addi %add3A_1555, %select_n3A_1559 : vector<16xi32>
      %add3A_1561 = arith.addi %while3A_1523, %add3A_1560 : vector<16xi32>
      %sub3A_1562 = arith.subi %add3A_1561, %select_n3A_1540 : vector<16xi32>
      %shift_right_logical3A_1563 = arith.shrui %sub3A_1562, %broadcast_in_dim3A_361 : vector<16xi32>
      %and3A_1564 = arith.andi %sub3A_1562, %broadcast_in_dim3A_363 : vector<16xi32>
      tpu.vector_store_idx %arg11[%shift_right_logical3A_1563, %and3A_1564], %or3A masked %and3A_1537 : memref<129x128xi32, #tpu.memory_space<vmem>>[vector<16xi32>, vector<16xi32>], vector<16xi32>, vector<16xi1>
      %select_n3A_1565 = arith.select %and3A_1539, %broadcast_in_dim3A_43, %broadcast_in_dim3A_45 : vector<16xi1>, vector<16xi32>
      %broadcast_in_dim3A_1566 = vector.shape_cast %max3A : vector<16xi32> to vector<16x1xi32>
      %gather3A_1567 = vector.shape_cast %broadcast_in_dim3A_1566 : vector<16x1xi32> to vector<16xi32>
      %gather3A_1568 = tpu.dynamic_gather %select_n3A_1565[%gather3A_1567] in [0] : vector<16xi32>, vector<16xi32> -> vector<16xi32>
      %select_n3A_1569 = arith.select %ge3A, %gather3A_1568, %broadcast_in_dim3A_45 : vector<16xi1>, vector<16xi32>
      %add3A_1570 = arith.addi %select_n3A_1565, %select_n3A_1569 : vector<16xi32>
      %broadcast_in_dim3A_1571 = vector.shape_cast %max3A_334 : vector<16xi32> to vector<16x1xi32>
      %gather3A_1572 = vector.shape_cast %broadcast_in_dim3A_1571 : vector<16x1xi32> to vector<16xi32>
      %gather3A_1573 = tpu.dynamic_gather %add3A_1570[%gather3A_1572] in [0] : vector<16xi32>, vector<16xi32> -> vector<16xi32>
      %select_n3A_1574 = arith.select %ge3A_347, %gather3A_1573, %broadcast_in_dim3A_45 : vector<16xi1>, vector<16xi32>
      %add3A_1575 = arith.addi %add3A_1570, %select_n3A_1574 : vector<16xi32>
      %broadcast_in_dim3A_1576 = vector.shape_cast %max3A_338 : vector<16xi32> to vector<16x1xi32>
      %gather3A_1577 = vector.shape_cast %broadcast_in_dim3A_1576 : vector<16x1xi32> to vector<16xi32>
      %gather3A_1578 = tpu.dynamic_gather %add3A_1575[%gather3A_1577] in [0] : vector<16xi32>, vector<16xi32> -> vector<16xi32>
      %select_n3A_1579 = arith.select %ge3A_350, %gather3A_1578, %broadcast_in_dim3A_45 : vector<16xi1>, vector<16xi32>
      %add3A_1580 = arith.addi %add3A_1575, %select_n3A_1579 : vector<16xi32>
      %broadcast_in_dim3A_1581 = vector.shape_cast %max3A_342 : vector<16xi32> to vector<16x1xi32>
      %gather3A_1582 = vector.shape_cast %broadcast_in_dim3A_1581 : vector<16x1xi32> to vector<16xi32>
      %gather3A_1583 = tpu.dynamic_gather %add3A_1580[%gather3A_1582] in [0] : vector<16xi32>, vector<16xi32> -> vector<16xi32>
      %select_n3A_1584 = arith.select %ge3A_353, %gather3A_1583, %broadcast_in_dim3A_45 : vector<16xi1>, vector<16xi32>
      %add3A_1585 = arith.addi %add3A_1580, %select_n3A_1584 : vector<16xi32>
      %add3A_1586 = arith.addi %while3A_1524, %add3A_1585 : vector<16xi32>
      %sub3A_1587 = arith.subi %add3A_1586, %select_n3A_1565 : vector<16xi32>
      %shift_right_logical3A_1588 = arith.shrui %sub3A_1587, %broadcast_in_dim3A_361 : vector<16xi32>
      %and3A_1589 = arith.andi %sub3A_1587, %broadcast_in_dim3A_363 : vector<16xi32>
      tpu.vector_store_idx %arg12[%shift_right_logical3A_1588, %and3A_1589], %or3A masked %and3A_1539 : memref<129x128xi32, #tpu.memory_space<vmem>>[vector<16xi32>, vector<16xi32>], vector<16xi32>, vector<16xi1>
      %all_reduce_population_count3A = tpu.all_reduce %and3A_1537 {dim = 0 : i64, kind = #tpu.reduction_kind<sum>} : vector<16xi1> -> vector<16xi32>
      %add3A_1590 = arith.addi %while3A_1523, %all_reduce_population_count3A : vector<16xi32>
      %all_reduce_population_count3A_1591 = tpu.all_reduce %and3A_1539 {dim = 0 : i64, kind = #tpu.reduction_kind<sum>} : vector<16xi1> -> vector<16xi32>
      %add3A_1592 = arith.addi %while3A_1524, %all_reduce_population_count3A_1591 : vector<16xi32>
      scf.yield %add3A_1590, %add3A_1592 : vector<16xi32>, vector<16xi32>
    }
    %broadcast_in_dim3A_746 = arith.constant 0 : i32
    %broadcast_in_dim3A_747 = vector.broadcast %broadcast_in_dim3A_746 : i32 to vector<16xi32>
    %add3A_748 = arith.addi %while3A_745#0, %broadcast_in_dim3A_747 : vector<16xi32>
    %add3A_749 = arith.addi %add3A_748, %iota3A : vector<16xi32>
    %shift_right_logical3A_750 = arith.shrui %add3A_749, %broadcast_in_dim3A_361 : vector<16xi32>
    %and3A_751 = arith.andi %add3A_749, %broadcast_in_dim3A_363 : vector<16xi32>
    tpu.vector_store_idx %arg11[%shift_right_logical3A_750, %and3A_751], %broadcast_in_dim3A_371 : memref<129x128xi32, #tpu.memory_space<vmem>>[vector<16xi32>, vector<16xi32>], vector<16xi32>,
    %broadcast_in_dim3A_752 = arith.constant 16 : i32
    %broadcast_in_dim3A_753 = vector.broadcast %broadcast_in_dim3A_752 : i32 to vector<16xi32>
    %add3A_754 = arith.addi %while3A_745#0, %broadcast_in_dim3A_753 : vector<16xi32>
    %add3A_755 = arith.addi %add3A_754, %iota3A : vector<16xi32>
    %shift_right_logical3A_756 = arith.shrui %add3A_755, %broadcast_in_dim3A_361 : vector<16xi32>
    %and3A_757 = arith.andi %add3A_755, %broadcast_in_dim3A_363 : vector<16xi32>
    tpu.vector_store_idx %arg11[%shift_right_logical3A_756, %and3A_757], %broadcast_in_dim3A_371 : memref<129x128xi32, #tpu.memory_space<vmem>>[vector<16xi32>, vector<16xi32>], vector<16xi32>,
    %broadcast_in_dim3A_758 = arith.constant 32 : i32
    %broadcast_in_dim3A_759 = vector.broadcast %broadcast_in_dim3A_758 : i32 to vector<16xi32>
    %add3A_760 = arith.addi %while3A_745#0, %broadcast_in_dim3A_759 : vector<16xi32>
    %add3A_761 = arith.addi %add3A_760, %iota3A : vector<16xi32>
    %shift_right_logical3A_762 = arith.shrui %add3A_761, %broadcast_in_dim3A_361 : vector<16xi32>
    %and3A_763 = arith.andi %add3A_761, %broadcast_in_dim3A_363 : vector<16xi32>
    tpu.vector_store_idx %arg11[%shift_right_logical3A_762, %and3A_763], %broadcast_in_dim3A_371 : memref<129x128xi32, #tpu.memory_space<vmem>>[vector<16xi32>, vector<16xi32>], vector<16xi32>,
    %broadcast_in_dim3A_764 = arith.constant 48 : i32
    %broadcast_in_dim3A_765 = vector.broadcast %broadcast_in_dim3A_764 : i32 to vector<16xi32>
    %add3A_766 = arith.addi %while3A_745#0, %broadcast_in_dim3A_765 : vector<16xi32>
    %add3A_767 = arith.addi %add3A_766, %iota3A : vector<16xi32>
    %shift_right_logical3A_768 = arith.shrui %add3A_767, %broadcast_in_dim3A_361 : vector<16xi32>
    %and3A_769 = arith.andi %add3A_767, %broadcast_in_dim3A_363 : vector<16xi32>
    tpu.vector_store_idx %arg11[%shift_right_logical3A_768, %and3A_769], %broadcast_in_dim3A_371 : memref<129x128xi32, #tpu.memory_space<vmem>>[vector<16xi32>, vector<16xi32>], vector<16xi32>,
    %broadcast_in_dim3A_770 = arith.constant 64 : i32
    %broadcast_in_dim3A_771 = vector.broadcast %broadcast_in_dim3A_770 : i32 to vector<16xi32>
    %add3A_772 = arith.addi %while3A_745#0, %broadcast_in_dim3A_771 : vector<16xi32>
    %add3A_773 = arith.addi %add3A_772, %iota3A : vector<16xi32>
    %shift_right_logical3A_774 = arith.shrui %add3A_773, %broadcast_in_dim3A_361 : vector<16xi32>
    %and3A_775 = arith.andi %add3A_773, %broadcast_in_dim3A_363 : vector<16xi32>
    tpu.vector_store_idx %arg11[%shift_right_logical3A_774, %and3A_775], %broadcast_in_dim3A_371 : memref<129x128xi32, #tpu.memory_space<vmem>>[vector<16xi32>, vector<16xi32>], vector<16xi32>,
    %broadcast_in_dim3A_776 = arith.constant 80 : i32
    %broadcast_in_dim3A_777 = vector.broadcast %broadcast_in_dim3A_776 : i32 to vector<16xi32>
    %add3A_778 = arith.addi %while3A_745#0, %broadcast_in_dim3A_777 : vector<16xi32>
    %add3A_779 = arith.addi %add3A_778, %iota3A : vector<16xi32>
    %shift_right_logical3A_780 = arith.shrui %add3A_779, %broadcast_in_dim3A_361 : vector<16xi32>
    %and3A_781 = arith.andi %add3A_779, %broadcast_in_dim3A_363 : vector<16xi32>
    tpu.vector_store_idx %arg11[%shift_right_logical3A_780, %and3A_781], %broadcast_in_dim3A_371 : memref<129x128xi32, #tpu.memory_space<vmem>>[vector<16xi32>, vector<16xi32>], vector<16xi32>,
    %broadcast_in_dim3A_782 = arith.constant 96 : i32
    %broadcast_in_dim3A_783 = vector.broadcast %broadcast_in_dim3A_782 : i32 to vector<16xi32>
    %add3A_784 = arith.addi %while3A_745#0, %broadcast_in_dim3A_783 : vector<16xi32>
    %add3A_785 = arith.addi %add3A_784, %iota3A : vector<16xi32>
    %shift_right_logical3A_786 = arith.shrui %add3A_785, %broadcast_in_dim3A_361 : vector<16xi32>
    %and3A_787 = arith.andi %add3A_785, %broadcast_in_dim3A_363 : vector<16xi32>
    tpu.vector_store_idx %arg11[%shift_right_logical3A_786, %and3A_787], %broadcast_in_dim3A_371 : memref<129x128xi32, #tpu.memory_space<vmem>>[vector<16xi32>, vector<16xi32>], vector<16xi32>,
    %broadcast_in_dim3A_788 = arith.constant 112 : i32
    %broadcast_in_dim3A_789 = vector.broadcast %broadcast_in_dim3A_788 : i32 to vector<16xi32>
    %add3A_790 = arith.addi %while3A_745#0, %broadcast_in_dim3A_789 : vector<16xi32>
    %add3A_791 = arith.addi %add3A_790, %iota3A : vector<16xi32>
    %shift_right_logical3A_792 = arith.shrui %add3A_791, %broadcast_in_dim3A_361 : vector<16xi32>
    %and3A_793 = arith.andi %add3A_791, %broadcast_in_dim3A_363 : vector<16xi32>
    tpu.vector_store_idx %arg11[%shift_right_logical3A_792, %and3A_793], %broadcast_in_dim3A_371 : memref<129x128xi32, #tpu.memory_space<vmem>>[vector<16xi32>, vector<16xi32>], vector<16xi32>,
    %broadcast_in_dim3A_794 = arith.constant 0 : i32
    %broadcast_in_dim3A_795 = vector.broadcast %broadcast_in_dim3A_794 : i32 to vector<16xi32>
    %add3A_796 = arith.addi %while3A_745#1, %broadcast_in_dim3A_795 : vector<16xi32>
    %add3A_797 = arith.addi %add3A_796, %iota3A : vector<16xi32>
    %shift_right_logical3A_798 = arith.shrui %add3A_797, %broadcast_in_dim3A_361 : vector<16xi32>
    %and3A_799 = arith.andi %add3A_797, %broadcast_in_dim3A_363 : vector<16xi32>
    tpu.vector_store_idx %arg12[%shift_right_logical3A_798, %and3A_799], %broadcast_in_dim3A_371 : memref<129x128xi32, #tpu.memory_space<vmem>>[vector<16xi32>, vector<16xi32>], vector<16xi32>,
    %broadcast_in_dim3A_800 = arith.constant 16 : i32
    %broadcast_in_dim3A_801 = vector.broadcast %broadcast_in_dim3A_800 : i32 to vector<16xi32>
    %add3A_802 = arith.addi %while3A_745#1, %broadcast_in_dim3A_801 : vector<16xi32>
    %add3A_803 = arith.addi %add3A_802, %iota3A : vector<16xi32>
    %shift_right_logical3A_804 = arith.shrui %add3A_803, %broadcast_in_dim3A_361 : vector<16xi32>
    %and3A_805 = arith.andi %add3A_803, %broadcast_in_dim3A_363 : vector<16xi32>
    tpu.vector_store_idx %arg12[%shift_right_logical3A_804, %and3A_805], %broadcast_in_dim3A_371 : memref<129x128xi32, #tpu.memory_space<vmem>>[vector<16xi32>, vector<16xi32>], vector<16xi32>,
    %broadcast_in_dim3A_806 = arith.constant 32 : i32
    %broadcast_in_dim3A_807 = vector.broadcast %broadcast_in_dim3A_806 : i32 to vector<16xi32>
    %add3A_808 = arith.addi %while3A_745#1, %broadcast_in_dim3A_807 : vector<16xi32>
    %add3A_809 = arith.addi %add3A_808, %iota3A : vector<16xi32>
    %shift_right_logical3A_810 = arith.shrui %add3A_809, %broadcast_in_dim3A_361 : vector<16xi32>
    %and3A_811 = arith.andi %add3A_809, %broadcast_in_dim3A_363 : vector<16xi32>
    tpu.vector_store_idx %arg12[%shift_right_logical3A_810, %and3A_811], %broadcast_in_dim3A_371 : memref<129x128xi32, #tpu.memory_space<vmem>>[vector<16xi32>, vector<16xi32>], vector<16xi32>,
    %broadcast_in_dim3A_812 = arith.constant 48 : i32
    %broadcast_in_dim3A_813 = vector.broadcast %broadcast_in_dim3A_812 : i32 to vector<16xi32>
    %add3A_814 = arith.addi %while3A_745#1, %broadcast_in_dim3A_813 : vector<16xi32>
    %add3A_815 = arith.addi %add3A_814, %iota3A : vector<16xi32>
    %shift_right_logical3A_816 = arith.shrui %add3A_815, %broadcast_in_dim3A_361 : vector<16xi32>
    %and3A_817 = arith.andi %add3A_815, %broadcast_in_dim3A_363 : vector<16xi32>
    tpu.vector_store_idx %arg12[%shift_right_logical3A_816, %and3A_817], %broadcast_in_dim3A_371 : memref<129x128xi32, #tpu.memory_space<vmem>>[vector<16xi32>, vector<16xi32>], vector<16xi32>,
    %broadcast_in_dim3A_818 = arith.constant 64 : i32
    %broadcast_in_dim3A_819 = vector.broadcast %broadcast_in_dim3A_818 : i32 to vector<16xi32>
    %add3A_820 = arith.addi %while3A_745#1, %broadcast_in_dim3A_819 : vector<16xi32>
    %add3A_821 = arith.addi %add3A_820, %iota3A : vector<16xi32>
    %shift_right_logical3A_822 = arith.shrui %add3A_821, %broadcast_in_dim3A_361 : vector<16xi32>
    %and3A_823 = arith.andi %add3A_821, %broadcast_in_dim3A_363 : vector<16xi32>
    tpu.vector_store_idx %arg12[%shift_right_logical3A_822, %and3A_823], %broadcast_in_dim3A_371 : memref<129x128xi32, #tpu.memory_space<vmem>>[vector<16xi32>, vector<16xi32>], vector<16xi32>,
    %broadcast_in_dim3A_824 = arith.constant 80 : i32
    %broadcast_in_dim3A_825 = vector.broadcast %broadcast_in_dim3A_824 : i32 to vector<16xi32>
    %add3A_826 = arith.addi %while3A_745#1, %broadcast_in_dim3A_825 : vector<16xi32>
    %add3A_827 = arith.addi %add3A_826, %iota3A : vector<16xi32>
    %shift_right_logical3A_828 = arith.shrui %add3A_827, %broadcast_in_dim3A_361 : vector<16xi32>
    %and3A_829 = arith.andi %add3A_827, %broadcast_in_dim3A_363 : vector<16xi32>
    tpu.vector_store_idx %arg12[%shift_right_logical3A_828, %and3A_829], %broadcast_in_dim3A_371 : memref<129x128xi32, #tpu.memory_space<vmem>>[vector<16xi32>, vector<16xi32>], vector<16xi32>,
    %broadcast_in_dim3A_830 = arith.constant 96 : i32
    %broadcast_in_dim3A_831 = vector.broadcast %broadcast_in_dim3A_830 : i32 to vector<16xi32>
    %add3A_832 = arith.addi %while3A_745#1, %broadcast_in_dim3A_831 : vector<16xi32>
    %add3A_833 = arith.addi %add3A_832, %iota3A : vector<16xi32>
    %shift_right_logical3A_834 = arith.shrui %add3A_833, %broadcast_in_dim3A_361 : vector<16xi32>
    %and3A_835 = arith.andi %add3A_833, %broadcast_in_dim3A_363 : vector<16xi32>
    tpu.vector_store_idx %arg12[%shift_right_logical3A_834, %and3A_835], %broadcast_in_dim3A_371 : memref<129x128xi32, #tpu.memory_space<vmem>>[vector<16xi32>, vector<16xi32>], vector<16xi32>,
    %broadcast_in_dim3A_836 = arith.constant 112 : i32
    %broadcast_in_dim3A_837 = vector.broadcast %broadcast_in_dim3A_836 : i32 to vector<16xi32>
    %add3A_838 = arith.addi %while3A_745#1, %broadcast_in_dim3A_837 : vector<16xi32>
    %add3A_839 = arith.addi %add3A_838, %iota3A : vector<16xi32>
    %shift_right_logical3A_840 = arith.shrui %add3A_839, %broadcast_in_dim3A_361 : vector<16xi32>
    %and3A_841 = arith.andi %add3A_839, %broadcast_in_dim3A_363 : vector<16xi32>
    tpu.vector_store_idx %arg12[%shift_right_logical3A_840, %and3A_841], %broadcast_in_dim3A_371 : memref<129x128xi32, #tpu.memory_space<vmem>>[vector<16xi32>, vector<16xi32>], vector<16xi32>,
    %slice3A_842 = vector.extract_strided_slice %while3A_745#0 {offsets = [0], sizes = [1], strides = [1]} : vector<16xi32> to vector<1xi32>
    %squeeze3A_843 = vector.extract %slice3A_842[0] : i32 from vector<1xi32>
    %add3A_844 = arith.constant 127 : i32
    %add3A_845 = arith.addi %squeeze3A_843, %add3A_844 : i32
    %jit3A_846 = arith.constant 128 : i32
    %div3A_847 = arith.divsi %add3A_845, %jit3A_846 : i32
    %sign3A_848 = arith.constant 0 : i32
    %sign3A_849 = arith.cmpi sgt, %add3A_845, %sign3A_848 : i32
    %sign3A_850 = arith.extui %sign3A_849 : i1 to i32
    %sign3A_851 = arith.constant 0 : i32
    %sign3A_852 = arith.cmpi slt, %add3A_845, %sign3A_851 : i32
    %sign3A_853 = arith.extui %sign3A_852 : i1 to i32
    %sign3A_854 = arith.subi %sign3A_850, %sign3A_853 : i32
    %sign3A_855 = arith.constant 0 : i32
    %sign3A_856 = arith.cmpi sgt, %jit3A_846, %sign3A_855 : i32
    %sign3A_857 = arith.extui %sign3A_856 : i1 to i32
    %sign3A_858 = arith.constant 0 : i32
    %sign3A_859 = arith.cmpi slt, %jit3A_846, %sign3A_858 : i32
    %sign3A_860 = arith.extui %sign3A_859 : i1 to i32
    %sign3A_861 = arith.subi %sign3A_857, %sign3A_860 : i32
    %ne3A_862 = arith.cmpi ne, %sign3A_854, %sign3A_861 : i32
    %rem3A_863 = arith.remsi %add3A_845, %jit3A_846 : i32
    %ne3A_864 = arith.constant 0 : i32
    %ne3A_865 = arith.cmpi ne, %rem3A_863, %ne3A_864 : i32
    %and3A_866 = arith.andi %ne3A_862, %ne3A_865 : i1
    %sub3A_867 = arith.constant 1 : i32
    %sub3A_868 = arith.subi %div3A_847, %sub3A_867 : i32
    %select_n3A_869 = arith.select %and3A_866, %sub3A_868, %div3A_847 : i32
    %slice3A_870 = vector.extract_strided_slice %while3A_745#1 {offsets = [0], sizes = [1], strides = [1]} : vector<16xi32> to vector<1xi32>
    %squeeze3A_871 = vector.extract %slice3A_870[0] : i32 from vector<1xi32>
    %add3A_872 = arith.constant 127 : i32
    %add3A_873 = arith.addi %squeeze3A_871, %add3A_872 : i32
    %jit3A_874 = arith.constant 128 : i32
    %div3A_875 = arith.divsi %add3A_873, %jit3A_874 : i32
    %sign3A_876 = arith.constant 0 : i32
    %sign3A_877 = arith.cmpi sgt, %add3A_873, %sign3A_876 : i32
    %sign3A_878 = arith.extui %sign3A_877 : i1 to i32
    %sign3A_879 = arith.constant 0 : i32
    %sign3A_880 = arith.cmpi slt, %add3A_873, %sign3A_879 : i32
    %sign3A_881 = arith.extui %sign3A_880 : i1 to i32
    %sign3A_882 = arith.subi %sign3A_878, %sign3A_881 : i32
    %sign3A_883 = arith.constant 0 : i32
    %sign3A_884 = arith.cmpi sgt, %jit3A_874, %sign3A_883 : i32
    %sign3A_885 = arith.extui %sign3A_884 : i1 to i32
    %sign3A_886 = arith.constant 0 : i32
    %sign3A_887 = arith.cmpi slt, %jit3A_874, %sign3A_886 : i32
    %sign3A_888 = arith.extui %sign3A_887 : i1 to i32
    %sign3A_889 = arith.subi %sign3A_885, %sign3A_888 : i32
    %ne3A_890 = arith.cmpi ne, %sign3A_882, %sign3A_889 : i32
    %rem3A_891 = arith.remsi %add3A_873, %jit3A_874 : i32
    %ne3A_892 = arith.constant 0 : i32
    %ne3A_893 = arith.cmpi ne, %rem3A_891, %ne3A_892 : i32
    %and3A_894 = arith.andi %ne3A_890, %ne3A_893 : i1
    %sub3A_895 = arith.constant 1 : i32
    %sub3A_896 = arith.subi %div3A_875, %sub3A_895 : i32
    %select_n3A_897 = arith.select %and3A_894, %sub3A_896, %div3A_875 : i32
    %mul3A_898 = arith.constant 32768 : i32
    %mul3A_899 = arith.muli %arg1, %mul3A_898 : i32
    %add3A_900 = arith.constant 0 : i32
    %add3A_901 = arith.addi %mul3A_899, %add3A_900 : i32
    %dma_wait3A_902 = arith.constant 0 : i32
    %dma_wait3A_903 = tpu.memref_slice %arg14[%dma_wait3A_902] : memref<8192xf32, #tpu.memory_space<vmem>> -> memref<8192xf32, #tpu.memory_space<vmem>>
    %dma_wait3A_904 = tpu.memref_slice %arg15[%add3A_901] : memref<524352xf32, #tpu.memory_space<vmem_shared>> -> memref<8192xf32, #tpu.memory_space<vmem_shared>>
    %dma_wait3A_905 = tpu.memref_slice %arg15[%add3A_901] : memref<524352xf32, #tpu.memory_space<vmem_shared>> -> memref<8192xf32, #tpu.memory_space<vmem_shared>>
    %dma_wait3A_906 = arith.constant 0 : i32
    %dma_wait3A_907 = tpu.memref_slice %arg14[%dma_wait3A_906] : memref<8192xf32, #tpu.memory_space<vmem>> -> memref<8192xf32, #tpu.memory_space<vmem>>
    tpu.wait_dma2 semaphore(%arg17 : memref<!tpu.dma_semaphore, #tpu.memory_space<semaphore_mem>>) src(%dma_wait3A_907 : memref<8192xf32, #tpu.memory_space<vmem>>) dst(%dma_wait3A_905 : memref<8192xf32, #tpu.memory_space<vmem_shared>>)
    %mul3A_908 = arith.constant 32768 : i32
    %mul3A_909 = arith.muli %arg1, %mul3A_908 : i32
    %add3A_910 = arith.constant 8192 : i32
    %add3A_911 = arith.addi %mul3A_909, %add3A_910 : i32
    %dma_wait3A_912 = arith.constant 0 : i32
    %dma_wait3A_913 = tpu.memref_slice %arg14[%dma_wait3A_912] : memref<8192xf32, #tpu.memory_space<vmem>> -> memref<8192xf32, #tpu.memory_space<vmem>>
    %dma_wait3A_914 = tpu.memref_slice %arg15[%add3A_911] : memref<524352xf32, #tpu.memory_space<vmem_shared>> -> memref<8192xf32, #tpu.memory_space<vmem_shared>>
    %dma_wait3A_915 = tpu.memref_slice %arg15[%add3A_911] : memref<524352xf32, #tpu.memory_space<vmem_shared>> -> memref<8192xf32, #tpu.memory_space<vmem_shared>>
    %dma_wait3A_916 = arith.constant 0 : i32
    %dma_wait3A_917 = tpu.memref_slice %arg14[%dma_wait3A_916] : memref<8192xf32, #tpu.memory_space<vmem>> -> memref<8192xf32, #tpu.memory_space<vmem>>
    tpu.wait_dma2 semaphore(%arg17 : memref<!tpu.dma_semaphore, #tpu.memory_space<semaphore_mem>>) src(%dma_wait3A_917 : memref<8192xf32, #tpu.memory_space<vmem>>) dst(%dma_wait3A_915 : memref<8192xf32, #tpu.memory_space<vmem_shared>>)
    %mul3A_918 = arith.constant 32768 : i32
    %mul3A_919 = arith.muli %arg1, %mul3A_918 : i32
    %add3A_920 = arith.constant 16384 : i32
    %add3A_921 = arith.addi %mul3A_919, %add3A_920 : i32
    %dma_wait3A_922 = arith.constant 0 : i32
    %dma_wait3A_923 = tpu.memref_slice %arg14[%dma_wait3A_922] : memref<8192xf32, #tpu.memory_space<vmem>> -> memref<8192xf32, #tpu.memory_space<vmem>>
    %dma_wait3A_924 = tpu.memref_slice %arg15[%add3A_921] : memref<524352xf32, #tpu.memory_space<vmem_shared>> -> memref<8192xf32, #tpu.memory_space<vmem_shared>>
    %dma_wait3A_925 = tpu.memref_slice %arg15[%add3A_921] : memref<524352xf32, #tpu.memory_space<vmem_shared>> -> memref<8192xf32, #tpu.memory_space<vmem_shared>>
    %dma_wait3A_926 = arith.constant 0 : i32
    %dma_wait3A_927 = tpu.memref_slice %arg14[%dma_wait3A_926] : memref<8192xf32, #tpu.memory_space<vmem>> -> memref<8192xf32, #tpu.memory_space<vmem>>
    tpu.wait_dma2 semaphore(%arg17 : memref<!tpu.dma_semaphore, #tpu.memory_space<semaphore_mem>>) src(%dma_wait3A_927 : memref<8192xf32, #tpu.memory_space<vmem>>) dst(%dma_wait3A_925 : memref<8192xf32, #tpu.memory_space<vmem_shared>>)
    %mul3A_928 = arith.constant 32768 : i32
    %mul3A_929 = arith.muli %arg1, %mul3A_928 : i32
    %add3A_930 = arith.constant 24576 : i32
    %add3A_931 = arith.addi %mul3A_929, %add3A_930 : i32
    %dma_wait3A_932 = arith.constant 0 : i32
    %dma_wait3A_933 = tpu.memref_slice %arg14[%dma_wait3A_932] : memref<8192xf32, #tpu.memory_space<vmem>> -> memref<8192xf32, #tpu.memory_space<vmem>>
    %dma_wait3A_934 = tpu.memref_slice %arg15[%add3A_931] : memref<524352xf32, #tpu.memory_space<vmem_shared>> -> memref<8192xf32, #tpu.memory_space<vmem_shared>>
    %dma_wait3A_935 = tpu.memref_slice %arg15[%add3A_931] : memref<524352xf32, #tpu.memory_space<vmem_shared>> -> memref<8192xf32, #tpu.memory_space<vmem_shared>>
    %dma_wait3A_936 = arith.constant 0 : i32
    %dma_wait3A_937 = tpu.memref_slice %arg14[%dma_wait3A_936] : memref<8192xf32, #tpu.memory_space<vmem>> -> memref<8192xf32, #tpu.memory_space<vmem>>
    tpu.wait_dma2 semaphore(%arg17 : memref<!tpu.dma_semaphore, #tpu.memory_space<semaphore_mem>>) src(%dma_wait3A_937 : memref<8192xf32, #tpu.memory_space<vmem>>) dst(%dma_wait3A_935 : memref<8192xf32, #tpu.memory_space<vmem_shared>>)
    %eq3A_938 = arith.constant 0 : i32
    %eq3A_939 = arith.cmpi eq, %arg1, %eq3A_938 : i32
    %convert_element_type3A_940 = arith.extui %eq3A_939 : i1 to i32
    %cond3A_941 = arith.constant 0 : i32
    %cond3A_942 = arith.cmpi ne, %convert_element_type3A_940, %cond3A_941 : i32
    scf.if %cond3A_942 {
      %dma_wait3A_1522 = arith.constant 0 : i32
      %dma_wait3A_1523 = tpu.memref_slice %arg14[%dma_wait3A_1522] : memref<8192xf32, #tpu.memory_space<vmem>> -> memref<64xf32, #tpu.memory_space<vmem>>
      %dma_wait3A_1524 = arith.constant 524288 : i32
      %dma_wait3A_1525 = tpu.memref_slice %arg15[%dma_wait3A_1524] : memref<524352xf32, #tpu.memory_space<vmem_shared>> -> memref<64xf32, #tpu.memory_space<vmem_shared>>
      %dma_wait3A_1526 = arith.constant 524288 : i32
      %dma_wait3A_1527 = tpu.memref_slice %arg15[%dma_wait3A_1526] : memref<524352xf32, #tpu.memory_space<vmem_shared>> -> memref<64xf32, #tpu.memory_space<vmem_shared>>
      %dma_wait3A_1528 = arith.constant 0 : i32
      %dma_wait3A_1529 = tpu.memref_slice %arg14[%dma_wait3A_1528] : memref<8192xf32, #tpu.memory_space<vmem>> -> memref<64xf32, #tpu.memory_space<vmem>>
      tpu.wait_dma2 semaphore(%arg17 : memref<!tpu.dma_semaphore, #tpu.memory_space<semaphore_mem>>) src(%dma_wait3A_1529 : memref<64xf32, #tpu.memory_space<vmem>>) dst(%dma_wait3A_1527 : memref<64xf32, #tpu.memory_space<vmem_shared>>)
    } else {
    }
    %barrier3A_943 = arith.constant 0 : index
    tpu.barrier barrier_id(%barrier3A_943)
    %scan3A_944 = arith.constant 0 : i32
    %scan3A_945 = arith.constant 0 : i32
    %scan3A_946 = arith.constant 8 : i32
    %scan3A_947 = arith.addi %scan3A_945, %scan3A_946 : i32
    %scan3A_948 = arith.constant 1 : i32
    scf.for %scan3A_1522 = %scan3A_945 to %scan3A_947 step %scan3A_948  : i32 {
      %eq3A_1523 = arith.cmpi eq, %arg1, %scan3A_1522 : i32
      %convert_element_type3A_1524 = arith.extui %eq3A_1523 : i1 to i32
      %cond3A_1525 = arith.constant 0 : i32
      %cond3A_1526 = arith.cmpi ne, %convert_element_type3A_1524, %cond3A_1525 : i32
      scf.if %cond3A_1526 {
        %while3A_1545 = arith.constant 0 : i32
        %while3A_1546 = arith.constant 0 : i32
        %while3A_1547 = arith.subi %select_n3A_869, %while3A_1546 : i32
        %while3A_1548 = arith.addi %while3A_1546, %while3A_1547 : i32
        %while3A_1549 = arith.constant 1 : i32
        %while3A_1550 = arith.divsi %while3A_1547, %while3A_1549 : i32
        %while3A_1551 = arith.muli %while3A_1550, %while3A_1549 : i32
        %while3A_1552 = arith.addi %while3A_1546, %while3A_1551 : i32
        %while3A_1553 = arith.constant 1 : i32
        scf.for %while3A_1555 = %while3A_1546 to %while3A_1552 step %while3A_1553  : i32 {
          "tpu.region"() ({
            %run_scoped3A_1556 = tpu.sem_alloc : memref<!tpu.dma_semaphore, #tpu.memory_space<semaphore_mem>>
            %dma_start3A_1557 = arith.constant 0 : i32
            %dma_start3A_1558 = tpu.memref_slice %arg11[%while3A_1555, %dma_start3A_1557] : memref<129x128xi32, #tpu.memory_space<vmem>> -> memref<1x128xi32, #tpu.memory_space<vmem>>
            %dma_start3A_1559 = tpu.memref_squeeze %dma_start3A_1558 : memref<1x128xi32, #tpu.memory_space<vmem>> -> memref<128xi32, #tpu.memory_space<vmem>>
            %dma_start3A_1560 = arith.constant 0 : i32
            %dma_start3A_1561 = tpu.memref_slice %arg15[%dma_start3A_1560] : memref<524352xf32, #tpu.memory_space<vmem_shared>> -> memref<524352xf32, #tpu.memory_space<vmem_shared>>
            tpu.enqueue_indirect_dma source(%arg13 : memref<128xf32, #tpu.memory_space<vmem>>) target(%dma_start3A_1561 : memref<524352xf32, #tpu.memory_space<vmem_shared>>) offsets(%dma_start3A_1559 : memref<128xi32, #tpu.memory_space<vmem>>) semaphore(%run_scoped3A_1556 : memref<!tpu.dma_semaphore, #tpu.memory_space<semaphore_mem>>) {add = true}
            %dma_wait3A_1562 = arith.constant 0 : i32
            %dma_wait3A_1563 = tpu.memref_slice %arg11[%while3A_1555, %dma_wait3A_1562] : memref<129x128xi32, #tpu.memory_space<vmem>> -> memref<1x128xi32, #tpu.memory_space<vmem>>
            %dma_wait3A_1564 = tpu.memref_squeeze %dma_wait3A_1563 : memref<1x128xi32, #tpu.memory_space<vmem>> -> memref<128xi32, #tpu.memory_space<vmem>>
            %dma_wait3A_1565 = arith.constant 0 : i32
            %dma_wait3A_1566 = tpu.memref_slice %arg15[%dma_wait3A_1565] : memref<524352xf32, #tpu.memory_space<vmem_shared>> -> memref<524352xf32, #tpu.memory_space<vmem_shared>>
            tpu.wait_indirect_dma semaphore(%run_scoped3A_1556 : memref<!tpu.dma_semaphore, #tpu.memory_space<semaphore_mem>>) src(%arg13 : memref<128xf32, #tpu.memory_space<vmem>>) dst(%dma_wait3A_1566 : memref<524352xf32, #tpu.memory_space<vmem_shared>>)
            tpu.yield
          }) : () -> ()
        }
        %while3A_1554 = arith.constant 1 : i32
        scf.for %while3A_1555 = %while3A_1552 to %while3A_1548 step %while3A_1554  : i32 {
          "tpu.region"() ({
            %run_scoped3A_1556 = tpu.sem_alloc : memref<!tpu.dma_semaphore, #tpu.memory_space<semaphore_mem>>
            %dma_start3A_1557 = arith.constant 0 : i32
            %dma_start3A_1558 = tpu.memref_slice %arg11[%while3A_1555, %dma_start3A_1557] : memref<129x128xi32, #tpu.memory_space<vmem>> -> memref<1x128xi32, #tpu.memory_space<vmem>>
            %dma_start3A_1559 = tpu.memref_squeeze %dma_start3A_1558 : memref<1x128xi32, #tpu.memory_space<vmem>> -> memref<128xi32, #tpu.memory_space<vmem>>
            %dma_start3A_1560 = arith.constant 0 : i32
            %dma_start3A_1561 = tpu.memref_slice %arg15[%dma_start3A_1560] : memref<524352xf32, #tpu.memory_space<vmem_shared>> -> memref<524352xf32, #tpu.memory_space<vmem_shared>>
            tpu.enqueue_indirect_dma source(%arg13 : memref<128xf32, #tpu.memory_space<vmem>>) target(%dma_start3A_1561 : memref<524352xf32, #tpu.memory_space<vmem_shared>>) offsets(%dma_start3A_1559 : memref<128xi32, #tpu.memory_space<vmem>>) semaphore(%run_scoped3A_1556 : memref<!tpu.dma_semaphore, #tpu.memory_space<semaphore_mem>>) {add = true}
            %dma_wait3A_1562 = arith.constant 0 : i32
            %dma_wait3A_1563 = tpu.memref_slice %arg11[%while3A_1555, %dma_wait3A_1562] : memref<129x128xi32, #tpu.memory_space<vmem>> -> memref<1x128xi32, #tpu.memory_space<vmem>>
            %dma_wait3A_1564 = tpu.memref_squeeze %dma_wait3A_1563 : memref<1x128xi32, #tpu.memory_space<vmem>> -> memref<128xi32, #tpu.memory_space<vmem>>
            %dma_wait3A_1565 = arith.constant 0 : i32
            %dma_wait3A_1566 = tpu.memref_slice %arg15[%dma_wait3A_1565] : memref<524352xf32, #tpu.memory_space<vmem_shared>> -> memref<524352xf32, #tpu.memory_space<vmem_shared>>
            tpu.wait_indirect_dma semaphore(%run_scoped3A_1556 : memref<!tpu.dma_semaphore, #tpu.memory_space<semaphore_mem>>) src(%arg13 : memref<128xf32, #tpu.memory_space<vmem>>) dst(%dma_wait3A_1566 : memref<524352xf32, #tpu.memory_space<vmem_shared>>)
            tpu.yield
          }) : () -> ()
        }
      } else {
      }
      %add3A_1527 = arith.constant 8 : i32
      %add3A_1528 = arith.addi %scan3A_1522, %add3A_1527 : i32
      %eq3A_1529 = arith.cmpi eq, %arg1, %add3A_1528 : i32
      %convert_element_type3A_1530 = arith.extui %eq3A_1529 : i1 to i32
      %cond3A_1531 = arith.constant 0 : i32
      %cond3A_1532 = arith.cmpi ne, %convert_element_type3A_1530, %cond3A_1531 : i32
      scf.if %cond3A_1532 {
        %while3A_1545 = arith.constant 0 : i32
        %while3A_1546 = arith.constant 0 : i32
        %while3A_1547 = arith.subi %select_n3A_897, %while3A_1546 : i32
        %while3A_1548 = arith.addi %while3A_1546, %while3A_1547 : i32
        %while3A_1549 = arith.constant 1 : i32
        %while3A_1550 = arith.divsi %while3A_1547, %while3A_1549 : i32
        %while3A_1551 = arith.muli %while3A_1550, %while3A_1549 : i32
        %while3A_1552 = arith.addi %while3A_1546, %while3A_1551 : i32
        %while3A_1553 = arith.constant 1 : i32
        scf.for %while3A_1555 = %while3A_1546 to %while3A_1552 step %while3A_1553  : i32 {
          "tpu.region"() ({
            %run_scoped3A_1556 = tpu.sem_alloc : memref<!tpu.dma_semaphore, #tpu.memory_space<semaphore_mem>>
            %dma_start3A_1557 = arith.constant 0 : i32
            %dma_start3A_1558 = tpu.memref_slice %arg12[%while3A_1555, %dma_start3A_1557] : memref<129x128xi32, #tpu.memory_space<vmem>> -> memref<1x128xi32, #tpu.memory_space<vmem>>
            %dma_start3A_1559 = tpu.memref_squeeze %dma_start3A_1558 : memref<1x128xi32, #tpu.memory_space<vmem>> -> memref<128xi32, #tpu.memory_space<vmem>>
            %dma_start3A_1560 = arith.constant 0 : i32
            %dma_start3A_1561 = tpu.memref_slice %arg15[%dma_start3A_1560] : memref<524352xf32, #tpu.memory_space<vmem_shared>> -> memref<524352xf32, #tpu.memory_space<vmem_shared>>
            tpu.enqueue_indirect_dma source(%arg13 : memref<128xf32, #tpu.memory_space<vmem>>) target(%dma_start3A_1561 : memref<524352xf32, #tpu.memory_space<vmem_shared>>) offsets(%dma_start3A_1559 : memref<128xi32, #tpu.memory_space<vmem>>) semaphore(%run_scoped3A_1556 : memref<!tpu.dma_semaphore, #tpu.memory_space<semaphore_mem>>) {add = true}
            %dma_wait3A_1562 = arith.constant 0 : i32
            %dma_wait3A_1563 = tpu.memref_slice %arg12[%while3A_1555, %dma_wait3A_1562] : memref<129x128xi32, #tpu.memory_space<vmem>> -> memref<1x128xi32, #tpu.memory_space<vmem>>
            %dma_wait3A_1564 = tpu.memref_squeeze %dma_wait3A_1563 : memref<1x128xi32, #tpu.memory_space<vmem>> -> memref<128xi32, #tpu.memory_space<vmem>>
            %dma_wait3A_1565 = arith.constant 0 : i32
            %dma_wait3A_1566 = tpu.memref_slice %arg15[%dma_wait3A_1565] : memref<524352xf32, #tpu.memory_space<vmem_shared>> -> memref<524352xf32, #tpu.memory_space<vmem_shared>>
            tpu.wait_indirect_dma semaphore(%run_scoped3A_1556 : memref<!tpu.dma_semaphore, #tpu.memory_space<semaphore_mem>>) src(%arg13 : memref<128xf32, #tpu.memory_space<vmem>>) dst(%dma_wait3A_1566 : memref<524352xf32, #tpu.memory_space<vmem_shared>>)
            tpu.yield
          }) : () -> ()
        }
        %while3A_1554 = arith.constant 1 : i32
        scf.for %while3A_1555 = %while3A_1552 to %while3A_1548 step %while3A_1554  : i32 {
          "tpu.region"() ({
            %run_scoped3A_1556 = tpu.sem_alloc : memref<!tpu.dma_semaphore, #tpu.memory_space<semaphore_mem>>
            %dma_start3A_1557 = arith.constant 0 : i32
            %dma_start3A_1558 = tpu.memref_slice %arg12[%while3A_1555, %dma_start3A_1557] : memref<129x128xi32, #tpu.memory_space<vmem>> -> memref<1x128xi32, #tpu.memory_space<vmem>>
            %dma_start3A_1559 = tpu.memref_squeeze %dma_start3A_1558 : memref<1x128xi32, #tpu.memory_space<vmem>> -> memref<128xi32, #tpu.memory_space<vmem>>
            %dma_start3A_1560 = arith.constant 0 : i32
            %dma_start3A_1561 = tpu.memref_slice %arg15[%dma_start3A_1560] : memref<524352xf32, #tpu.memory_space<vmem_shared>> -> memref<524352xf32, #tpu.memory_space<vmem_shared>>
            tpu.enqueue_indirect_dma source(%arg13 : memref<128xf32, #tpu.memory_space<vmem>>) target(%dma_start3A_1561 : memref<524352xf32, #tpu.memory_space<vmem_shared>>) offsets(%dma_start3A_1559 : memref<128xi32, #tpu.memory_space<vmem>>) semaphore(%run_scoped3A_1556 : memref<!tpu.dma_semaphore, #tpu.memory_space<semaphore_mem>>) {add = true}
            %dma_wait3A_1562 = arith.constant 0 : i32
            %dma_wait3A_1563 = tpu.memref_slice %arg12[%while3A_1555, %dma_wait3A_1562] : memref<129x128xi32, #tpu.memory_space<vmem>> -> memref<1x128xi32, #tpu.memory_space<vmem>>
            %dma_wait3A_1564 = tpu.memref_squeeze %dma_wait3A_1563 : memref<1x128xi32, #tpu.memory_space<vmem>> -> memref<128xi32, #tpu.memory_space<vmem>>
            %dma_wait3A_1565 = arith.constant 0 : i32
            %dma_wait3A_1566 = tpu.memref_slice %arg15[%dma_wait3A_1565] : memref<524352xf32, #tpu.memory_space<vmem_shared>> -> memref<524352xf32, #tpu.memory_space<vmem_shared>>
            tpu.wait_indirect_dma semaphore(%run_scoped3A_1556 : memref<!tpu.dma_semaphore, #tpu.memory_space<semaphore_mem>>) src(%arg13 : memref<128xf32, #tpu.memory_space<vmem>>) dst(%dma_wait3A_1566 : memref<524352xf32, #tpu.memory_space<vmem_shared>>)
            tpu.yield
          }) : () -> ()
        }
      } else {
      }
      %barrier3A_1533 = arith.constant 0 : index
      tpu.barrier barrier_id(%barrier3A_1533)
      %eq3A_1534 = arith.cmpi eq, %arg1, %scan3A_1522 : i32
      %convert_element_type3A_1535 = arith.extui %eq3A_1534 : i1 to i32
      %cond3A_1536 = arith.constant 0 : i32
      %cond3A_1537 = arith.cmpi ne, %convert_element_type3A_1535, %cond3A_1536 : i32
      scf.if %cond3A_1537 {
        %while3A_1545 = arith.constant 0 : i32
        %while3A_1546 = arith.constant 0 : i32
        %while3A_1547 = arith.subi %select_n3A_897, %while3A_1546 : i32
        %while3A_1548 = arith.addi %while3A_1546, %while3A_1547 : i32
        %while3A_1549 = arith.constant 1 : i32
        %while3A_1550 = arith.divsi %while3A_1547, %while3A_1549 : i32
        %while3A_1551 = arith.muli %while3A_1550, %while3A_1549 : i32
        %while3A_1552 = arith.addi %while3A_1546, %while3A_1551 : i32
        %while3A_1553 = arith.constant 1 : i32
        scf.for %while3A_1555 = %while3A_1546 to %while3A_1552 step %while3A_1553  : i32 {
          "tpu.region"() ({
            %run_scoped3A_1556 = tpu.sem_alloc : memref<!tpu.dma_semaphore, #tpu.memory_space<semaphore_mem>>
            %dma_start3A_1557 = arith.constant 0 : i32
            %dma_start3A_1558 = tpu.memref_slice %arg12[%while3A_1555, %dma_start3A_1557] : memref<129x128xi32, #tpu.memory_space<vmem>> -> memref<1x128xi32, #tpu.memory_space<vmem>>
            %dma_start3A_1559 = tpu.memref_squeeze %dma_start3A_1558 : memref<1x128xi32, #tpu.memory_space<vmem>> -> memref<128xi32, #tpu.memory_space<vmem>>
            %dma_start3A_1560 = arith.constant 0 : i32
            %dma_start3A_1561 = tpu.memref_slice %arg15[%dma_start3A_1560] : memref<524352xf32, #tpu.memory_space<vmem_shared>> -> memref<524352xf32, #tpu.memory_space<vmem_shared>>
            tpu.enqueue_indirect_dma source(%arg13 : memref<128xf32, #tpu.memory_space<vmem>>) target(%dma_start3A_1561 : memref<524352xf32, #tpu.memory_space<vmem_shared>>) offsets(%dma_start3A_1559 : memref<128xi32, #tpu.memory_space<vmem>>) semaphore(%run_scoped3A_1556 : memref<!tpu.dma_semaphore, #tpu.memory_space<semaphore_mem>>) {add = true}
            %dma_wait3A_1562 = arith.constant 0 : i32
            %dma_wait3A_1563 = tpu.memref_slice %arg12[%while3A_1555, %dma_wait3A_1562] : memref<129x128xi32, #tpu.memory_space<vmem>> -> memref<1x128xi32, #tpu.memory_space<vmem>>
            %dma_wait3A_1564 = tpu.memref_squeeze %dma_wait3A_1563 : memref<1x128xi32, #tpu.memory_space<vmem>> -> memref<128xi32, #tpu.memory_space<vmem>>
            %dma_wait3A_1565 = arith.constant 0 : i32
            %dma_wait3A_1566 = tpu.memref_slice %arg15[%dma_wait3A_1565] : memref<524352xf32, #tpu.memory_space<vmem_shared>> -> memref<524352xf32, #tpu.memory_space<vmem_shared>>
            tpu.wait_indirect_dma semaphore(%run_scoped3A_1556 : memref<!tpu.dma_semaphore, #tpu.memory_space<semaphore_mem>>) src(%arg13 : memref<128xf32, #tpu.memory_space<vmem>>) dst(%dma_wait3A_1566 : memref<524352xf32, #tpu.memory_space<vmem_shared>>)
            tpu.yield
          }) : () -> ()
        }
        %while3A_1554 = arith.constant 1 : i32
        scf.for %while3A_1555 = %while3A_1552 to %while3A_1548 step %while3A_1554  : i32 {
          "tpu.region"() ({
            %run_scoped3A_1556 = tpu.sem_alloc : memref<!tpu.dma_semaphore, #tpu.memory_space<semaphore_mem>>
            %dma_start3A_1557 = arith.constant 0 : i32
            %dma_start3A_1558 = tpu.memref_slice %arg12[%while3A_1555, %dma_start3A_1557] : memref<129x128xi32, #tpu.memory_space<vmem>> -> memref<1x128xi32, #tpu.memory_space<vmem>>
            %dma_start3A_1559 = tpu.memref_squeeze %dma_start3A_1558 : memref<1x128xi32, #tpu.memory_space<vmem>> -> memref<128xi32, #tpu.memory_space<vmem>>
            %dma_start3A_1560 = arith.constant 0 : i32
            %dma_start3A_1561 = tpu.memref_slice %arg15[%dma_start3A_1560] : memref<524352xf32, #tpu.memory_space<vmem_shared>> -> memref<524352xf32, #tpu.memory_space<vmem_shared>>
            tpu.enqueue_indirect_dma source(%arg13 : memref<128xf32, #tpu.memory_space<vmem>>) target(%dma_start3A_1561 : memref<524352xf32, #tpu.memory_space<vmem_shared>>) offsets(%dma_start3A_1559 : memref<128xi32, #tpu.memory_space<vmem>>) semaphore(%run_scoped3A_1556 : memref<!tpu.dma_semaphore, #tpu.memory_space<semaphore_mem>>) {add = true}
            %dma_wait3A_1562 = arith.constant 0 : i32
            %dma_wait3A_1563 = tpu.memref_slice %arg12[%while3A_1555, %dma_wait3A_1562] : memref<129x128xi32, #tpu.memory_space<vmem>> -> memref<1x128xi32, #tpu.memory_space<vmem>>
            %dma_wait3A_1564 = tpu.memref_squeeze %dma_wait3A_1563 : memref<1x128xi32, #tpu.memory_space<vmem>> -> memref<128xi32, #tpu.memory_space<vmem>>
            %dma_wait3A_1565 = arith.constant 0 : i32
            %dma_wait3A_1566 = tpu.memref_slice %arg15[%dma_wait3A_1565] : memref<524352xf32, #tpu.memory_space<vmem_shared>> -> memref<524352xf32, #tpu.memory_space<vmem_shared>>
            tpu.wait_indirect_dma semaphore(%run_scoped3A_1556 : memref<!tpu.dma_semaphore, #tpu.memory_space<semaphore_mem>>) src(%arg13 : memref<128xf32, #tpu.memory_space<vmem>>) dst(%dma_wait3A_1566 : memref<524352xf32, #tpu.memory_space<vmem_shared>>)
            tpu.yield
          }) : () -> ()
        }
      } else {
      }
      %add3A_1538 = arith.constant 8 : i32
      %add3A_1539 = arith.addi %scan3A_1522, %add3A_1538 : i32
      %eq3A_1540 = arith.cmpi eq, %arg1, %add3A_1539 : i32
      %convert_element_type3A_1541 = arith.extui %eq3A_1540 : i1 to i32
      %cond3A_1542 = arith.constant 0 : i32
      %cond3A_1543 = arith.cmpi ne, %convert_element_type3A_1541, %cond3A_1542 : i32
      scf.if %cond3A_1543 {
        %while3A_1545 = arith.constant 0 : i32
        %while3A_1546 = arith.constant 0 : i32
        %while3A_1547 = arith.subi %select_n3A_869, %while3A_1546 : i32
        %while3A_1548 = arith.addi %while3A_1546, %while3A_1547 : i32
        %while3A_1549 = arith.constant 1 : i32
        %while3A_1550 = arith.divsi %while3A_1547, %while3A_1549 : i32
        %while3A_1551 = arith.muli %while3A_1550, %while3A_1549 : i32
        %while3A_1552 = arith.addi %while3A_1546, %while3A_1551 : i32
        %while3A_1553 = arith.constant 1 : i32
        scf.for %while3A_1555 = %while3A_1546 to %while3A_1552 step %while3A_1553  : i32 {
          "tpu.region"() ({
            %run_scoped3A_1556 = tpu.sem_alloc : memref<!tpu.dma_semaphore, #tpu.memory_space<semaphore_mem>>
            %dma_start3A_1557 = arith.constant 0 : i32
            %dma_start3A_1558 = tpu.memref_slice %arg11[%while3A_1555, %dma_start3A_1557] : memref<129x128xi32, #tpu.memory_space<vmem>> -> memref<1x128xi32, #tpu.memory_space<vmem>>
            %dma_start3A_1559 = tpu.memref_squeeze %dma_start3A_1558 : memref<1x128xi32, #tpu.memory_space<vmem>> -> memref<128xi32, #tpu.memory_space<vmem>>
            %dma_start3A_1560 = arith.constant 0 : i32
            %dma_start3A_1561 = tpu.memref_slice %arg15[%dma_start3A_1560] : memref<524352xf32, #tpu.memory_space<vmem_shared>> -> memref<524352xf32, #tpu.memory_space<vmem_shared>>
            tpu.enqueue_indirect_dma source(%arg13 : memref<128xf32, #tpu.memory_space<vmem>>) target(%dma_start3A_1561 : memref<524352xf32, #tpu.memory_space<vmem_shared>>) offsets(%dma_start3A_1559 : memref<128xi32, #tpu.memory_space<vmem>>) semaphore(%run_scoped3A_1556 : memref<!tpu.dma_semaphore, #tpu.memory_space<semaphore_mem>>) {add = true}
            %dma_wait3A_1562 = arith.constant 0 : i32
            %dma_wait3A_1563 = tpu.memref_slice %arg11[%while3A_1555, %dma_wait3A_1562] : memref<129x128xi32, #tpu.memory_space<vmem>> -> memref<1x128xi32, #tpu.memory_space<vmem>>
            %dma_wait3A_1564 = tpu.memref_squeeze %dma_wait3A_1563 : memref<1x128xi32, #tpu.memory_space<vmem>> -> memref<128xi32, #tpu.memory_space<vmem>>
            %dma_wait3A_1565 = arith.constant 0 : i32
            %dma_wait3A_1566 = tpu.memref_slice %arg15[%dma_wait3A_1565] : memref<524352xf32, #tpu.memory_space<vmem_shared>> -> memref<524352xf32, #tpu.memory_space<vmem_shared>>
            tpu.wait_indirect_dma semaphore(%run_scoped3A_1556 : memref<!tpu.dma_semaphore, #tpu.memory_space<semaphore_mem>>) src(%arg13 : memref<128xf32, #tpu.memory_space<vmem>>) dst(%dma_wait3A_1566 : memref<524352xf32, #tpu.memory_space<vmem_shared>>)
            tpu.yield
          }) : () -> ()
        }
        %while3A_1554 = arith.constant 1 : i32
        scf.for %while3A_1555 = %while3A_1552 to %while3A_1548 step %while3A_1554  : i32 {
          "tpu.region"() ({
            %run_scoped3A_1556 = tpu.sem_alloc : memref<!tpu.dma_semaphore, #tpu.memory_space<semaphore_mem>>
            %dma_start3A_1557 = arith.constant 0 : i32
            %dma_start3A_1558 = tpu.memref_slice %arg11[%while3A_1555, %dma_start3A_1557] : memref<129x128xi32, #tpu.memory_space<vmem>> -> memref<1x128xi32, #tpu.memory_space<vmem>>
            %dma_start3A_1559 = tpu.memref_squeeze %dma_start3A_1558 : memref<1x128xi32, #tpu.memory_space<vmem>> -> memref<128xi32, #tpu.memory_space<vmem>>
            %dma_start3A_1560 = arith.constant 0 : i32
            %dma_start3A_1561 = tpu.memref_slice %arg15[%dma_start3A_1560] : memref<524352xf32, #tpu.memory_space<vmem_shared>> -> memref<524352xf32, #tpu.memory_space<vmem_shared>>
            tpu.enqueue_indirect_dma source(%arg13 : memref<128xf32, #tpu.memory_space<vmem>>) target(%dma_start3A_1561 : memref<524352xf32, #tpu.memory_space<vmem_shared>>) offsets(%dma_start3A_1559 : memref<128xi32, #tpu.memory_space<vmem>>) semaphore(%run_scoped3A_1556 : memref<!tpu.dma_semaphore, #tpu.memory_space<semaphore_mem>>) {add = true}
            %dma_wait3A_1562 = arith.constant 0 : i32
            %dma_wait3A_1563 = tpu.memref_slice %arg11[%while3A_1555, %dma_wait3A_1562] : memref<129x128xi32, #tpu.memory_space<vmem>> -> memref<1x128xi32, #tpu.memory_space<vmem>>
            %dma_wait3A_1564 = tpu.memref_squeeze %dma_wait3A_1563 : memref<1x128xi32, #tpu.memory_space<vmem>> -> memref<128xi32, #tpu.memory_space<vmem>>
            %dma_wait3A_1565 = arith.constant 0 : i32
            %dma_wait3A_1566 = tpu.memref_slice %arg15[%dma_wait3A_1565] : memref<524352xf32, #tpu.memory_space<vmem_shared>> -> memref<524352xf32, #tpu.memory_space<vmem_shared>>
            tpu.wait_indirect_dma semaphore(%run_scoped3A_1556 : memref<!tpu.dma_semaphore, #tpu.memory_space<semaphore_mem>>) src(%arg13 : memref<128xf32, #tpu.memory_space<vmem>>) dst(%dma_wait3A_1566 : memref<524352xf32, #tpu.memory_space<vmem_shared>>)
            tpu.yield
          }) : () -> ()
        }
      } else {
      }
      %barrier3A_1544 = arith.constant 0 : index
      tpu.barrier barrier_id(%barrier3A_1544)
    }
    %scan3A_949 = arith.constant 8 : i32
    %barrier3A_950 = arith.constant 0 : index
    tpu.barrier barrier_id(%barrier3A_950)
    %scan3A_951 = arith.constant 0 : i32
    %scan3A_952 = arith.constant 0 : i32
    %scan3A_953 = arith.constant 16 : i32
    %scan3A_954 = arith.addi %scan3A_952, %scan3A_953 : i32
    %scan3A_955 = arith.constant 1 : i32
    scf.for %scan3A_1522 = %scan3A_952 to %scan3A_954 step %scan3A_955  : i32 {
      %mul3A_1523 = arith.constant 16 : i32
      %mul3A_1524 = arith.muli %scan3A_1522, %mul3A_1523 : i32
      %add3A_1525 = arith.addi %mul3A_1524, %arg1 : i32
      %mul3A_1526 = arith.constant 2048 : i32
      %mul3A_1527 = arith.muli %add3A_1525, %mul3A_1526 : i32
      %mul3A_1528 = arith.constant 8 : i32
      %mul3A_1529 = arith.muli %mul3A_1528, %add3A_1525 : i32
      %add3A_1530 = arith.addi %mul3A_1529, %add3A_688 : i32
      %dma_start3A_1531 = arith.constant 0 : i32
      %dma_start3A_1532 = tpu.memref_slice %arg4[%add3A_1530, %dma_start3A_1531] : memref<2048x2048xf32, #tpu.memory_space<hbm>> -> memref<1x2048xf32, #tpu.memory_space<hbm>>
      %dma_start3A_1533 = tpu.memref_squeeze %dma_start3A_1532 : memref<1x2048xf32, #tpu.memory_space<hbm>> -> memref<2048xf32, #tpu.memory_space<hbm>>
      %dma_start3A_1534 = tpu.memref_slice %arg15[%mul3A_1527] : memref<524352xf32, #tpu.memory_space<vmem_shared>> -> memref<2048xf32, #tpu.memory_space<vmem_shared>>
      tpu.enqueue_dma source(%dma_start3A_1534 : memref<2048xf32, #tpu.memory_space<vmem_shared>>) target(%dma_start3A_1533 : memref<2048xf32, #tpu.memory_space<hbm>>) target_semaphore(%arg17 : memref<!tpu.dma_semaphore, #tpu.memory_space<semaphore_mem>>)
    }
    %scan3A_956 = arith.constant 16 : i32
    %scan3A_957 = arith.constant 0 : i32
    %scan3A_958 = arith.constant 0 : i32
    %scan3A_959 = arith.constant 16 : i32
    %scan3A_960 = arith.addi %scan3A_958, %scan3A_959 : i32
    %scan3A_961 = arith.constant 1 : i32
    scf.for %scan3A_1522 = %scan3A_958 to %scan3A_960 step %scan3A_961  : i32 {
      %mul3A_1523 = arith.constant 16 : i32
      %mul3A_1524 = arith.muli %scan3A_1522, %mul3A_1523 : i32
      %add3A_1525 = arith.addi %mul3A_1524, %arg1 : i32
      %mul3A_1526 = arith.constant 2048 : i32
      %mul3A_1527 = arith.muli %add3A_1525, %mul3A_1526 : i32
      %mul3A_1528 = arith.constant 8 : i32
      %mul3A_1529 = arith.muli %mul3A_1528, %add3A_1525 : i32
      %add3A_1530 = arith.addi %mul3A_1529, %add3A_688 : i32
      %dma_wait3A_1531 = arith.constant 0 : i32
      %dma_wait3A_1532 = tpu.memref_slice %arg4[%add3A_1530, %dma_wait3A_1531] : memref<2048x2048xf32, #tpu.memory_space<hbm>> -> memref<1x2048xf32, #tpu.memory_space<hbm>>
      %dma_wait3A_1533 = tpu.memref_squeeze %dma_wait3A_1532 : memref<1x2048xf32, #tpu.memory_space<hbm>> -> memref<2048xf32, #tpu.memory_space<hbm>>
      %dma_wait3A_1534 = tpu.memref_slice %arg15[%mul3A_1527] : memref<524352xf32, #tpu.memory_space<vmem_shared>> -> memref<2048xf32, #tpu.memory_space<vmem_shared>>
      tpu.wait_dma2 semaphore(%arg17 : memref<!tpu.dma_semaphore, #tpu.memory_space<semaphore_mem>>) src(%dma_wait3A_1534 : memref<2048xf32, #tpu.memory_space<vmem_shared>>) dst(%dma_wait3A_1533 : memref<2048xf32, #tpu.memory_space<hbm>>)
    }
    %scan3A_962 = arith.constant 16 : i32
    %barrier3A_963 = arith.constant 0 : index
    tpu.barrier barrier_id(%barrier3A_963)
    %mul3A_964 = arith.constant 4 : i32
    %mul3A_965 = arith.muli %arg0, %mul3A_964 : i32
    %add3A_966 = arith.constant 2 : i32
    %add3A_967 = arith.addi %mul3A_965, %add3A_966 : i32
    %mul3A_968 = arith.constant 32768 : i32
    %mul3A_969 = arith.muli %arg1, %mul3A_968 : i32
    %add3A_970 = arith.constant 0 : i32
    %add3A_971 = arith.addi %mul3A_969, %add3A_970 : i32
    %dma_start3A_972 = arith.constant 0 : i32
    %dma_start3A_973 = tpu.memref_slice %arg14[%dma_start3A_972] : memref<8192xf32, #tpu.memory_space<vmem>> -> memref<8192xf32, #tpu.memory_space<vmem>>
    %dma_start3A_974 = tpu.memref_slice %arg15[%add3A_971] : memref<524352xf32, #tpu.memory_space<vmem_shared>> -> memref<8192xf32, #tpu.memory_space<vmem_shared>>
    %dma_start3A_975 = tpu.memref_slice %arg15[%add3A_971] : memref<524352xf32, #tpu.memory_space<vmem_shared>> -> memref<8192xf32, #tpu.memory_space<vmem_shared>>
    %dma_start3A_976 = arith.constant 0 : i32
    %dma_start3A_977 = tpu.memref_slice %arg14[%dma_start3A_976] : memref<8192xf32, #tpu.memory_space<vmem>> -> memref<8192xf32, #tpu.memory_space<vmem>>
    tpu.enqueue_dma source(%dma_start3A_977 : memref<8192xf32, #tpu.memory_space<vmem>>) target(%dma_start3A_975 : memref<8192xf32, #tpu.memory_space<vmem_shared>>) target_semaphore(%arg17 : memref<!tpu.dma_semaphore, #tpu.memory_space<semaphore_mem>>)
    %mul3A_978 = arith.constant 32768 : i32
    %mul3A_979 = arith.muli %arg1, %mul3A_978 : i32
    %add3A_980 = arith.constant 8192 : i32
    %add3A_981 = arith.addi %mul3A_979, %add3A_980 : i32
    %dma_start3A_982 = arith.constant 0 : i32
    %dma_start3A_983 = tpu.memref_slice %arg14[%dma_start3A_982] : memref<8192xf32, #tpu.memory_space<vmem>> -> memref<8192xf32, #tpu.memory_space<vmem>>
    %dma_start3A_984 = tpu.memref_slice %arg15[%add3A_981] : memref<524352xf32, #tpu.memory_space<vmem_shared>> -> memref<8192xf32, #tpu.memory_space<vmem_shared>>
    %dma_start3A_985 = tpu.memref_slice %arg15[%add3A_981] : memref<524352xf32, #tpu.memory_space<vmem_shared>> -> memref<8192xf32, #tpu.memory_space<vmem_shared>>
    %dma_start3A_986 = arith.constant 0 : i32
    %dma_start3A_987 = tpu.memref_slice %arg14[%dma_start3A_986] : memref<8192xf32, #tpu.memory_space<vmem>> -> memref<8192xf32, #tpu.memory_space<vmem>>
    tpu.enqueue_dma source(%dma_start3A_987 : memref<8192xf32, #tpu.memory_space<vmem>>) target(%dma_start3A_985 : memref<8192xf32, #tpu.memory_space<vmem_shared>>) target_semaphore(%arg17 : memref<!tpu.dma_semaphore, #tpu.memory_space<semaphore_mem>>)
    %mul3A_988 = arith.constant 32768 : i32
    %mul3A_989 = arith.muli %arg1, %mul3A_988 : i32
    %add3A_990 = arith.constant 16384 : i32
    %add3A_991 = arith.addi %mul3A_989, %add3A_990 : i32
    %dma_start3A_992 = arith.constant 0 : i32
    %dma_start3A_993 = tpu.memref_slice %arg14[%dma_start3A_992] : memref<8192xf32, #tpu.memory_space<vmem>> -> memref<8192xf32, #tpu.memory_space<vmem>>
    %dma_start3A_994 = tpu.memref_slice %arg15[%add3A_991] : memref<524352xf32, #tpu.memory_space<vmem_shared>> -> memref<8192xf32, #tpu.memory_space<vmem_shared>>
    %dma_start3A_995 = tpu.memref_slice %arg15[%add3A_991] : memref<524352xf32, #tpu.memory_space<vmem_shared>> -> memref<8192xf32, #tpu.memory_space<vmem_shared>>
    %dma_start3A_996 = arith.constant 0 : i32
    %dma_start3A_997 = tpu.memref_slice %arg14[%dma_start3A_996] : memref<8192xf32, #tpu.memory_space<vmem>> -> memref<8192xf32, #tpu.memory_space<vmem>>
    tpu.enqueue_dma source(%dma_start3A_997 : memref<8192xf32, #tpu.memory_space<vmem>>) target(%dma_start3A_995 : memref<8192xf32, #tpu.memory_space<vmem_shared>>) target_semaphore(%arg17 : memref<!tpu.dma_semaphore, #tpu.memory_space<semaphore_mem>>)
    %mul3A_998 = arith.constant 32768 : i32
    %mul3A_999 = arith.muli %arg1, %mul3A_998 : i32
    %add3A_1000 = arith.constant 24576 : i32
    %add3A_1001 = arith.addi %mul3A_999, %add3A_1000 : i32
    %dma_start3A_1002 = arith.constant 0 : i32
    %dma_start3A_1003 = tpu.memref_slice %arg14[%dma_start3A_1002] : memref<8192xf32, #tpu.memory_space<vmem>> -> memref<8192xf32, #tpu.memory_space<vmem>>
    %dma_start3A_1004 = tpu.memref_slice %arg15[%add3A_1001] : memref<524352xf32, #tpu.memory_space<vmem_shared>> -> memref<8192xf32, #tpu.memory_space<vmem_shared>>
    %dma_start3A_1005 = tpu.memref_slice %arg15[%add3A_1001] : memref<524352xf32, #tpu.memory_space<vmem_shared>> -> memref<8192xf32, #tpu.memory_space<vmem_shared>>
    %dma_start3A_1006 = arith.constant 0 : i32
    %dma_start3A_1007 = tpu.memref_slice %arg14[%dma_start3A_1006] : memref<8192xf32, #tpu.memory_space<vmem>> -> memref<8192xf32, #tpu.memory_space<vmem>>
    tpu.enqueue_dma source(%dma_start3A_1007 : memref<8192xf32, #tpu.memory_space<vmem>>) target(%dma_start3A_1005 : memref<8192xf32, #tpu.memory_space<vmem_shared>>) target_semaphore(%arg17 : memref<!tpu.dma_semaphore, #tpu.memory_space<semaphore_mem>>)
    %eq3A_1008 = arith.constant 0 : i32
    %eq3A_1009 = arith.cmpi eq, %arg1, %eq3A_1008 : i32
    %convert_element_type3A_1010 = arith.extui %eq3A_1009 : i1 to i32
    %cond3A_1011 = arith.constant 0 : i32
    %cond3A_1012 = arith.cmpi ne, %convert_element_type3A_1010, %cond3A_1011 : i32
    scf.if %cond3A_1012 {
      %dma_start3A_1522 = arith.constant 0 : i32
      %dma_start3A_1523 = tpu.memref_slice %arg14[%dma_start3A_1522] : memref<8192xf32, #tpu.memory_space<vmem>> -> memref<64xf32, #tpu.memory_space<vmem>>
      %dma_start3A_1524 = arith.constant 524288 : i32
      %dma_start3A_1525 = tpu.memref_slice %arg15[%dma_start3A_1524] : memref<524352xf32, #tpu.memory_space<vmem_shared>> -> memref<64xf32, #tpu.memory_space<vmem_shared>>
      %dma_start3A_1526 = arith.constant 524288 : i32
      %dma_start3A_1527 = tpu.memref_slice %arg15[%dma_start3A_1526] : memref<524352xf32, #tpu.memory_space<vmem_shared>> -> memref<64xf32, #tpu.memory_space<vmem_shared>>
      %dma_start3A_1528 = arith.constant 0 : i32
      %dma_start3A_1529 = tpu.memref_slice %arg14[%dma_start3A_1528] : memref<8192xf32, #tpu.memory_space<vmem>> -> memref<64xf32, #tpu.memory_space<vmem>>
      tpu.enqueue_dma source(%dma_start3A_1529 : memref<64xf32, #tpu.memory_space<vmem>>) target(%dma_start3A_1527 : memref<64xf32, #tpu.memory_space<vmem_shared>>) target_semaphore(%arg17 : memref<!tpu.dma_semaphore, #tpu.memory_space<semaphore_mem>>)
    } else {
    }
    %broadcast_in_dim3A_1013 = vector.broadcast %add3A_967 : i32 to vector<16xi32>
    %while3A_1014 = arith.constant 0 : i32
    %while3A_1015 = arith.subi %select_n3A_411, %while3A_1014 : i32
    %while3A_1016 = arith.addi %while3A_1014, %while3A_1015 : i32
    %while3A_1017 = arith.constant 1 : i32
    %while3A_1018 = arith.divsi %while3A_1015, %while3A_1017 : i32
    %while3A_1019 = arith.muli %while3A_1018, %while3A_1017 : i32
    %while3A_1020 = arith.addi %while3A_1014, %while3A_1019 : i32
    %while3A_1021 = arith.constant 1 : i32
    %while3A_1022:2 = scf.for %while3A_1522 = %while3A_1014 to %while3A_1020 step %while3A_1021 iter_args(%while3A_1523 = %broadcast_in_dim3A_45, %while3A_1524 = %broadcast_in_dim3A_45) -> (vector<16xi32>, vector<16xi32>)  : i32 {
      %mul3A_1525 = arith.constant 16 : i32
      %mul3A_1526 = arith.muli %while3A_1522, %mul3A_1525 : i32
      %get3A_1527 = arith.index_cast %mul3A_1526 : i32 to index
      %get3A_1528 = tpu.vector_load %arg7[%get3A_1527] {strides = array<i32>} : memref<16400xi32, #tpu.memory_space<vmem>>, vector<16xi32>,
      %shift_right_logical3A_1529 = arith.shrui %get3A_1528, %broadcast_in_dim3A_357 : vector<16xi32>
      %and3A_1530 = arith.andi %get3A_1528, %broadcast_in_dim3A_359 : vector<16xi32>
      %shift_right_logical3A_1531 = arith.shrui %shift_right_logical3A_1529, %broadcast_in_dim3A_365 : vector<16xi32>
      %and3A_1532 = arith.andi %shift_right_logical3A_1529, %broadcast_in_dim3A_367 : vector<16xi32>
      %eq3A_1533 = arith.cmpi eq, %and3A_1532, %broadcast_in_dim3A_1013 : vector<16xi32>
      %lt3A = arith.cmpi slt, %shift_right_logical3A_1531, %broadcast_in_dim3A_369 : vector<16xi32>
      %and3A_1534 = arith.andi %eq3A_1533, %lt3A : vector<16xi1>
      %shift_left3A = arith.shli %shift_right_logical3A_1531, %broadcast_in_dim3A_357 : vector<16xi32>
      %or3A = arith.ori %shift_left3A, %and3A_1530 : vector<16xi32>
      %and3A_1535 = arith.andi %or3A, %broadcast_in_dim3A_43 : vector<16xi32>
      %eq3A_1536 = arith.cmpi eq, %and3A_1535, %broadcast_in_dim3A_45 : vector<16xi32>
      %and3A_1537 = arith.andi %and3A_1534, %eq3A_1536 : vector<16xi1>
      %eq3A_1538 = arith.cmpi eq, %and3A_1535, %broadcast_in_dim3A_43 : vector<16xi32>
      %and3A_1539 = arith.andi %and3A_1534, %eq3A_1538 : vector<16xi1>
      %select_n3A_1540 = arith.select %and3A_1537, %broadcast_in_dim3A_43, %broadcast_in_dim3A_45 : vector<16xi1>, vector<16xi32>
      %broadcast_in_dim3A_1541 = vector.shape_cast %max3A : vector<16xi32> to vector<16x1xi32>
      %gather3A_1542 = vector.shape_cast %broadcast_in_dim3A_1541 : vector<16x1xi32> to vector<16xi32>
      %gather3A_1543 = tpu.dynamic_gather %select_n3A_1540[%gather3A_1542] in [0] : vector<16xi32>, vector<16xi32> -> vector<16xi32>
      %select_n3A_1544 = arith.select %ge3A, %gather3A_1543, %broadcast_in_dim3A_45 : vector<16xi1>, vector<16xi32>
      %add3A_1545 = arith.addi %select_n3A_1540, %select_n3A_1544 : vector<16xi32>
      %broadcast_in_dim3A_1546 = vector.shape_cast %max3A_334 : vector<16xi32> to vector<16x1xi32>
      %gather3A_1547 = vector.shape_cast %broadcast_in_dim3A_1546 : vector<16x1xi32> to vector<16xi32>
      %gather3A_1548 = tpu.dynamic_gather %add3A_1545[%gather3A_1547] in [0] : vector<16xi32>, vector<16xi32> -> vector<16xi32>
      %select_n3A_1549 = arith.select %ge3A_347, %gather3A_1548, %broadcast_in_dim3A_45 : vector<16xi1>, vector<16xi32>
      %add3A_1550 = arith.addi %add3A_1545, %select_n3A_1549 : vector<16xi32>
      %broadcast_in_dim3A_1551 = vector.shape_cast %max3A_338 : vector<16xi32> to vector<16x1xi32>
      %gather3A_1552 = vector.shape_cast %broadcast_in_dim3A_1551 : vector<16x1xi32> to vector<16xi32>
      %gather3A_1553 = tpu.dynamic_gather %add3A_1550[%gather3A_1552] in [0] : vector<16xi32>, vector<16xi32> -> vector<16xi32>
      %select_n3A_1554 = arith.select %ge3A_350, %gather3A_1553, %broadcast_in_dim3A_45 : vector<16xi1>, vector<16xi32>
      %add3A_1555 = arith.addi %add3A_1550, %select_n3A_1554 : vector<16xi32>
      %broadcast_in_dim3A_1556 = vector.shape_cast %max3A_342 : vector<16xi32> to vector<16x1xi32>
      %gather3A_1557 = vector.shape_cast %broadcast_in_dim3A_1556 : vector<16x1xi32> to vector<16xi32>
      %gather3A_1558 = tpu.dynamic_gather %add3A_1555[%gather3A_1557] in [0] : vector<16xi32>, vector<16xi32> -> vector<16xi32>
      %select_n3A_1559 = arith.select %ge3A_353, %gather3A_1558, %broadcast_in_dim3A_45 : vector<16xi1>, vector<16xi32>
      %add3A_1560 = arith.addi %add3A_1555, %select_n3A_1559 : vector<16xi32>
      %add3A_1561 = arith.addi %while3A_1523, %add3A_1560 : vector<16xi32>
      %sub3A_1562 = arith.subi %add3A_1561, %select_n3A_1540 : vector<16xi32>
      %shift_right_logical3A_1563 = arith.shrui %sub3A_1562, %broadcast_in_dim3A_361 : vector<16xi32>
      %and3A_1564 = arith.andi %sub3A_1562, %broadcast_in_dim3A_363 : vector<16xi32>
      tpu.vector_store_idx %arg11[%shift_right_logical3A_1563, %and3A_1564], %or3A masked %and3A_1537 : memref<129x128xi32, #tpu.memory_space<vmem>>[vector<16xi32>, vector<16xi32>], vector<16xi32>, vector<16xi1>
      %select_n3A_1565 = arith.select %and3A_1539, %broadcast_in_dim3A_43, %broadcast_in_dim3A_45 : vector<16xi1>, vector<16xi32>
      %broadcast_in_dim3A_1566 = vector.shape_cast %max3A : vector<16xi32> to vector<16x1xi32>
      %gather3A_1567 = vector.shape_cast %broadcast_in_dim3A_1566 : vector<16x1xi32> to vector<16xi32>
      %gather3A_1568 = tpu.dynamic_gather %select_n3A_1565[%gather3A_1567] in [0] : vector<16xi32>, vector<16xi32> -> vector<16xi32>
      %select_n3A_1569 = arith.select %ge3A, %gather3A_1568, %broadcast_in_dim3A_45 : vector<16xi1>, vector<16xi32>
      %add3A_1570 = arith.addi %select_n3A_1565, %select_n3A_1569 : vector<16xi32>
      %broadcast_in_dim3A_1571 = vector.shape_cast %max3A_334 : vector<16xi32> to vector<16x1xi32>
      %gather3A_1572 = vector.shape_cast %broadcast_in_dim3A_1571 : vector<16x1xi32> to vector<16xi32>
      %gather3A_1573 = tpu.dynamic_gather %add3A_1570[%gather3A_1572] in [0] : vector<16xi32>, vector<16xi32> -> vector<16xi32>
      %select_n3A_1574 = arith.select %ge3A_347, %gather3A_1573, %broadcast_in_dim3A_45 : vector<16xi1>, vector<16xi32>
      %add3A_1575 = arith.addi %add3A_1570, %select_n3A_1574 : vector<16xi32>
      %broadcast_in_dim3A_1576 = vector.shape_cast %max3A_338 : vector<16xi32> to vector<16x1xi32>
      %gather3A_1577 = vector.shape_cast %broadcast_in_dim3A_1576 : vector<16x1xi32> to vector<16xi32>
      %gather3A_1578 = tpu.dynamic_gather %add3A_1575[%gather3A_1577] in [0] : vector<16xi32>, vector<16xi32> -> vector<16xi32>
      %select_n3A_1579 = arith.select %ge3A_350, %gather3A_1578, %broadcast_in_dim3A_45 : vector<16xi1>, vector<16xi32>
      %add3A_1580 = arith.addi %add3A_1575, %select_n3A_1579 : vector<16xi32>
      %broadcast_in_dim3A_1581 = vector.shape_cast %max3A_342 : vector<16xi32> to vector<16x1xi32>
      %gather3A_1582 = vector.shape_cast %broadcast_in_dim3A_1581 : vector<16x1xi32> to vector<16xi32>
      %gather3A_1583 = tpu.dynamic_gather %add3A_1580[%gather3A_1582] in [0] : vector<16xi32>, vector<16xi32> -> vector<16xi32>
      %select_n3A_1584 = arith.select %ge3A_353, %gather3A_1583, %broadcast_in_dim3A_45 : vector<16xi1>, vector<16xi32>
      %add3A_1585 = arith.addi %add3A_1580, %select_n3A_1584 : vector<16xi32>
      %add3A_1586 = arith.addi %while3A_1524, %add3A_1585 : vector<16xi32>
      %sub3A_1587 = arith.subi %add3A_1586, %select_n3A_1565 : vector<16xi32>
      %shift_right_logical3A_1588 = arith.shrui %sub3A_1587, %broadcast_in_dim3A_361 : vector<16xi32>
      %and3A_1589 = arith.andi %sub3A_1587, %broadcast_in_dim3A_363 : vector<16xi32>
      tpu.vector_store_idx %arg12[%shift_right_logical3A_1588, %and3A_1589], %or3A masked %and3A_1539 : memref<129x128xi32, #tpu.memory_space<vmem>>[vector<16xi32>, vector<16xi32>], vector<16xi32>, vector<16xi1>
      %all_reduce_population_count3A = tpu.all_reduce %and3A_1537 {dim = 0 : i64, kind = #tpu.reduction_kind<sum>} : vector<16xi1> -> vector<16xi32>
      %add3A_1590 = arith.addi %while3A_1523, %all_reduce_population_count3A : vector<16xi32>
      %all_reduce_population_count3A_1591 = tpu.all_reduce %and3A_1539 {dim = 0 : i64, kind = #tpu.reduction_kind<sum>} : vector<16xi1> -> vector<16xi32>
      %add3A_1592 = arith.addi %while3A_1524, %all_reduce_population_count3A_1591 : vector<16xi32>
      scf.yield %add3A_1590, %add3A_1592 : vector<16xi32>, vector<16xi32>
    }
    %while3A_1023 = arith.constant 1 : i32
    %while3A_1024:2 = scf.for %while3A_1522 = %while3A_1020 to %while3A_1016 step %while3A_1023 iter_args(%while3A_1523 = %while3A_1022#0, %while3A_1524 = %while3A_1022#1) -> (vector<16xi32>, vector<16xi32>)  : i32 {
      %mul3A_1525 = arith.constant 16 : i32
      %mul3A_1526 = arith.muli %while3A_1522, %mul3A_1525 : i32
      %get3A_1527 = arith.index_cast %mul3A_1526 : i32 to index
      %get3A_1528 = tpu.vector_load %arg7[%get3A_1527] {strides = array<i32>} : memref<16400xi32, #tpu.memory_space<vmem>>, vector<16xi32>,
      %shift_right_logical3A_1529 = arith.shrui %get3A_1528, %broadcast_in_dim3A_357 : vector<16xi32>
      %and3A_1530 = arith.andi %get3A_1528, %broadcast_in_dim3A_359 : vector<16xi32>
      %shift_right_logical3A_1531 = arith.shrui %shift_right_logical3A_1529, %broadcast_in_dim3A_365 : vector<16xi32>
      %and3A_1532 = arith.andi %shift_right_logical3A_1529, %broadcast_in_dim3A_367 : vector<16xi32>
      %eq3A_1533 = arith.cmpi eq, %and3A_1532, %broadcast_in_dim3A_1013 : vector<16xi32>
      %lt3A = arith.cmpi slt, %shift_right_logical3A_1531, %broadcast_in_dim3A_369 : vector<16xi32>
      %and3A_1534 = arith.andi %eq3A_1533, %lt3A : vector<16xi1>
      %shift_left3A = arith.shli %shift_right_logical3A_1531, %broadcast_in_dim3A_357 : vector<16xi32>
      %or3A = arith.ori %shift_left3A, %and3A_1530 : vector<16xi32>
      %and3A_1535 = arith.andi %or3A, %broadcast_in_dim3A_43 : vector<16xi32>
      %eq3A_1536 = arith.cmpi eq, %and3A_1535, %broadcast_in_dim3A_45 : vector<16xi32>
      %and3A_1537 = arith.andi %and3A_1534, %eq3A_1536 : vector<16xi1>
      %eq3A_1538 = arith.cmpi eq, %and3A_1535, %broadcast_in_dim3A_43 : vector<16xi32>
      %and3A_1539 = arith.andi %and3A_1534, %eq3A_1538 : vector<16xi1>
      %select_n3A_1540 = arith.select %and3A_1537, %broadcast_in_dim3A_43, %broadcast_in_dim3A_45 : vector<16xi1>, vector<16xi32>
      %broadcast_in_dim3A_1541 = vector.shape_cast %max3A : vector<16xi32> to vector<16x1xi32>
      %gather3A_1542 = vector.shape_cast %broadcast_in_dim3A_1541 : vector<16x1xi32> to vector<16xi32>
      %gather3A_1543 = tpu.dynamic_gather %select_n3A_1540[%gather3A_1542] in [0] : vector<16xi32>, vector<16xi32> -> vector<16xi32>
      %select_n3A_1544 = arith.select %ge3A, %gather3A_1543, %broadcast_in_dim3A_45 : vector<16xi1>, vector<16xi32>
      %add3A_1545 = arith.addi %select_n3A_1540, %select_n3A_1544 : vector<16xi32>
      %broadcast_in_dim3A_1546 = vector.shape_cast %max3A_334 : vector<16xi32> to vector<16x1xi32>
      %gather3A_1547 = vector.shape_cast %broadcast_in_dim3A_1546 : vector<16x1xi32> to vector<16xi32>
      %gather3A_1548 = tpu.dynamic_gather %add3A_1545[%gather3A_1547] in [0] : vector<16xi32>, vector<16xi32> -> vector<16xi32>
      %select_n3A_1549 = arith.select %ge3A_347, %gather3A_1548, %broadcast_in_dim3A_45 : vector<16xi1>, vector<16xi32>
      %add3A_1550 = arith.addi %add3A_1545, %select_n3A_1549 : vector<16xi32>
      %broadcast_in_dim3A_1551 = vector.shape_cast %max3A_338 : vector<16xi32> to vector<16x1xi32>
      %gather3A_1552 = vector.shape_cast %broadcast_in_dim3A_1551 : vector<16x1xi32> to vector<16xi32>
      %gather3A_1553 = tpu.dynamic_gather %add3A_1550[%gather3A_1552] in [0] : vector<16xi32>, vector<16xi32> -> vector<16xi32>
      %select_n3A_1554 = arith.select %ge3A_350, %gather3A_1553, %broadcast_in_dim3A_45 : vector<16xi1>, vector<16xi32>
      %add3A_1555 = arith.addi %add3A_1550, %select_n3A_1554 : vector<16xi32>
      %broadcast_in_dim3A_1556 = vector.shape_cast %max3A_342 : vector<16xi32> to vector<16x1xi32>
      %gather3A_1557 = vector.shape_cast %broadcast_in_dim3A_1556 : vector<16x1xi32> to vector<16xi32>
      %gather3A_1558 = tpu.dynamic_gather %add3A_1555[%gather3A_1557] in [0] : vector<16xi32>, vector<16xi32> -> vector<16xi32>
      %select_n3A_1559 = arith.select %ge3A_353, %gather3A_1558, %broadcast_in_dim3A_45 : vector<16xi1>, vector<16xi32>
      %add3A_1560 = arith.addi %add3A_1555, %select_n3A_1559 : vector<16xi32>
      %add3A_1561 = arith.addi %while3A_1523, %add3A_1560 : vector<16xi32>
      %sub3A_1562 = arith.subi %add3A_1561, %select_n3A_1540 : vector<16xi32>
      %shift_right_logical3A_1563 = arith.shrui %sub3A_1562, %broadcast_in_dim3A_361 : vector<16xi32>
      %and3A_1564 = arith.andi %sub3A_1562, %broadcast_in_dim3A_363 : vector<16xi32>
      tpu.vector_store_idx %arg11[%shift_right_logical3A_1563, %and3A_1564], %or3A masked %and3A_1537 : memref<129x128xi32, #tpu.memory_space<vmem>>[vector<16xi32>, vector<16xi32>], vector<16xi32>, vector<16xi1>
      %select_n3A_1565 = arith.select %and3A_1539, %broadcast_in_dim3A_43, %broadcast_in_dim3A_45 : vector<16xi1>, vector<16xi32>
      %broadcast_in_dim3A_1566 = vector.shape_cast %max3A : vector<16xi32> to vector<16x1xi32>
      %gather3A_1567 = vector.shape_cast %broadcast_in_dim3A_1566 : vector<16x1xi32> to vector<16xi32>
      %gather3A_1568 = tpu.dynamic_gather %select_n3A_1565[%gather3A_1567] in [0] : vector<16xi32>, vector<16xi32> -> vector<16xi32>
      %select_n3A_1569 = arith.select %ge3A, %gather3A_1568, %broadcast_in_dim3A_45 : vector<16xi1>, vector<16xi32>
      %add3A_1570 = arith.addi %select_n3A_1565, %select_n3A_1569 : vector<16xi32>
      %broadcast_in_dim3A_1571 = vector.shape_cast %max3A_334 : vector<16xi32> to vector<16x1xi32>
      %gather3A_1572 = vector.shape_cast %broadcast_in_dim3A_1571 : vector<16x1xi32> to vector<16xi32>
      %gather3A_1573 = tpu.dynamic_gather %add3A_1570[%gather3A_1572] in [0] : vector<16xi32>, vector<16xi32> -> vector<16xi32>
      %select_n3A_1574 = arith.select %ge3A_347, %gather3A_1573, %broadcast_in_dim3A_45 : vector<16xi1>, vector<16xi32>
      %add3A_1575 = arith.addi %add3A_1570, %select_n3A_1574 : vector<16xi32>
      %broadcast_in_dim3A_1576 = vector.shape_cast %max3A_338 : vector<16xi32> to vector<16x1xi32>
      %gather3A_1577 = vector.shape_cast %broadcast_in_dim3A_1576 : vector<16x1xi32> to vector<16xi32>
      %gather3A_1578 = tpu.dynamic_gather %add3A_1575[%gather3A_1577] in [0] : vector<16xi32>, vector<16xi32> -> vector<16xi32>
      %select_n3A_1579 = arith.select %ge3A_350, %gather3A_1578, %broadcast_in_dim3A_45 : vector<16xi1>, vector<16xi32>
      %add3A_1580 = arith.addi %add3A_1575, %select_n3A_1579 : vector<16xi32>
      %broadcast_in_dim3A_1581 = vector.shape_cast %max3A_342 : vector<16xi32> to vector<16x1xi32>
      %gather3A_1582 = vector.shape_cast %broadcast_in_dim3A_1581 : vector<16x1xi32> to vector<16xi32>
      %gather3A_1583 = tpu.dynamic_gather %add3A_1580[%gather3A_1582] in [0] : vector<16xi32>, vector<16xi32> -> vector<16xi32>
      %select_n3A_1584 = arith.select %ge3A_353, %gather3A_1583, %broadcast_in_dim3A_45 : vector<16xi1>, vector<16xi32>
      %add3A_1585 = arith.addi %add3A_1580, %select_n3A_1584 : vector<16xi32>
      %add3A_1586 = arith.addi %while3A_1524, %add3A_1585 : vector<16xi32>
      %sub3A_1587 = arith.subi %add3A_1586, %select_n3A_1565 : vector<16xi32>
      %shift_right_logical3A_1588 = arith.shrui %sub3A_1587, %broadcast_in_dim3A_361 : vector<16xi32>
      %and3A_1589 = arith.andi %sub3A_1587, %broadcast_in_dim3A_363 : vector<16xi32>
      tpu.vector_store_idx %arg12[%shift_right_logical3A_1588, %and3A_1589], %or3A masked %and3A_1539 : memref<129x128xi32, #tpu.memory_space<vmem>>[vector<16xi32>, vector<16xi32>], vector<16xi32>, vector<16xi1>
      %all_reduce_population_count3A = tpu.all_reduce %and3A_1537 {dim = 0 : i64, kind = #tpu.reduction_kind<sum>} : vector<16xi1> -> vector<16xi32>
      %add3A_1590 = arith.addi %while3A_1523, %all_reduce_population_count3A : vector<16xi32>
      %all_reduce_population_count3A_1591 = tpu.all_reduce %and3A_1539 {dim = 0 : i64, kind = #tpu.reduction_kind<sum>} : vector<16xi1> -> vector<16xi32>
      %add3A_1592 = arith.addi %while3A_1524, %all_reduce_population_count3A_1591 : vector<16xi32>
      scf.yield %add3A_1590, %add3A_1592 : vector<16xi32>, vector<16xi32>
    }
    %broadcast_in_dim3A_1025 = arith.constant 0 : i32
    %broadcast_in_dim3A_1026 = vector.broadcast %broadcast_in_dim3A_1025 : i32 to vector<16xi32>
    %add3A_1027 = arith.addi %while3A_1024#0, %broadcast_in_dim3A_1026 : vector<16xi32>
    %add3A_1028 = arith.addi %add3A_1027, %iota3A : vector<16xi32>
    %shift_right_logical3A_1029 = arith.shrui %add3A_1028, %broadcast_in_dim3A_361 : vector<16xi32>
    %and3A_1030 = arith.andi %add3A_1028, %broadcast_in_dim3A_363 : vector<16xi32>
    tpu.vector_store_idx %arg11[%shift_right_logical3A_1029, %and3A_1030], %broadcast_in_dim3A_371 : memref<129x128xi32, #tpu.memory_space<vmem>>[vector<16xi32>, vector<16xi32>], vector<16xi32>,
    %broadcast_in_dim3A_1031 = arith.constant 16 : i32
    %broadcast_in_dim3A_1032 = vector.broadcast %broadcast_in_dim3A_1031 : i32 to vector<16xi32>
    %add3A_1033 = arith.addi %while3A_1024#0, %broadcast_in_dim3A_1032 : vector<16xi32>
    %add3A_1034 = arith.addi %add3A_1033, %iota3A : vector<16xi32>
    %shift_right_logical3A_1035 = arith.shrui %add3A_1034, %broadcast_in_dim3A_361 : vector<16xi32>
    %and3A_1036 = arith.andi %add3A_1034, %broadcast_in_dim3A_363 : vector<16xi32>
    tpu.vector_store_idx %arg11[%shift_right_logical3A_1035, %and3A_1036], %broadcast_in_dim3A_371 : memref<129x128xi32, #tpu.memory_space<vmem>>[vector<16xi32>, vector<16xi32>], vector<16xi32>,
    %broadcast_in_dim3A_1037 = arith.constant 32 : i32
    %broadcast_in_dim3A_1038 = vector.broadcast %broadcast_in_dim3A_1037 : i32 to vector<16xi32>
    %add3A_1039 = arith.addi %while3A_1024#0, %broadcast_in_dim3A_1038 : vector<16xi32>
    %add3A_1040 = arith.addi %add3A_1039, %iota3A : vector<16xi32>
    %shift_right_logical3A_1041 = arith.shrui %add3A_1040, %broadcast_in_dim3A_361 : vector<16xi32>
    %and3A_1042 = arith.andi %add3A_1040, %broadcast_in_dim3A_363 : vector<16xi32>
    tpu.vector_store_idx %arg11[%shift_right_logical3A_1041, %and3A_1042], %broadcast_in_dim3A_371 : memref<129x128xi32, #tpu.memory_space<vmem>>[vector<16xi32>, vector<16xi32>], vector<16xi32>,
    %broadcast_in_dim3A_1043 = arith.constant 48 : i32
    %broadcast_in_dim3A_1044 = vector.broadcast %broadcast_in_dim3A_1043 : i32 to vector<16xi32>
    %add3A_1045 = arith.addi %while3A_1024#0, %broadcast_in_dim3A_1044 : vector<16xi32>
    %add3A_1046 = arith.addi %add3A_1045, %iota3A : vector<16xi32>
    %shift_right_logical3A_1047 = arith.shrui %add3A_1046, %broadcast_in_dim3A_361 : vector<16xi32>
    %and3A_1048 = arith.andi %add3A_1046, %broadcast_in_dim3A_363 : vector<16xi32>
    tpu.vector_store_idx %arg11[%shift_right_logical3A_1047, %and3A_1048], %broadcast_in_dim3A_371 : memref<129x128xi32, #tpu.memory_space<vmem>>[vector<16xi32>, vector<16xi32>], vector<16xi32>,
    %broadcast_in_dim3A_1049 = arith.constant 64 : i32
    %broadcast_in_dim3A_1050 = vector.broadcast %broadcast_in_dim3A_1049 : i32 to vector<16xi32>
    %add3A_1051 = arith.addi %while3A_1024#0, %broadcast_in_dim3A_1050 : vector<16xi32>
    %add3A_1052 = arith.addi %add3A_1051, %iota3A : vector<16xi32>
    %shift_right_logical3A_1053 = arith.shrui %add3A_1052, %broadcast_in_dim3A_361 : vector<16xi32>
    %and3A_1054 = arith.andi %add3A_1052, %broadcast_in_dim3A_363 : vector<16xi32>
    tpu.vector_store_idx %arg11[%shift_right_logical3A_1053, %and3A_1054], %broadcast_in_dim3A_371 : memref<129x128xi32, #tpu.memory_space<vmem>>[vector<16xi32>, vector<16xi32>], vector<16xi32>,
    %broadcast_in_dim3A_1055 = arith.constant 80 : i32
    %broadcast_in_dim3A_1056 = vector.broadcast %broadcast_in_dim3A_1055 : i32 to vector<16xi32>
    %add3A_1057 = arith.addi %while3A_1024#0, %broadcast_in_dim3A_1056 : vector<16xi32>
    %add3A_1058 = arith.addi %add3A_1057, %iota3A : vector<16xi32>
    %shift_right_logical3A_1059 = arith.shrui %add3A_1058, %broadcast_in_dim3A_361 : vector<16xi32>
    %and3A_1060 = arith.andi %add3A_1058, %broadcast_in_dim3A_363 : vector<16xi32>
    tpu.vector_store_idx %arg11[%shift_right_logical3A_1059, %and3A_1060], %broadcast_in_dim3A_371 : memref<129x128xi32, #tpu.memory_space<vmem>>[vector<16xi32>, vector<16xi32>], vector<16xi32>,
    %broadcast_in_dim3A_1061 = arith.constant 96 : i32
    %broadcast_in_dim3A_1062 = vector.broadcast %broadcast_in_dim3A_1061 : i32 to vector<16xi32>
    %add3A_1063 = arith.addi %while3A_1024#0, %broadcast_in_dim3A_1062 : vector<16xi32>
    %add3A_1064 = arith.addi %add3A_1063, %iota3A : vector<16xi32>
    %shift_right_logical3A_1065 = arith.shrui %add3A_1064, %broadcast_in_dim3A_361 : vector<16xi32>
    %and3A_1066 = arith.andi %add3A_1064, %broadcast_in_dim3A_363 : vector<16xi32>
    tpu.vector_store_idx %arg11[%shift_right_logical3A_1065, %and3A_1066], %broadcast_in_dim3A_371 : memref<129x128xi32, #tpu.memory_space<vmem>>[vector<16xi32>, vector<16xi32>], vector<16xi32>,
    %broadcast_in_dim3A_1067 = arith.constant 112 : i32
    %broadcast_in_dim3A_1068 = vector.broadcast %broadcast_in_dim3A_1067 : i32 to vector<16xi32>
    %add3A_1069 = arith.addi %while3A_1024#0, %broadcast_in_dim3A_1068 : vector<16xi32>
    %add3A_1070 = arith.addi %add3A_1069, %iota3A : vector<16xi32>
    %shift_right_logical3A_1071 = arith.shrui %add3A_1070, %broadcast_in_dim3A_361 : vector<16xi32>
    %and3A_1072 = arith.andi %add3A_1070, %broadcast_in_dim3A_363 : vector<16xi32>
    tpu.vector_store_idx %arg11[%shift_right_logical3A_1071, %and3A_1072], %broadcast_in_dim3A_371 : memref<129x128xi32, #tpu.memory_space<vmem>>[vector<16xi32>, vector<16xi32>], vector<16xi32>,
    %broadcast_in_dim3A_1073 = arith.constant 0 : i32
    %broadcast_in_dim3A_1074 = vector.broadcast %broadcast_in_dim3A_1073 : i32 to vector<16xi32>
    %add3A_1075 = arith.addi %while3A_1024#1, %broadcast_in_dim3A_1074 : vector<16xi32>
    %add3A_1076 = arith.addi %add3A_1075, %iota3A : vector<16xi32>
    %shift_right_logical3A_1077 = arith.shrui %add3A_1076, %broadcast_in_dim3A_361 : vector<16xi32>
    %and3A_1078 = arith.andi %add3A_1076, %broadcast_in_dim3A_363 : vector<16xi32>
    tpu.vector_store_idx %arg12[%shift_right_logical3A_1077, %and3A_1078], %broadcast_in_dim3A_371 : memref<129x128xi32, #tpu.memory_space<vmem>>[vector<16xi32>, vector<16xi32>], vector<16xi32>,
    %broadcast_in_dim3A_1079 = arith.constant 16 : i32
    %broadcast_in_dim3A_1080 = vector.broadcast %broadcast_in_dim3A_1079 : i32 to vector<16xi32>
    %add3A_1081 = arith.addi %while3A_1024#1, %broadcast_in_dim3A_1080 : vector<16xi32>
    %add3A_1082 = arith.addi %add3A_1081, %iota3A : vector<16xi32>
    %shift_right_logical3A_1083 = arith.shrui %add3A_1082, %broadcast_in_dim3A_361 : vector<16xi32>
    %and3A_1084 = arith.andi %add3A_1082, %broadcast_in_dim3A_363 : vector<16xi32>
    tpu.vector_store_idx %arg12[%shift_right_logical3A_1083, %and3A_1084], %broadcast_in_dim3A_371 : memref<129x128xi32, #tpu.memory_space<vmem>>[vector<16xi32>, vector<16xi32>], vector<16xi32>,
    %broadcast_in_dim3A_1085 = arith.constant 32 : i32
    %broadcast_in_dim3A_1086 = vector.broadcast %broadcast_in_dim3A_1085 : i32 to vector<16xi32>
    %add3A_1087 = arith.addi %while3A_1024#1, %broadcast_in_dim3A_1086 : vector<16xi32>
    %add3A_1088 = arith.addi %add3A_1087, %iota3A : vector<16xi32>
    %shift_right_logical3A_1089 = arith.shrui %add3A_1088, %broadcast_in_dim3A_361 : vector<16xi32>
    %and3A_1090 = arith.andi %add3A_1088, %broadcast_in_dim3A_363 : vector<16xi32>
    tpu.vector_store_idx %arg12[%shift_right_logical3A_1089, %and3A_1090], %broadcast_in_dim3A_371 : memref<129x128xi32, #tpu.memory_space<vmem>>[vector<16xi32>, vector<16xi32>], vector<16xi32>,
    %broadcast_in_dim3A_1091 = arith.constant 48 : i32
    %broadcast_in_dim3A_1092 = vector.broadcast %broadcast_in_dim3A_1091 : i32 to vector<16xi32>
    %add3A_1093 = arith.addi %while3A_1024#1, %broadcast_in_dim3A_1092 : vector<16xi32>
    %add3A_1094 = arith.addi %add3A_1093, %iota3A : vector<16xi32>
    %shift_right_logical3A_1095 = arith.shrui %add3A_1094, %broadcast_in_dim3A_361 : vector<16xi32>
    %and3A_1096 = arith.andi %add3A_1094, %broadcast_in_dim3A_363 : vector<16xi32>
    tpu.vector_store_idx %arg12[%shift_right_logical3A_1095, %and3A_1096], %broadcast_in_dim3A_371 : memref<129x128xi32, #tpu.memory_space<vmem>>[vector<16xi32>, vector<16xi32>], vector<16xi32>,
    %broadcast_in_dim3A_1097 = arith.constant 64 : i32
    %broadcast_in_dim3A_1098 = vector.broadcast %broadcast_in_dim3A_1097 : i32 to vector<16xi32>
    %add3A_1099 = arith.addi %while3A_1024#1, %broadcast_in_dim3A_1098 : vector<16xi32>
    %add3A_1100 = arith.addi %add3A_1099, %iota3A : vector<16xi32>
    %shift_right_logical3A_1101 = arith.shrui %add3A_1100, %broadcast_in_dim3A_361 : vector<16xi32>
    %and3A_1102 = arith.andi %add3A_1100, %broadcast_in_dim3A_363 : vector<16xi32>
    tpu.vector_store_idx %arg12[%shift_right_logical3A_1101, %and3A_1102], %broadcast_in_dim3A_371 : memref<129x128xi32, #tpu.memory_space<vmem>>[vector<16xi32>, vector<16xi32>], vector<16xi32>,
    %broadcast_in_dim3A_1103 = arith.constant 80 : i32
    %broadcast_in_dim3A_1104 = vector.broadcast %broadcast_in_dim3A_1103 : i32 to vector<16xi32>
    %add3A_1105 = arith.addi %while3A_1024#1, %broadcast_in_dim3A_1104 : vector<16xi32>
    %add3A_1106 = arith.addi %add3A_1105, %iota3A : vector<16xi32>
    %shift_right_logical3A_1107 = arith.shrui %add3A_1106, %broadcast_in_dim3A_361 : vector<16xi32>
    %and3A_1108 = arith.andi %add3A_1106, %broadcast_in_dim3A_363 : vector<16xi32>
    tpu.vector_store_idx %arg12[%shift_right_logical3A_1107, %and3A_1108], %broadcast_in_dim3A_371 : memref<129x128xi32, #tpu.memory_space<vmem>>[vector<16xi32>, vector<16xi32>], vector<16xi32>,
    %broadcast_in_dim3A_1109 = arith.constant 96 : i32
    %broadcast_in_dim3A_1110 = vector.broadcast %broadcast_in_dim3A_1109 : i32 to vector<16xi32>
    %add3A_1111 = arith.addi %while3A_1024#1, %broadcast_in_dim3A_1110 : vector<16xi32>
    %add3A_1112 = arith.addi %add3A_1111, %iota3A : vector<16xi32>
    %shift_right_logical3A_1113 = arith.shrui %add3A_1112, %broadcast_in_dim3A_361 : vector<16xi32>
    %and3A_1114 = arith.andi %add3A_1112, %broadcast_in_dim3A_363 : vector<16xi32>
    tpu.vector_store_idx %arg12[%shift_right_logical3A_1113, %and3A_1114], %broadcast_in_dim3A_371 : memref<129x128xi32, #tpu.memory_space<vmem>>[vector<16xi32>, vector<16xi32>], vector<16xi32>,
    %broadcast_in_dim3A_1115 = arith.constant 112 : i32
    %broadcast_in_dim3A_1116 = vector.broadcast %broadcast_in_dim3A_1115 : i32 to vector<16xi32>
    %add3A_1117 = arith.addi %while3A_1024#1, %broadcast_in_dim3A_1116 : vector<16xi32>
    %add3A_1118 = arith.addi %add3A_1117, %iota3A : vector<16xi32>
    %shift_right_logical3A_1119 = arith.shrui %add3A_1118, %broadcast_in_dim3A_361 : vector<16xi32>
    %and3A_1120 = arith.andi %add3A_1118, %broadcast_in_dim3A_363 : vector<16xi32>
    tpu.vector_store_idx %arg12[%shift_right_logical3A_1119, %and3A_1120], %broadcast_in_dim3A_371 : memref<129x128xi32, #tpu.memory_space<vmem>>[vector<16xi32>, vector<16xi32>], vector<16xi32>,
    %slice3A_1121 = vector.extract_strided_slice %while3A_1024#0 {offsets = [0], sizes = [1], strides = [1]} : vector<16xi32> to vector<1xi32>
    %squeeze3A_1122 = vector.extract %slice3A_1121[0] : i32 from vector<1xi32>
    %add3A_1123 = arith.constant 127 : i32
    %add3A_1124 = arith.addi %squeeze3A_1122, %add3A_1123 : i32
    %jit3A_1125 = arith.constant 128 : i32
    %div3A_1126 = arith.divsi %add3A_1124, %jit3A_1125 : i32
    %sign3A_1127 = arith.constant 0 : i32
    %sign3A_1128 = arith.cmpi sgt, %add3A_1124, %sign3A_1127 : i32
    %sign3A_1129 = arith.extui %sign3A_1128 : i1 to i32
    %sign3A_1130 = arith.constant 0 : i32
    %sign3A_1131 = arith.cmpi slt, %add3A_1124, %sign3A_1130 : i32
    %sign3A_1132 = arith.extui %sign3A_1131 : i1 to i32
    %sign3A_1133 = arith.subi %sign3A_1129, %sign3A_1132 : i32
    %sign3A_1134 = arith.constant 0 : i32
    %sign3A_1135 = arith.cmpi sgt, %jit3A_1125, %sign3A_1134 : i32
    %sign3A_1136 = arith.extui %sign3A_1135 : i1 to i32
    %sign3A_1137 = arith.constant 0 : i32
    %sign3A_1138 = arith.cmpi slt, %jit3A_1125, %sign3A_1137 : i32
    %sign3A_1139 = arith.extui %sign3A_1138 : i1 to i32
    %sign3A_1140 = arith.subi %sign3A_1136, %sign3A_1139 : i32
    %ne3A_1141 = arith.cmpi ne, %sign3A_1133, %sign3A_1140 : i32
    %rem3A_1142 = arith.remsi %add3A_1124, %jit3A_1125 : i32
    %ne3A_1143 = arith.constant 0 : i32
    %ne3A_1144 = arith.cmpi ne, %rem3A_1142, %ne3A_1143 : i32
    %and3A_1145 = arith.andi %ne3A_1141, %ne3A_1144 : i1
    %sub3A_1146 = arith.constant 1 : i32
    %sub3A_1147 = arith.subi %div3A_1126, %sub3A_1146 : i32
    %select_n3A_1148 = arith.select %and3A_1145, %sub3A_1147, %div3A_1126 : i32
    %slice3A_1149 = vector.extract_strided_slice %while3A_1024#1 {offsets = [0], sizes = [1], strides = [1]} : vector<16xi32> to vector<1xi32>
    %squeeze3A_1150 = vector.extract %slice3A_1149[0] : i32 from vector<1xi32>
    %add3A_1151 = arith.constant 127 : i32
    %add3A_1152 = arith.addi %squeeze3A_1150, %add3A_1151 : i32
    %jit3A_1153 = arith.constant 128 : i32
    %div3A_1154 = arith.divsi %add3A_1152, %jit3A_1153 : i32
    %sign3A_1155 = arith.constant 0 : i32
    %sign3A_1156 = arith.cmpi sgt, %add3A_1152, %sign3A_1155 : i32
    %sign3A_1157 = arith.extui %sign3A_1156 : i1 to i32
    %sign3A_1158 = arith.constant 0 : i32
    %sign3A_1159 = arith.cmpi slt, %add3A_1152, %sign3A_1158 : i32
    %sign3A_1160 = arith.extui %sign3A_1159 : i1 to i32
    %sign3A_1161 = arith.subi %sign3A_1157, %sign3A_1160 : i32
    %sign3A_1162 = arith.constant 0 : i32
    %sign3A_1163 = arith.cmpi sgt, %jit3A_1153, %sign3A_1162 : i32
    %sign3A_1164 = arith.extui %sign3A_1163 : i1 to i32
    %sign3A_1165 = arith.constant 0 : i32
    %sign3A_1166 = arith.cmpi slt, %jit3A_1153, %sign3A_1165 : i32
    %sign3A_1167 = arith.extui %sign3A_1166 : i1 to i32
    %sign3A_1168 = arith.subi %sign3A_1164, %sign3A_1167 : i32
    %ne3A_1169 = arith.cmpi ne, %sign3A_1161, %sign3A_1168 : i32
    %rem3A_1170 = arith.remsi %add3A_1152, %jit3A_1153 : i32
    %ne3A_1171 = arith.constant 0 : i32
    %ne3A_1172 = arith.cmpi ne, %rem3A_1170, %ne3A_1171 : i32
    %and3A_1173 = arith.andi %ne3A_1169, %ne3A_1172 : i1
    %sub3A_1174 = arith.constant 1 : i32
    %sub3A_1175 = arith.subi %div3A_1154, %sub3A_1174 : i32
    %select_n3A_1176 = arith.select %and3A_1173, %sub3A_1175, %div3A_1154 : i32
    %mul3A_1177 = arith.constant 32768 : i32
    %mul3A_1178 = arith.muli %arg1, %mul3A_1177 : i32
    %add3A_1179 = arith.constant 0 : i32
    %add3A_1180 = arith.addi %mul3A_1178, %add3A_1179 : i32
    %dma_wait3A_1181 = arith.constant 0 : i32
    %dma_wait3A_1182 = tpu.memref_slice %arg14[%dma_wait3A_1181] : memref<8192xf32, #tpu.memory_space<vmem>> -> memref<8192xf32, #tpu.memory_space<vmem>>
    %dma_wait3A_1183 = tpu.memref_slice %arg15[%add3A_1180] : memref<524352xf32, #tpu.memory_space<vmem_shared>> -> memref<8192xf32, #tpu.memory_space<vmem_shared>>
    %dma_wait3A_1184 = tpu.memref_slice %arg15[%add3A_1180] : memref<524352xf32, #tpu.memory_space<vmem_shared>> -> memref<8192xf32, #tpu.memory_space<vmem_shared>>
    %dma_wait3A_1185 = arith.constant 0 : i32
    %dma_wait3A_1186 = tpu.memref_slice %arg14[%dma_wait3A_1185] : memref<8192xf32, #tpu.memory_space<vmem>> -> memref<8192xf32, #tpu.memory_space<vmem>>
    tpu.wait_dma2 semaphore(%arg17 : memref<!tpu.dma_semaphore, #tpu.memory_space<semaphore_mem>>) src(%dma_wait3A_1186 : memref<8192xf32, #tpu.memory_space<vmem>>) dst(%dma_wait3A_1184 : memref<8192xf32, #tpu.memory_space<vmem_shared>>)
    %mul3A_1187 = arith.constant 32768 : i32
    %mul3A_1188 = arith.muli %arg1, %mul3A_1187 : i32
    %add3A_1189 = arith.constant 8192 : i32
    %add3A_1190 = arith.addi %mul3A_1188, %add3A_1189 : i32
    %dma_wait3A_1191 = arith.constant 0 : i32
    %dma_wait3A_1192 = tpu.memref_slice %arg14[%dma_wait3A_1191] : memref<8192xf32, #tpu.memory_space<vmem>> -> memref<8192xf32, #tpu.memory_space<vmem>>
    %dma_wait3A_1193 = tpu.memref_slice %arg15[%add3A_1190] : memref<524352xf32, #tpu.memory_space<vmem_shared>> -> memref<8192xf32, #tpu.memory_space<vmem_shared>>
    %dma_wait3A_1194 = tpu.memref_slice %arg15[%add3A_1190] : memref<524352xf32, #tpu.memory_space<vmem_shared>> -> memref<8192xf32, #tpu.memory_space<vmem_shared>>
    %dma_wait3A_1195 = arith.constant 0 : i32
    %dma_wait3A_1196 = tpu.memref_slice %arg14[%dma_wait3A_1195] : memref<8192xf32, #tpu.memory_space<vmem>> -> memref<8192xf32, #tpu.memory_space<vmem>>
    tpu.wait_dma2 semaphore(%arg17 : memref<!tpu.dma_semaphore, #tpu.memory_space<semaphore_mem>>) src(%dma_wait3A_1196 : memref<8192xf32, #tpu.memory_space<vmem>>) dst(%dma_wait3A_1194 : memref<8192xf32, #tpu.memory_space<vmem_shared>>)
    %mul3A_1197 = arith.constant 32768 : i32
    %mul3A_1198 = arith.muli %arg1, %mul3A_1197 : i32
    %add3A_1199 = arith.constant 16384 : i32
    %add3A_1200 = arith.addi %mul3A_1198, %add3A_1199 : i32
    %dma_wait3A_1201 = arith.constant 0 : i32
    %dma_wait3A_1202 = tpu.memref_slice %arg14[%dma_wait3A_1201] : memref<8192xf32, #tpu.memory_space<vmem>> -> memref<8192xf32, #tpu.memory_space<vmem>>
    %dma_wait3A_1203 = tpu.memref_slice %arg15[%add3A_1200] : memref<524352xf32, #tpu.memory_space<vmem_shared>> -> memref<8192xf32, #tpu.memory_space<vmem_shared>>
    %dma_wait3A_1204 = tpu.memref_slice %arg15[%add3A_1200] : memref<524352xf32, #tpu.memory_space<vmem_shared>> -> memref<8192xf32, #tpu.memory_space<vmem_shared>>
    %dma_wait3A_1205 = arith.constant 0 : i32
    %dma_wait3A_1206 = tpu.memref_slice %arg14[%dma_wait3A_1205] : memref<8192xf32, #tpu.memory_space<vmem>> -> memref<8192xf32, #tpu.memory_space<vmem>>
    tpu.wait_dma2 semaphore(%arg17 : memref<!tpu.dma_semaphore, #tpu.memory_space<semaphore_mem>>) src(%dma_wait3A_1206 : memref<8192xf32, #tpu.memory_space<vmem>>) dst(%dma_wait3A_1204 : memref<8192xf32, #tpu.memory_space<vmem_shared>>)
    %mul3A_1207 = arith.constant 32768 : i32
    %mul3A_1208 = arith.muli %arg1, %mul3A_1207 : i32
    %add3A_1209 = arith.constant 24576 : i32
    %add3A_1210 = arith.addi %mul3A_1208, %add3A_1209 : i32
    %dma_wait3A_1211 = arith.constant 0 : i32
    %dma_wait3A_1212 = tpu.memref_slice %arg14[%dma_wait3A_1211] : memref<8192xf32, #tpu.memory_space<vmem>> -> memref<8192xf32, #tpu.memory_space<vmem>>
    %dma_wait3A_1213 = tpu.memref_slice %arg15[%add3A_1210] : memref<524352xf32, #tpu.memory_space<vmem_shared>> -> memref<8192xf32, #tpu.memory_space<vmem_shared>>
    %dma_wait3A_1214 = tpu.memref_slice %arg15[%add3A_1210] : memref<524352xf32, #tpu.memory_space<vmem_shared>> -> memref<8192xf32, #tpu.memory_space<vmem_shared>>
    %dma_wait3A_1215 = arith.constant 0 : i32
    %dma_wait3A_1216 = tpu.memref_slice %arg14[%dma_wait3A_1215] : memref<8192xf32, #tpu.memory_space<vmem>> -> memref<8192xf32, #tpu.memory_space<vmem>>
    tpu.wait_dma2 semaphore(%arg17 : memref<!tpu.dma_semaphore, #tpu.memory_space<semaphore_mem>>) src(%dma_wait3A_1216 : memref<8192xf32, #tpu.memory_space<vmem>>) dst(%dma_wait3A_1214 : memref<8192xf32, #tpu.memory_space<vmem_shared>>)
    %eq3A_1217 = arith.constant 0 : i32
    %eq3A_1218 = arith.cmpi eq, %arg1, %eq3A_1217 : i32
    %convert_element_type3A_1219 = arith.extui %eq3A_1218 : i1 to i32
    %cond3A_1220 = arith.constant 0 : i32
    %cond3A_1221 = arith.cmpi ne, %convert_element_type3A_1219, %cond3A_1220 : i32
    scf.if %cond3A_1221 {
      %dma_wait3A_1522 = arith.constant 0 : i32
      %dma_wait3A_1523 = tpu.memref_slice %arg14[%dma_wait3A_1522] : memref<8192xf32, #tpu.memory_space<vmem>> -> memref<64xf32, #tpu.memory_space<vmem>>
      %dma_wait3A_1524 = arith.constant 524288 : i32
      %dma_wait3A_1525 = tpu.memref_slice %arg15[%dma_wait3A_1524] : memref<524352xf32, #tpu.memory_space<vmem_shared>> -> memref<64xf32, #tpu.memory_space<vmem_shared>>
      %dma_wait3A_1526 = arith.constant 524288 : i32
      %dma_wait3A_1527 = tpu.memref_slice %arg15[%dma_wait3A_1526] : memref<524352xf32, #tpu.memory_space<vmem_shared>> -> memref<64xf32, #tpu.memory_space<vmem_shared>>
      %dma_wait3A_1528 = arith.constant 0 : i32
      %dma_wait3A_1529 = tpu.memref_slice %arg14[%dma_wait3A_1528] : memref<8192xf32, #tpu.memory_space<vmem>> -> memref<64xf32, #tpu.memory_space<vmem>>
      tpu.wait_dma2 semaphore(%arg17 : memref<!tpu.dma_semaphore, #tpu.memory_space<semaphore_mem>>) src(%dma_wait3A_1529 : memref<64xf32, #tpu.memory_space<vmem>>) dst(%dma_wait3A_1527 : memref<64xf32, #tpu.memory_space<vmem_shared>>)
    } else {
    }
    %barrier3A_1222 = arith.constant 0 : index
    tpu.barrier barrier_id(%barrier3A_1222)
    %scan3A_1223 = arith.constant 0 : i32
    %scan3A_1224 = arith.constant 0 : i32
    %scan3A_1225 = arith.constant 8 : i32
    %scan3A_1226 = arith.addi %scan3A_1224, %scan3A_1225 : i32
    %scan3A_1227 = arith.constant 1 : i32
    scf.for %scan3A_1522 = %scan3A_1224 to %scan3A_1226 step %scan3A_1227  : i32 {
      %eq3A_1523 = arith.cmpi eq, %arg1, %scan3A_1522 : i32
      %convert_element_type3A_1524 = arith.extui %eq3A_1523 : i1 to i32
      %cond3A_1525 = arith.constant 0 : i32
      %cond3A_1526 = arith.cmpi ne, %convert_element_type3A_1524, %cond3A_1525 : i32
      scf.if %cond3A_1526 {
        %while3A_1545 = arith.constant 0 : i32
        %while3A_1546 = arith.constant 0 : i32
        %while3A_1547 = arith.subi %select_n3A_1148, %while3A_1546 : i32
        %while3A_1548 = arith.addi %while3A_1546, %while3A_1547 : i32
        %while3A_1549 = arith.constant 1 : i32
        %while3A_1550 = arith.divsi %while3A_1547, %while3A_1549 : i32
        %while3A_1551 = arith.muli %while3A_1550, %while3A_1549 : i32
        %while3A_1552 = arith.addi %while3A_1546, %while3A_1551 : i32
        %while3A_1553 = arith.constant 1 : i32
        scf.for %while3A_1555 = %while3A_1546 to %while3A_1552 step %while3A_1553  : i32 {
          "tpu.region"() ({
            %run_scoped3A_1556 = tpu.sem_alloc : memref<!tpu.dma_semaphore, #tpu.memory_space<semaphore_mem>>
            %dma_start3A_1557 = arith.constant 0 : i32
            %dma_start3A_1558 = tpu.memref_slice %arg11[%while3A_1555, %dma_start3A_1557] : memref<129x128xi32, #tpu.memory_space<vmem>> -> memref<1x128xi32, #tpu.memory_space<vmem>>
            %dma_start3A_1559 = tpu.memref_squeeze %dma_start3A_1558 : memref<1x128xi32, #tpu.memory_space<vmem>> -> memref<128xi32, #tpu.memory_space<vmem>>
            %dma_start3A_1560 = arith.constant 0 : i32
            %dma_start3A_1561 = tpu.memref_slice %arg15[%dma_start3A_1560] : memref<524352xf32, #tpu.memory_space<vmem_shared>> -> memref<524352xf32, #tpu.memory_space<vmem_shared>>
            tpu.enqueue_indirect_dma source(%arg13 : memref<128xf32, #tpu.memory_space<vmem>>) target(%dma_start3A_1561 : memref<524352xf32, #tpu.memory_space<vmem_shared>>) offsets(%dma_start3A_1559 : memref<128xi32, #tpu.memory_space<vmem>>) semaphore(%run_scoped3A_1556 : memref<!tpu.dma_semaphore, #tpu.memory_space<semaphore_mem>>) {add = true}
            %dma_wait3A_1562 = arith.constant 0 : i32
            %dma_wait3A_1563 = tpu.memref_slice %arg11[%while3A_1555, %dma_wait3A_1562] : memref<129x128xi32, #tpu.memory_space<vmem>> -> memref<1x128xi32, #tpu.memory_space<vmem>>
            %dma_wait3A_1564 = tpu.memref_squeeze %dma_wait3A_1563 : memref<1x128xi32, #tpu.memory_space<vmem>> -> memref<128xi32, #tpu.memory_space<vmem>>
            %dma_wait3A_1565 = arith.constant 0 : i32
            %dma_wait3A_1566 = tpu.memref_slice %arg15[%dma_wait3A_1565] : memref<524352xf32, #tpu.memory_space<vmem_shared>> -> memref<524352xf32, #tpu.memory_space<vmem_shared>>
            tpu.wait_indirect_dma semaphore(%run_scoped3A_1556 : memref<!tpu.dma_semaphore, #tpu.memory_space<semaphore_mem>>) src(%arg13 : memref<128xf32, #tpu.memory_space<vmem>>) dst(%dma_wait3A_1566 : memref<524352xf32, #tpu.memory_space<vmem_shared>>)
            tpu.yield
          }) : () -> ()
        }
        %while3A_1554 = arith.constant 1 : i32
        scf.for %while3A_1555 = %while3A_1552 to %while3A_1548 step %while3A_1554  : i32 {
          "tpu.region"() ({
            %run_scoped3A_1556 = tpu.sem_alloc : memref<!tpu.dma_semaphore, #tpu.memory_space<semaphore_mem>>
            %dma_start3A_1557 = arith.constant 0 : i32
            %dma_start3A_1558 = tpu.memref_slice %arg11[%while3A_1555, %dma_start3A_1557] : memref<129x128xi32, #tpu.memory_space<vmem>> -> memref<1x128xi32, #tpu.memory_space<vmem>>
            %dma_start3A_1559 = tpu.memref_squeeze %dma_start3A_1558 : memref<1x128xi32, #tpu.memory_space<vmem>> -> memref<128xi32, #tpu.memory_space<vmem>>
            %dma_start3A_1560 = arith.constant 0 : i32
            %dma_start3A_1561 = tpu.memref_slice %arg15[%dma_start3A_1560] : memref<524352xf32, #tpu.memory_space<vmem_shared>> -> memref<524352xf32, #tpu.memory_space<vmem_shared>>
            tpu.enqueue_indirect_dma source(%arg13 : memref<128xf32, #tpu.memory_space<vmem>>) target(%dma_start3A_1561 : memref<524352xf32, #tpu.memory_space<vmem_shared>>) offsets(%dma_start3A_1559 : memref<128xi32, #tpu.memory_space<vmem>>) semaphore(%run_scoped3A_1556 : memref<!tpu.dma_semaphore, #tpu.memory_space<semaphore_mem>>) {add = true}
            %dma_wait3A_1562 = arith.constant 0 : i32
            %dma_wait3A_1563 = tpu.memref_slice %arg11[%while3A_1555, %dma_wait3A_1562] : memref<129x128xi32, #tpu.memory_space<vmem>> -> memref<1x128xi32, #tpu.memory_space<vmem>>
            %dma_wait3A_1564 = tpu.memref_squeeze %dma_wait3A_1563 : memref<1x128xi32, #tpu.memory_space<vmem>> -> memref<128xi32, #tpu.memory_space<vmem>>
            %dma_wait3A_1565 = arith.constant 0 : i32
            %dma_wait3A_1566 = tpu.memref_slice %arg15[%dma_wait3A_1565] : memref<524352xf32, #tpu.memory_space<vmem_shared>> -> memref<524352xf32, #tpu.memory_space<vmem_shared>>
            tpu.wait_indirect_dma semaphore(%run_scoped3A_1556 : memref<!tpu.dma_semaphore, #tpu.memory_space<semaphore_mem>>) src(%arg13 : memref<128xf32, #tpu.memory_space<vmem>>) dst(%dma_wait3A_1566 : memref<524352xf32, #tpu.memory_space<vmem_shared>>)
            tpu.yield
          }) : () -> ()
        }
      } else {
      }
      %add3A_1527 = arith.constant 8 : i32
      %add3A_1528 = arith.addi %scan3A_1522, %add3A_1527 : i32
      %eq3A_1529 = arith.cmpi eq, %arg1, %add3A_1528 : i32
      %convert_element_type3A_1530 = arith.extui %eq3A_1529 : i1 to i32
      %cond3A_1531 = arith.constant 0 : i32
      %cond3A_1532 = arith.cmpi ne, %convert_element_type3A_1530, %cond3A_1531 : i32
      scf.if %cond3A_1532 {
        %while3A_1545 = arith.constant 0 : i32
        %while3A_1546 = arith.constant 0 : i32
        %while3A_1547 = arith.subi %select_n3A_1176, %while3A_1546 : i32
        %while3A_1548 = arith.addi %while3A_1546, %while3A_1547 : i32
        %while3A_1549 = arith.constant 1 : i32
        %while3A_1550 = arith.divsi %while3A_1547, %while3A_1549 : i32
        %while3A_1551 = arith.muli %while3A_1550, %while3A_1549 : i32
        %while3A_1552 = arith.addi %while3A_1546, %while3A_1551 : i32
        %while3A_1553 = arith.constant 1 : i32
        scf.for %while3A_1555 = %while3A_1546 to %while3A_1552 step %while3A_1553  : i32 {
          "tpu.region"() ({
            %run_scoped3A_1556 = tpu.sem_alloc : memref<!tpu.dma_semaphore, #tpu.memory_space<semaphore_mem>>
            %dma_start3A_1557 = arith.constant 0 : i32
            %dma_start3A_1558 = tpu.memref_slice %arg12[%while3A_1555, %dma_start3A_1557] : memref<129x128xi32, #tpu.memory_space<vmem>> -> memref<1x128xi32, #tpu.memory_space<vmem>>
            %dma_start3A_1559 = tpu.memref_squeeze %dma_start3A_1558 : memref<1x128xi32, #tpu.memory_space<vmem>> -> memref<128xi32, #tpu.memory_space<vmem>>
            %dma_start3A_1560 = arith.constant 0 : i32
            %dma_start3A_1561 = tpu.memref_slice %arg15[%dma_start3A_1560] : memref<524352xf32, #tpu.memory_space<vmem_shared>> -> memref<524352xf32, #tpu.memory_space<vmem_shared>>
            tpu.enqueue_indirect_dma source(%arg13 : memref<128xf32, #tpu.memory_space<vmem>>) target(%dma_start3A_1561 : memref<524352xf32, #tpu.memory_space<vmem_shared>>) offsets(%dma_start3A_1559 : memref<128xi32, #tpu.memory_space<vmem>>) semaphore(%run_scoped3A_1556 : memref<!tpu.dma_semaphore, #tpu.memory_space<semaphore_mem>>) {add = true}
            %dma_wait3A_1562 = arith.constant 0 : i32
            %dma_wait3A_1563 = tpu.memref_slice %arg12[%while3A_1555, %dma_wait3A_1562] : memref<129x128xi32, #tpu.memory_space<vmem>> -> memref<1x128xi32, #tpu.memory_space<vmem>>
            %dma_wait3A_1564 = tpu.memref_squeeze %dma_wait3A_1563 : memref<1x128xi32, #tpu.memory_space<vmem>> -> memref<128xi32, #tpu.memory_space<vmem>>
            %dma_wait3A_1565 = arith.constant 0 : i32
            %dma_wait3A_1566 = tpu.memref_slice %arg15[%dma_wait3A_1565] : memref<524352xf32, #tpu.memory_space<vmem_shared>> -> memref<524352xf32, #tpu.memory_space<vmem_shared>>
            tpu.wait_indirect_dma semaphore(%run_scoped3A_1556 : memref<!tpu.dma_semaphore, #tpu.memory_space<semaphore_mem>>) src(%arg13 : memref<128xf32, #tpu.memory_space<vmem>>) dst(%dma_wait3A_1566 : memref<524352xf32, #tpu.memory_space<vmem_shared>>)
            tpu.yield
          }) : () -> ()
        }
        %while3A_1554 = arith.constant 1 : i32
        scf.for %while3A_1555 = %while3A_1552 to %while3A_1548 step %while3A_1554  : i32 {
          "tpu.region"() ({
            %run_scoped3A_1556 = tpu.sem_alloc : memref<!tpu.dma_semaphore, #tpu.memory_space<semaphore_mem>>
            %dma_start3A_1557 = arith.constant 0 : i32
            %dma_start3A_1558 = tpu.memref_slice %arg12[%while3A_1555, %dma_start3A_1557] : memref<129x128xi32, #tpu.memory_space<vmem>> -> memref<1x128xi32, #tpu.memory_space<vmem>>
            %dma_start3A_1559 = tpu.memref_squeeze %dma_start3A_1558 : memref<1x128xi32, #tpu.memory_space<vmem>> -> memref<128xi32, #tpu.memory_space<vmem>>
            %dma_start3A_1560 = arith.constant 0 : i32
            %dma_start3A_1561 = tpu.memref_slice %arg15[%dma_start3A_1560] : memref<524352xf32, #tpu.memory_space<vmem_shared>> -> memref<524352xf32, #tpu.memory_space<vmem_shared>>
            tpu.enqueue_indirect_dma source(%arg13 : memref<128xf32, #tpu.memory_space<vmem>>) target(%dma_start3A_1561 : memref<524352xf32, #tpu.memory_space<vmem_shared>>) offsets(%dma_start3A_1559 : memref<128xi32, #tpu.memory_space<vmem>>) semaphore(%run_scoped3A_1556 : memref<!tpu.dma_semaphore, #tpu.memory_space<semaphore_mem>>) {add = true}
            %dma_wait3A_1562 = arith.constant 0 : i32
            %dma_wait3A_1563 = tpu.memref_slice %arg12[%while3A_1555, %dma_wait3A_1562] : memref<129x128xi32, #tpu.memory_space<vmem>> -> memref<1x128xi32, #tpu.memory_space<vmem>>
            %dma_wait3A_1564 = tpu.memref_squeeze %dma_wait3A_1563 : memref<1x128xi32, #tpu.memory_space<vmem>> -> memref<128xi32, #tpu.memory_space<vmem>>
            %dma_wait3A_1565 = arith.constant 0 : i32
            %dma_wait3A_1566 = tpu.memref_slice %arg15[%dma_wait3A_1565] : memref<524352xf32, #tpu.memory_space<vmem_shared>> -> memref<524352xf32, #tpu.memory_space<vmem_shared>>
            tpu.wait_indirect_dma semaphore(%run_scoped3A_1556 : memref<!tpu.dma_semaphore, #tpu.memory_space<semaphore_mem>>) src(%arg13 : memref<128xf32, #tpu.memory_space<vmem>>) dst(%dma_wait3A_1566 : memref<524352xf32, #tpu.memory_space<vmem_shared>>)
            tpu.yield
          }) : () -> ()
        }
      } else {
      }
      %barrier3A_1533 = arith.constant 0 : index
      tpu.barrier barrier_id(%barrier3A_1533)
      %eq3A_1534 = arith.cmpi eq, %arg1, %scan3A_1522 : i32
      %convert_element_type3A_1535 = arith.extui %eq3A_1534 : i1 to i32
      %cond3A_1536 = arith.constant 0 : i32
      %cond3A_1537 = arith.cmpi ne, %convert_element_type3A_1535, %cond3A_1536 : i32
      scf.if %cond3A_1537 {
        %while3A_1545 = arith.constant 0 : i32
        %while3A_1546 = arith.constant 0 : i32
        %while3A_1547 = arith.subi %select_n3A_1176, %while3A_1546 : i32
        %while3A_1548 = arith.addi %while3A_1546, %while3A_1547 : i32
        %while3A_1549 = arith.constant 1 : i32
        %while3A_1550 = arith.divsi %while3A_1547, %while3A_1549 : i32
        %while3A_1551 = arith.muli %while3A_1550, %while3A_1549 : i32
        %while3A_1552 = arith.addi %while3A_1546, %while3A_1551 : i32
        %while3A_1553 = arith.constant 1 : i32
        scf.for %while3A_1555 = %while3A_1546 to %while3A_1552 step %while3A_1553  : i32 {
          "tpu.region"() ({
            %run_scoped3A_1556 = tpu.sem_alloc : memref<!tpu.dma_semaphore, #tpu.memory_space<semaphore_mem>>
            %dma_start3A_1557 = arith.constant 0 : i32
            %dma_start3A_1558 = tpu.memref_slice %arg12[%while3A_1555, %dma_start3A_1557] : memref<129x128xi32, #tpu.memory_space<vmem>> -> memref<1x128xi32, #tpu.memory_space<vmem>>
            %dma_start3A_1559 = tpu.memref_squeeze %dma_start3A_1558 : memref<1x128xi32, #tpu.memory_space<vmem>> -> memref<128xi32, #tpu.memory_space<vmem>>
            %dma_start3A_1560 = arith.constant 0 : i32
            %dma_start3A_1561 = tpu.memref_slice %arg15[%dma_start3A_1560] : memref<524352xf32, #tpu.memory_space<vmem_shared>> -> memref<524352xf32, #tpu.memory_space<vmem_shared>>
            tpu.enqueue_indirect_dma source(%arg13 : memref<128xf32, #tpu.memory_space<vmem>>) target(%dma_start3A_1561 : memref<524352xf32, #tpu.memory_space<vmem_shared>>) offsets(%dma_start3A_1559 : memref<128xi32, #tpu.memory_space<vmem>>) semaphore(%run_scoped3A_1556 : memref<!tpu.dma_semaphore, #tpu.memory_space<semaphore_mem>>) {add = true}
            %dma_wait3A_1562 = arith.constant 0 : i32
            %dma_wait3A_1563 = tpu.memref_slice %arg12[%while3A_1555, %dma_wait3A_1562] : memref<129x128xi32, #tpu.memory_space<vmem>> -> memref<1x128xi32, #tpu.memory_space<vmem>>
            %dma_wait3A_1564 = tpu.memref_squeeze %dma_wait3A_1563 : memref<1x128xi32, #tpu.memory_space<vmem>> -> memref<128xi32, #tpu.memory_space<vmem>>
            %dma_wait3A_1565 = arith.constant 0 : i32
            %dma_wait3A_1566 = tpu.memref_slice %arg15[%dma_wait3A_1565] : memref<524352xf32, #tpu.memory_space<vmem_shared>> -> memref<524352xf32, #tpu.memory_space<vmem_shared>>
            tpu.wait_indirect_dma semaphore(%run_scoped3A_1556 : memref<!tpu.dma_semaphore, #tpu.memory_space<semaphore_mem>>) src(%arg13 : memref<128xf32, #tpu.memory_space<vmem>>) dst(%dma_wait3A_1566 : memref<524352xf32, #tpu.memory_space<vmem_shared>>)
            tpu.yield
          }) : () -> ()
        }
        %while3A_1554 = arith.constant 1 : i32
        scf.for %while3A_1555 = %while3A_1552 to %while3A_1548 step %while3A_1554  : i32 {
          "tpu.region"() ({
            %run_scoped3A_1556 = tpu.sem_alloc : memref<!tpu.dma_semaphore, #tpu.memory_space<semaphore_mem>>
            %dma_start3A_1557 = arith.constant 0 : i32
            %dma_start3A_1558 = tpu.memref_slice %arg12[%while3A_1555, %dma_start3A_1557] : memref<129x128xi32, #tpu.memory_space<vmem>> -> memref<1x128xi32, #tpu.memory_space<vmem>>
            %dma_start3A_1559 = tpu.memref_squeeze %dma_start3A_1558 : memref<1x128xi32, #tpu.memory_space<vmem>> -> memref<128xi32, #tpu.memory_space<vmem>>
            %dma_start3A_1560 = arith.constant 0 : i32
            %dma_start3A_1561 = tpu.memref_slice %arg15[%dma_start3A_1560] : memref<524352xf32, #tpu.memory_space<vmem_shared>> -> memref<524352xf32, #tpu.memory_space<vmem_shared>>
            tpu.enqueue_indirect_dma source(%arg13 : memref<128xf32, #tpu.memory_space<vmem>>) target(%dma_start3A_1561 : memref<524352xf32, #tpu.memory_space<vmem_shared>>) offsets(%dma_start3A_1559 : memref<128xi32, #tpu.memory_space<vmem>>) semaphore(%run_scoped3A_1556 : memref<!tpu.dma_semaphore, #tpu.memory_space<semaphore_mem>>) {add = true}
            %dma_wait3A_1562 = arith.constant 0 : i32
            %dma_wait3A_1563 = tpu.memref_slice %arg12[%while3A_1555, %dma_wait3A_1562] : memref<129x128xi32, #tpu.memory_space<vmem>> -> memref<1x128xi32, #tpu.memory_space<vmem>>
            %dma_wait3A_1564 = tpu.memref_squeeze %dma_wait3A_1563 : memref<1x128xi32, #tpu.memory_space<vmem>> -> memref<128xi32, #tpu.memory_space<vmem>>
            %dma_wait3A_1565 = arith.constant 0 : i32
            %dma_wait3A_1566 = tpu.memref_slice %arg15[%dma_wait3A_1565] : memref<524352xf32, #tpu.memory_space<vmem_shared>> -> memref<524352xf32, #tpu.memory_space<vmem_shared>>
            tpu.wait_indirect_dma semaphore(%run_scoped3A_1556 : memref<!tpu.dma_semaphore, #tpu.memory_space<semaphore_mem>>) src(%arg13 : memref<128xf32, #tpu.memory_space<vmem>>) dst(%dma_wait3A_1566 : memref<524352xf32, #tpu.memory_space<vmem_shared>>)
            tpu.yield
          }) : () -> ()
        }
      } else {
      }
      %add3A_1538 = arith.constant 8 : i32
      %add3A_1539 = arith.addi %scan3A_1522, %add3A_1538 : i32
      %eq3A_1540 = arith.cmpi eq, %arg1, %add3A_1539 : i32
      %convert_element_type3A_1541 = arith.extui %eq3A_1540 : i1 to i32
      %cond3A_1542 = arith.constant 0 : i32
      %cond3A_1543 = arith.cmpi ne, %convert_element_type3A_1541, %cond3A_1542 : i32
      scf.if %cond3A_1543 {
        %while3A_1545 = arith.constant 0 : i32
        %while3A_1546 = arith.constant 0 : i32
        %while3A_1547 = arith.subi %select_n3A_1148, %while3A_1546 : i32
        %while3A_1548 = arith.addi %while3A_1546, %while3A_1547 : i32
        %while3A_1549 = arith.constant 1 : i32
        %while3A_1550 = arith.divsi %while3A_1547, %while3A_1549 : i32
        %while3A_1551 = arith.muli %while3A_1550, %while3A_1549 : i32
        %while3A_1552 = arith.addi %while3A_1546, %while3A_1551 : i32
        %while3A_1553 = arith.constant 1 : i32
        scf.for %while3A_1555 = %while3A_1546 to %while3A_1552 step %while3A_1553  : i32 {
          "tpu.region"() ({
            %run_scoped3A_1556 = tpu.sem_alloc : memref<!tpu.dma_semaphore, #tpu.memory_space<semaphore_mem>>
            %dma_start3A_1557 = arith.constant 0 : i32
            %dma_start3A_1558 = tpu.memref_slice %arg11[%while3A_1555, %dma_start3A_1557] : memref<129x128xi32, #tpu.memory_space<vmem>> -> memref<1x128xi32, #tpu.memory_space<vmem>>
            %dma_start3A_1559 = tpu.memref_squeeze %dma_start3A_1558 : memref<1x128xi32, #tpu.memory_space<vmem>> -> memref<128xi32, #tpu.memory_space<vmem>>
            %dma_start3A_1560 = arith.constant 0 : i32
            %dma_start3A_1561 = tpu.memref_slice %arg15[%dma_start3A_1560] : memref<524352xf32, #tpu.memory_space<vmem_shared>> -> memref<524352xf32, #tpu.memory_space<vmem_shared>>
            tpu.enqueue_indirect_dma source(%arg13 : memref<128xf32, #tpu.memory_space<vmem>>) target(%dma_start3A_1561 : memref<524352xf32, #tpu.memory_space<vmem_shared>>) offsets(%dma_start3A_1559 : memref<128xi32, #tpu.memory_space<vmem>>) semaphore(%run_scoped3A_1556 : memref<!tpu.dma_semaphore, #tpu.memory_space<semaphore_mem>>) {add = true}
            %dma_wait3A_1562 = arith.constant 0 : i32
            %dma_wait3A_1563 = tpu.memref_slice %arg11[%while3A_1555, %dma_wait3A_1562] : memref<129x128xi32, #tpu.memory_space<vmem>> -> memref<1x128xi32, #tpu.memory_space<vmem>>
            %dma_wait3A_1564 = tpu.memref_squeeze %dma_wait3A_1563 : memref<1x128xi32, #tpu.memory_space<vmem>> -> memref<128xi32, #tpu.memory_space<vmem>>
            %dma_wait3A_1565 = arith.constant 0 : i32
            %dma_wait3A_1566 = tpu.memref_slice %arg15[%dma_wait3A_1565] : memref<524352xf32, #tpu.memory_space<vmem_shared>> -> memref<524352xf32, #tpu.memory_space<vmem_shared>>
            tpu.wait_indirect_dma semaphore(%run_scoped3A_1556 : memref<!tpu.dma_semaphore, #tpu.memory_space<semaphore_mem>>) src(%arg13 : memref<128xf32, #tpu.memory_space<vmem>>) dst(%dma_wait3A_1566 : memref<524352xf32, #tpu.memory_space<vmem_shared>>)
            tpu.yield
          }) : () -> ()
        }
        %while3A_1554 = arith.constant 1 : i32
        scf.for %while3A_1555 = %while3A_1552 to %while3A_1548 step %while3A_1554  : i32 {
          "tpu.region"() ({
            %run_scoped3A_1556 = tpu.sem_alloc : memref<!tpu.dma_semaphore, #tpu.memory_space<semaphore_mem>>
            %dma_start3A_1557 = arith.constant 0 : i32
            %dma_start3A_1558 = tpu.memref_slice %arg11[%while3A_1555, %dma_start3A_1557] : memref<129x128xi32, #tpu.memory_space<vmem>> -> memref<1x128xi32, #tpu.memory_space<vmem>>
            %dma_start3A_1559 = tpu.memref_squeeze %dma_start3A_1558 : memref<1x128xi32, #tpu.memory_space<vmem>> -> memref<128xi32, #tpu.memory_space<vmem>>
            %dma_start3A_1560 = arith.constant 0 : i32
            %dma_start3A_1561 = tpu.memref_slice %arg15[%dma_start3A_1560] : memref<524352xf32, #tpu.memory_space<vmem_shared>> -> memref<524352xf32, #tpu.memory_space<vmem_shared>>
            tpu.enqueue_indirect_dma source(%arg13 : memref<128xf32, #tpu.memory_space<vmem>>) target(%dma_start3A_1561 : memref<524352xf32, #tpu.memory_space<vmem_shared>>) offsets(%dma_start3A_1559 : memref<128xi32, #tpu.memory_space<vmem>>) semaphore(%run_scoped3A_1556 : memref<!tpu.dma_semaphore, #tpu.memory_space<semaphore_mem>>) {add = true}
            %dma_wait3A_1562 = arith.constant 0 : i32
            %dma_wait3A_1563 = tpu.memref_slice %arg11[%while3A_1555, %dma_wait3A_1562] : memref<129x128xi32, #tpu.memory_space<vmem>> -> memref<1x128xi32, #tpu.memory_space<vmem>>
            %dma_wait3A_1564 = tpu.memref_squeeze %dma_wait3A_1563 : memref<1x128xi32, #tpu.memory_space<vmem>> -> memref<128xi32, #tpu.memory_space<vmem>>
            %dma_wait3A_1565 = arith.constant 0 : i32
            %dma_wait3A_1566 = tpu.memref_slice %arg15[%dma_wait3A_1565] : memref<524352xf32, #tpu.memory_space<vmem_shared>> -> memref<524352xf32, #tpu.memory_space<vmem_shared>>
            tpu.wait_indirect_dma semaphore(%run_scoped3A_1556 : memref<!tpu.dma_semaphore, #tpu.memory_space<semaphore_mem>>) src(%arg13 : memref<128xf32, #tpu.memory_space<vmem>>) dst(%dma_wait3A_1566 : memref<524352xf32, #tpu.memory_space<vmem_shared>>)
            tpu.yield
          }) : () -> ()
        }
      } else {
      }
      %barrier3A_1544 = arith.constant 0 : index
      tpu.barrier barrier_id(%barrier3A_1544)
    }
    %scan3A_1228 = arith.constant 8 : i32
    %barrier3A_1229 = arith.constant 0 : index
    tpu.barrier barrier_id(%barrier3A_1229)
    %scan3A_1230 = arith.constant 0 : i32
    %scan3A_1231 = arith.constant 0 : i32
    %scan3A_1232 = arith.constant 16 : i32
    %scan3A_1233 = arith.addi %scan3A_1231, %scan3A_1232 : i32
    %scan3A_1234 = arith.constant 1 : i32
    scf.for %scan3A_1522 = %scan3A_1231 to %scan3A_1233 step %scan3A_1234  : i32 {
      %mul3A_1523 = arith.constant 16 : i32
      %mul3A_1524 = arith.muli %scan3A_1522, %mul3A_1523 : i32
      %add3A_1525 = arith.addi %mul3A_1524, %arg1 : i32
      %mul3A_1526 = arith.constant 2048 : i32
      %mul3A_1527 = arith.muli %add3A_1525, %mul3A_1526 : i32
      %mul3A_1528 = arith.constant 8 : i32
      %mul3A_1529 = arith.muli %mul3A_1528, %add3A_1525 : i32
      %add3A_1530 = arith.addi %mul3A_1529, %add3A_967 : i32
      %dma_start3A_1531 = arith.constant 0 : i32
      %dma_start3A_1532 = tpu.memref_slice %arg4[%add3A_1530, %dma_start3A_1531] : memref<2048x2048xf32, #tpu.memory_space<hbm>> -> memref<1x2048xf32, #tpu.memory_space<hbm>>
      %dma_start3A_1533 = tpu.memref_squeeze %dma_start3A_1532 : memref<1x2048xf32, #tpu.memory_space<hbm>> -> memref<2048xf32, #tpu.memory_space<hbm>>
      %dma_start3A_1534 = tpu.memref_slice %arg15[%mul3A_1527] : memref<524352xf32, #tpu.memory_space<vmem_shared>> -> memref<2048xf32, #tpu.memory_space<vmem_shared>>
      tpu.enqueue_dma source(%dma_start3A_1534 : memref<2048xf32, #tpu.memory_space<vmem_shared>>) target(%dma_start3A_1533 : memref<2048xf32, #tpu.memory_space<hbm>>) target_semaphore(%arg17 : memref<!tpu.dma_semaphore, #tpu.memory_space<semaphore_mem>>)
    }
    %scan3A_1235 = arith.constant 16 : i32
    %scan3A_1236 = arith.constant 0 : i32
    %scan3A_1237 = arith.constant 0 : i32
    %scan3A_1238 = arith.constant 16 : i32
    %scan3A_1239 = arith.addi %scan3A_1237, %scan3A_1238 : i32
    %scan3A_1240 = arith.constant 1 : i32
    scf.for %scan3A_1522 = %scan3A_1237 to %scan3A_1239 step %scan3A_1240  : i32 {
      %mul3A_1523 = arith.constant 16 : i32
      %mul3A_1524 = arith.muli %scan3A_1522, %mul3A_1523 : i32
      %add3A_1525 = arith.addi %mul3A_1524, %arg1 : i32
      %mul3A_1526 = arith.constant 2048 : i32
      %mul3A_1527 = arith.muli %add3A_1525, %mul3A_1526 : i32
      %mul3A_1528 = arith.constant 8 : i32
      %mul3A_1529 = arith.muli %mul3A_1528, %add3A_1525 : i32
      %add3A_1530 = arith.addi %mul3A_1529, %add3A_967 : i32
      %dma_wait3A_1531 = arith.constant 0 : i32
      %dma_wait3A_1532 = tpu.memref_slice %arg4[%add3A_1530, %dma_wait3A_1531] : memref<2048x2048xf32, #tpu.memory_space<hbm>> -> memref<1x2048xf32, #tpu.memory_space<hbm>>
      %dma_wait3A_1533 = tpu.memref_squeeze %dma_wait3A_1532 : memref<1x2048xf32, #tpu.memory_space<hbm>> -> memref<2048xf32, #tpu.memory_space<hbm>>
      %dma_wait3A_1534 = tpu.memref_slice %arg15[%mul3A_1527] : memref<524352xf32, #tpu.memory_space<vmem_shared>> -> memref<2048xf32, #tpu.memory_space<vmem_shared>>
      tpu.wait_dma2 semaphore(%arg17 : memref<!tpu.dma_semaphore, #tpu.memory_space<semaphore_mem>>) src(%dma_wait3A_1534 : memref<2048xf32, #tpu.memory_space<vmem_shared>>) dst(%dma_wait3A_1533 : memref<2048xf32, #tpu.memory_space<hbm>>)
    }
    %scan3A_1241 = arith.constant 16 : i32
    %barrier3A_1242 = arith.constant 0 : index
    tpu.barrier barrier_id(%barrier3A_1242)
    %mul3A_1243 = arith.constant 4 : i32
    %mul3A_1244 = arith.muli %arg0, %mul3A_1243 : i32
    %add3A_1245 = arith.constant 3 : i32
    %add3A_1246 = arith.addi %mul3A_1244, %add3A_1245 : i32
    %mul3A_1247 = arith.constant 32768 : i32
    %mul3A_1248 = arith.muli %arg1, %mul3A_1247 : i32
    %add3A_1249 = arith.constant 0 : i32
    %add3A_1250 = arith.addi %mul3A_1248, %add3A_1249 : i32
    %dma_start3A_1251 = arith.constant 0 : i32
    %dma_start3A_1252 = tpu.memref_slice %arg14[%dma_start3A_1251] : memref<8192xf32, #tpu.memory_space<vmem>> -> memref<8192xf32, #tpu.memory_space<vmem>>
    %dma_start3A_1253 = tpu.memref_slice %arg15[%add3A_1250] : memref<524352xf32, #tpu.memory_space<vmem_shared>> -> memref<8192xf32, #tpu.memory_space<vmem_shared>>
    %dma_start3A_1254 = tpu.memref_slice %arg15[%add3A_1250] : memref<524352xf32, #tpu.memory_space<vmem_shared>> -> memref<8192xf32, #tpu.memory_space<vmem_shared>>
    %dma_start3A_1255 = arith.constant 0 : i32
    %dma_start3A_1256 = tpu.memref_slice %arg14[%dma_start3A_1255] : memref<8192xf32, #tpu.memory_space<vmem>> -> memref<8192xf32, #tpu.memory_space<vmem>>
    tpu.enqueue_dma source(%dma_start3A_1256 : memref<8192xf32, #tpu.memory_space<vmem>>) target(%dma_start3A_1254 : memref<8192xf32, #tpu.memory_space<vmem_shared>>) target_semaphore(%arg17 : memref<!tpu.dma_semaphore, #tpu.memory_space<semaphore_mem>>)
    %mul3A_1257 = arith.constant 32768 : i32
    %mul3A_1258 = arith.muli %arg1, %mul3A_1257 : i32
    %add3A_1259 = arith.constant 8192 : i32
    %add3A_1260 = arith.addi %mul3A_1258, %add3A_1259 : i32
    %dma_start3A_1261 = arith.constant 0 : i32
    %dma_start3A_1262 = tpu.memref_slice %arg14[%dma_start3A_1261] : memref<8192xf32, #tpu.memory_space<vmem>> -> memref<8192xf32, #tpu.memory_space<vmem>>
    %dma_start3A_1263 = tpu.memref_slice %arg15[%add3A_1260] : memref<524352xf32, #tpu.memory_space<vmem_shared>> -> memref<8192xf32, #tpu.memory_space<vmem_shared>>
    %dma_start3A_1264 = tpu.memref_slice %arg15[%add3A_1260] : memref<524352xf32, #tpu.memory_space<vmem_shared>> -> memref<8192xf32, #tpu.memory_space<vmem_shared>>
    %dma_start3A_1265 = arith.constant 0 : i32
    %dma_start3A_1266 = tpu.memref_slice %arg14[%dma_start3A_1265] : memref<8192xf32, #tpu.memory_space<vmem>> -> memref<8192xf32, #tpu.memory_space<vmem>>
    tpu.enqueue_dma source(%dma_start3A_1266 : memref<8192xf32, #tpu.memory_space<vmem>>) target(%dma_start3A_1264 : memref<8192xf32, #tpu.memory_space<vmem_shared>>) target_semaphore(%arg17 : memref<!tpu.dma_semaphore, #tpu.memory_space<semaphore_mem>>)
    %mul3A_1267 = arith.constant 32768 : i32
    %mul3A_1268 = arith.muli %arg1, %mul3A_1267 : i32
    %add3A_1269 = arith.constant 16384 : i32
    %add3A_1270 = arith.addi %mul3A_1268, %add3A_1269 : i32
    %dma_start3A_1271 = arith.constant 0 : i32
    %dma_start3A_1272 = tpu.memref_slice %arg14[%dma_start3A_1271] : memref<8192xf32, #tpu.memory_space<vmem>> -> memref<8192xf32, #tpu.memory_space<vmem>>
    %dma_start3A_1273 = tpu.memref_slice %arg15[%add3A_1270] : memref<524352xf32, #tpu.memory_space<vmem_shared>> -> memref<8192xf32, #tpu.memory_space<vmem_shared>>
    %dma_start3A_1274 = tpu.memref_slice %arg15[%add3A_1270] : memref<524352xf32, #tpu.memory_space<vmem_shared>> -> memref<8192xf32, #tpu.memory_space<vmem_shared>>
    %dma_start3A_1275 = arith.constant 0 : i32
    %dma_start3A_1276 = tpu.memref_slice %arg14[%dma_start3A_1275] : memref<8192xf32, #tpu.memory_space<vmem>> -> memref<8192xf32, #tpu.memory_space<vmem>>
    tpu.enqueue_dma source(%dma_start3A_1276 : memref<8192xf32, #tpu.memory_space<vmem>>) target(%dma_start3A_1274 : memref<8192xf32, #tpu.memory_space<vmem_shared>>) target_semaphore(%arg17 : memref<!tpu.dma_semaphore, #tpu.memory_space<semaphore_mem>>)
    %mul3A_1277 = arith.constant 32768 : i32
    %mul3A_1278 = arith.muli %arg1, %mul3A_1277 : i32
    %add3A_1279 = arith.constant 24576 : i32
    %add3A_1280 = arith.addi %mul3A_1278, %add3A_1279 : i32
    %dma_start3A_1281 = arith.constant 0 : i32
    %dma_start3A_1282 = tpu.memref_slice %arg14[%dma_start3A_1281] : memref<8192xf32, #tpu.memory_space<vmem>> -> memref<8192xf32, #tpu.memory_space<vmem>>
    %dma_start3A_1283 = tpu.memref_slice %arg15[%add3A_1280] : memref<524352xf32, #tpu.memory_space<vmem_shared>> -> memref<8192xf32, #tpu.memory_space<vmem_shared>>
    %dma_start3A_1284 = tpu.memref_slice %arg15[%add3A_1280] : memref<524352xf32, #tpu.memory_space<vmem_shared>> -> memref<8192xf32, #tpu.memory_space<vmem_shared>>
    %dma_start3A_1285 = arith.constant 0 : i32
    %dma_start3A_1286 = tpu.memref_slice %arg14[%dma_start3A_1285] : memref<8192xf32, #tpu.memory_space<vmem>> -> memref<8192xf32, #tpu.memory_space<vmem>>
    tpu.enqueue_dma source(%dma_start3A_1286 : memref<8192xf32, #tpu.memory_space<vmem>>) target(%dma_start3A_1284 : memref<8192xf32, #tpu.memory_space<vmem_shared>>) target_semaphore(%arg17 : memref<!tpu.dma_semaphore, #tpu.memory_space<semaphore_mem>>)
    %eq3A_1287 = arith.constant 0 : i32
    %eq3A_1288 = arith.cmpi eq, %arg1, %eq3A_1287 : i32
    %convert_element_type3A_1289 = arith.extui %eq3A_1288 : i1 to i32
    %cond3A_1290 = arith.constant 0 : i32
    %cond3A_1291 = arith.cmpi ne, %convert_element_type3A_1289, %cond3A_1290 : i32
    scf.if %cond3A_1291 {
      %dma_start3A_1522 = arith.constant 0 : i32
      %dma_start3A_1523 = tpu.memref_slice %arg14[%dma_start3A_1522] : memref<8192xf32, #tpu.memory_space<vmem>> -> memref<64xf32, #tpu.memory_space<vmem>>
      %dma_start3A_1524 = arith.constant 524288 : i32
      %dma_start3A_1525 = tpu.memref_slice %arg15[%dma_start3A_1524] : memref<524352xf32, #tpu.memory_space<vmem_shared>> -> memref<64xf32, #tpu.memory_space<vmem_shared>>
      %dma_start3A_1526 = arith.constant 524288 : i32
      %dma_start3A_1527 = tpu.memref_slice %arg15[%dma_start3A_1526] : memref<524352xf32, #tpu.memory_space<vmem_shared>> -> memref<64xf32, #tpu.memory_space<vmem_shared>>
      %dma_start3A_1528 = arith.constant 0 : i32
      %dma_start3A_1529 = tpu.memref_slice %arg14[%dma_start3A_1528] : memref<8192xf32, #tpu.memory_space<vmem>> -> memref<64xf32, #tpu.memory_space<vmem>>
      tpu.enqueue_dma source(%dma_start3A_1529 : memref<64xf32, #tpu.memory_space<vmem>>) target(%dma_start3A_1527 : memref<64xf32, #tpu.memory_space<vmem_shared>>) target_semaphore(%arg17 : memref<!tpu.dma_semaphore, #tpu.memory_space<semaphore_mem>>)
    } else {
    }
    %broadcast_in_dim3A_1292 = vector.broadcast %add3A_1246 : i32 to vector<16xi32>
    %while3A_1293 = arith.constant 0 : i32
    %while3A_1294 = arith.subi %select_n3A_411, %while3A_1293 : i32
    %while3A_1295 = arith.addi %while3A_1293, %while3A_1294 : i32
    %while3A_1296 = arith.constant 1 : i32
    %while3A_1297 = arith.divsi %while3A_1294, %while3A_1296 : i32
    %while3A_1298 = arith.muli %while3A_1297, %while3A_1296 : i32
    %while3A_1299 = arith.addi %while3A_1293, %while3A_1298 : i32
    %while3A_1300 = arith.constant 1 : i32
    %while3A_1301:2 = scf.for %while3A_1522 = %while3A_1293 to %while3A_1299 step %while3A_1300 iter_args(%while3A_1523 = %broadcast_in_dim3A_45, %while3A_1524 = %broadcast_in_dim3A_45) -> (vector<16xi32>, vector<16xi32>)  : i32 {
      %mul3A_1525 = arith.constant 16 : i32
      %mul3A_1526 = arith.muli %while3A_1522, %mul3A_1525 : i32
      %get3A_1527 = arith.index_cast %mul3A_1526 : i32 to index
      %get3A_1528 = tpu.vector_load %arg7[%get3A_1527] {strides = array<i32>} : memref<16400xi32, #tpu.memory_space<vmem>>, vector<16xi32>,
      %shift_right_logical3A_1529 = arith.shrui %get3A_1528, %broadcast_in_dim3A_357 : vector<16xi32>
      %and3A_1530 = arith.andi %get3A_1528, %broadcast_in_dim3A_359 : vector<16xi32>
      %shift_right_logical3A_1531 = arith.shrui %shift_right_logical3A_1529, %broadcast_in_dim3A_365 : vector<16xi32>
      %and3A_1532 = arith.andi %shift_right_logical3A_1529, %broadcast_in_dim3A_367 : vector<16xi32>
      %eq3A_1533 = arith.cmpi eq, %and3A_1532, %broadcast_in_dim3A_1292 : vector<16xi32>
      %lt3A = arith.cmpi slt, %shift_right_logical3A_1531, %broadcast_in_dim3A_369 : vector<16xi32>
      %and3A_1534 = arith.andi %eq3A_1533, %lt3A : vector<16xi1>
      %shift_left3A = arith.shli %shift_right_logical3A_1531, %broadcast_in_dim3A_357 : vector<16xi32>
      %or3A = arith.ori %shift_left3A, %and3A_1530 : vector<16xi32>
      %and3A_1535 = arith.andi %or3A, %broadcast_in_dim3A_43 : vector<16xi32>
      %eq3A_1536 = arith.cmpi eq, %and3A_1535, %broadcast_in_dim3A_45 : vector<16xi32>
      %and3A_1537 = arith.andi %and3A_1534, %eq3A_1536 : vector<16xi1>
      %eq3A_1538 = arith.cmpi eq, %and3A_1535, %broadcast_in_dim3A_43 : vector<16xi32>
      %and3A_1539 = arith.andi %and3A_1534, %eq3A_1538 : vector<16xi1>
      %select_n3A_1540 = arith.select %and3A_1537, %broadcast_in_dim3A_43, %broadcast_in_dim3A_45 : vector<16xi1>, vector<16xi32>
      %broadcast_in_dim3A_1541 = vector.shape_cast %max3A : vector<16xi32> to vector<16x1xi32>
      %gather3A_1542 = vector.shape_cast %broadcast_in_dim3A_1541 : vector<16x1xi32> to vector<16xi32>
      %gather3A_1543 = tpu.dynamic_gather %select_n3A_1540[%gather3A_1542] in [0] : vector<16xi32>, vector<16xi32> -> vector<16xi32>
      %select_n3A_1544 = arith.select %ge3A, %gather3A_1543, %broadcast_in_dim3A_45 : vector<16xi1>, vector<16xi32>
      %add3A_1545 = arith.addi %select_n3A_1540, %select_n3A_1544 : vector<16xi32>
      %broadcast_in_dim3A_1546 = vector.shape_cast %max3A_334 : vector<16xi32> to vector<16x1xi32>
      %gather3A_1547 = vector.shape_cast %broadcast_in_dim3A_1546 : vector<16x1xi32> to vector<16xi32>
      %gather3A_1548 = tpu.dynamic_gather %add3A_1545[%gather3A_1547] in [0] : vector<16xi32>, vector<16xi32> -> vector<16xi32>
      %select_n3A_1549 = arith.select %ge3A_347, %gather3A_1548, %broadcast_in_dim3A_45 : vector<16xi1>, vector<16xi32>
      %add3A_1550 = arith.addi %add3A_1545, %select_n3A_1549 : vector<16xi32>
      %broadcast_in_dim3A_1551 = vector.shape_cast %max3A_338 : vector<16xi32> to vector<16x1xi32>
      %gather3A_1552 = vector.shape_cast %broadcast_in_dim3A_1551 : vector<16x1xi32> to vector<16xi32>
      %gather3A_1553 = tpu.dynamic_gather %add3A_1550[%gather3A_1552] in [0] : vector<16xi32>, vector<16xi32> -> vector<16xi32>
      %select_n3A_1554 = arith.select %ge3A_350, %gather3A_1553, %broadcast_in_dim3A_45 : vector<16xi1>, vector<16xi32>
      %add3A_1555 = arith.addi %add3A_1550, %select_n3A_1554 : vector<16xi32>
      %broadcast_in_dim3A_1556 = vector.shape_cast %max3A_342 : vector<16xi32> to vector<16x1xi32>
      %gather3A_1557 = vector.shape_cast %broadcast_in_dim3A_1556 : vector<16x1xi32> to vector<16xi32>
      %gather3A_1558 = tpu.dynamic_gather %add3A_1555[%gather3A_1557] in [0] : vector<16xi32>, vector<16xi32> -> vector<16xi32>
      %select_n3A_1559 = arith.select %ge3A_353, %gather3A_1558, %broadcast_in_dim3A_45 : vector<16xi1>, vector<16xi32>
      %add3A_1560 = arith.addi %add3A_1555, %select_n3A_1559 : vector<16xi32>
      %add3A_1561 = arith.addi %while3A_1523, %add3A_1560 : vector<16xi32>
      %sub3A_1562 = arith.subi %add3A_1561, %select_n3A_1540 : vector<16xi32>
      %shift_right_logical3A_1563 = arith.shrui %sub3A_1562, %broadcast_in_dim3A_361 : vector<16xi32>
      %and3A_1564 = arith.andi %sub3A_1562, %broadcast_in_dim3A_363 : vector<16xi32>
      tpu.vector_store_idx %arg11[%shift_right_logical3A_1563, %and3A_1564], %or3A masked %and3A_1537 : memref<129x128xi32, #tpu.memory_space<vmem>>[vector<16xi32>, vector<16xi32>], vector<16xi32>, vector<16xi1>
      %select_n3A_1565 = arith.select %and3A_1539, %broadcast_in_dim3A_43, %broadcast_in_dim3A_45 : vector<16xi1>, vector<16xi32>
      %broadcast_in_dim3A_1566 = vector.shape_cast %max3A : vector<16xi32> to vector<16x1xi32>
      %gather3A_1567 = vector.shape_cast %broadcast_in_dim3A_1566 : vector<16x1xi32> to vector<16xi32>
      %gather3A_1568 = tpu.dynamic_gather %select_n3A_1565[%gather3A_1567] in [0] : vector<16xi32>, vector<16xi32> -> vector<16xi32>
      %select_n3A_1569 = arith.select %ge3A, %gather3A_1568, %broadcast_in_dim3A_45 : vector<16xi1>, vector<16xi32>
      %add3A_1570 = arith.addi %select_n3A_1565, %select_n3A_1569 : vector<16xi32>
      %broadcast_in_dim3A_1571 = vector.shape_cast %max3A_334 : vector<16xi32> to vector<16x1xi32>
      %gather3A_1572 = vector.shape_cast %broadcast_in_dim3A_1571 : vector<16x1xi32> to vector<16xi32>
      %gather3A_1573 = tpu.dynamic_gather %add3A_1570[%gather3A_1572] in [0] : vector<16xi32>, vector<16xi32> -> vector<16xi32>
      %select_n3A_1574 = arith.select %ge3A_347, %gather3A_1573, %broadcast_in_dim3A_45 : vector<16xi1>, vector<16xi32>
      %add3A_1575 = arith.addi %add3A_1570, %select_n3A_1574 : vector<16xi32>
      %broadcast_in_dim3A_1576 = vector.shape_cast %max3A_338 : vector<16xi32> to vector<16x1xi32>
      %gather3A_1577 = vector.shape_cast %broadcast_in_dim3A_1576 : vector<16x1xi32> to vector<16xi32>
      %gather3A_1578 = tpu.dynamic_gather %add3A_1575[%gather3A_1577] in [0] : vector<16xi32>, vector<16xi32> -> vector<16xi32>
      %select_n3A_1579 = arith.select %ge3A_350, %gather3A_1578, %broadcast_in_dim3A_45 : vector<16xi1>, vector<16xi32>
      %add3A_1580 = arith.addi %add3A_1575, %select_n3A_1579 : vector<16xi32>
      %broadcast_in_dim3A_1581 = vector.shape_cast %max3A_342 : vector<16xi32> to vector<16x1xi32>
      %gather3A_1582 = vector.shape_cast %broadcast_in_dim3A_1581 : vector<16x1xi32> to vector<16xi32>
      %gather3A_1583 = tpu.dynamic_gather %add3A_1580[%gather3A_1582] in [0] : vector<16xi32>, vector<16xi32> -> vector<16xi32>
      %select_n3A_1584 = arith.select %ge3A_353, %gather3A_1583, %broadcast_in_dim3A_45 : vector<16xi1>, vector<16xi32>
      %add3A_1585 = arith.addi %add3A_1580, %select_n3A_1584 : vector<16xi32>
      %add3A_1586 = arith.addi %while3A_1524, %add3A_1585 : vector<16xi32>
      %sub3A_1587 = arith.subi %add3A_1586, %select_n3A_1565 : vector<16xi32>
      %shift_right_logical3A_1588 = arith.shrui %sub3A_1587, %broadcast_in_dim3A_361 : vector<16xi32>
      %and3A_1589 = arith.andi %sub3A_1587, %broadcast_in_dim3A_363 : vector<16xi32>
      tpu.vector_store_idx %arg12[%shift_right_logical3A_1588, %and3A_1589], %or3A masked %and3A_1539 : memref<129x128xi32, #tpu.memory_space<vmem>>[vector<16xi32>, vector<16xi32>], vector<16xi32>, vector<16xi1>
      %all_reduce_population_count3A = tpu.all_reduce %and3A_1537 {dim = 0 : i64, kind = #tpu.reduction_kind<sum>} : vector<16xi1> -> vector<16xi32>
      %add3A_1590 = arith.addi %while3A_1523, %all_reduce_population_count3A : vector<16xi32>
      %all_reduce_population_count3A_1591 = tpu.all_reduce %and3A_1539 {dim = 0 : i64, kind = #tpu.reduction_kind<sum>} : vector<16xi1> -> vector<16xi32>
      %add3A_1592 = arith.addi %while3A_1524, %all_reduce_population_count3A_1591 : vector<16xi32>
      scf.yield %add3A_1590, %add3A_1592 : vector<16xi32>, vector<16xi32>
    }
    %while3A_1302 = arith.constant 1 : i32
    %while3A_1303:2 = scf.for %while3A_1522 = %while3A_1299 to %while3A_1295 step %while3A_1302 iter_args(%while3A_1523 = %while3A_1301#0, %while3A_1524 = %while3A_1301#1) -> (vector<16xi32>, vector<16xi32>)  : i32 {
      %mul3A_1525 = arith.constant 16 : i32
      %mul3A_1526 = arith.muli %while3A_1522, %mul3A_1525 : i32
      %get3A_1527 = arith.index_cast %mul3A_1526 : i32 to index
      %get3A_1528 = tpu.vector_load %arg7[%get3A_1527] {strides = array<i32>} : memref<16400xi32, #tpu.memory_space<vmem>>, vector<16xi32>,
      %shift_right_logical3A_1529 = arith.shrui %get3A_1528, %broadcast_in_dim3A_357 : vector<16xi32>
      %and3A_1530 = arith.andi %get3A_1528, %broadcast_in_dim3A_359 : vector<16xi32>
      %shift_right_logical3A_1531 = arith.shrui %shift_right_logical3A_1529, %broadcast_in_dim3A_365 : vector<16xi32>
      %and3A_1532 = arith.andi %shift_right_logical3A_1529, %broadcast_in_dim3A_367 : vector<16xi32>
      %eq3A_1533 = arith.cmpi eq, %and3A_1532, %broadcast_in_dim3A_1292 : vector<16xi32>
      %lt3A = arith.cmpi slt, %shift_right_logical3A_1531, %broadcast_in_dim3A_369 : vector<16xi32>
      %and3A_1534 = arith.andi %eq3A_1533, %lt3A : vector<16xi1>
      %shift_left3A = arith.shli %shift_right_logical3A_1531, %broadcast_in_dim3A_357 : vector<16xi32>
      %or3A = arith.ori %shift_left3A, %and3A_1530 : vector<16xi32>
      %and3A_1535 = arith.andi %or3A, %broadcast_in_dim3A_43 : vector<16xi32>
      %eq3A_1536 = arith.cmpi eq, %and3A_1535, %broadcast_in_dim3A_45 : vector<16xi32>
      %and3A_1537 = arith.andi %and3A_1534, %eq3A_1536 : vector<16xi1>
      %eq3A_1538 = arith.cmpi eq, %and3A_1535, %broadcast_in_dim3A_43 : vector<16xi32>
      %and3A_1539 = arith.andi %and3A_1534, %eq3A_1538 : vector<16xi1>
      %select_n3A_1540 = arith.select %and3A_1537, %broadcast_in_dim3A_43, %broadcast_in_dim3A_45 : vector<16xi1>, vector<16xi32>
      %broadcast_in_dim3A_1541 = vector.shape_cast %max3A : vector<16xi32> to vector<16x1xi32>
      %gather3A_1542 = vector.shape_cast %broadcast_in_dim3A_1541 : vector<16x1xi32> to vector<16xi32>
      %gather3A_1543 = tpu.dynamic_gather %select_n3A_1540[%gather3A_1542] in [0] : vector<16xi32>, vector<16xi32> -> vector<16xi32>
      %select_n3A_1544 = arith.select %ge3A, %gather3A_1543, %broadcast_in_dim3A_45 : vector<16xi1>, vector<16xi32>
      %add3A_1545 = arith.addi %select_n3A_1540, %select_n3A_1544 : vector<16xi32>
      %broadcast_in_dim3A_1546 = vector.shape_cast %max3A_334 : vector<16xi32> to vector<16x1xi32>
      %gather3A_1547 = vector.shape_cast %broadcast_in_dim3A_1546 : vector<16x1xi32> to vector<16xi32>
      %gather3A_1548 = tpu.dynamic_gather %add3A_1545[%gather3A_1547] in [0] : vector<16xi32>, vector<16xi32> -> vector<16xi32>
      %select_n3A_1549 = arith.select %ge3A_347, %gather3A_1548, %broadcast_in_dim3A_45 : vector<16xi1>, vector<16xi32>
      %add3A_1550 = arith.addi %add3A_1545, %select_n3A_1549 : vector<16xi32>
      %broadcast_in_dim3A_1551 = vector.shape_cast %max3A_338 : vector<16xi32> to vector<16x1xi32>
      %gather3A_1552 = vector.shape_cast %broadcast_in_dim3A_1551 : vector<16x1xi32> to vector<16xi32>
      %gather3A_1553 = tpu.dynamic_gather %add3A_1550[%gather3A_1552] in [0] : vector<16xi32>, vector<16xi32> -> vector<16xi32>
      %select_n3A_1554 = arith.select %ge3A_350, %gather3A_1553, %broadcast_in_dim3A_45 : vector<16xi1>, vector<16xi32>
      %add3A_1555 = arith.addi %add3A_1550, %select_n3A_1554 : vector<16xi32>
      %broadcast_in_dim3A_1556 = vector.shape_cast %max3A_342 : vector<16xi32> to vector<16x1xi32>
      %gather3A_1557 = vector.shape_cast %broadcast_in_dim3A_1556 : vector<16x1xi32> to vector<16xi32>
      %gather3A_1558 = tpu.dynamic_gather %add3A_1555[%gather3A_1557] in [0] : vector<16xi32>, vector<16xi32> -> vector<16xi32>
      %select_n3A_1559 = arith.select %ge3A_353, %gather3A_1558, %broadcast_in_dim3A_45 : vector<16xi1>, vector<16xi32>
      %add3A_1560 = arith.addi %add3A_1555, %select_n3A_1559 : vector<16xi32>
      %add3A_1561 = arith.addi %while3A_1523, %add3A_1560 : vector<16xi32>
      %sub3A_1562 = arith.subi %add3A_1561, %select_n3A_1540 : vector<16xi32>
      %shift_right_logical3A_1563 = arith.shrui %sub3A_1562, %broadcast_in_dim3A_361 : vector<16xi32>
      %and3A_1564 = arith.andi %sub3A_1562, %broadcast_in_dim3A_363 : vector<16xi32>
      tpu.vector_store_idx %arg11[%shift_right_logical3A_1563, %and3A_1564], %or3A masked %and3A_1537 : memref<129x128xi32, #tpu.memory_space<vmem>>[vector<16xi32>, vector<16xi32>], vector<16xi32>, vector<16xi1>
      %select_n3A_1565 = arith.select %and3A_1539, %broadcast_in_dim3A_43, %broadcast_in_dim3A_45 : vector<16xi1>, vector<16xi32>
      %broadcast_in_dim3A_1566 = vector.shape_cast %max3A : vector<16xi32> to vector<16x1xi32>
      %gather3A_1567 = vector.shape_cast %broadcast_in_dim3A_1566 : vector<16x1xi32> to vector<16xi32>
      %gather3A_1568 = tpu.dynamic_gather %select_n3A_1565[%gather3A_1567] in [0] : vector<16xi32>, vector<16xi32> -> vector<16xi32>
      %select_n3A_1569 = arith.select %ge3A, %gather3A_1568, %broadcast_in_dim3A_45 : vector<16xi1>, vector<16xi32>
      %add3A_1570 = arith.addi %select_n3A_1565, %select_n3A_1569 : vector<16xi32>
      %broadcast_in_dim3A_1571 = vector.shape_cast %max3A_334 : vector<16xi32> to vector<16x1xi32>
      %gather3A_1572 = vector.shape_cast %broadcast_in_dim3A_1571 : vector<16x1xi32> to vector<16xi32>
      %gather3A_1573 = tpu.dynamic_gather %add3A_1570[%gather3A_1572] in [0] : vector<16xi32>, vector<16xi32> -> vector<16xi32>
      %select_n3A_1574 = arith.select %ge3A_347, %gather3A_1573, %broadcast_in_dim3A_45 : vector<16xi1>, vector<16xi32>
      %add3A_1575 = arith.addi %add3A_1570, %select_n3A_1574 : vector<16xi32>
      %broadcast_in_dim3A_1576 = vector.shape_cast %max3A_338 : vector<16xi32> to vector<16x1xi32>
      %gather3A_1577 = vector.shape_cast %broadcast_in_dim3A_1576 : vector<16x1xi32> to vector<16xi32>
      %gather3A_1578 = tpu.dynamic_gather %add3A_1575[%gather3A_1577] in [0] : vector<16xi32>, vector<16xi32> -> vector<16xi32>
      %select_n3A_1579 = arith.select %ge3A_350, %gather3A_1578, %broadcast_in_dim3A_45 : vector<16xi1>, vector<16xi32>
      %add3A_1580 = arith.addi %add3A_1575, %select_n3A_1579 : vector<16xi32>
      %broadcast_in_dim3A_1581 = vector.shape_cast %max3A_342 : vector<16xi32> to vector<16x1xi32>
      %gather3A_1582 = vector.shape_cast %broadcast_in_dim3A_1581 : vector<16x1xi32> to vector<16xi32>
      %gather3A_1583 = tpu.dynamic_gather %add3A_1580[%gather3A_1582] in [0] : vector<16xi32>, vector<16xi32> -> vector<16xi32>
      %select_n3A_1584 = arith.select %ge3A_353, %gather3A_1583, %broadcast_in_dim3A_45 : vector<16xi1>, vector<16xi32>
      %add3A_1585 = arith.addi %add3A_1580, %select_n3A_1584 : vector<16xi32>
      %add3A_1586 = arith.addi %while3A_1524, %add3A_1585 : vector<16xi32>
      %sub3A_1587 = arith.subi %add3A_1586, %select_n3A_1565 : vector<16xi32>
      %shift_right_logical3A_1588 = arith.shrui %sub3A_1587, %broadcast_in_dim3A_361 : vector<16xi32>
      %and3A_1589 = arith.andi %sub3A_1587, %broadcast_in_dim3A_363 : vector<16xi32>
      tpu.vector_store_idx %arg12[%shift_right_logical3A_1588, %and3A_1589], %or3A masked %and3A_1539 : memref<129x128xi32, #tpu.memory_space<vmem>>[vector<16xi32>, vector<16xi32>], vector<16xi32>, vector<16xi1>
      %all_reduce_population_count3A = tpu.all_reduce %and3A_1537 {dim = 0 : i64, kind = #tpu.reduction_kind<sum>} : vector<16xi1> -> vector<16xi32>
      %add3A_1590 = arith.addi %while3A_1523, %all_reduce_population_count3A : vector<16xi32>
      %all_reduce_population_count3A_1591 = tpu.all_reduce %and3A_1539 {dim = 0 : i64, kind = #tpu.reduction_kind<sum>} : vector<16xi1> -> vector<16xi32>
      %add3A_1592 = arith.addi %while3A_1524, %all_reduce_population_count3A_1591 : vector<16xi32>
      scf.yield %add3A_1590, %add3A_1592 : vector<16xi32>, vector<16xi32>
    }
    %broadcast_in_dim3A_1304 = arith.constant 0 : i32
    %broadcast_in_dim3A_1305 = vector.broadcast %broadcast_in_dim3A_1304 : i32 to vector<16xi32>
    %add3A_1306 = arith.addi %while3A_1303#0, %broadcast_in_dim3A_1305 : vector<16xi32>
    %add3A_1307 = arith.addi %add3A_1306, %iota3A : vector<16xi32>
    %shift_right_logical3A_1308 = arith.shrui %add3A_1307, %broadcast_in_dim3A_361 : vector<16xi32>
    %and3A_1309 = arith.andi %add3A_1307, %broadcast_in_dim3A_363 : vector<16xi32>
    tpu.vector_store_idx %arg11[%shift_right_logical3A_1308, %and3A_1309], %broadcast_in_dim3A_371 : memref<129x128xi32, #tpu.memory_space<vmem>>[vector<16xi32>, vector<16xi32>], vector<16xi32>,
    %broadcast_in_dim3A_1310 = arith.constant 16 : i32
    %broadcast_in_dim3A_1311 = vector.broadcast %broadcast_in_dim3A_1310 : i32 to vector<16xi32>
    %add3A_1312 = arith.addi %while3A_1303#0, %broadcast_in_dim3A_1311 : vector<16xi32>
    %add3A_1313 = arith.addi %add3A_1312, %iota3A : vector<16xi32>
    %shift_right_logical3A_1314 = arith.shrui %add3A_1313, %broadcast_in_dim3A_361 : vector<16xi32>
    %and3A_1315 = arith.andi %add3A_1313, %broadcast_in_dim3A_363 : vector<16xi32>
    tpu.vector_store_idx %arg11[%shift_right_logical3A_1314, %and3A_1315], %broadcast_in_dim3A_371 : memref<129x128xi32, #tpu.memory_space<vmem>>[vector<16xi32>, vector<16xi32>], vector<16xi32>,
    %broadcast_in_dim3A_1316 = arith.constant 32 : i32
    %broadcast_in_dim3A_1317 = vector.broadcast %broadcast_in_dim3A_1316 : i32 to vector<16xi32>
    %add3A_1318 = arith.addi %while3A_1303#0, %broadcast_in_dim3A_1317 : vector<16xi32>
    %add3A_1319 = arith.addi %add3A_1318, %iota3A : vector<16xi32>
    %shift_right_logical3A_1320 = arith.shrui %add3A_1319, %broadcast_in_dim3A_361 : vector<16xi32>
    %and3A_1321 = arith.andi %add3A_1319, %broadcast_in_dim3A_363 : vector<16xi32>
    tpu.vector_store_idx %arg11[%shift_right_logical3A_1320, %and3A_1321], %broadcast_in_dim3A_371 : memref<129x128xi32, #tpu.memory_space<vmem>>[vector<16xi32>, vector<16xi32>], vector<16xi32>,
    %broadcast_in_dim3A_1322 = arith.constant 48 : i32
    %broadcast_in_dim3A_1323 = vector.broadcast %broadcast_in_dim3A_1322 : i32 to vector<16xi32>
    %add3A_1324 = arith.addi %while3A_1303#0, %broadcast_in_dim3A_1323 : vector<16xi32>
    %add3A_1325 = arith.addi %add3A_1324, %iota3A : vector<16xi32>
    %shift_right_logical3A_1326 = arith.shrui %add3A_1325, %broadcast_in_dim3A_361 : vector<16xi32>
    %and3A_1327 = arith.andi %add3A_1325, %broadcast_in_dim3A_363 : vector<16xi32>
    tpu.vector_store_idx %arg11[%shift_right_logical3A_1326, %and3A_1327], %broadcast_in_dim3A_371 : memref<129x128xi32, #tpu.memory_space<vmem>>[vector<16xi32>, vector<16xi32>], vector<16xi32>,
    %broadcast_in_dim3A_1328 = arith.constant 64 : i32
    %broadcast_in_dim3A_1329 = vector.broadcast %broadcast_in_dim3A_1328 : i32 to vector<16xi32>
    %add3A_1330 = arith.addi %while3A_1303#0, %broadcast_in_dim3A_1329 : vector<16xi32>
    %add3A_1331 = arith.addi %add3A_1330, %iota3A : vector<16xi32>
    %shift_right_logical3A_1332 = arith.shrui %add3A_1331, %broadcast_in_dim3A_361 : vector<16xi32>
    %and3A_1333 = arith.andi %add3A_1331, %broadcast_in_dim3A_363 : vector<16xi32>
    tpu.vector_store_idx %arg11[%shift_right_logical3A_1332, %and3A_1333], %broadcast_in_dim3A_371 : memref<129x128xi32, #tpu.memory_space<vmem>>[vector<16xi32>, vector<16xi32>], vector<16xi32>,
    %broadcast_in_dim3A_1334 = arith.constant 80 : i32
    %broadcast_in_dim3A_1335 = vector.broadcast %broadcast_in_dim3A_1334 : i32 to vector<16xi32>
    %add3A_1336 = arith.addi %while3A_1303#0, %broadcast_in_dim3A_1335 : vector<16xi32>
    %add3A_1337 = arith.addi %add3A_1336, %iota3A : vector<16xi32>
    %shift_right_logical3A_1338 = arith.shrui %add3A_1337, %broadcast_in_dim3A_361 : vector<16xi32>
    %and3A_1339 = arith.andi %add3A_1337, %broadcast_in_dim3A_363 : vector<16xi32>
    tpu.vector_store_idx %arg11[%shift_right_logical3A_1338, %and3A_1339], %broadcast_in_dim3A_371 : memref<129x128xi32, #tpu.memory_space<vmem>>[vector<16xi32>, vector<16xi32>], vector<16xi32>,
    %broadcast_in_dim3A_1340 = arith.constant 96 : i32
    %broadcast_in_dim3A_1341 = vector.broadcast %broadcast_in_dim3A_1340 : i32 to vector<16xi32>
    %add3A_1342 = arith.addi %while3A_1303#0, %broadcast_in_dim3A_1341 : vector<16xi32>
    %add3A_1343 = arith.addi %add3A_1342, %iota3A : vector<16xi32>
    %shift_right_logical3A_1344 = arith.shrui %add3A_1343, %broadcast_in_dim3A_361 : vector<16xi32>
    %and3A_1345 = arith.andi %add3A_1343, %broadcast_in_dim3A_363 : vector<16xi32>
    tpu.vector_store_idx %arg11[%shift_right_logical3A_1344, %and3A_1345], %broadcast_in_dim3A_371 : memref<129x128xi32, #tpu.memory_space<vmem>>[vector<16xi32>, vector<16xi32>], vector<16xi32>,
    %broadcast_in_dim3A_1346 = arith.constant 112 : i32
    %broadcast_in_dim3A_1347 = vector.broadcast %broadcast_in_dim3A_1346 : i32 to vector<16xi32>
    %add3A_1348 = arith.addi %while3A_1303#0, %broadcast_in_dim3A_1347 : vector<16xi32>
    %add3A_1349 = arith.addi %add3A_1348, %iota3A : vector<16xi32>
    %shift_right_logical3A_1350 = arith.shrui %add3A_1349, %broadcast_in_dim3A_361 : vector<16xi32>
    %and3A_1351 = arith.andi %add3A_1349, %broadcast_in_dim3A_363 : vector<16xi32>
    tpu.vector_store_idx %arg11[%shift_right_logical3A_1350, %and3A_1351], %broadcast_in_dim3A_371 : memref<129x128xi32, #tpu.memory_space<vmem>>[vector<16xi32>, vector<16xi32>], vector<16xi32>,
    %broadcast_in_dim3A_1352 = arith.constant 0 : i32
    %broadcast_in_dim3A_1353 = vector.broadcast %broadcast_in_dim3A_1352 : i32 to vector<16xi32>
    %add3A_1354 = arith.addi %while3A_1303#1, %broadcast_in_dim3A_1353 : vector<16xi32>
    %add3A_1355 = arith.addi %add3A_1354, %iota3A : vector<16xi32>
    %shift_right_logical3A_1356 = arith.shrui %add3A_1355, %broadcast_in_dim3A_361 : vector<16xi32>
    %and3A_1357 = arith.andi %add3A_1355, %broadcast_in_dim3A_363 : vector<16xi32>
    tpu.vector_store_idx %arg12[%shift_right_logical3A_1356, %and3A_1357], %broadcast_in_dim3A_371 : memref<129x128xi32, #tpu.memory_space<vmem>>[vector<16xi32>, vector<16xi32>], vector<16xi32>,
    %broadcast_in_dim3A_1358 = arith.constant 16 : i32
    %broadcast_in_dim3A_1359 = vector.broadcast %broadcast_in_dim3A_1358 : i32 to vector<16xi32>
    %add3A_1360 = arith.addi %while3A_1303#1, %broadcast_in_dim3A_1359 : vector<16xi32>
    %add3A_1361 = arith.addi %add3A_1360, %iota3A : vector<16xi32>
    %shift_right_logical3A_1362 = arith.shrui %add3A_1361, %broadcast_in_dim3A_361 : vector<16xi32>
    %and3A_1363 = arith.andi %add3A_1361, %broadcast_in_dim3A_363 : vector<16xi32>
    tpu.vector_store_idx %arg12[%shift_right_logical3A_1362, %and3A_1363], %broadcast_in_dim3A_371 : memref<129x128xi32, #tpu.memory_space<vmem>>[vector<16xi32>, vector<16xi32>], vector<16xi32>,
    %broadcast_in_dim3A_1364 = arith.constant 32 : i32
    %broadcast_in_dim3A_1365 = vector.broadcast %broadcast_in_dim3A_1364 : i32 to vector<16xi32>
    %add3A_1366 = arith.addi %while3A_1303#1, %broadcast_in_dim3A_1365 : vector<16xi32>
    %add3A_1367 = arith.addi %add3A_1366, %iota3A : vector<16xi32>
    %shift_right_logical3A_1368 = arith.shrui %add3A_1367, %broadcast_in_dim3A_361 : vector<16xi32>
    %and3A_1369 = arith.andi %add3A_1367, %broadcast_in_dim3A_363 : vector<16xi32>
    tpu.vector_store_idx %arg12[%shift_right_logical3A_1368, %and3A_1369], %broadcast_in_dim3A_371 : memref<129x128xi32, #tpu.memory_space<vmem>>[vector<16xi32>, vector<16xi32>], vector<16xi32>,
    %broadcast_in_dim3A_1370 = arith.constant 48 : i32
    %broadcast_in_dim3A_1371 = vector.broadcast %broadcast_in_dim3A_1370 : i32 to vector<16xi32>
    %add3A_1372 = arith.addi %while3A_1303#1, %broadcast_in_dim3A_1371 : vector<16xi32>
    %add3A_1373 = arith.addi %add3A_1372, %iota3A : vector<16xi32>
    %shift_right_logical3A_1374 = arith.shrui %add3A_1373, %broadcast_in_dim3A_361 : vector<16xi32>
    %and3A_1375 = arith.andi %add3A_1373, %broadcast_in_dim3A_363 : vector<16xi32>
    tpu.vector_store_idx %arg12[%shift_right_logical3A_1374, %and3A_1375], %broadcast_in_dim3A_371 : memref<129x128xi32, #tpu.memory_space<vmem>>[vector<16xi32>, vector<16xi32>], vector<16xi32>,
    %broadcast_in_dim3A_1376 = arith.constant 64 : i32
    %broadcast_in_dim3A_1377 = vector.broadcast %broadcast_in_dim3A_1376 : i32 to vector<16xi32>
    %add3A_1378 = arith.addi %while3A_1303#1, %broadcast_in_dim3A_1377 : vector<16xi32>
    %add3A_1379 = arith.addi %add3A_1378, %iota3A : vector<16xi32>
    %shift_right_logical3A_1380 = arith.shrui %add3A_1379, %broadcast_in_dim3A_361 : vector<16xi32>
    %and3A_1381 = arith.andi %add3A_1379, %broadcast_in_dim3A_363 : vector<16xi32>
    tpu.vector_store_idx %arg12[%shift_right_logical3A_1380, %and3A_1381], %broadcast_in_dim3A_371 : memref<129x128xi32, #tpu.memory_space<vmem>>[vector<16xi32>, vector<16xi32>], vector<16xi32>,
    %broadcast_in_dim3A_1382 = arith.constant 80 : i32
    %broadcast_in_dim3A_1383 = vector.broadcast %broadcast_in_dim3A_1382 : i32 to vector<16xi32>
    %add3A_1384 = arith.addi %while3A_1303#1, %broadcast_in_dim3A_1383 : vector<16xi32>
    %add3A_1385 = arith.addi %add3A_1384, %iota3A : vector<16xi32>
    %shift_right_logical3A_1386 = arith.shrui %add3A_1385, %broadcast_in_dim3A_361 : vector<16xi32>
    %and3A_1387 = arith.andi %add3A_1385, %broadcast_in_dim3A_363 : vector<16xi32>
    tpu.vector_store_idx %arg12[%shift_right_logical3A_1386, %and3A_1387], %broadcast_in_dim3A_371 : memref<129x128xi32, #tpu.memory_space<vmem>>[vector<16xi32>, vector<16xi32>], vector<16xi32>,
    %broadcast_in_dim3A_1388 = arith.constant 96 : i32
    %broadcast_in_dim3A_1389 = vector.broadcast %broadcast_in_dim3A_1388 : i32 to vector<16xi32>
    %add3A_1390 = arith.addi %while3A_1303#1, %broadcast_in_dim3A_1389 : vector<16xi32>
    %add3A_1391 = arith.addi %add3A_1390, %iota3A : vector<16xi32>
    %shift_right_logical3A_1392 = arith.shrui %add3A_1391, %broadcast_in_dim3A_361 : vector<16xi32>
    %and3A_1393 = arith.andi %add3A_1391, %broadcast_in_dim3A_363 : vector<16xi32>
    tpu.vector_store_idx %arg12[%shift_right_logical3A_1392, %and3A_1393], %broadcast_in_dim3A_371 : memref<129x128xi32, #tpu.memory_space<vmem>>[vector<16xi32>, vector<16xi32>], vector<16xi32>,
    %broadcast_in_dim3A_1394 = arith.constant 112 : i32
    %broadcast_in_dim3A_1395 = vector.broadcast %broadcast_in_dim3A_1394 : i32 to vector<16xi32>
    %add3A_1396 = arith.addi %while3A_1303#1, %broadcast_in_dim3A_1395 : vector<16xi32>
    %add3A_1397 = arith.addi %add3A_1396, %iota3A : vector<16xi32>
    %shift_right_logical3A_1398 = arith.shrui %add3A_1397, %broadcast_in_dim3A_361 : vector<16xi32>
    %and3A_1399 = arith.andi %add3A_1397, %broadcast_in_dim3A_363 : vector<16xi32>
    tpu.vector_store_idx %arg12[%shift_right_logical3A_1398, %and3A_1399], %broadcast_in_dim3A_371 : memref<129x128xi32, #tpu.memory_space<vmem>>[vector<16xi32>, vector<16xi32>], vector<16xi32>,
    %slice3A_1400 = vector.extract_strided_slice %while3A_1303#0 {offsets = [0], sizes = [1], strides = [1]} : vector<16xi32> to vector<1xi32>
    %squeeze3A_1401 = vector.extract %slice3A_1400[0] : i32 from vector<1xi32>
    %add3A_1402 = arith.constant 127 : i32
    %add3A_1403 = arith.addi %squeeze3A_1401, %add3A_1402 : i32
    %jit3A_1404 = arith.constant 128 : i32
    %div3A_1405 = arith.divsi %add3A_1403, %jit3A_1404 : i32
    %sign3A_1406 = arith.constant 0 : i32
    %sign3A_1407 = arith.cmpi sgt, %add3A_1403, %sign3A_1406 : i32
    %sign3A_1408 = arith.extui %sign3A_1407 : i1 to i32
    %sign3A_1409 = arith.constant 0 : i32
    %sign3A_1410 = arith.cmpi slt, %add3A_1403, %sign3A_1409 : i32
    %sign3A_1411 = arith.extui %sign3A_1410 : i1 to i32
    %sign3A_1412 = arith.subi %sign3A_1408, %sign3A_1411 : i32
    %sign3A_1413 = arith.constant 0 : i32
    %sign3A_1414 = arith.cmpi sgt, %jit3A_1404, %sign3A_1413 : i32
    %sign3A_1415 = arith.extui %sign3A_1414 : i1 to i32
    %sign3A_1416 = arith.constant 0 : i32
    %sign3A_1417 = arith.cmpi slt, %jit3A_1404, %sign3A_1416 : i32
    %sign3A_1418 = arith.extui %sign3A_1417 : i1 to i32
    %sign3A_1419 = arith.subi %sign3A_1415, %sign3A_1418 : i32
    %ne3A_1420 = arith.cmpi ne, %sign3A_1412, %sign3A_1419 : i32
    %rem3A_1421 = arith.remsi %add3A_1403, %jit3A_1404 : i32
    %ne3A_1422 = arith.constant 0 : i32
    %ne3A_1423 = arith.cmpi ne, %rem3A_1421, %ne3A_1422 : i32
    %and3A_1424 = arith.andi %ne3A_1420, %ne3A_1423 : i1
    %sub3A_1425 = arith.constant 1 : i32
    %sub3A_1426 = arith.subi %div3A_1405, %sub3A_1425 : i32
    %select_n3A_1427 = arith.select %and3A_1424, %sub3A_1426, %div3A_1405 : i32
    %slice3A_1428 = vector.extract_strided_slice %while3A_1303#1 {offsets = [0], sizes = [1], strides = [1]} : vector<16xi32> to vector<1xi32>
    %squeeze3A_1429 = vector.extract %slice3A_1428[0] : i32 from vector<1xi32>
    %add3A_1430 = arith.constant 127 : i32
    %add3A_1431 = arith.addi %squeeze3A_1429, %add3A_1430 : i32
    %jit3A_1432 = arith.constant 128 : i32
    %div3A_1433 = arith.divsi %add3A_1431, %jit3A_1432 : i32
    %sign3A_1434 = arith.constant 0 : i32
    %sign3A_1435 = arith.cmpi sgt, %add3A_1431, %sign3A_1434 : i32
    %sign3A_1436 = arith.extui %sign3A_1435 : i1 to i32
    %sign3A_1437 = arith.constant 0 : i32
    %sign3A_1438 = arith.cmpi slt, %add3A_1431, %sign3A_1437 : i32
    %sign3A_1439 = arith.extui %sign3A_1438 : i1 to i32
    %sign3A_1440 = arith.subi %sign3A_1436, %sign3A_1439 : i32
    %sign3A_1441 = arith.constant 0 : i32
    %sign3A_1442 = arith.cmpi sgt, %jit3A_1432, %sign3A_1441 : i32
    %sign3A_1443 = arith.extui %sign3A_1442 : i1 to i32
    %sign3A_1444 = arith.constant 0 : i32
    %sign3A_1445 = arith.cmpi slt, %jit3A_1432, %sign3A_1444 : i32
    %sign3A_1446 = arith.extui %sign3A_1445 : i1 to i32
    %sign3A_1447 = arith.subi %sign3A_1443, %sign3A_1446 : i32
    %ne3A_1448 = arith.cmpi ne, %sign3A_1440, %sign3A_1447 : i32
    %rem3A_1449 = arith.remsi %add3A_1431, %jit3A_1432 : i32
    %ne3A_1450 = arith.constant 0 : i32
    %ne3A_1451 = arith.cmpi ne, %rem3A_1449, %ne3A_1450 : i32
    %and3A_1452 = arith.andi %ne3A_1448, %ne3A_1451 : i1
    %sub3A_1453 = arith.constant 1 : i32
    %sub3A_1454 = arith.subi %div3A_1433, %sub3A_1453 : i32
    %select_n3A_1455 = arith.select %and3A_1452, %sub3A_1454, %div3A_1433 : i32
    %mul3A_1456 = arith.constant 32768 : i32
    %mul3A_1457 = arith.muli %arg1, %mul3A_1456 : i32
    %add3A_1458 = arith.constant 0 : i32
    %add3A_1459 = arith.addi %mul3A_1457, %add3A_1458 : i32
    %dma_wait3A_1460 = arith.constant 0 : i32
    %dma_wait3A_1461 = tpu.memref_slice %arg14[%dma_wait3A_1460] : memref<8192xf32, #tpu.memory_space<vmem>> -> memref<8192xf32, #tpu.memory_space<vmem>>
    %dma_wait3A_1462 = tpu.memref_slice %arg15[%add3A_1459] : memref<524352xf32, #tpu.memory_space<vmem_shared>> -> memref<8192xf32, #tpu.memory_space<vmem_shared>>
    %dma_wait3A_1463 = tpu.memref_slice %arg15[%add3A_1459] : memref<524352xf32, #tpu.memory_space<vmem_shared>> -> memref<8192xf32, #tpu.memory_space<vmem_shared>>
    %dma_wait3A_1464 = arith.constant 0 : i32
    %dma_wait3A_1465 = tpu.memref_slice %arg14[%dma_wait3A_1464] : memref<8192xf32, #tpu.memory_space<vmem>> -> memref<8192xf32, #tpu.memory_space<vmem>>
    tpu.wait_dma2 semaphore(%arg17 : memref<!tpu.dma_semaphore, #tpu.memory_space<semaphore_mem>>) src(%dma_wait3A_1465 : memref<8192xf32, #tpu.memory_space<vmem>>) dst(%dma_wait3A_1463 : memref<8192xf32, #tpu.memory_space<vmem_shared>>)
    %mul3A_1466 = arith.constant 32768 : i32
    %mul3A_1467 = arith.muli %arg1, %mul3A_1466 : i32
    %add3A_1468 = arith.constant 8192 : i32
    %add3A_1469 = arith.addi %mul3A_1467, %add3A_1468 : i32
    %dma_wait3A_1470 = arith.constant 0 : i32
    %dma_wait3A_1471 = tpu.memref_slice %arg14[%dma_wait3A_1470] : memref<8192xf32, #tpu.memory_space<vmem>> -> memref<8192xf32, #tpu.memory_space<vmem>>
    %dma_wait3A_1472 = tpu.memref_slice %arg15[%add3A_1469] : memref<524352xf32, #tpu.memory_space<vmem_shared>> -> memref<8192xf32, #tpu.memory_space<vmem_shared>>
    %dma_wait3A_1473 = tpu.memref_slice %arg15[%add3A_1469] : memref<524352xf32, #tpu.memory_space<vmem_shared>> -> memref<8192xf32, #tpu.memory_space<vmem_shared>>
    %dma_wait3A_1474 = arith.constant 0 : i32
    %dma_wait3A_1475 = tpu.memref_slice %arg14[%dma_wait3A_1474] : memref<8192xf32, #tpu.memory_space<vmem>> -> memref<8192xf32, #tpu.memory_space<vmem>>
    tpu.wait_dma2 semaphore(%arg17 : memref<!tpu.dma_semaphore, #tpu.memory_space<semaphore_mem>>) src(%dma_wait3A_1475 : memref<8192xf32, #tpu.memory_space<vmem>>) dst(%dma_wait3A_1473 : memref<8192xf32, #tpu.memory_space<vmem_shared>>)
    %mul3A_1476 = arith.constant 32768 : i32
    %mul3A_1477 = arith.muli %arg1, %mul3A_1476 : i32
    %add3A_1478 = arith.constant 16384 : i32
    %add3A_1479 = arith.addi %mul3A_1477, %add3A_1478 : i32
    %dma_wait3A_1480 = arith.constant 0 : i32
    %dma_wait3A_1481 = tpu.memref_slice %arg14[%dma_wait3A_1480] : memref<8192xf32, #tpu.memory_space<vmem>> -> memref<8192xf32, #tpu.memory_space<vmem>>
    %dma_wait3A_1482 = tpu.memref_slice %arg15[%add3A_1479] : memref<524352xf32, #tpu.memory_space<vmem_shared>> -> memref<8192xf32, #tpu.memory_space<vmem_shared>>
    %dma_wait3A_1483 = tpu.memref_slice %arg15[%add3A_1479] : memref<524352xf32, #tpu.memory_space<vmem_shared>> -> memref<8192xf32, #tpu.memory_space<vmem_shared>>
    %dma_wait3A_1484 = arith.constant 0 : i32
    %dma_wait3A_1485 = tpu.memref_slice %arg14[%dma_wait3A_1484] : memref<8192xf32, #tpu.memory_space<vmem>> -> memref<8192xf32, #tpu.memory_space<vmem>>
    tpu.wait_dma2 semaphore(%arg17 : memref<!tpu.dma_semaphore, #tpu.memory_space<semaphore_mem>>) src(%dma_wait3A_1485 : memref<8192xf32, #tpu.memory_space<vmem>>) dst(%dma_wait3A_1483 : memref<8192xf32, #tpu.memory_space<vmem_shared>>)
    %mul3A_1486 = arith.constant 32768 : i32
    %mul3A_1487 = arith.muli %arg1, %mul3A_1486 : i32
    %add3A_1488 = arith.constant 24576 : i32
    %add3A_1489 = arith.addi %mul3A_1487, %add3A_1488 : i32
    %dma_wait3A_1490 = arith.constant 0 : i32
    %dma_wait3A_1491 = tpu.memref_slice %arg14[%dma_wait3A_1490] : memref<8192xf32, #tpu.memory_space<vmem>> -> memref<8192xf32, #tpu.memory_space<vmem>>
    %dma_wait3A_1492 = tpu.memref_slice %arg15[%add3A_1489] : memref<524352xf32, #tpu.memory_space<vmem_shared>> -> memref<8192xf32, #tpu.memory_space<vmem_shared>>
    %dma_wait3A_1493 = tpu.memref_slice %arg15[%add3A_1489] : memref<524352xf32, #tpu.memory_space<vmem_shared>> -> memref<8192xf32, #tpu.memory_space<vmem_shared>>
    %dma_wait3A_1494 = arith.constant 0 : i32
    %dma_wait3A_1495 = tpu.memref_slice %arg14[%dma_wait3A_1494] : memref<8192xf32, #tpu.memory_space<vmem>> -> memref<8192xf32, #tpu.memory_space<vmem>>
    tpu.wait_dma2 semaphore(%arg17 : memref<!tpu.dma_semaphore, #tpu.memory_space<semaphore_mem>>) src(%dma_wait3A_1495 : memref<8192xf32, #tpu.memory_space<vmem>>) dst(%dma_wait3A_1493 : memref<8192xf32, #tpu.memory_space<vmem_shared>>)
    %eq3A_1496 = arith.constant 0 : i32
    %eq3A_1497 = arith.cmpi eq, %arg1, %eq3A_1496 : i32
    %convert_element_type3A_1498 = arith.extui %eq3A_1497 : i1 to i32
    %cond3A_1499 = arith.constant 0 : i32
    %cond3A_1500 = arith.cmpi ne, %convert_element_type3A_1498, %cond3A_1499 : i32
    scf.if %cond3A_1500 {
      %dma_wait3A_1522 = arith.constant 0 : i32
      %dma_wait3A_1523 = tpu.memref_slice %arg14[%dma_wait3A_1522] : memref<8192xf32, #tpu.memory_space<vmem>> -> memref<64xf32, #tpu.memory_space<vmem>>
      %dma_wait3A_1524 = arith.constant 524288 : i32
      %dma_wait3A_1525 = tpu.memref_slice %arg15[%dma_wait3A_1524] : memref<524352xf32, #tpu.memory_space<vmem_shared>> -> memref<64xf32, #tpu.memory_space<vmem_shared>>
      %dma_wait3A_1526 = arith.constant 524288 : i32
      %dma_wait3A_1527 = tpu.memref_slice %arg15[%dma_wait3A_1526] : memref<524352xf32, #tpu.memory_space<vmem_shared>> -> memref<64xf32, #tpu.memory_space<vmem_shared>>
      %dma_wait3A_1528 = arith.constant 0 : i32
      %dma_wait3A_1529 = tpu.memref_slice %arg14[%dma_wait3A_1528] : memref<8192xf32, #tpu.memory_space<vmem>> -> memref<64xf32, #tpu.memory_space<vmem>>
      tpu.wait_dma2 semaphore(%arg17 : memref<!tpu.dma_semaphore, #tpu.memory_space<semaphore_mem>>) src(%dma_wait3A_1529 : memref<64xf32, #tpu.memory_space<vmem>>) dst(%dma_wait3A_1527 : memref<64xf32, #tpu.memory_space<vmem_shared>>)
    } else {
    }
    %barrier3A_1501 = arith.constant 0 : index
    tpu.barrier barrier_id(%barrier3A_1501)
    %scan3A_1502 = arith.constant 0 : i32
    %scan3A_1503 = arith.constant 0 : i32
    %scan3A_1504 = arith.constant 8 : i32
    %scan3A_1505 = arith.addi %scan3A_1503, %scan3A_1504 : i32
    %scan3A_1506 = arith.constant 1 : i32
    scf.for %scan3A_1522 = %scan3A_1503 to %scan3A_1505 step %scan3A_1506  : i32 {
      %eq3A_1523 = arith.cmpi eq, %arg1, %scan3A_1522 : i32
      %convert_element_type3A_1524 = arith.extui %eq3A_1523 : i1 to i32
      %cond3A_1525 = arith.constant 0 : i32
      %cond3A_1526 = arith.cmpi ne, %convert_element_type3A_1524, %cond3A_1525 : i32
      scf.if %cond3A_1526 {
        %while3A_1545 = arith.constant 0 : i32
        %while3A_1546 = arith.constant 0 : i32
        %while3A_1547 = arith.subi %select_n3A_1427, %while3A_1546 : i32
        %while3A_1548 = arith.addi %while3A_1546, %while3A_1547 : i32
        %while3A_1549 = arith.constant 1 : i32
        %while3A_1550 = arith.divsi %while3A_1547, %while3A_1549 : i32
        %while3A_1551 = arith.muli %while3A_1550, %while3A_1549 : i32
        %while3A_1552 = arith.addi %while3A_1546, %while3A_1551 : i32
        %while3A_1553 = arith.constant 1 : i32
        scf.for %while3A_1555 = %while3A_1546 to %while3A_1552 step %while3A_1553  : i32 {
          "tpu.region"() ({
            %run_scoped3A_1556 = tpu.sem_alloc : memref<!tpu.dma_semaphore, #tpu.memory_space<semaphore_mem>>
            %dma_start3A_1557 = arith.constant 0 : i32
            %dma_start3A_1558 = tpu.memref_slice %arg11[%while3A_1555, %dma_start3A_1557] : memref<129x128xi32, #tpu.memory_space<vmem>> -> memref<1x128xi32, #tpu.memory_space<vmem>>
            %dma_start3A_1559 = tpu.memref_squeeze %dma_start3A_1558 : memref<1x128xi32, #tpu.memory_space<vmem>> -> memref<128xi32, #tpu.memory_space<vmem>>
            %dma_start3A_1560 = arith.constant 0 : i32
            %dma_start3A_1561 = tpu.memref_slice %arg15[%dma_start3A_1560] : memref<524352xf32, #tpu.memory_space<vmem_shared>> -> memref<524352xf32, #tpu.memory_space<vmem_shared>>
            tpu.enqueue_indirect_dma source(%arg13 : memref<128xf32, #tpu.memory_space<vmem>>) target(%dma_start3A_1561 : memref<524352xf32, #tpu.memory_space<vmem_shared>>) offsets(%dma_start3A_1559 : memref<128xi32, #tpu.memory_space<vmem>>) semaphore(%run_scoped3A_1556 : memref<!tpu.dma_semaphore, #tpu.memory_space<semaphore_mem>>) {add = true}
            %dma_wait3A_1562 = arith.constant 0 : i32
            %dma_wait3A_1563 = tpu.memref_slice %arg11[%while3A_1555, %dma_wait3A_1562] : memref<129x128xi32, #tpu.memory_space<vmem>> -> memref<1x128xi32, #tpu.memory_space<vmem>>
            %dma_wait3A_1564 = tpu.memref_squeeze %dma_wait3A_1563 : memref<1x128xi32, #tpu.memory_space<vmem>> -> memref<128xi32, #tpu.memory_space<vmem>>
            %dma_wait3A_1565 = arith.constant 0 : i32
            %dma_wait3A_1566 = tpu.memref_slice %arg15[%dma_wait3A_1565] : memref<524352xf32, #tpu.memory_space<vmem_shared>> -> memref<524352xf32, #tpu.memory_space<vmem_shared>>
            tpu.wait_indirect_dma semaphore(%run_scoped3A_1556 : memref<!tpu.dma_semaphore, #tpu.memory_space<semaphore_mem>>) src(%arg13 : memref<128xf32, #tpu.memory_space<vmem>>) dst(%dma_wait3A_1566 : memref<524352xf32, #tpu.memory_space<vmem_shared>>)
            tpu.yield
          }) : () -> ()
        }
        %while3A_1554 = arith.constant 1 : i32
        scf.for %while3A_1555 = %while3A_1552 to %while3A_1548 step %while3A_1554  : i32 {
          "tpu.region"() ({
            %run_scoped3A_1556 = tpu.sem_alloc : memref<!tpu.dma_semaphore, #tpu.memory_space<semaphore_mem>>
            %dma_start3A_1557 = arith.constant 0 : i32
            %dma_start3A_1558 = tpu.memref_slice %arg11[%while3A_1555, %dma_start3A_1557] : memref<129x128xi32, #tpu.memory_space<vmem>> -> memref<1x128xi32, #tpu.memory_space<vmem>>
            %dma_start3A_1559 = tpu.memref_squeeze %dma_start3A_1558 : memref<1x128xi32, #tpu.memory_space<vmem>> -> memref<128xi32, #tpu.memory_space<vmem>>
            %dma_start3A_1560 = arith.constant 0 : i32
            %dma_start3A_1561 = tpu.memref_slice %arg15[%dma_start3A_1560] : memref<524352xf32, #tpu.memory_space<vmem_shared>> -> memref<524352xf32, #tpu.memory_space<vmem_shared>>
            tpu.enqueue_indirect_dma source(%arg13 : memref<128xf32, #tpu.memory_space<vmem>>) target(%dma_start3A_1561 : memref<524352xf32, #tpu.memory_space<vmem_shared>>) offsets(%dma_start3A_1559 : memref<128xi32, #tpu.memory_space<vmem>>) semaphore(%run_scoped3A_1556 : memref<!tpu.dma_semaphore, #tpu.memory_space<semaphore_mem>>) {add = true}
            %dma_wait3A_1562 = arith.constant 0 : i32
            %dma_wait3A_1563 = tpu.memref_slice %arg11[%while3A_1555, %dma_wait3A_1562] : memref<129x128xi32, #tpu.memory_space<vmem>> -> memref<1x128xi32, #tpu.memory_space<vmem>>
            %dma_wait3A_1564 = tpu.memref_squeeze %dma_wait3A_1563 : memref<1x128xi32, #tpu.memory_space<vmem>> -> memref<128xi32, #tpu.memory_space<vmem>>
            %dma_wait3A_1565 = arith.constant 0 : i32
            %dma_wait3A_1566 = tpu.memref_slice %arg15[%dma_wait3A_1565] : memref<524352xf32, #tpu.memory_space<vmem_shared>> -> memref<524352xf32, #tpu.memory_space<vmem_shared>>
            tpu.wait_indirect_dma semaphore(%run_scoped3A_1556 : memref<!tpu.dma_semaphore, #tpu.memory_space<semaphore_mem>>) src(%arg13 : memref<128xf32, #tpu.memory_space<vmem>>) dst(%dma_wait3A_1566 : memref<524352xf32, #tpu.memory_space<vmem_shared>>)
            tpu.yield
          }) : () -> ()
        }
      } else {
      }
      %add3A_1527 = arith.constant 8 : i32
      %add3A_1528 = arith.addi %scan3A_1522, %add3A_1527 : i32
      %eq3A_1529 = arith.cmpi eq, %arg1, %add3A_1528 : i32
      %convert_element_type3A_1530 = arith.extui %eq3A_1529 : i1 to i32
      %cond3A_1531 = arith.constant 0 : i32
      %cond3A_1532 = arith.cmpi ne, %convert_element_type3A_1530, %cond3A_1531 : i32
      scf.if %cond3A_1532 {
        %while3A_1545 = arith.constant 0 : i32
        %while3A_1546 = arith.constant 0 : i32
        %while3A_1547 = arith.subi %select_n3A_1455, %while3A_1546 : i32
        %while3A_1548 = arith.addi %while3A_1546, %while3A_1547 : i32
        %while3A_1549 = arith.constant 1 : i32
        %while3A_1550 = arith.divsi %while3A_1547, %while3A_1549 : i32
        %while3A_1551 = arith.muli %while3A_1550, %while3A_1549 : i32
        %while3A_1552 = arith.addi %while3A_1546, %while3A_1551 : i32
        %while3A_1553 = arith.constant 1 : i32
        scf.for %while3A_1555 = %while3A_1546 to %while3A_1552 step %while3A_1553  : i32 {
          "tpu.region"() ({
            %run_scoped3A_1556 = tpu.sem_alloc : memref<!tpu.dma_semaphore, #tpu.memory_space<semaphore_mem>>
            %dma_start3A_1557 = arith.constant 0 : i32
            %dma_start3A_1558 = tpu.memref_slice %arg12[%while3A_1555, %dma_start3A_1557] : memref<129x128xi32, #tpu.memory_space<vmem>> -> memref<1x128xi32, #tpu.memory_space<vmem>>
            %dma_start3A_1559 = tpu.memref_squeeze %dma_start3A_1558 : memref<1x128xi32, #tpu.memory_space<vmem>> -> memref<128xi32, #tpu.memory_space<vmem>>
            %dma_start3A_1560 = arith.constant 0 : i32
            %dma_start3A_1561 = tpu.memref_slice %arg15[%dma_start3A_1560] : memref<524352xf32, #tpu.memory_space<vmem_shared>> -> memref<524352xf32, #tpu.memory_space<vmem_shared>>
            tpu.enqueue_indirect_dma source(%arg13 : memref<128xf32, #tpu.memory_space<vmem>>) target(%dma_start3A_1561 : memref<524352xf32, #tpu.memory_space<vmem_shared>>) offsets(%dma_start3A_1559 : memref<128xi32, #tpu.memory_space<vmem>>) semaphore(%run_scoped3A_1556 : memref<!tpu.dma_semaphore, #tpu.memory_space<semaphore_mem>>) {add = true}
            %dma_wait3A_1562 = arith.constant 0 : i32
            %dma_wait3A_1563 = tpu.memref_slice %arg12[%while3A_1555, %dma_wait3A_1562] : memref<129x128xi32, #tpu.memory_space<vmem>> -> memref<1x128xi32, #tpu.memory_space<vmem>>
            %dma_wait3A_1564 = tpu.memref_squeeze %dma_wait3A_1563 : memref<1x128xi32, #tpu.memory_space<vmem>> -> memref<128xi32, #tpu.memory_space<vmem>>
            %dma_wait3A_1565 = arith.constant 0 : i32
            %dma_wait3A_1566 = tpu.memref_slice %arg15[%dma_wait3A_1565] : memref<524352xf32, #tpu.memory_space<vmem_shared>> -> memref<524352xf32, #tpu.memory_space<vmem_shared>>
            tpu.wait_indirect_dma semaphore(%run_scoped3A_1556 : memref<!tpu.dma_semaphore, #tpu.memory_space<semaphore_mem>>) src(%arg13 : memref<128xf32, #tpu.memory_space<vmem>>) dst(%dma_wait3A_1566 : memref<524352xf32, #tpu.memory_space<vmem_shared>>)
            tpu.yield
          }) : () -> ()
        }
        %while3A_1554 = arith.constant 1 : i32
        scf.for %while3A_1555 = %while3A_1552 to %while3A_1548 step %while3A_1554  : i32 {
          "tpu.region"() ({
            %run_scoped3A_1556 = tpu.sem_alloc : memref<!tpu.dma_semaphore, #tpu.memory_space<semaphore_mem>>
            %dma_start3A_1557 = arith.constant 0 : i32
            %dma_start3A_1558 = tpu.memref_slice %arg12[%while3A_1555, %dma_start3A_1557] : memref<129x128xi32, #tpu.memory_space<vmem>> -> memref<1x128xi32, #tpu.memory_space<vmem>>
            %dma_start3A_1559 = tpu.memref_squeeze %dma_start3A_1558 : memref<1x128xi32, #tpu.memory_space<vmem>> -> memref<128xi32, #tpu.memory_space<vmem>>
            %dma_start3A_1560 = arith.constant 0 : i32
            %dma_start3A_1561 = tpu.memref_slice %arg15[%dma_start3A_1560] : memref<524352xf32, #tpu.memory_space<vmem_shared>> -> memref<524352xf32, #tpu.memory_space<vmem_shared>>
            tpu.enqueue_indirect_dma source(%arg13 : memref<128xf32, #tpu.memory_space<vmem>>) target(%dma_start3A_1561 : memref<524352xf32, #tpu.memory_space<vmem_shared>>) offsets(%dma_start3A_1559 : memref<128xi32, #tpu.memory_space<vmem>>) semaphore(%run_scoped3A_1556 : memref<!tpu.dma_semaphore, #tpu.memory_space<semaphore_mem>>) {add = true}
            %dma_wait3A_1562 = arith.constant 0 : i32
            %dma_wait3A_1563 = tpu.memref_slice %arg12[%while3A_1555, %dma_wait3A_1562] : memref<129x128xi32, #tpu.memory_space<vmem>> -> memref<1x128xi32, #tpu.memory_space<vmem>>
            %dma_wait3A_1564 = tpu.memref_squeeze %dma_wait3A_1563 : memref<1x128xi32, #tpu.memory_space<vmem>> -> memref<128xi32, #tpu.memory_space<vmem>>
            %dma_wait3A_1565 = arith.constant 0 : i32
            %dma_wait3A_1566 = tpu.memref_slice %arg15[%dma_wait3A_1565] : memref<524352xf32, #tpu.memory_space<vmem_shared>> -> memref<524352xf32, #tpu.memory_space<vmem_shared>>
            tpu.wait_indirect_dma semaphore(%run_scoped3A_1556 : memref<!tpu.dma_semaphore, #tpu.memory_space<semaphore_mem>>) src(%arg13 : memref<128xf32, #tpu.memory_space<vmem>>) dst(%dma_wait3A_1566 : memref<524352xf32, #tpu.memory_space<vmem_shared>>)
            tpu.yield
          }) : () -> ()
        }
      } else {
      }
      %barrier3A_1533 = arith.constant 0 : index
      tpu.barrier barrier_id(%barrier3A_1533)
      %eq3A_1534 = arith.cmpi eq, %arg1, %scan3A_1522 : i32
      %convert_element_type3A_1535 = arith.extui %eq3A_1534 : i1 to i32
      %cond3A_1536 = arith.constant 0 : i32
      %cond3A_1537 = arith.cmpi ne, %convert_element_type3A_1535, %cond3A_1536 : i32
      scf.if %cond3A_1537 {
        %while3A_1545 = arith.constant 0 : i32
        %while3A_1546 = arith.constant 0 : i32
        %while3A_1547 = arith.subi %select_n3A_1455, %while3A_1546 : i32
        %while3A_1548 = arith.addi %while3A_1546, %while3A_1547 : i32
        %while3A_1549 = arith.constant 1 : i32
        %while3A_1550 = arith.divsi %while3A_1547, %while3A_1549 : i32
        %while3A_1551 = arith.muli %while3A_1550, %while3A_1549 : i32
        %while3A_1552 = arith.addi %while3A_1546, %while3A_1551 : i32
        %while3A_1553 = arith.constant 1 : i32
        scf.for %while3A_1555 = %while3A_1546 to %while3A_1552 step %while3A_1553  : i32 {
          "tpu.region"() ({
            %run_scoped3A_1556 = tpu.sem_alloc : memref<!tpu.dma_semaphore, #tpu.memory_space<semaphore_mem>>
            %dma_start3A_1557 = arith.constant 0 : i32
            %dma_start3A_1558 = tpu.memref_slice %arg12[%while3A_1555, %dma_start3A_1557] : memref<129x128xi32, #tpu.memory_space<vmem>> -> memref<1x128xi32, #tpu.memory_space<vmem>>
            %dma_start3A_1559 = tpu.memref_squeeze %dma_start3A_1558 : memref<1x128xi32, #tpu.memory_space<vmem>> -> memref<128xi32, #tpu.memory_space<vmem>>
            %dma_start3A_1560 = arith.constant 0 : i32
            %dma_start3A_1561 = tpu.memref_slice %arg15[%dma_start3A_1560] : memref<524352xf32, #tpu.memory_space<vmem_shared>> -> memref<524352xf32, #tpu.memory_space<vmem_shared>>
            tpu.enqueue_indirect_dma source(%arg13 : memref<128xf32, #tpu.memory_space<vmem>>) target(%dma_start3A_1561 : memref<524352xf32, #tpu.memory_space<vmem_shared>>) offsets(%dma_start3A_1559 : memref<128xi32, #tpu.memory_space<vmem>>) semaphore(%run_scoped3A_1556 : memref<!tpu.dma_semaphore, #tpu.memory_space<semaphore_mem>>) {add = true}
            %dma_wait3A_1562 = arith.constant 0 : i32
            %dma_wait3A_1563 = tpu.memref_slice %arg12[%while3A_1555, %dma_wait3A_1562] : memref<129x128xi32, #tpu.memory_space<vmem>> -> memref<1x128xi32, #tpu.memory_space<vmem>>
            %dma_wait3A_1564 = tpu.memref_squeeze %dma_wait3A_1563 : memref<1x128xi32, #tpu.memory_space<vmem>> -> memref<128xi32, #tpu.memory_space<vmem>>
            %dma_wait3A_1565 = arith.constant 0 : i32
            %dma_wait3A_1566 = tpu.memref_slice %arg15[%dma_wait3A_1565] : memref<524352xf32, #tpu.memory_space<vmem_shared>> -> memref<524352xf32, #tpu.memory_space<vmem_shared>>
            tpu.wait_indirect_dma semaphore(%run_scoped3A_1556 : memref<!tpu.dma_semaphore, #tpu.memory_space<semaphore_mem>>) src(%arg13 : memref<128xf32, #tpu.memory_space<vmem>>) dst(%dma_wait3A_1566 : memref<524352xf32, #tpu.memory_space<vmem_shared>>)
            tpu.yield
          }) : () -> ()
        }
        %while3A_1554 = arith.constant 1 : i32
        scf.for %while3A_1555 = %while3A_1552 to %while3A_1548 step %while3A_1554  : i32 {
          "tpu.region"() ({
            %run_scoped3A_1556 = tpu.sem_alloc : memref<!tpu.dma_semaphore, #tpu.memory_space<semaphore_mem>>
            %dma_start3A_1557 = arith.constant 0 : i32
            %dma_start3A_1558 = tpu.memref_slice %arg12[%while3A_1555, %dma_start3A_1557] : memref<129x128xi32, #tpu.memory_space<vmem>> -> memref<1x128xi32, #tpu.memory_space<vmem>>
            %dma_start3A_1559 = tpu.memref_squeeze %dma_start3A_1558 : memref<1x128xi32, #tpu.memory_space<vmem>> -> memref<128xi32, #tpu.memory_space<vmem>>
            %dma_start3A_1560 = arith.constant 0 : i32
            %dma_start3A_1561 = tpu.memref_slice %arg15[%dma_start3A_1560] : memref<524352xf32, #tpu.memory_space<vmem_shared>> -> memref<524352xf32, #tpu.memory_space<vmem_shared>>
            tpu.enqueue_indirect_dma source(%arg13 : memref<128xf32, #tpu.memory_space<vmem>>) target(%dma_start3A_1561 : memref<524352xf32, #tpu.memory_space<vmem_shared>>) offsets(%dma_start3A_1559 : memref<128xi32, #tpu.memory_space<vmem>>) semaphore(%run_scoped3A_1556 : memref<!tpu.dma_semaphore, #tpu.memory_space<semaphore_mem>>) {add = true}
            %dma_wait3A_1562 = arith.constant 0 : i32
            %dma_wait3A_1563 = tpu.memref_slice %arg12[%while3A_1555, %dma_wait3A_1562] : memref<129x128xi32, #tpu.memory_space<vmem>> -> memref<1x128xi32, #tpu.memory_space<vmem>>
            %dma_wait3A_1564 = tpu.memref_squeeze %dma_wait3A_1563 : memref<1x128xi32, #tpu.memory_space<vmem>> -> memref<128xi32, #tpu.memory_space<vmem>>
            %dma_wait3A_1565 = arith.constant 0 : i32
            %dma_wait3A_1566 = tpu.memref_slice %arg15[%dma_wait3A_1565] : memref<524352xf32, #tpu.memory_space<vmem_shared>> -> memref<524352xf32, #tpu.memory_space<vmem_shared>>
            tpu.wait_indirect_dma semaphore(%run_scoped3A_1556 : memref<!tpu.dma_semaphore, #tpu.memory_space<semaphore_mem>>) src(%arg13 : memref<128xf32, #tpu.memory_space<vmem>>) dst(%dma_wait3A_1566 : memref<524352xf32, #tpu.memory_space<vmem_shared>>)
            tpu.yield
          }) : () -> ()
        }
      } else {
      }
      %add3A_1538 = arith.constant 8 : i32
      %add3A_1539 = arith.addi %scan3A_1522, %add3A_1538 : i32
      %eq3A_1540 = arith.cmpi eq, %arg1, %add3A_1539 : i32
      %convert_element_type3A_1541 = arith.extui %eq3A_1540 : i1 to i32
      %cond3A_1542 = arith.constant 0 : i32
      %cond3A_1543 = arith.cmpi ne, %convert_element_type3A_1541, %cond3A_1542 : i32
      scf.if %cond3A_1543 {
        %while3A_1545 = arith.constant 0 : i32
        %while3A_1546 = arith.constant 0 : i32
        %while3A_1547 = arith.subi %select_n3A_1427, %while3A_1546 : i32
        %while3A_1548 = arith.addi %while3A_1546, %while3A_1547 : i32
        %while3A_1549 = arith.constant 1 : i32
        %while3A_1550 = arith.divsi %while3A_1547, %while3A_1549 : i32
        %while3A_1551 = arith.muli %while3A_1550, %while3A_1549 : i32
        %while3A_1552 = arith.addi %while3A_1546, %while3A_1551 : i32
        %while3A_1553 = arith.constant 1 : i32
        scf.for %while3A_1555 = %while3A_1546 to %while3A_1552 step %while3A_1553  : i32 {
          "tpu.region"() ({
            %run_scoped3A_1556 = tpu.sem_alloc : memref<!tpu.dma_semaphore, #tpu.memory_space<semaphore_mem>>
            %dma_start3A_1557 = arith.constant 0 : i32
            %dma_start3A_1558 = tpu.memref_slice %arg11[%while3A_1555, %dma_start3A_1557] : memref<129x128xi32, #tpu.memory_space<vmem>> -> memref<1x128xi32, #tpu.memory_space<vmem>>
            %dma_start3A_1559 = tpu.memref_squeeze %dma_start3A_1558 : memref<1x128xi32, #tpu.memory_space<vmem>> -> memref<128xi32, #tpu.memory_space<vmem>>
            %dma_start3A_1560 = arith.constant 0 : i32
            %dma_start3A_1561 = tpu.memref_slice %arg15[%dma_start3A_1560] : memref<524352xf32, #tpu.memory_space<vmem_shared>> -> memref<524352xf32, #tpu.memory_space<vmem_shared>>
            tpu.enqueue_indirect_dma source(%arg13 : memref<128xf32, #tpu.memory_space<vmem>>) target(%dma_start3A_1561 : memref<524352xf32, #tpu.memory_space<vmem_shared>>) offsets(%dma_start3A_1559 : memref<128xi32, #tpu.memory_space<vmem>>) semaphore(%run_scoped3A_1556 : memref<!tpu.dma_semaphore, #tpu.memory_space<semaphore_mem>>) {add = true}
            %dma_wait3A_1562 = arith.constant 0 : i32
            %dma_wait3A_1563 = tpu.memref_slice %arg11[%while3A_1555, %dma_wait3A_1562] : memref<129x128xi32, #tpu.memory_space<vmem>> -> memref<1x128xi32, #tpu.memory_space<vmem>>
            %dma_wait3A_1564 = tpu.memref_squeeze %dma_wait3A_1563 : memref<1x128xi32, #tpu.memory_space<vmem>> -> memref<128xi32, #tpu.memory_space<vmem>>
            %dma_wait3A_1565 = arith.constant 0 : i32
            %dma_wait3A_1566 = tpu.memref_slice %arg15[%dma_wait3A_1565] : memref<524352xf32, #tpu.memory_space<vmem_shared>> -> memref<524352xf32, #tpu.memory_space<vmem_shared>>
            tpu.wait_indirect_dma semaphore(%run_scoped3A_1556 : memref<!tpu.dma_semaphore, #tpu.memory_space<semaphore_mem>>) src(%arg13 : memref<128xf32, #tpu.memory_space<vmem>>) dst(%dma_wait3A_1566 : memref<524352xf32, #tpu.memory_space<vmem_shared>>)
            tpu.yield
          }) : () -> ()
        }
        %while3A_1554 = arith.constant 1 : i32
        scf.for %while3A_1555 = %while3A_1552 to %while3A_1548 step %while3A_1554  : i32 {
          "tpu.region"() ({
            %run_scoped3A_1556 = tpu.sem_alloc : memref<!tpu.dma_semaphore, #tpu.memory_space<semaphore_mem>>
            %dma_start3A_1557 = arith.constant 0 : i32
            %dma_start3A_1558 = tpu.memref_slice %arg11[%while3A_1555, %dma_start3A_1557] : memref<129x128xi32, #tpu.memory_space<vmem>> -> memref<1x128xi32, #tpu.memory_space<vmem>>
            %dma_start3A_1559 = tpu.memref_squeeze %dma_start3A_1558 : memref<1x128xi32, #tpu.memory_space<vmem>> -> memref<128xi32, #tpu.memory_space<vmem>>
            %dma_start3A_1560 = arith.constant 0 : i32
            %dma_start3A_1561 = tpu.memref_slice %arg15[%dma_start3A_1560] : memref<524352xf32, #tpu.memory_space<vmem_shared>> -> memref<524352xf32, #tpu.memory_space<vmem_shared>>
            tpu.enqueue_indirect_dma source(%arg13 : memref<128xf32, #tpu.memory_space<vmem>>) target(%dma_start3A_1561 : memref<524352xf32, #tpu.memory_space<vmem_shared>>) offsets(%dma_start3A_1559 : memref<128xi32, #tpu.memory_space<vmem>>) semaphore(%run_scoped3A_1556 : memref<!tpu.dma_semaphore, #tpu.memory_space<semaphore_mem>>) {add = true}
            %dma_wait3A_1562 = arith.constant 0 : i32
            %dma_wait3A_1563 = tpu.memref_slice %arg11[%while3A_1555, %dma_wait3A_1562] : memref<129x128xi32, #tpu.memory_space<vmem>> -> memref<1x128xi32, #tpu.memory_space<vmem>>
            %dma_wait3A_1564 = tpu.memref_squeeze %dma_wait3A_1563 : memref<1x128xi32, #tpu.memory_space<vmem>> -> memref<128xi32, #tpu.memory_space<vmem>>
            %dma_wait3A_1565 = arith.constant 0 : i32
            %dma_wait3A_1566 = tpu.memref_slice %arg15[%dma_wait3A_1565] : memref<524352xf32, #tpu.memory_space<vmem_shared>> -> memref<524352xf32, #tpu.memory_space<vmem_shared>>
            tpu.wait_indirect_dma semaphore(%run_scoped3A_1556 : memref<!tpu.dma_semaphore, #tpu.memory_space<semaphore_mem>>) src(%arg13 : memref<128xf32, #tpu.memory_space<vmem>>) dst(%dma_wait3A_1566 : memref<524352xf32, #tpu.memory_space<vmem_shared>>)
            tpu.yield
          }) : () -> ()
        }
      } else {
      }
      %barrier3A_1544 = arith.constant 0 : index
      tpu.barrier barrier_id(%barrier3A_1544)
    }
    %scan3A_1507 = arith.constant 8 : i32
    %barrier3A_1508 = arith.constant 0 : index
    tpu.barrier barrier_id(%barrier3A_1508)
    %scan3A_1509 = arith.constant 0 : i32
    %scan3A_1510 = arith.constant 0 : i32
    %scan3A_1511 = arith.constant 16 : i32
    %scan3A_1512 = arith.addi %scan3A_1510, %scan3A_1511 : i32
    %scan3A_1513 = arith.constant 1 : i32
    scf.for %scan3A_1522 = %scan3A_1510 to %scan3A_1512 step %scan3A_1513  : i32 {
      %mul3A_1523 = arith.constant 16 : i32
      %mul3A_1524 = arith.muli %scan3A_1522, %mul3A_1523 : i32
      %add3A_1525 = arith.addi %mul3A_1524, %arg1 : i32
      %mul3A_1526 = arith.constant 2048 : i32
      %mul3A_1527 = arith.muli %add3A_1525, %mul3A_1526 : i32
      %mul3A_1528 = arith.constant 8 : i32
      %mul3A_1529 = arith.muli %mul3A_1528, %add3A_1525 : i32
      %add3A_1530 = arith.addi %mul3A_1529, %add3A_1246 : i32
      %dma_start3A_1531 = arith.constant 0 : i32
      %dma_start3A_1532 = tpu.memref_slice %arg4[%add3A_1530, %dma_start3A_1531] : memref<2048x2048xf32, #tpu.memory_space<hbm>> -> memref<1x2048xf32, #tpu.memory_space<hbm>>
      %dma_start3A_1533 = tpu.memref_squeeze %dma_start3A_1532 : memref<1x2048xf32, #tpu.memory_space<hbm>> -> memref<2048xf32, #tpu.memory_space<hbm>>
      %dma_start3A_1534 = tpu.memref_slice %arg15[%mul3A_1527] : memref<524352xf32, #tpu.memory_space<vmem_shared>> -> memref<2048xf32, #tpu.memory_space<vmem_shared>>
      tpu.enqueue_dma source(%dma_start3A_1534 : memref<2048xf32, #tpu.memory_space<vmem_shared>>) target(%dma_start3A_1533 : memref<2048xf32, #tpu.memory_space<hbm>>) target_semaphore(%arg17 : memref<!tpu.dma_semaphore, #tpu.memory_space<semaphore_mem>>)
    }
    %scan3A_1514 = arith.constant 16 : i32
    %scan3A_1515 = arith.constant 0 : i32
    %scan3A_1516 = arith.constant 0 : i32
    %scan3A_1517 = arith.constant 16 : i32
    %scan3A_1518 = arith.addi %scan3A_1516, %scan3A_1517 : i32
    %scan3A_1519 = arith.constant 1 : i32
    scf.for %scan3A_1522 = %scan3A_1516 to %scan3A_1518 step %scan3A_1519  : i32 {
      %mul3A_1523 = arith.constant 16 : i32
      %mul3A_1524 = arith.muli %scan3A_1522, %mul3A_1523 : i32
      %add3A_1525 = arith.addi %mul3A_1524, %arg1 : i32
      %mul3A_1526 = arith.constant 2048 : i32
      %mul3A_1527 = arith.muli %add3A_1525, %mul3A_1526 : i32
      %mul3A_1528 = arith.constant 8 : i32
      %mul3A_1529 = arith.muli %mul3A_1528, %add3A_1525 : i32
      %add3A_1530 = arith.addi %mul3A_1529, %add3A_1246 : i32
      %dma_wait3A_1531 = arith.constant 0 : i32
      %dma_wait3A_1532 = tpu.memref_slice %arg4[%add3A_1530, %dma_wait3A_1531] : memref<2048x2048xf32, #tpu.memory_space<hbm>> -> memref<1x2048xf32, #tpu.memory_space<hbm>>
      %dma_wait3A_1533 = tpu.memref_squeeze %dma_wait3A_1532 : memref<1x2048xf32, #tpu.memory_space<hbm>> -> memref<2048xf32, #tpu.memory_space<hbm>>
      %dma_wait3A_1534 = tpu.memref_slice %arg15[%mul3A_1527] : memref<524352xf32, #tpu.memory_space<vmem_shared>> -> memref<2048xf32, #tpu.memory_space<vmem_shared>>
      tpu.wait_dma2 semaphore(%arg17 : memref<!tpu.dma_semaphore, #tpu.memory_space<semaphore_mem>>) src(%dma_wait3A_1534 : memref<2048xf32, #tpu.memory_space<vmem_shared>>) dst(%dma_wait3A_1533 : memref<2048xf32, #tpu.memory_space<hbm>>)
    }
    %scan3A_1520 = arith.constant 16 : i32
    %barrier3A_1521 = arith.constant 0 : index
    tpu.barrier barrier_id(%barrier3A_1521)
    return
  }
}

module attributes {stable_mosaic.version = 14 : i64} {
  func.func @_dense_body(%arg0: i32, %arg1: i32, %arg2: memref<64x128xi32, #tpu.memory_space<vmem>>, %arg3: memref<4194304xf32, #tpu.memory_space<hbm>>, %arg4: memref<262144xf32, #tpu.memory_space<vmem>>, %arg5: memref<9xi32, #tpu.memory_space<smem>>, %arg6: memref<262144xf32, #tpu.memory_space<vmem>>, %arg7: memref<262144xf32, #tpu.memory_space<vmem>>, %arg8: memref<262144xi32, #tpu.memory_space<vmem>>, %arg9: memref<!tpu.dma_semaphore, #tpu.memory_space<semaphore_mem>>, %arg10: memref<!tpu.dma_semaphore, #tpu.memory_space<semaphore_mem>>) attributes {dimension_semantics = [#tpu.dimension_semantics<arbitrary>, #tpu.dimension_semantics<arbitrary>], iteration_bounds = array<i64: 8, 4>, scalar_prefetch = 0 : i64, scratch_operands = 6 : i64, tpu.core_type = #tpu.core_type<tc>, window_params = [{pipeline_mode = #tpu.pipeline_mode<synchronous>, transform_indices = @transform_0, window_bounds = array<i64: 64, 128>}, {}, {transform_indices = @transform_2, window_bounds = array<i64: 262144>}]} {
    %mul3A = arith.constant 4 : i32
    %mul3A_0 = arith.muli %arg0, %mul3A : i32
    %add3A = arith.addi %mul3A_0, %arg1 : i32
    %eq3A = arith.constant 0 : i32
    %eq3A_1 = arith.cmpi eq, %add3A, %eq3A : i32
    %convert_element_type3A = arith.extui %eq3A_1 : i1 to i32
    %cond3A = arith.constant 0 : i32
    %cond3A_2 = arith.cmpi ne, %convert_element_type3A, %cond3A : i32
    scf.if %cond3A_2 {
      %get3A = arith.constant 0 : index
      %get3A_23 = arith.constant 0 : index
      %get3A_24 = vector.load %arg2[%get3A, %get3A_23] : memref<64x128xi32, #tpu.memory_space<vmem>>, vector<64x128xi32>
      %lt3A_25 = arith.constant 0 : i32
      %lt3A_26 = vector.broadcast %lt3A_25 : i32 to vector<64x128xi32>
      %lt3A_27 = arith.cmpi slt, %get3A_24, %lt3A_26 : vector<64x128xi32>
      %convert_element_type3A_28 = arith.extui %lt3A_27 : vector<64x128xi1> to vector<64x128xi32>
      %reduce_sum3A = vector.shape_cast %convert_element_type3A_28 : vector<64x128xi32> to vector<1x64x128xi32>
      %reduce_sum3A_29 = arith.constant dense<0> : vector<1xi32>
      %reduce_sum3A_30 = vector.multi_reduction <add>, %reduce_sum3A, %reduce_sum3A_29 [1, 2] : vector<1x64x128xi32> to vector<1xi32>
      %reduce_sum3A_31 = vector.shape_cast %reduce_sum3A_30 : vector<1xi32> to vector<1x1x1xi32>
      %reduce_sum3A_32 = vector.extract %reduce_sum3A_31[0, 0, 0] : i32 from vector<1x1x1xi32>
      %swap3A = arith.constant 0 : index
      %swap3A_33 = memref.load %arg5[%swap3A] : memref<9xi32, #tpu.memory_space<smem>>
      memref.store %reduce_sum3A_32, %arg5[%swap3A] : memref<9xi32, #tpu.memory_space<smem>>
      %lt3A_34 = arith.constant 1 : i32
      %lt3A_35 = vector.broadcast %lt3A_34 : i32 to vector<64x128xi32>
      %lt3A_36 = arith.cmpi slt, %get3A_24, %lt3A_35 : vector<64x128xi32>
      %convert_element_type3A_37 = arith.extui %lt3A_36 : vector<64x128xi1> to vector<64x128xi32>
      %reduce_sum3A_38 = vector.shape_cast %convert_element_type3A_37 : vector<64x128xi32> to vector<1x64x128xi32>
      %reduce_sum3A_39 = arith.constant dense<0> : vector<1xi32>
      %reduce_sum3A_40 = vector.multi_reduction <add>, %reduce_sum3A_38, %reduce_sum3A_39 [1, 2] : vector<1x64x128xi32> to vector<1xi32>
      %reduce_sum3A_41 = vector.shape_cast %reduce_sum3A_40 : vector<1xi32> to vector<1x1x1xi32>
      %reduce_sum3A_42 = vector.extract %reduce_sum3A_41[0, 0, 0] : i32 from vector<1x1x1xi32>
      %swap3A_43 = arith.constant 1 : index
      %swap3A_44 = memref.load %arg5[%swap3A_43] : memref<9xi32, #tpu.memory_space<smem>>
      memref.store %reduce_sum3A_42, %arg5[%swap3A_43] : memref<9xi32, #tpu.memory_space<smem>>
      %lt3A_45 = arith.constant 2 : i32
      %lt3A_46 = vector.broadcast %lt3A_45 : i32 to vector<64x128xi32>
      %lt3A_47 = arith.cmpi slt, %get3A_24, %lt3A_46 : vector<64x128xi32>
      %convert_element_type3A_48 = arith.extui %lt3A_47 : vector<64x128xi1> to vector<64x128xi32>
      %reduce_sum3A_49 = vector.shape_cast %convert_element_type3A_48 : vector<64x128xi32> to vector<1x64x128xi32>
      %reduce_sum3A_50 = arith.constant dense<0> : vector<1xi32>
      %reduce_sum3A_51 = vector.multi_reduction <add>, %reduce_sum3A_49, %reduce_sum3A_50 [1, 2] : vector<1x64x128xi32> to vector<1xi32>
      %reduce_sum3A_52 = vector.shape_cast %reduce_sum3A_51 : vector<1xi32> to vector<1x1x1xi32>
      %reduce_sum3A_53 = vector.extract %reduce_sum3A_52[0, 0, 0] : i32 from vector<1x1x1xi32>
      %swap3A_54 = arith.constant 2 : index
      %swap3A_55 = memref.load %arg5[%swap3A_54] : memref<9xi32, #tpu.memory_space<smem>>
      memref.store %reduce_sum3A_53, %arg5[%swap3A_54] : memref<9xi32, #tpu.memory_space<smem>>
      %lt3A_56 = arith.constant 3 : i32
      %lt3A_57 = vector.broadcast %lt3A_56 : i32 to vector<64x128xi32>
      %lt3A_58 = arith.cmpi slt, %get3A_24, %lt3A_57 : vector<64x128xi32>
      %convert_element_type3A_59 = arith.extui %lt3A_58 : vector<64x128xi1> to vector<64x128xi32>
      %reduce_sum3A_60 = vector.shape_cast %convert_element_type3A_59 : vector<64x128xi32> to vector<1x64x128xi32>
      %reduce_sum3A_61 = arith.constant dense<0> : vector<1xi32>
      %reduce_sum3A_62 = vector.multi_reduction <add>, %reduce_sum3A_60, %reduce_sum3A_61 [1, 2] : vector<1x64x128xi32> to vector<1xi32>
      %reduce_sum3A_63 = vector.shape_cast %reduce_sum3A_62 : vector<1xi32> to vector<1x1x1xi32>
      %reduce_sum3A_64 = vector.extract %reduce_sum3A_63[0, 0, 0] : i32 from vector<1x1x1xi32>
      %swap3A_65 = arith.constant 3 : index
      %swap3A_66 = memref.load %arg5[%swap3A_65] : memref<9xi32, #tpu.memory_space<smem>>
      memref.store %reduce_sum3A_64, %arg5[%swap3A_65] : memref<9xi32, #tpu.memory_space<smem>>
      %lt3A_67 = arith.constant 4 : i32
      %lt3A_68 = vector.broadcast %lt3A_67 : i32 to vector<64x128xi32>
      %lt3A_69 = arith.cmpi slt, %get3A_24, %lt3A_68 : vector<64x128xi32>
      %convert_element_type3A_70 = arith.extui %lt3A_69 : vector<64x128xi1> to vector<64x128xi32>
      %reduce_sum3A_71 = vector.shape_cast %convert_element_type3A_70 : vector<64x128xi32> to vector<1x64x128xi32>
      %reduce_sum3A_72 = arith.constant dense<0> : vector<1xi32>
      %reduce_sum3A_73 = vector.multi_reduction <add>, %reduce_sum3A_71, %reduce_sum3A_72 [1, 2] : vector<1x64x128xi32> to vector<1xi32>
      %reduce_sum3A_74 = vector.shape_cast %reduce_sum3A_73 : vector<1xi32> to vector<1x1x1xi32>
      %reduce_sum3A_75 = vector.extract %reduce_sum3A_74[0, 0, 0] : i32 from vector<1x1x1xi32>
      %swap3A_76 = arith.constant 4 : index
      %swap3A_77 = memref.load %arg5[%swap3A_76] : memref<9xi32, #tpu.memory_space<smem>>
      memref.store %reduce_sum3A_75, %arg5[%swap3A_76] : memref<9xi32, #tpu.memory_space<smem>>
      %lt3A_78 = arith.constant 5 : i32
      %lt3A_79 = vector.broadcast %lt3A_78 : i32 to vector<64x128xi32>
      %lt3A_80 = arith.cmpi slt, %get3A_24, %lt3A_79 : vector<64x128xi32>
      %convert_element_type3A_81 = arith.extui %lt3A_80 : vector<64x128xi1> to vector<64x128xi32>
      %reduce_sum3A_82 = vector.shape_cast %convert_element_type3A_81 : vector<64x128xi32> to vector<1x64x128xi32>
      %reduce_sum3A_83 = arith.constant dense<0> : vector<1xi32>
      %reduce_sum3A_84 = vector.multi_reduction <add>, %reduce_sum3A_82, %reduce_sum3A_83 [1, 2] : vector<1x64x128xi32> to vector<1xi32>
      %reduce_sum3A_85 = vector.shape_cast %reduce_sum3A_84 : vector<1xi32> to vector<1x1x1xi32>
      %reduce_sum3A_86 = vector.extract %reduce_sum3A_85[0, 0, 0] : i32 from vector<1x1x1xi32>
      %swap3A_87 = arith.constant 5 : index
      %swap3A_88 = memref.load %arg5[%swap3A_87] : memref<9xi32, #tpu.memory_space<smem>>
      memref.store %reduce_sum3A_86, %arg5[%swap3A_87] : memref<9xi32, #tpu.memory_space<smem>>
      %lt3A_89 = arith.constant 6 : i32
      %lt3A_90 = vector.broadcast %lt3A_89 : i32 to vector<64x128xi32>
      %lt3A_91 = arith.cmpi slt, %get3A_24, %lt3A_90 : vector<64x128xi32>
      %convert_element_type3A_92 = arith.extui %lt3A_91 : vector<64x128xi1> to vector<64x128xi32>
      %reduce_sum3A_93 = vector.shape_cast %convert_element_type3A_92 : vector<64x128xi32> to vector<1x64x128xi32>
      %reduce_sum3A_94 = arith.constant dense<0> : vector<1xi32>
      %reduce_sum3A_95 = vector.multi_reduction <add>, %reduce_sum3A_93, %reduce_sum3A_94 [1, 2] : vector<1x64x128xi32> to vector<1xi32>
      %reduce_sum3A_96 = vector.shape_cast %reduce_sum3A_95 : vector<1xi32> to vector<1x1x1xi32>
      %reduce_sum3A_97 = vector.extract %reduce_sum3A_96[0, 0, 0] : i32 from vector<1x1x1xi32>
      %swap3A_98 = arith.constant 6 : index
      %swap3A_99 = memref.load %arg5[%swap3A_98] : memref<9xi32, #tpu.memory_space<smem>>
      memref.store %reduce_sum3A_97, %arg5[%swap3A_98] : memref<9xi32, #tpu.memory_space<smem>>
      %lt3A_100 = arith.constant 7 : i32
      %lt3A_101 = vector.broadcast %lt3A_100 : i32 to vector<64x128xi32>
      %lt3A_102 = arith.cmpi slt, %get3A_24, %lt3A_101 : vector<64x128xi32>
      %convert_element_type3A_103 = arith.extui %lt3A_102 : vector<64x128xi1> to vector<64x128xi32>
      %reduce_sum3A_104 = vector.shape_cast %convert_element_type3A_103 : vector<64x128xi32> to vector<1x64x128xi32>
      %reduce_sum3A_105 = arith.constant dense<0> : vector<1xi32>
      %reduce_sum3A_106 = vector.multi_reduction <add>, %reduce_sum3A_104, %reduce_sum3A_105 [1, 2] : vector<1x64x128xi32> to vector<1xi32>
      %reduce_sum3A_107 = vector.shape_cast %reduce_sum3A_106 : vector<1xi32> to vector<1x1x1xi32>
      %reduce_sum3A_108 = vector.extract %reduce_sum3A_107[0, 0, 0] : i32 from vector<1x1x1xi32>
      %swap3A_109 = arith.constant 7 : index
      %swap3A_110 = memref.load %arg5[%swap3A_109] : memref<9xi32, #tpu.memory_space<smem>>
      memref.store %reduce_sum3A_108, %arg5[%swap3A_109] : memref<9xi32, #tpu.memory_space<smem>>
      %lt3A_111 = arith.constant 8 : i32
      %lt3A_112 = vector.broadcast %lt3A_111 : i32 to vector<64x128xi32>
      %lt3A_113 = arith.cmpi slt, %get3A_24, %lt3A_112 : vector<64x128xi32>
      %convert_element_type3A_114 = arith.extui %lt3A_113 : vector<64x128xi1> to vector<64x128xi32>
      %reduce_sum3A_115 = vector.shape_cast %convert_element_type3A_114 : vector<64x128xi32> to vector<1x64x128xi32>
      %reduce_sum3A_116 = arith.constant dense<0> : vector<1xi32>
      %reduce_sum3A_117 = vector.multi_reduction <add>, %reduce_sum3A_115, %reduce_sum3A_116 [1, 2] : vector<1x64x128xi32> to vector<1xi32>
      %reduce_sum3A_118 = vector.shape_cast %reduce_sum3A_117 : vector<1xi32> to vector<1x1x1xi32>
      %reduce_sum3A_119 = vector.extract %reduce_sum3A_118[0, 0, 0] : i32 from vector<1x1x1xi32>
      %swap3A_120 = arith.constant 8 : index
      %swap3A_121 = memref.load %arg5[%swap3A_120] : memref<9xi32, #tpu.memory_space<smem>>
      memref.store %reduce_sum3A_119, %arg5[%swap3A_120] : memref<9xi32, #tpu.memory_space<smem>>
      %get3A_122 = arith.constant 0 : index
      %get3A_123 = memref.load %arg5[%get3A_122] : memref<9xi32, #tpu.memory_space<smem>>
      %add3A_124 = arith.constant 0 : i32
      %add3A_125 = arith.addi %get3A_123, %add3A_124 : i32
      %mul3A_126 = arith.constant 512 : i32
      %mul3A_127 = arith.muli %add3A_125, %mul3A_126 : i32
      %min3A = arith.constant 3932160 : i32
      %min3A_128 = arith.minsi %mul3A_127, %min3A : i32
      %dma_start3A = tpu.memref_slice %arg3[%min3A_128] : memref<4194304xf32, #tpu.memory_space<hbm>> -> memref<262144xf32, #tpu.memory_space<hbm>>
      tpu.enqueue_dma source(%dma_start3A : memref<262144xf32, #tpu.memory_space<hbm>>) target(%arg6 : memref<262144xf32, #tpu.memory_space<vmem>>) target_semaphore(%arg9 : memref<!tpu.dma_semaphore, #tpu.memory_space<semaphore_mem>>)
      %get3A_129 = arith.constant 0 : index
      %get3A_130 = memref.load %arg5[%get3A_129] : memref<9xi32, #tpu.memory_space<smem>>
      %add3A_131 = arith.constant 512 : i32
      %add3A_132 = arith.addi %get3A_130, %add3A_131 : i32
      %mul3A_133 = arith.constant 512 : i32
      %mul3A_134 = arith.muli %add3A_132, %mul3A_133 : i32
      %min3A_135 = arith.constant 3932160 : i32
      %min3A_136 = arith.minsi %mul3A_134, %min3A_135 : i32
      %dma_start3A_137 = tpu.memref_slice %arg3[%min3A_136] : memref<4194304xf32, #tpu.memory_space<hbm>> -> memref<262144xf32, #tpu.memory_space<hbm>>
      tpu.enqueue_dma source(%dma_start3A_137 : memref<262144xf32, #tpu.memory_space<hbm>>) target(%arg7 : memref<262144xf32, #tpu.memory_space<vmem>>) target_semaphore(%arg10 : memref<!tpu.dma_semaphore, #tpu.memory_space<semaphore_mem>>)
      %iota3A = tpu.iota {dimensions = array<i32: 1>} : vector<1x262144xi32>
      %iota3A_138 = vector.shape_cast %iota3A : vector<1x262144xi32> to vector<262144xi32>
      %swap3A_139 = arith.constant 0 : index
      %swap3A_140 = vector.load %arg8[%swap3A_139] : memref<262144xi32, #tpu.memory_space<vmem>>, vector<262144xi32>
      tpu.vector_store %arg8[%swap3A_139], %iota3A_138 {strides = array<i32>} : memref<262144xi32, #tpu.memory_space<vmem>>, vector<262144xi32>,
    } else {
    }
    %jit3A = arith.constant 2 : i32
    %eq3A_3 = arith.constant 0 : i32
    %eq3A_4 = arith.cmpi eq, %jit3A, %eq3A_3 : i32
    %jit3A_5 = arith.constant 1 : i32
    %select_n3A = arith.select %eq3A_4, %jit3A_5, %jit3A : i32
    %rem3A = arith.remsi %add3A, %select_n3A : i32
    %ne3A = arith.constant 0 : i32
    %ne3A_6 = arith.cmpi ne, %rem3A, %ne3A : i32
    %lt3A = arith.constant 0 : i32
    %lt3A_7 = arith.cmpi slt, %rem3A, %lt3A : i32
    %lt3A_8 = arith.constant 0 : i32
    %lt3A_9 = arith.cmpi slt, %select_n3A, %lt3A_8 : i32
    %ne3A_10 = arith.xori %lt3A_7, %lt3A_9 : i1
    %and3A = arith.andi %ne3A_10, %ne3A_6 : i1
    %add3A_11 = arith.addi %rem3A, %select_n3A : i32
    %select_n3A_12 = arith.select %and3A, %add3A_11, %rem3A : i32
    %eq3A_13 = arith.constant 0 : i32
    %eq3A_14 = arith.cmpi eq, %select_n3A_12, %eq3A_13 : i32
    %convert_element_type3A_15 = arith.extui %eq3A_14 : i1 to i32
    %cond3A_16 = arith.constant 0 : i32
    %cond3A_17 = arith.cmpi ne, %convert_element_type3A_15, %cond3A_16 : i32
    scf.if %cond3A_17 {
      %jit3A_23 = arith.constant 4 : i32
      %div3A = arith.divsi %add3A, %jit3A_23 : i32
      %sign3A = arith.constant 0 : i32
      %sign3A_24 = arith.cmpi sgt, %add3A, %sign3A : i32
      %sign3A_25 = arith.extui %sign3A_24 : i1 to i32
      %sign3A_26 = arith.constant 0 : i32
      %sign3A_27 = arith.cmpi slt, %add3A, %sign3A_26 : i32
      %sign3A_28 = arith.extui %sign3A_27 : i1 to i32
      %sign3A_29 = arith.subi %sign3A_25, %sign3A_28 : i32
      %sign3A_30 = arith.constant 0 : i32
      %sign3A_31 = arith.cmpi sgt, %jit3A_23, %sign3A_30 : i32
      %sign3A_32 = arith.extui %sign3A_31 : i1 to i32
      %sign3A_33 = arith.constant 0 : i32
      %sign3A_34 = arith.cmpi slt, %jit3A_23, %sign3A_33 : i32
      %sign3A_35 = arith.extui %sign3A_34 : i1 to i32
      %sign3A_36 = arith.subi %sign3A_32, %sign3A_35 : i32
      %ne3A_37 = arith.cmpi ne, %sign3A_29, %sign3A_36 : i32
      %rem3A_38 = arith.remsi %add3A, %jit3A_23 : i32
      %ne3A_39 = arith.constant 0 : i32
      %ne3A_40 = arith.cmpi ne, %rem3A_38, %ne3A_39 : i32
      %and3A_41 = arith.andi %ne3A_37, %ne3A_40 : i1
      %sub3A = arith.constant 1 : i32
      %sub3A_42 = arith.subi %div3A, %sub3A : i32
      %select_n3A_43 = arith.select %and3A_41, %sub3A_42, %div3A : i32
      %jit3A_44 = arith.constant 4 : i32
      %eq3A_45 = arith.constant 0 : i32
      %eq3A_46 = arith.cmpi eq, %jit3A_44, %eq3A_45 : i32
      %jit3A_47 = arith.constant 1 : i32
      %select_n3A_48 = arith.select %eq3A_46, %jit3A_47, %jit3A_44 : i32
      %rem3A_49 = arith.remsi %add3A, %select_n3A_48 : i32
      %ne3A_50 = arith.constant 0 : i32
      %ne3A_51 = arith.cmpi ne, %rem3A_49, %ne3A_50 : i32
      %lt3A_52 = arith.constant 0 : i32
      %lt3A_53 = arith.cmpi slt, %rem3A_49, %lt3A_52 : i32
      %lt3A_54 = arith.constant 0 : i32
      %lt3A_55 = arith.cmpi slt, %select_n3A_48, %lt3A_54 : i32
      %ne3A_56 = arith.xori %lt3A_53, %lt3A_55 : i1
      %and3A_57 = arith.andi %ne3A_56, %ne3A_51 : i1
      %add3A_58 = arith.addi %rem3A_49, %select_n3A_48 : i32
      %select_n3A_59 = arith.select %and3A_57, %add3A_58, %rem3A_49 : i32
      %get3A = arith.index_cast %select_n3A_43 : i32 to index
      %get3A_60 = memref.load %arg5[%get3A] : memref<9xi32, #tpu.memory_space<smem>>
      %mul3A_61 = arith.constant 512 : i32
      %mul3A_62 = arith.muli %select_n3A_59, %mul3A_61 : i32
      %add3A_63 = arith.addi %get3A_60, %mul3A_62 : i32
      %mul3A_64 = arith.constant 512 : i32
      %mul3A_65 = arith.muli %add3A_63, %mul3A_64 : i32
      %min3A = arith.constant 3932160 : i32
      %min3A_66 = arith.minsi %mul3A_65, %min3A : i32
      %dma_wait3A = tpu.memref_slice %arg3[%min3A_66] : memref<4194304xf32, #tpu.memory_space<hbm>> -> memref<262144xf32, #tpu.memory_space<hbm>>
      tpu.wait_dma2 semaphore(%arg9 : memref<!tpu.dma_semaphore, #tpu.memory_space<semaphore_mem>>) src(%dma_wait3A : memref<262144xf32, #tpu.memory_space<hbm>>) dst(%arg6 : memref<262144xf32, #tpu.memory_space<vmem>>)
      %get3A_67 = arith.index_cast %arg0 : i32 to index
      %get3A_68 = memref.load %arg5[%get3A_67] : memref<9xi32, #tpu.memory_space<smem>>
      %mul3A_69 = arith.constant 512 : i32
      %mul3A_70 = arith.muli %arg1, %mul3A_69 : i32
      %add3A_71 = arith.addi %get3A_68, %mul3A_70 : i32
      %mul3A_72 = arith.constant 512 : i32
      %mul3A_73 = arith.muli %add3A_71, %mul3A_72 : i32
      %min3A_74 = arith.constant 3932160 : i32
      %min3A_75 = arith.minsi %mul3A_73, %min3A_74 : i32
      %sub3A_76 = arith.subi %mul3A_73, %min3A_75 : i32
      %add3A_77 = arith.constant 1 : i32
      %add3A_78 = arith.addi %arg0, %add3A_77 : i32
      %get3A_79 = arith.index_cast %add3A_78 : i32 to index
      %get3A_80 = memref.load %arg5[%get3A_79] : memref<9xi32, #tpu.memory_space<smem>>
      %get3A_81 = arith.index_cast %arg0 : i32 to index
      %get3A_82 = memref.load %arg5[%get3A_81] : memref<9xi32, #tpu.memory_space<smem>>
      %sub3A_83 = arith.subi %get3A_80, %get3A_82 : i32
      %mul3A_84 = arith.constant 512 : i32
      %mul3A_85 = arith.muli %arg1, %mul3A_84 : i32
      %sub3A_86 = arith.subi %sub3A_83, %mul3A_85 : i32
      %mul3A_87 = arith.constant 512 : i32
      %mul3A_88 = arith.muli %sub3A_86, %mul3A_87 : i32
      %ge3A = arith.constant 262144 : i32
      %ge3A_89 = arith.cmpi sge, %mul3A_88, %ge3A : i32
      %eq3A_90 = arith.constant 0 : i32
      %eq3A_91 = arith.cmpi eq, %sub3A_76, %eq3A_90 : i32
      %and3A_92 = arith.andi %ge3A_89, %eq3A_91 : i1
      %convert_element_type3A_93 = arith.extui %and3A_92 : i1 to i32
      %cond3A_94 = arith.constant 0 : i32
      %cond3A_95 = arith.cmpi ne, %convert_element_type3A_93, %cond3A_94 : i32
      scf.if %cond3A_95 {
        %get3A_125 = arith.constant 0 : index
        %get3A_126 = vector.load %arg6[%get3A_125] : memref<262144xf32, #tpu.memory_space<vmem>>, vector<262144xf32>
        %swap3A = arith.constant 0 : index
        %swap3A_127 = vector.load %arg4[%swap3A] : memref<262144xf32, #tpu.memory_space<vmem>>, vector<262144xf32>
        tpu.vector_store %arg4[%swap3A], %get3A_126 {strides = array<i32>} : memref<262144xf32, #tpu.memory_space<vmem>>, vector<262144xf32>,
      } else {
      }
      %le3A = arith.constant 0 : i32
      %le3A_96 = arith.cmpi sle, %mul3A_88, %le3A : i32
      %convert_element_type3A_97 = arith.extui %le3A_96 : i1 to i32
      %cond3A_98 = arith.constant 0 : i32
      %cond3A_99 = arith.cmpi ne, %convert_element_type3A_97, %cond3A_98 : i32
      scf.if %cond3A_99 {
        %broadcast_in_dim3A = arith.constant 0.000000e+00 : f32
        %broadcast_in_dim3A_125 = vector.broadcast %broadcast_in_dim3A : f32 to vector<262144xf32>
        %swap3A = arith.constant 0 : index
        %swap3A_126 = vector.load %arg4[%swap3A] : memref<262144xf32, #tpu.memory_space<vmem>>, vector<262144xf32>
        tpu.vector_store %arg4[%swap3A], %broadcast_in_dim3A_125 {strides = array<i32>} : memref<262144xf32, #tpu.memory_space<vmem>>, vector<262144xf32>,
      } else {
      }
      %gt3A = arith.constant 0 : i32
      %gt3A_100 = arith.cmpi sgt, %mul3A_88, %gt3A : i32
      %lt3A_101 = arith.constant 262144 : i32
      %lt3A_102 = arith.cmpi slt, %mul3A_88, %lt3A_101 : i32
      %and3A_103 = arith.andi %gt3A_100, %lt3A_102 : i1
      %eq3A_104 = arith.constant 0 : i32
      %eq3A_105 = arith.cmpi eq, %sub3A_76, %eq3A_104 : i32
      %and3A_106 = arith.andi %and3A_103, %eq3A_105 : i1
      %convert_element_type3A_107 = arith.extui %and3A_106 : i1 to i32
      %cond3A_108 = arith.constant 0 : i32
      %cond3A_109 = arith.cmpi ne, %convert_element_type3A_107, %cond3A_108 : i32
      scf.if %cond3A_109 {
        %get3A_125 = arith.constant 0 : index
        %get3A_126 = vector.load %arg8[%get3A_125] : memref<262144xi32, #tpu.memory_space<vmem>>, vector<262144xi32>
        %lt3A_127 = vector.broadcast %mul3A_88 : i32 to vector<262144xi32>
        %lt3A_128 = arith.cmpi slt, %get3A_126, %lt3A_127 : vector<262144xi32>
        %get3A_129 = arith.constant 0 : index
        %get3A_130 = vector.load %arg6[%get3A_129] : memref<262144xf32, #tpu.memory_space<vmem>>, vector<262144xf32>
        %jit3A_131 = arith.constant 0.000000e+00 : f32
        %broadcast_in_dim3A = vector.broadcast %jit3A_131 : f32 to vector<262144xf32>
        %select_n3A_132 = arith.select %lt3A_128, %get3A_130, %broadcast_in_dim3A : vector<262144xi1>, vector<262144xf32>
        %swap3A = arith.constant 0 : index
        %swap3A_133 = vector.load %arg4[%swap3A] : memref<262144xf32, #tpu.memory_space<vmem>>, vector<262144xf32>
        tpu.vector_store %arg4[%swap3A], %select_n3A_132 {strides = array<i32>} : memref<262144xf32, #tpu.memory_space<vmem>>, vector<262144xf32>,
      } else {
      }
      %gt3A_110 = arith.constant 0 : i32
      %gt3A_111 = arith.cmpi sgt, %mul3A_88, %gt3A_110 : i32
      %gt3A_112 = arith.constant 0 : i32
      %gt3A_113 = arith.cmpi sgt, %sub3A_76, %gt3A_112 : i32
      %and3A_114 = arith.andi %gt3A_111, %gt3A_113 : i1
      %convert_element_type3A_115 = arith.extui %and3A_114 : i1 to i32
      %cond3A_116 = arith.constant 0 : i32
      %cond3A_117 = arith.cmpi ne, %convert_element_type3A_115, %cond3A_116 : i32
      scf.if %cond3A_117 {
        %jit3A_125 = arith.constant 512 : i32
        %div3A_126 = arith.divsi %mul3A_88, %jit3A_125 : i32
        %sign3A_127 = arith.constant 0 : i32
        %sign3A_128 = arith.cmpi sgt, %mul3A_88, %sign3A_127 : i32
        %sign3A_129 = arith.extui %sign3A_128 : i1 to i32
        %sign3A_130 = arith.constant 0 : i32
        %sign3A_131 = arith.cmpi slt, %mul3A_88, %sign3A_130 : i32
        %sign3A_132 = arith.extui %sign3A_131 : i1 to i32
        %sign3A_133 = arith.subi %sign3A_129, %sign3A_132 : i32
        %sign3A_134 = arith.constant 0 : i32
        %sign3A_135 = arith.cmpi sgt, %jit3A_125, %sign3A_134 : i32
        %sign3A_136 = arith.extui %sign3A_135 : i1 to i32
        %sign3A_137 = arith.constant 0 : i32
        %sign3A_138 = arith.cmpi slt, %jit3A_125, %sign3A_137 : i32
        %sign3A_139 = arith.extui %sign3A_138 : i1 to i32
        %sign3A_140 = arith.subi %sign3A_136, %sign3A_139 : i32
        %ne3A_141 = arith.cmpi ne, %sign3A_133, %sign3A_140 : i32
        %rem3A_142 = arith.remsi %mul3A_88, %jit3A_125 : i32
        %ne3A_143 = arith.constant 0 : i32
        %ne3A_144 = arith.cmpi ne, %rem3A_142, %ne3A_143 : i32
        %and3A_145 = arith.andi %ne3A_141, %ne3A_144 : i1
        %sub3A_146 = arith.constant 1 : i32
        %sub3A_147 = arith.subi %div3A_126, %sub3A_146 : i32
        %select_n3A_148 = arith.select %and3A_145, %sub3A_147, %div3A_126 : i32
        %jit3A_149 = arith.constant 64 : i32
        %div3A_150 = arith.divsi %select_n3A_148, %jit3A_149 : i32
        %sign3A_151 = arith.constant 0 : i32
        %sign3A_152 = arith.cmpi sgt, %select_n3A_148, %sign3A_151 : i32
        %sign3A_153 = arith.extui %sign3A_152 : i1 to i32
        %sign3A_154 = arith.constant 0 : i32
        %sign3A_155 = arith.cmpi slt, %select_n3A_148, %sign3A_154 : i32
        %sign3A_156 = arith.extui %sign3A_155 : i1 to i32
        %sign3A_157 = arith.subi %sign3A_153, %sign3A_156 : i32
        %sign3A_158 = arith.constant 0 : i32
        %sign3A_159 = arith.cmpi sgt, %jit3A_149, %sign3A_158 : i32
        %sign3A_160 = arith.extui %sign3A_159 : i1 to i32
        %sign3A_161 = arith.constant 0 : i32
        %sign3A_162 = arith.cmpi slt, %jit3A_149, %sign3A_161 : i32
        %sign3A_163 = arith.extui %sign3A_162 : i1 to i32
        %sign3A_164 = arith.subi %sign3A_160, %sign3A_163 : i32
        %ne3A_165 = arith.cmpi ne, %sign3A_157, %sign3A_164 : i32
        %rem3A_166 = arith.remsi %select_n3A_148, %jit3A_149 : i32
        %ne3A_167 = arith.constant 0 : i32
        %ne3A_168 = arith.cmpi ne, %rem3A_166, %ne3A_167 : i32
        %and3A_169 = arith.andi %ne3A_165, %ne3A_168 : i1
        %sub3A_170 = arith.constant 1 : i32
        %sub3A_171 = arith.subi %div3A_150, %sub3A_170 : i32
        %select_n3A_172 = arith.select %and3A_169, %sub3A_171, %div3A_150 : i32
        %mul3A_173 = arith.constant 64 : i32
        %mul3A_174 = arith.muli %select_n3A_172, %mul3A_173 : i32
        %sub3A_175 = arith.subi %select_n3A_148, %mul3A_174 : i32
        %while3A = arith.constant 0 : i32
        %while3A_176 = arith.constant 0 : i32
        %while3A_177 = arith.subi %select_n3A_172, %while3A_176 : i32
        %while3A_178 = arith.addi %while3A_176, %while3A_177 : i32
        %while3A_179 = arith.constant 1 : i32
        %while3A_180 = arith.divsi %while3A_177, %while3A_179 : i32
        %while3A_181 = arith.muli %while3A_180, %while3A_179 : i32
        %while3A_182 = arith.addi %while3A_176, %while3A_181 : i32
        %while3A_183 = arith.constant 1 : i32
        scf.for %while3A_224 = %while3A_176 to %while3A_182 step %while3A_183  : i32 {
          %mul3A_225 = arith.constant 32768 : i32
          %mul3A_226 = arith.muli %while3A_224, %mul3A_225 : i32
          %add3A_227 = arith.addi %mul3A_73, %mul3A_226 : i32
          %mul3A_228 = arith.constant 32768 : i32
          %mul3A_229 = arith.muli %while3A_224, %mul3A_228 : i32
          %dma_start3A = tpu.memref_slice %arg6[%mul3A_229] : memref<262144xf32, #tpu.memory_space<vmem>> -> memref<32768xf32, #tpu.memory_space<vmem>>
          %dma_start3A_230 = tpu.memref_slice %arg3[%add3A_227] : memref<4194304xf32, #tpu.memory_space<hbm>> -> memref<32768xf32, #tpu.memory_space<hbm>>
          tpu.enqueue_dma source(%dma_start3A_230 : memref<32768xf32, #tpu.memory_space<hbm>>) target(%dma_start3A : memref<32768xf32, #tpu.memory_space<vmem>>) target_semaphore(%arg9 : memref<!tpu.dma_semaphore, #tpu.memory_space<semaphore_mem>>)
        }
        %while3A_184 = arith.constant 1 : i32
        scf.for %while3A_224 = %while3A_182 to %while3A_178 step %while3A_184  : i32 {
          %mul3A_225 = arith.constant 32768 : i32
          %mul3A_226 = arith.muli %while3A_224, %mul3A_225 : i32
          %add3A_227 = arith.addi %mul3A_73, %mul3A_226 : i32
          %mul3A_228 = arith.constant 32768 : i32
          %mul3A_229 = arith.muli %while3A_224, %mul3A_228 : i32
          %dma_start3A = tpu.memref_slice %arg6[%mul3A_229] : memref<262144xf32, #tpu.memory_space<vmem>> -> memref<32768xf32, #tpu.memory_space<vmem>>
          %dma_start3A_230 = tpu.memref_slice %arg3[%add3A_227] : memref<4194304xf32, #tpu.memory_space<hbm>> -> memref<32768xf32, #tpu.memory_space<hbm>>
          tpu.enqueue_dma source(%dma_start3A_230 : memref<32768xf32, #tpu.memory_space<hbm>>) target(%dma_start3A : memref<32768xf32, #tpu.memory_space<vmem>>) target_semaphore(%arg9 : memref<!tpu.dma_semaphore, #tpu.memory_space<semaphore_mem>>)
        }
        %while3A_185 = arith.constant 0 : i32
        %while3A_186 = arith.constant 0 : i32
        %while3A_187 = arith.subi %sub3A_175, %while3A_186 : i32
        %while3A_188 = arith.addi %while3A_186, %while3A_187 : i32
        %while3A_189 = arith.constant 1 : i32
        %while3A_190 = arith.divsi %while3A_187, %while3A_189 : i32
        %while3A_191 = arith.muli %while3A_190, %while3A_189 : i32
        %while3A_192 = arith.addi %while3A_186, %while3A_191 : i32
        %while3A_193 = arith.constant 1 : i32
        scf.for %while3A_224 = %while3A_186 to %while3A_192 step %while3A_193  : i32 {
          %mul3A_225 = arith.constant 32768 : i32
          %mul3A_226 = arith.muli %select_n3A_172, %mul3A_225 : i32
          %add3A_227 = arith.addi %mul3A_73, %mul3A_226 : i32
          %mul3A_228 = arith.constant 512 : i32
          %mul3A_229 = arith.muli %while3A_224, %mul3A_228 : i32
          %add3A_230 = arith.addi %add3A_227, %mul3A_229 : i32
          %mul3A_231 = arith.constant 32768 : i32
          %mul3A_232 = arith.muli %select_n3A_172, %mul3A_231 : i32
          %mul3A_233 = arith.constant 512 : i32
          %mul3A_234 = arith.muli %while3A_224, %mul3A_233 : i32
          %add3A_235 = arith.addi %mul3A_232, %mul3A_234 : i32
          %dma_start3A = tpu.memref_slice %arg6[%add3A_235] : memref<262144xf32, #tpu.memory_space<vmem>> -> memref<512xf32, #tpu.memory_space<vmem>>
          %dma_start3A_236 = tpu.memref_slice %arg3[%add3A_230] : memref<4194304xf32, #tpu.memory_space<hbm>> -> memref<512xf32, #tpu.memory_space<hbm>>
          tpu.enqueue_dma source(%dma_start3A_236 : memref<512xf32, #tpu.memory_space<hbm>>) target(%dma_start3A : memref<512xf32, #tpu.memory_space<vmem>>) target_semaphore(%arg9 : memref<!tpu.dma_semaphore, #tpu.memory_space<semaphore_mem>>)
        }
        %while3A_194 = arith.constant 1 : i32
        scf.for %while3A_224 = %while3A_192 to %while3A_188 step %while3A_194  : i32 {
          %mul3A_225 = arith.constant 32768 : i32
          %mul3A_226 = arith.muli %select_n3A_172, %mul3A_225 : i32
          %add3A_227 = arith.addi %mul3A_73, %mul3A_226 : i32
          %mul3A_228 = arith.constant 512 : i32
          %mul3A_229 = arith.muli %while3A_224, %mul3A_228 : i32
          %add3A_230 = arith.addi %add3A_227, %mul3A_229 : i32
          %mul3A_231 = arith.constant 32768 : i32
          %mul3A_232 = arith.muli %select_n3A_172, %mul3A_231 : i32
          %mul3A_233 = arith.constant 512 : i32
          %mul3A_234 = arith.muli %while3A_224, %mul3A_233 : i32
          %add3A_235 = arith.addi %mul3A_232, %mul3A_234 : i32
          %dma_start3A = tpu.memref_slice %arg6[%add3A_235] : memref<262144xf32, #tpu.memory_space<vmem>> -> memref<512xf32, #tpu.memory_space<vmem>>
          %dma_start3A_236 = tpu.memref_slice %arg3[%add3A_230] : memref<4194304xf32, #tpu.memory_space<hbm>> -> memref<512xf32, #tpu.memory_space<hbm>>
          tpu.enqueue_dma source(%dma_start3A_236 : memref<512xf32, #tpu.memory_space<hbm>>) target(%dma_start3A : memref<512xf32, #tpu.memory_space<vmem>>) target_semaphore(%arg9 : memref<!tpu.dma_semaphore, #tpu.memory_space<semaphore_mem>>)
        }
        %while3A_195 = arith.constant 0 : i32
        %while3A_196 = arith.constant 0 : i32
        %while3A_197 = arith.subi %select_n3A_172, %while3A_196 : i32
        %while3A_198 = arith.addi %while3A_196, %while3A_197 : i32
        %while3A_199 = arith.constant 1 : i32
        %while3A_200 = arith.divsi %while3A_197, %while3A_199 : i32
        %while3A_201 = arith.muli %while3A_200, %while3A_199 : i32
        %while3A_202 = arith.addi %while3A_196, %while3A_201 : i32
        %while3A_203 = arith.constant 1 : i32
        scf.for %while3A_224 = %while3A_196 to %while3A_202 step %while3A_203  : i32 {
          %mul3A_225 = arith.constant 32768 : i32
          %mul3A_226 = arith.muli %while3A_224, %mul3A_225 : i32
          %add3A_227 = arith.addi %mul3A_73, %mul3A_226 : i32
          %mul3A_228 = arith.constant 32768 : i32
          %mul3A_229 = arith.muli %while3A_224, %mul3A_228 : i32
          %dma_wait3A_230 = tpu.memref_slice %arg6[%mul3A_229] : memref<262144xf32, #tpu.memory_space<vmem>> -> memref<32768xf32, #tpu.memory_space<vmem>>
          %dma_wait3A_231 = tpu.memref_slice %arg3[%add3A_227] : memref<4194304xf32, #tpu.memory_space<hbm>> -> memref<32768xf32, #tpu.memory_space<hbm>>
          tpu.wait_dma2 semaphore(%arg9 : memref<!tpu.dma_semaphore, #tpu.memory_space<semaphore_mem>>) src(%dma_wait3A_231 : memref<32768xf32, #tpu.memory_space<hbm>>) dst(%dma_wait3A_230 : memref<32768xf32, #tpu.memory_space<vmem>>)
        }
        %while3A_204 = arith.constant 1 : i32
        scf.for %while3A_224 = %while3A_202 to %while3A_198 step %while3A_204  : i32 {
          %mul3A_225 = arith.constant 32768 : i32
          %mul3A_226 = arith.muli %while3A_224, %mul3A_225 : i32
          %add3A_227 = arith.addi %mul3A_73, %mul3A_226 : i32
          %mul3A_228 = arith.constant 32768 : i32
          %mul3A_229 = arith.muli %while3A_224, %mul3A_228 : i32
          %dma_wait3A_230 = tpu.memref_slice %arg6[%mul3A_229] : memref<262144xf32, #tpu.memory_space<vmem>> -> memref<32768xf32, #tpu.memory_space<vmem>>
          %dma_wait3A_231 = tpu.memref_slice %arg3[%add3A_227] : memref<4194304xf32, #tpu.memory_space<hbm>> -> memref<32768xf32, #tpu.memory_space<hbm>>
          tpu.wait_dma2 semaphore(%arg9 : memref<!tpu.dma_semaphore, #tpu.memory_space<semaphore_mem>>) src(%dma_wait3A_231 : memref<32768xf32, #tpu.memory_space<hbm>>) dst(%dma_wait3A_230 : memref<32768xf32, #tpu.memory_space<vmem>>)
        }
        %while3A_205 = arith.constant 0 : i32
        %while3A_206 = arith.constant 0 : i32
        %while3A_207 = arith.subi %sub3A_175, %while3A_206 : i32
        %while3A_208 = arith.addi %while3A_206, %while3A_207 : i32
        %while3A_209 = arith.constant 1 : i32
        %while3A_210 = arith.divsi %while3A_207, %while3A_209 : i32
        %while3A_211 = arith.muli %while3A_210, %while3A_209 : i32
        %while3A_212 = arith.addi %while3A_206, %while3A_211 : i32
        %while3A_213 = arith.constant 1 : i32
        scf.for %while3A_224 = %while3A_206 to %while3A_212 step %while3A_213  : i32 {
          %mul3A_225 = arith.constant 32768 : i32
          %mul3A_226 = arith.muli %select_n3A_172, %mul3A_225 : i32
          %add3A_227 = arith.addi %mul3A_73, %mul3A_226 : i32
          %mul3A_228 = arith.constant 512 : i32
          %mul3A_229 = arith.muli %while3A_224, %mul3A_228 : i32
          %add3A_230 = arith.addi %add3A_227, %mul3A_229 : i32
          %mul3A_231 = arith.constant 32768 : i32
          %mul3A_232 = arith.muli %select_n3A_172, %mul3A_231 : i32
          %mul3A_233 = arith.constant 512 : i32
          %mul3A_234 = arith.muli %while3A_224, %mul3A_233 : i32
          %add3A_235 = arith.addi %mul3A_232, %mul3A_234 : i32
          %dma_wait3A_236 = tpu.memref_slice %arg6[%add3A_235] : memref<262144xf32, #tpu.memory_space<vmem>> -> memref<512xf32, #tpu.memory_space<vmem>>
          %dma_wait3A_237 = tpu.memref_slice %arg3[%add3A_230] : memref<4194304xf32, #tpu.memory_space<hbm>> -> memref<512xf32, #tpu.memory_space<hbm>>
          tpu.wait_dma2 semaphore(%arg9 : memref<!tpu.dma_semaphore, #tpu.memory_space<semaphore_mem>>) src(%dma_wait3A_237 : memref<512xf32, #tpu.memory_space<hbm>>) dst(%dma_wait3A_236 : memref<512xf32, #tpu.memory_space<vmem>>)
        }
        %while3A_214 = arith.constant 1 : i32
        scf.for %while3A_224 = %while3A_212 to %while3A_208 step %while3A_214  : i32 {
          %mul3A_225 = arith.constant 32768 : i32
          %mul3A_226 = arith.muli %select_n3A_172, %mul3A_225 : i32
          %add3A_227 = arith.addi %mul3A_73, %mul3A_226 : i32
          %mul3A_228 = arith.constant 512 : i32
          %mul3A_229 = arith.muli %while3A_224, %mul3A_228 : i32
          %add3A_230 = arith.addi %add3A_227, %mul3A_229 : i32
          %mul3A_231 = arith.constant 32768 : i32
          %mul3A_232 = arith.muli %select_n3A_172, %mul3A_231 : i32
          %mul3A_233 = arith.constant 512 : i32
          %mul3A_234 = arith.muli %while3A_224, %mul3A_233 : i32
          %add3A_235 = arith.addi %mul3A_232, %mul3A_234 : i32
          %dma_wait3A_236 = tpu.memref_slice %arg6[%add3A_235] : memref<262144xf32, #tpu.memory_space<vmem>> -> memref<512xf32, #tpu.memory_space<vmem>>
          %dma_wait3A_237 = tpu.memref_slice %arg3[%add3A_230] : memref<4194304xf32, #tpu.memory_space<hbm>> -> memref<512xf32, #tpu.memory_space<hbm>>
          tpu.wait_dma2 semaphore(%arg9 : memref<!tpu.dma_semaphore, #tpu.memory_space<semaphore_mem>>) src(%dma_wait3A_237 : memref<512xf32, #tpu.memory_space<hbm>>) dst(%dma_wait3A_236 : memref<512xf32, #tpu.memory_space<vmem>>)
        }
        %get3A_215 = arith.constant 0 : index
        %get3A_216 = vector.load %arg8[%get3A_215] : memref<262144xi32, #tpu.memory_space<vmem>>, vector<262144xi32>
        %lt3A_217 = vector.broadcast %mul3A_88 : i32 to vector<262144xi32>
        %lt3A_218 = arith.cmpi slt, %get3A_216, %lt3A_217 : vector<262144xi32>
        %get3A_219 = arith.constant 0 : index
        %get3A_220 = vector.load %arg6[%get3A_219] : memref<262144xf32, #tpu.memory_space<vmem>>, vector<262144xf32>
        %jit3A_221 = arith.constant 0.000000e+00 : f32
        %broadcast_in_dim3A = vector.broadcast %jit3A_221 : f32 to vector<262144xf32>
        %select_n3A_222 = arith.select %lt3A_218, %get3A_220, %broadcast_in_dim3A : vector<262144xi1>, vector<262144xf32>
        %swap3A = arith.constant 0 : index
        %swap3A_223 = vector.load %arg4[%swap3A] : memref<262144xf32, #tpu.memory_space<vmem>>, vector<262144xf32>
        tpu.vector_store %arg4[%swap3A], %select_n3A_222 {strides = array<i32>} : memref<262144xf32, #tpu.memory_space<vmem>>, vector<262144xf32>,
      } else {
      }
      %add3A_118 = arith.constant 2 : i32
      %add3A_119 = arith.addi %add3A, %add3A_118 : i32
      %lt3A_120 = arith.constant 32 : i32
      %lt3A_121 = arith.cmpi slt, %add3A_119, %lt3A_120 : i32
      %convert_element_type3A_122 = arith.extui %lt3A_121 : i1 to i32
      %cond3A_123 = arith.constant 0 : i32
      %cond3A_124 = arith.cmpi ne, %convert_element_type3A_122, %cond3A_123 : i32
      scf.if %cond3A_124 {
        %add3A_125 = arith.constant 2 : i32
        %add3A_126 = arith.addi %add3A, %add3A_125 : i32
        %jit3A_127 = arith.constant 4 : i32
        %div3A_128 = arith.divsi %add3A_126, %jit3A_127 : i32
        %sign3A_129 = arith.constant 0 : i32
        %sign3A_130 = arith.cmpi sgt, %add3A_126, %sign3A_129 : i32
        %sign3A_131 = arith.extui %sign3A_130 : i1 to i32
        %sign3A_132 = arith.constant 0 : i32
        %sign3A_133 = arith.cmpi slt, %add3A_126, %sign3A_132 : i32
        %sign3A_134 = arith.extui %sign3A_133 : i1 to i32
        %sign3A_135 = arith.subi %sign3A_131, %sign3A_134 : i32
        %sign3A_136 = arith.constant 0 : i32
        %sign3A_137 = arith.cmpi sgt, %jit3A_127, %sign3A_136 : i32
        %sign3A_138 = arith.extui %sign3A_137 : i1 to i32
        %sign3A_139 = arith.constant 0 : i32
        %sign3A_140 = arith.cmpi slt, %jit3A_127, %sign3A_139 : i32
        %sign3A_141 = arith.extui %sign3A_140 : i1 to i32
        %sign3A_142 = arith.subi %sign3A_138, %sign3A_141 : i32
        %ne3A_143 = arith.cmpi ne, %sign3A_135, %sign3A_142 : i32
        %rem3A_144 = arith.remsi %add3A_126, %jit3A_127 : i32
        %ne3A_145 = arith.constant 0 : i32
        %ne3A_146 = arith.cmpi ne, %rem3A_144, %ne3A_145 : i32
        %and3A_147 = arith.andi %ne3A_143, %ne3A_146 : i1
        %sub3A_148 = arith.constant 1 : i32
        %sub3A_149 = arith.subi %div3A_128, %sub3A_148 : i32
        %select_n3A_150 = arith.select %and3A_147, %sub3A_149, %div3A_128 : i32
        %jit3A_151 = arith.constant 4 : i32
        %eq3A_152 = arith.constant 0 : i32
        %eq3A_153 = arith.cmpi eq, %jit3A_151, %eq3A_152 : i32
        %jit3A_154 = arith.constant 1 : i32
        %select_n3A_155 = arith.select %eq3A_153, %jit3A_154, %jit3A_151 : i32
        %rem3A_156 = arith.remsi %add3A_126, %select_n3A_155 : i32
        %ne3A_157 = arith.constant 0 : i32
        %ne3A_158 = arith.cmpi ne, %rem3A_156, %ne3A_157 : i32
        %lt3A_159 = arith.constant 0 : i32
        %lt3A_160 = arith.cmpi slt, %rem3A_156, %lt3A_159 : i32
        %lt3A_161 = arith.constant 0 : i32
        %lt3A_162 = arith.cmpi slt, %select_n3A_155, %lt3A_161 : i32
        %ne3A_163 = arith.xori %lt3A_160, %lt3A_162 : i1
        %and3A_164 = arith.andi %ne3A_163, %ne3A_158 : i1
        %add3A_165 = arith.addi %rem3A_156, %select_n3A_155 : i32
        %select_n3A_166 = arith.select %and3A_164, %add3A_165, %rem3A_156 : i32
        %get3A_167 = arith.index_cast %select_n3A_150 : i32 to index
        %get3A_168 = memref.load %arg5[%get3A_167] : memref<9xi32, #tpu.memory_space<smem>>
        %mul3A_169 = arith.constant 512 : i32
        %mul3A_170 = arith.muli %select_n3A_166, %mul3A_169 : i32
        %add3A_171 = arith.addi %get3A_168, %mul3A_170 : i32
        %mul3A_172 = arith.constant 512 : i32
        %mul3A_173 = arith.muli %add3A_171, %mul3A_172 : i32
        %min3A_174 = arith.constant 3932160 : i32
        %min3A_175 = arith.minsi %mul3A_173, %min3A_174 : i32
        %dma_start3A = tpu.memref_slice %arg3[%min3A_175] : memref<4194304xf32, #tpu.memory_space<hbm>> -> memref<262144xf32, #tpu.memory_space<hbm>>
        tpu.enqueue_dma source(%dma_start3A : memref<262144xf32, #tpu.memory_space<hbm>>) target(%arg6 : memref<262144xf32, #tpu.memory_space<vmem>>) target_semaphore(%arg9 : memref<!tpu.dma_semaphore, #tpu.memory_space<semaphore_mem>>)
      } else {
      }
    } else {
    }
    %eq3A_18 = arith.constant 1 : i32
    %eq3A_19 = arith.cmpi eq, %select_n3A_12, %eq3A_18 : i32
    %convert_element_type3A_20 = arith.extui %eq3A_19 : i1 to i32
    %cond3A_21 = arith.constant 0 : i32
    %cond3A_22 = arith.cmpi ne, %convert_element_type3A_20, %cond3A_21 : i32
    scf.if %cond3A_22 {
      %jit3A_23 = arith.constant 4 : i32
      %div3A = arith.divsi %add3A, %jit3A_23 : i32
      %sign3A = arith.constant 0 : i32
      %sign3A_24 = arith.cmpi sgt, %add3A, %sign3A : i32
      %sign3A_25 = arith.extui %sign3A_24 : i1 to i32
      %sign3A_26 = arith.constant 0 : i32
      %sign3A_27 = arith.cmpi slt, %add3A, %sign3A_26 : i32
      %sign3A_28 = arith.extui %sign3A_27 : i1 to i32
      %sign3A_29 = arith.subi %sign3A_25, %sign3A_28 : i32
      %sign3A_30 = arith.constant 0 : i32
      %sign3A_31 = arith.cmpi sgt, %jit3A_23, %sign3A_30 : i32
      %sign3A_32 = arith.extui %sign3A_31 : i1 to i32
      %sign3A_33 = arith.constant 0 : i32
      %sign3A_34 = arith.cmpi slt, %jit3A_23, %sign3A_33 : i32
      %sign3A_35 = arith.extui %sign3A_34 : i1 to i32
      %sign3A_36 = arith.subi %sign3A_32, %sign3A_35 : i32
      %ne3A_37 = arith.cmpi ne, %sign3A_29, %sign3A_36 : i32
      %rem3A_38 = arith.remsi %add3A, %jit3A_23 : i32
      %ne3A_39 = arith.constant 0 : i32
      %ne3A_40 = arith.cmpi ne, %rem3A_38, %ne3A_39 : i32
      %and3A_41 = arith.andi %ne3A_37, %ne3A_40 : i1
      %sub3A = arith.constant 1 : i32
      %sub3A_42 = arith.subi %div3A, %sub3A : i32
      %select_n3A_43 = arith.select %and3A_41, %sub3A_42, %div3A : i32
      %jit3A_44 = arith.constant 4 : i32
      %eq3A_45 = arith.constant 0 : i32
      %eq3A_46 = arith.cmpi eq, %jit3A_44, %eq3A_45 : i32
      %jit3A_47 = arith.constant 1 : i32
      %select_n3A_48 = arith.select %eq3A_46, %jit3A_47, %jit3A_44 : i32
      %rem3A_49 = arith.remsi %add3A, %select_n3A_48 : i32
      %ne3A_50 = arith.constant 0 : i32
      %ne3A_51 = arith.cmpi ne, %rem3A_49, %ne3A_50 : i32
      %lt3A_52 = arith.constant 0 : i32
      %lt3A_53 = arith.cmpi slt, %rem3A_49, %lt3A_52 : i32
      %lt3A_54 = arith.constant 0 : i32
      %lt3A_55 = arith.cmpi slt, %select_n3A_48, %lt3A_54 : i32
      %ne3A_56 = arith.xori %lt3A_53, %lt3A_55 : i1
      %and3A_57 = arith.andi %ne3A_56, %ne3A_51 : i1
      %add3A_58 = arith.addi %rem3A_49, %select_n3A_48 : i32
      %select_n3A_59 = arith.select %and3A_57, %add3A_58, %rem3A_49 : i32
      %get3A = arith.index_cast %select_n3A_43 : i32 to index
      %get3A_60 = memref.load %arg5[%get3A] : memref<9xi32, #tpu.memory_space<smem>>
      %mul3A_61 = arith.constant 512 : i32
      %mul3A_62 = arith.muli %select_n3A_59, %mul3A_61 : i32
      %add3A_63 = arith.addi %get3A_60, %mul3A_62 : i32
      %mul3A_64 = arith.constant 512 : i32
      %mul3A_65 = arith.muli %add3A_63, %mul3A_64 : i32
      %min3A = arith.constant 3932160 : i32
      %min3A_66 = arith.minsi %mul3A_65, %min3A : i32
      %dma_wait3A = tpu.memref_slice %arg3[%min3A_66] : memref<4194304xf32, #tpu.memory_space<hbm>> -> memref<262144xf32, #tpu.memory_space<hbm>>
      tpu.wait_dma2 semaphore(%arg10 : memref<!tpu.dma_semaphore, #tpu.memory_space<semaphore_mem>>) src(%dma_wait3A : memref<262144xf32, #tpu.memory_space<hbm>>) dst(%arg7 : memref<262144xf32, #tpu.memory_space<vmem>>)
      %get3A_67 = arith.index_cast %arg0 : i32 to index
      %get3A_68 = memref.load %arg5[%get3A_67] : memref<9xi32, #tpu.memory_space<smem>>
      %mul3A_69 = arith.constant 512 : i32
      %mul3A_70 = arith.muli %arg1, %mul3A_69 : i32
      %add3A_71 = arith.addi %get3A_68, %mul3A_70 : i32
      %mul3A_72 = arith.constant 512 : i32
      %mul3A_73 = arith.muli %add3A_71, %mul3A_72 : i32
      %min3A_74 = arith.constant 3932160 : i32
      %min3A_75 = arith.minsi %mul3A_73, %min3A_74 : i32
      %sub3A_76 = arith.subi %mul3A_73, %min3A_75 : i32
      %add3A_77 = arith.constant 1 : i32
      %add3A_78 = arith.addi %arg0, %add3A_77 : i32
      %get3A_79 = arith.index_cast %add3A_78 : i32 to index
      %get3A_80 = memref.load %arg5[%get3A_79] : memref<9xi32, #tpu.memory_space<smem>>
      %get3A_81 = arith.index_cast %arg0 : i32 to index
      %get3A_82 = memref.load %arg5[%get3A_81] : memref<9xi32, #tpu.memory_space<smem>>
      %sub3A_83 = arith.subi %get3A_80, %get3A_82 : i32
      %mul3A_84 = arith.constant 512 : i32
      %mul3A_85 = arith.muli %arg1, %mul3A_84 : i32
      %sub3A_86 = arith.subi %sub3A_83, %mul3A_85 : i32
      %mul3A_87 = arith.constant 512 : i32
      %mul3A_88 = arith.muli %sub3A_86, %mul3A_87 : i32
      %ge3A = arith.constant 262144 : i32
      %ge3A_89 = arith.cmpi sge, %mul3A_88, %ge3A : i32
      %eq3A_90 = arith.constant 0 : i32
      %eq3A_91 = arith.cmpi eq, %sub3A_76, %eq3A_90 : i32
      %and3A_92 = arith.andi %ge3A_89, %eq3A_91 : i1
      %convert_element_type3A_93 = arith.extui %and3A_92 : i1 to i32
      %cond3A_94 = arith.constant 0 : i32
      %cond3A_95 = arith.cmpi ne, %convert_element_type3A_93, %cond3A_94 : i32
      scf.if %cond3A_95 {
        %get3A_125 = arith.constant 0 : index
        %get3A_126 = vector.load %arg7[%get3A_125] : memref<262144xf32, #tpu.memory_space<vmem>>, vector<262144xf32>
        %swap3A = arith.constant 0 : index
        %swap3A_127 = vector.load %arg4[%swap3A] : memref<262144xf32, #tpu.memory_space<vmem>>, vector<262144xf32>
        tpu.vector_store %arg4[%swap3A], %get3A_126 {strides = array<i32>} : memref<262144xf32, #tpu.memory_space<vmem>>, vector<262144xf32>,
      } else {
      }
      %le3A = arith.constant 0 : i32
      %le3A_96 = arith.cmpi sle, %mul3A_88, %le3A : i32
      %convert_element_type3A_97 = arith.extui %le3A_96 : i1 to i32
      %cond3A_98 = arith.constant 0 : i32
      %cond3A_99 = arith.cmpi ne, %convert_element_type3A_97, %cond3A_98 : i32
      scf.if %cond3A_99 {
        %broadcast_in_dim3A = arith.constant 0.000000e+00 : f32
        %broadcast_in_dim3A_125 = vector.broadcast %broadcast_in_dim3A : f32 to vector<262144xf32>
        %swap3A = arith.constant 0 : index
        %swap3A_126 = vector.load %arg4[%swap3A] : memref<262144xf32, #tpu.memory_space<vmem>>, vector<262144xf32>
        tpu.vector_store %arg4[%swap3A], %broadcast_in_dim3A_125 {strides = array<i32>} : memref<262144xf32, #tpu.memory_space<vmem>>, vector<262144xf32>,
      } else {
      }
      %gt3A = arith.constant 0 : i32
      %gt3A_100 = arith.cmpi sgt, %mul3A_88, %gt3A : i32
      %lt3A_101 = arith.constant 262144 : i32
      %lt3A_102 = arith.cmpi slt, %mul3A_88, %lt3A_101 : i32
      %and3A_103 = arith.andi %gt3A_100, %lt3A_102 : i1
      %eq3A_104 = arith.constant 0 : i32
      %eq3A_105 = arith.cmpi eq, %sub3A_76, %eq3A_104 : i32
      %and3A_106 = arith.andi %and3A_103, %eq3A_105 : i1
      %convert_element_type3A_107 = arith.extui %and3A_106 : i1 to i32
      %cond3A_108 = arith.constant 0 : i32
      %cond3A_109 = arith.cmpi ne, %convert_element_type3A_107, %cond3A_108 : i32
      scf.if %cond3A_109 {
        %get3A_125 = arith.constant 0 : index
        %get3A_126 = vector.load %arg8[%get3A_125] : memref<262144xi32, #tpu.memory_space<vmem>>, vector<262144xi32>
        %lt3A_127 = vector.broadcast %mul3A_88 : i32 to vector<262144xi32>
        %lt3A_128 = arith.cmpi slt, %get3A_126, %lt3A_127 : vector<262144xi32>
        %get3A_129 = arith.constant 0 : index
        %get3A_130 = vector.load %arg7[%get3A_129] : memref<262144xf32, #tpu.memory_space<vmem>>, vector<262144xf32>
        %jit3A_131 = arith.constant 0.000000e+00 : f32
        %broadcast_in_dim3A = vector.broadcast %jit3A_131 : f32 to vector<262144xf32>
        %select_n3A_132 = arith.select %lt3A_128, %get3A_130, %broadcast_in_dim3A : vector<262144xi1>, vector<262144xf32>
        %swap3A = arith.constant 0 : index
        %swap3A_133 = vector.load %arg4[%swap3A] : memref<262144xf32, #tpu.memory_space<vmem>>, vector<262144xf32>
        tpu.vector_store %arg4[%swap3A], %select_n3A_132 {strides = array<i32>} : memref<262144xf32, #tpu.memory_space<vmem>>, vector<262144xf32>,
      } else {
      }
      %gt3A_110 = arith.constant 0 : i32
      %gt3A_111 = arith.cmpi sgt, %mul3A_88, %gt3A_110 : i32
      %gt3A_112 = arith.constant 0 : i32
      %gt3A_113 = arith.cmpi sgt, %sub3A_76, %gt3A_112 : i32
      %and3A_114 = arith.andi %gt3A_111, %gt3A_113 : i1
      %convert_element_type3A_115 = arith.extui %and3A_114 : i1 to i32
      %cond3A_116 = arith.constant 0 : i32
      %cond3A_117 = arith.cmpi ne, %convert_element_type3A_115, %cond3A_116 : i32
      scf.if %cond3A_117 {
        %jit3A_125 = arith.constant 512 : i32
        %div3A_126 = arith.divsi %mul3A_88, %jit3A_125 : i32
        %sign3A_127 = arith.constant 0 : i32
        %sign3A_128 = arith.cmpi sgt, %mul3A_88, %sign3A_127 : i32
        %sign3A_129 = arith.extui %sign3A_128 : i1 to i32
        %sign3A_130 = arith.constant 0 : i32
        %sign3A_131 = arith.cmpi slt, %mul3A_88, %sign3A_130 : i32
        %sign3A_132 = arith.extui %sign3A_131 : i1 to i32
        %sign3A_133 = arith.subi %sign3A_129, %sign3A_132 : i32
        %sign3A_134 = arith.constant 0 : i32
        %sign3A_135 = arith.cmpi sgt, %jit3A_125, %sign3A_134 : i32
        %sign3A_136 = arith.extui %sign3A_135 : i1 to i32
        %sign3A_137 = arith.constant 0 : i32
        %sign3A_138 = arith.cmpi slt, %jit3A_125, %sign3A_137 : i32
        %sign3A_139 = arith.extui %sign3A_138 : i1 to i32
        %sign3A_140 = arith.subi %sign3A_136, %sign3A_139 : i32
        %ne3A_141 = arith.cmpi ne, %sign3A_133, %sign3A_140 : i32
        %rem3A_142 = arith.remsi %mul3A_88, %jit3A_125 : i32
        %ne3A_143 = arith.constant 0 : i32
        %ne3A_144 = arith.cmpi ne, %rem3A_142, %ne3A_143 : i32
        %and3A_145 = arith.andi %ne3A_141, %ne3A_144 : i1
        %sub3A_146 = arith.constant 1 : i32
        %sub3A_147 = arith.subi %div3A_126, %sub3A_146 : i32
        %select_n3A_148 = arith.select %and3A_145, %sub3A_147, %div3A_126 : i32
        %jit3A_149 = arith.constant 64 : i32
        %div3A_150 = arith.divsi %select_n3A_148, %jit3A_149 : i32
        %sign3A_151 = arith.constant 0 : i32
        %sign3A_152 = arith.cmpi sgt, %select_n3A_148, %sign3A_151 : i32
        %sign3A_153 = arith.extui %sign3A_152 : i1 to i32
        %sign3A_154 = arith.constant 0 : i32
        %sign3A_155 = arith.cmpi slt, %select_n3A_148, %sign3A_154 : i32
        %sign3A_156 = arith.extui %sign3A_155 : i1 to i32
        %sign3A_157 = arith.subi %sign3A_153, %sign3A_156 : i32
        %sign3A_158 = arith.constant 0 : i32
        %sign3A_159 = arith.cmpi sgt, %jit3A_149, %sign3A_158 : i32
        %sign3A_160 = arith.extui %sign3A_159 : i1 to i32
        %sign3A_161 = arith.constant 0 : i32
        %sign3A_162 = arith.cmpi slt, %jit3A_149, %sign3A_161 : i32
        %sign3A_163 = arith.extui %sign3A_162 : i1 to i32
        %sign3A_164 = arith.subi %sign3A_160, %sign3A_163 : i32
        %ne3A_165 = arith.cmpi ne, %sign3A_157, %sign3A_164 : i32
        %rem3A_166 = arith.remsi %select_n3A_148, %jit3A_149 : i32
        %ne3A_167 = arith.constant 0 : i32
        %ne3A_168 = arith.cmpi ne, %rem3A_166, %ne3A_167 : i32
        %and3A_169 = arith.andi %ne3A_165, %ne3A_168 : i1
        %sub3A_170 = arith.constant 1 : i32
        %sub3A_171 = arith.subi %div3A_150, %sub3A_170 : i32
        %select_n3A_172 = arith.select %and3A_169, %sub3A_171, %div3A_150 : i32
        %mul3A_173 = arith.constant 64 : i32
        %mul3A_174 = arith.muli %select_n3A_172, %mul3A_173 : i32
        %sub3A_175 = arith.subi %select_n3A_148, %mul3A_174 : i32
        %while3A = arith.constant 0 : i32
        %while3A_176 = arith.constant 0 : i32
        %while3A_177 = arith.subi %select_n3A_172, %while3A_176 : i32
        %while3A_178 = arith.addi %while3A_176, %while3A_177 : i32
        %while3A_179 = arith.constant 1 : i32
        %while3A_180 = arith.divsi %while3A_177, %while3A_179 : i32
        %while3A_181 = arith.muli %while3A_180, %while3A_179 : i32
        %while3A_182 = arith.addi %while3A_176, %while3A_181 : i32
        %while3A_183 = arith.constant 1 : i32
        scf.for %while3A_224 = %while3A_176 to %while3A_182 step %while3A_183  : i32 {
          %mul3A_225 = arith.constant 32768 : i32
          %mul3A_226 = arith.muli %while3A_224, %mul3A_225 : i32
          %add3A_227 = arith.addi %mul3A_73, %mul3A_226 : i32
          %mul3A_228 = arith.constant 32768 : i32
          %mul3A_229 = arith.muli %while3A_224, %mul3A_228 : i32
          %dma_start3A = tpu.memref_slice %arg7[%mul3A_229] : memref<262144xf32, #tpu.memory_space<vmem>> -> memref<32768xf32, #tpu.memory_space<vmem>>
          %dma_start3A_230 = tpu.memref_slice %arg3[%add3A_227] : memref<4194304xf32, #tpu.memory_space<hbm>> -> memref<32768xf32, #tpu.memory_space<hbm>>
          tpu.enqueue_dma source(%dma_start3A_230 : memref<32768xf32, #tpu.memory_space<hbm>>) target(%dma_start3A : memref<32768xf32, #tpu.memory_space<vmem>>) target_semaphore(%arg10 : memref<!tpu.dma_semaphore, #tpu.memory_space<semaphore_mem>>)
        }
        %while3A_184 = arith.constant 1 : i32
        scf.for %while3A_224 = %while3A_182 to %while3A_178 step %while3A_184  : i32 {
          %mul3A_225 = arith.constant 32768 : i32
          %mul3A_226 = arith.muli %while3A_224, %mul3A_225 : i32
          %add3A_227 = arith.addi %mul3A_73, %mul3A_226 : i32
          %mul3A_228 = arith.constant 32768 : i32
          %mul3A_229 = arith.muli %while3A_224, %mul3A_228 : i32
          %dma_start3A = tpu.memref_slice %arg7[%mul3A_229] : memref<262144xf32, #tpu.memory_space<vmem>> -> memref<32768xf32, #tpu.memory_space<vmem>>
          %dma_start3A_230 = tpu.memref_slice %arg3[%add3A_227] : memref<4194304xf32, #tpu.memory_space<hbm>> -> memref<32768xf32, #tpu.memory_space<hbm>>
          tpu.enqueue_dma source(%dma_start3A_230 : memref<32768xf32, #tpu.memory_space<hbm>>) target(%dma_start3A : memref<32768xf32, #tpu.memory_space<vmem>>) target_semaphore(%arg10 : memref<!tpu.dma_semaphore, #tpu.memory_space<semaphore_mem>>)
        }
        %while3A_185 = arith.constant 0 : i32
        %while3A_186 = arith.constant 0 : i32
        %while3A_187 = arith.subi %sub3A_175, %while3A_186 : i32
        %while3A_188 = arith.addi %while3A_186, %while3A_187 : i32
        %while3A_189 = arith.constant 1 : i32
        %while3A_190 = arith.divsi %while3A_187, %while3A_189 : i32
        %while3A_191 = arith.muli %while3A_190, %while3A_189 : i32
        %while3A_192 = arith.addi %while3A_186, %while3A_191 : i32
        %while3A_193 = arith.constant 1 : i32
        scf.for %while3A_224 = %while3A_186 to %while3A_192 step %while3A_193  : i32 {
          %mul3A_225 = arith.constant 32768 : i32
          %mul3A_226 = arith.muli %select_n3A_172, %mul3A_225 : i32
          %add3A_227 = arith.addi %mul3A_73, %mul3A_226 : i32
          %mul3A_228 = arith.constant 512 : i32
          %mul3A_229 = arith.muli %while3A_224, %mul3A_228 : i32
          %add3A_230 = arith.addi %add3A_227, %mul3A_229 : i32
          %mul3A_231 = arith.constant 32768 : i32
          %mul3A_232 = arith.muli %select_n3A_172, %mul3A_231 : i32
          %mul3A_233 = arith.constant 512 : i32
          %mul3A_234 = arith.muli %while3A_224, %mul3A_233 : i32
          %add3A_235 = arith.addi %mul3A_232, %mul3A_234 : i32
          %dma_start3A = tpu.memref_slice %arg7[%add3A_235] : memref<262144xf32, #tpu.memory_space<vmem>> -> memref<512xf32, #tpu.memory_space<vmem>>
          %dma_start3A_236 = tpu.memref_slice %arg3[%add3A_230] : memref<4194304xf32, #tpu.memory_space<hbm>> -> memref<512xf32, #tpu.memory_space<hbm>>
          tpu.enqueue_dma source(%dma_start3A_236 : memref<512xf32, #tpu.memory_space<hbm>>) target(%dma_start3A : memref<512xf32, #tpu.memory_space<vmem>>) target_semaphore(%arg10 : memref<!tpu.dma_semaphore, #tpu.memory_space<semaphore_mem>>)
        }
        %while3A_194 = arith.constant 1 : i32
        scf.for %while3A_224 = %while3A_192 to %while3A_188 step %while3A_194  : i32 {
          %mul3A_225 = arith.constant 32768 : i32
          %mul3A_226 = arith.muli %select_n3A_172, %mul3A_225 : i32
          %add3A_227 = arith.addi %mul3A_73, %mul3A_226 : i32
          %mul3A_228 = arith.constant 512 : i32
          %mul3A_229 = arith.muli %while3A_224, %mul3A_228 : i32
          %add3A_230 = arith.addi %add3A_227, %mul3A_229 : i32
          %mul3A_231 = arith.constant 32768 : i32
          %mul3A_232 = arith.muli %select_n3A_172, %mul3A_231 : i32
          %mul3A_233 = arith.constant 512 : i32
          %mul3A_234 = arith.muli %while3A_224, %mul3A_233 : i32
          %add3A_235 = arith.addi %mul3A_232, %mul3A_234 : i32
          %dma_start3A = tpu.memref_slice %arg7[%add3A_235] : memref<262144xf32, #tpu.memory_space<vmem>> -> memref<512xf32, #tpu.memory_space<vmem>>
          %dma_start3A_236 = tpu.memref_slice %arg3[%add3A_230] : memref<4194304xf32, #tpu.memory_space<hbm>> -> memref<512xf32, #tpu.memory_space<hbm>>
          tpu.enqueue_dma source(%dma_start3A_236 : memref<512xf32, #tpu.memory_space<hbm>>) target(%dma_start3A : memref<512xf32, #tpu.memory_space<vmem>>) target_semaphore(%arg10 : memref<!tpu.dma_semaphore, #tpu.memory_space<semaphore_mem>>)
        }
        %while3A_195 = arith.constant 0 : i32
        %while3A_196 = arith.constant 0 : i32
        %while3A_197 = arith.subi %select_n3A_172, %while3A_196 : i32
        %while3A_198 = arith.addi %while3A_196, %while3A_197 : i32
        %while3A_199 = arith.constant 1 : i32
        %while3A_200 = arith.divsi %while3A_197, %while3A_199 : i32
        %while3A_201 = arith.muli %while3A_200, %while3A_199 : i32
        %while3A_202 = arith.addi %while3A_196, %while3A_201 : i32
        %while3A_203 = arith.constant 1 : i32
        scf.for %while3A_224 = %while3A_196 to %while3A_202 step %while3A_203  : i32 {
          %mul3A_225 = arith.constant 32768 : i32
          %mul3A_226 = arith.muli %while3A_224, %mul3A_225 : i32
          %add3A_227 = arith.addi %mul3A_73, %mul3A_226 : i32
          %mul3A_228 = arith.constant 32768 : i32
          %mul3A_229 = arith.muli %while3A_224, %mul3A_228 : i32
          %dma_wait3A_230 = tpu.memref_slice %arg7[%mul3A_229] : memref<262144xf32, #tpu.memory_space<vmem>> -> memref<32768xf32, #tpu.memory_space<vmem>>
          %dma_wait3A_231 = tpu.memref_slice %arg3[%add3A_227] : memref<4194304xf32, #tpu.memory_space<hbm>> -> memref<32768xf32, #tpu.memory_space<hbm>>
          tpu.wait_dma2 semaphore(%arg10 : memref<!tpu.dma_semaphore, #tpu.memory_space<semaphore_mem>>) src(%dma_wait3A_231 : memref<32768xf32, #tpu.memory_space<hbm>>) dst(%dma_wait3A_230 : memref<32768xf32, #tpu.memory_space<vmem>>)
        }
        %while3A_204 = arith.constant 1 : i32
        scf.for %while3A_224 = %while3A_202 to %while3A_198 step %while3A_204  : i32 {
          %mul3A_225 = arith.constant 32768 : i32
          %mul3A_226 = arith.muli %while3A_224, %mul3A_225 : i32
          %add3A_227 = arith.addi %mul3A_73, %mul3A_226 : i32
          %mul3A_228 = arith.constant 32768 : i32
          %mul3A_229 = arith.muli %while3A_224, %mul3A_228 : i32
          %dma_wait3A_230 = tpu.memref_slice %arg7[%mul3A_229] : memref<262144xf32, #tpu.memory_space<vmem>> -> memref<32768xf32, #tpu.memory_space<vmem>>
          %dma_wait3A_231 = tpu.memref_slice %arg3[%add3A_227] : memref<4194304xf32, #tpu.memory_space<hbm>> -> memref<32768xf32, #tpu.memory_space<hbm>>
          tpu.wait_dma2 semaphore(%arg10 : memref<!tpu.dma_semaphore, #tpu.memory_space<semaphore_mem>>) src(%dma_wait3A_231 : memref<32768xf32, #tpu.memory_space<hbm>>) dst(%dma_wait3A_230 : memref<32768xf32, #tpu.memory_space<vmem>>)
        }
        %while3A_205 = arith.constant 0 : i32
        %while3A_206 = arith.constant 0 : i32
        %while3A_207 = arith.subi %sub3A_175, %while3A_206 : i32
        %while3A_208 = arith.addi %while3A_206, %while3A_207 : i32
        %while3A_209 = arith.constant 1 : i32
        %while3A_210 = arith.divsi %while3A_207, %while3A_209 : i32
        %while3A_211 = arith.muli %while3A_210, %while3A_209 : i32
        %while3A_212 = arith.addi %while3A_206, %while3A_211 : i32
        %while3A_213 = arith.constant 1 : i32
        scf.for %while3A_224 = %while3A_206 to %while3A_212 step %while3A_213  : i32 {
          %mul3A_225 = arith.constant 32768 : i32
          %mul3A_226 = arith.muli %select_n3A_172, %mul3A_225 : i32
          %add3A_227 = arith.addi %mul3A_73, %mul3A_226 : i32
          %mul3A_228 = arith.constant 512 : i32
          %mul3A_229 = arith.muli %while3A_224, %mul3A_228 : i32
          %add3A_230 = arith.addi %add3A_227, %mul3A_229 : i32
          %mul3A_231 = arith.constant 32768 : i32
          %mul3A_232 = arith.muli %select_n3A_172, %mul3A_231 : i32
          %mul3A_233 = arith.constant 512 : i32
          %mul3A_234 = arith.muli %while3A_224, %mul3A_233 : i32
          %add3A_235 = arith.addi %mul3A_232, %mul3A_234 : i32
          %dma_wait3A_236 = tpu.memref_slice %arg7[%add3A_235] : memref<262144xf32, #tpu.memory_space<vmem>> -> memref<512xf32, #tpu.memory_space<vmem>>
          %dma_wait3A_237 = tpu.memref_slice %arg3[%add3A_230] : memref<4194304xf32, #tpu.memory_space<hbm>> -> memref<512xf32, #tpu.memory_space<hbm>>
          tpu.wait_dma2 semaphore(%arg10 : memref<!tpu.dma_semaphore, #tpu.memory_space<semaphore_mem>>) src(%dma_wait3A_237 : memref<512xf32, #tpu.memory_space<hbm>>) dst(%dma_wait3A_236 : memref<512xf32, #tpu.memory_space<vmem>>)
        }
        %while3A_214 = arith.constant 1 : i32
        scf.for %while3A_224 = %while3A_212 to %while3A_208 step %while3A_214  : i32 {
          %mul3A_225 = arith.constant 32768 : i32
          %mul3A_226 = arith.muli %select_n3A_172, %mul3A_225 : i32
          %add3A_227 = arith.addi %mul3A_73, %mul3A_226 : i32
          %mul3A_228 = arith.constant 512 : i32
          %mul3A_229 = arith.muli %while3A_224, %mul3A_228 : i32
          %add3A_230 = arith.addi %add3A_227, %mul3A_229 : i32
          %mul3A_231 = arith.constant 32768 : i32
          %mul3A_232 = arith.muli %select_n3A_172, %mul3A_231 : i32
          %mul3A_233 = arith.constant 512 : i32
          %mul3A_234 = arith.muli %while3A_224, %mul3A_233 : i32
          %add3A_235 = arith.addi %mul3A_232, %mul3A_234 : i32
          %dma_wait3A_236 = tpu.memref_slice %arg7[%add3A_235] : memref<262144xf32, #tpu.memory_space<vmem>> -> memref<512xf32, #tpu.memory_space<vmem>>
          %dma_wait3A_237 = tpu.memref_slice %arg3[%add3A_230] : memref<4194304xf32, #tpu.memory_space<hbm>> -> memref<512xf32, #tpu.memory_space<hbm>>
          tpu.wait_dma2 semaphore(%arg10 : memref<!tpu.dma_semaphore, #tpu.memory_space<semaphore_mem>>) src(%dma_wait3A_237 : memref<512xf32, #tpu.memory_space<hbm>>) dst(%dma_wait3A_236 : memref<512xf32, #tpu.memory_space<vmem>>)
        }
        %get3A_215 = arith.constant 0 : index
        %get3A_216 = vector.load %arg8[%get3A_215] : memref<262144xi32, #tpu.memory_space<vmem>>, vector<262144xi32>
        %lt3A_217 = vector.broadcast %mul3A_88 : i32 to vector<262144xi32>
        %lt3A_218 = arith.cmpi slt, %get3A_216, %lt3A_217 : vector<262144xi32>
        %get3A_219 = arith.constant 0 : index
        %get3A_220 = vector.load %arg7[%get3A_219] : memref<262144xf32, #tpu.memory_space<vmem>>, vector<262144xf32>
        %jit3A_221 = arith.constant 0.000000e+00 : f32
        %broadcast_in_dim3A = vector.broadcast %jit3A_221 : f32 to vector<262144xf32>
        %select_n3A_222 = arith.select %lt3A_218, %get3A_220, %broadcast_in_dim3A : vector<262144xi1>, vector<262144xf32>
        %swap3A = arith.constant 0 : index
        %swap3A_223 = vector.load %arg4[%swap3A] : memref<262144xf32, #tpu.memory_space<vmem>>, vector<262144xf32>
        tpu.vector_store %arg4[%swap3A], %select_n3A_222 {strides = array<i32>} : memref<262144xf32, #tpu.memory_space<vmem>>, vector<262144xf32>,
      } else {
      }
      %add3A_118 = arith.constant 2 : i32
      %add3A_119 = arith.addi %add3A, %add3A_118 : i32
      %lt3A_120 = arith.constant 32 : i32
      %lt3A_121 = arith.cmpi slt, %add3A_119, %lt3A_120 : i32
      %convert_element_type3A_122 = arith.extui %lt3A_121 : i1 to i32
      %cond3A_123 = arith.constant 0 : i32
      %cond3A_124 = arith.cmpi ne, %convert_element_type3A_122, %cond3A_123 : i32
      scf.if %cond3A_124 {
        %add3A_125 = arith.constant 2 : i32
        %add3A_126 = arith.addi %add3A, %add3A_125 : i32
        %jit3A_127 = arith.constant 4 : i32
        %div3A_128 = arith.divsi %add3A_126, %jit3A_127 : i32
        %sign3A_129 = arith.constant 0 : i32
        %sign3A_130 = arith.cmpi sgt, %add3A_126, %sign3A_129 : i32
        %sign3A_131 = arith.extui %sign3A_130 : i1 to i32
        %sign3A_132 = arith.constant 0 : i32
        %sign3A_133 = arith.cmpi slt, %add3A_126, %sign3A_132 : i32
        %sign3A_134 = arith.extui %sign3A_133 : i1 to i32
        %sign3A_135 = arith.subi %sign3A_131, %sign3A_134 : i32
        %sign3A_136 = arith.constant 0 : i32
        %sign3A_137 = arith.cmpi sgt, %jit3A_127, %sign3A_136 : i32
        %sign3A_138 = arith.extui %sign3A_137 : i1 to i32
        %sign3A_139 = arith.constant 0 : i32
        %sign3A_140 = arith.cmpi slt, %jit3A_127, %sign3A_139 : i32
        %sign3A_141 = arith.extui %sign3A_140 : i1 to i32
        %sign3A_142 = arith.subi %sign3A_138, %sign3A_141 : i32
        %ne3A_143 = arith.cmpi ne, %sign3A_135, %sign3A_142 : i32
        %rem3A_144 = arith.remsi %add3A_126, %jit3A_127 : i32
        %ne3A_145 = arith.constant 0 : i32
        %ne3A_146 = arith.cmpi ne, %rem3A_144, %ne3A_145 : i32
        %and3A_147 = arith.andi %ne3A_143, %ne3A_146 : i1
        %sub3A_148 = arith.constant 1 : i32
        %sub3A_149 = arith.subi %div3A_128, %sub3A_148 : i32
        %select_n3A_150 = arith.select %and3A_147, %sub3A_149, %div3A_128 : i32
        %jit3A_151 = arith.constant 4 : i32
        %eq3A_152 = arith.constant 0 : i32
        %eq3A_153 = arith.cmpi eq, %jit3A_151, %eq3A_152 : i32
        %jit3A_154 = arith.constant 1 : i32
        %select_n3A_155 = arith.select %eq3A_153, %jit3A_154, %jit3A_151 : i32
        %rem3A_156 = arith.remsi %add3A_126, %select_n3A_155 : i32
        %ne3A_157 = arith.constant 0 : i32
        %ne3A_158 = arith.cmpi ne, %rem3A_156, %ne3A_157 : i32
        %lt3A_159 = arith.constant 0 : i32
        %lt3A_160 = arith.cmpi slt, %rem3A_156, %lt3A_159 : i32
        %lt3A_161 = arith.constant 0 : i32
        %lt3A_162 = arith.cmpi slt, %select_n3A_155, %lt3A_161 : i32
        %ne3A_163 = arith.xori %lt3A_160, %lt3A_162 : i1
        %and3A_164 = arith.andi %ne3A_163, %ne3A_158 : i1
        %add3A_165 = arith.addi %rem3A_156, %select_n3A_155 : i32
        %select_n3A_166 = arith.select %and3A_164, %add3A_165, %rem3A_156 : i32
        %get3A_167 = arith.index_cast %select_n3A_150 : i32 to index
        %get3A_168 = memref.load %arg5[%get3A_167] : memref<9xi32, #tpu.memory_space<smem>>
        %mul3A_169 = arith.constant 512 : i32
        %mul3A_170 = arith.muli %select_n3A_166, %mul3A_169 : i32
        %add3A_171 = arith.addi %get3A_168, %mul3A_170 : i32
        %mul3A_172 = arith.constant 512 : i32
        %mul3A_173 = arith.muli %add3A_171, %mul3A_172 : i32
        %min3A_174 = arith.constant 3932160 : i32
        %min3A_175 = arith.minsi %mul3A_173, %min3A_174 : i32
        %dma_start3A = tpu.memref_slice %arg3[%min3A_175] : memref<4194304xf32, #tpu.memory_space<hbm>> -> memref<262144xf32, #tpu.memory_space<hbm>>
        tpu.enqueue_dma source(%dma_start3A : memref<262144xf32, #tpu.memory_space<hbm>>) target(%arg7 : memref<262144xf32, #tpu.memory_space<vmem>>) target_semaphore(%arg10 : memref<!tpu.dma_semaphore, #tpu.memory_space<semaphore_mem>>)
      } else {
      }
    } else {
    }
    return
  }
  func.func @transform_0(%arg0: i32, %arg1: i32) -> (i32, i32) {
    %c0_i32 = arith.constant 0 : i32
    %c0_i32_0 = arith.constant 0 : i32
    %c0_i32_1 = arith.constant 0 : i32
    return %c0_i32, %c0_i32_0 : i32, i32
  }
  func.func @transform_2(%arg0: i32, %arg1: i32) -> i32 {
    %mul3A = arith.constant 4 : i32
    %mul3A_0 = arith.muli %arg0, %mul3A : i32
    %add3A = arith.addi %mul3A_0, %arg1 : i32
    %c0_i32 = arith.constant 0 : i32
    return %add3A : i32
  }
}

</mosaic_0001>

<sc_bundles>
// kernel: kernel.4.cloned.1.call-start
scs
__scs_entry_jumppad:
0x0: {  	(pc) =	sbr.rel $0x88, $3  }
0x1: {  	(tag) =	ssettag $0x0;
	lr =	simm.s32 $0x1  }
0x2: {  	[smem:$0x3F9E] =	sst lr;
	_ =	strace $0xD0000000  }
0x3: {  	_ = 	snop  }
0x4: {  	_ = 	snop  }
0x5: {  	_ = 	snop  }
0x6: {  	_ = 	snop  }
0x7: {  	_ = 	snop  }
__scs_overlays_trampoline_lowered:
0x8: {  	[smem:$0x3FAD] =	sst s0  }
0x9: {  	[smem:$0x3FAE] =	sst s1  }
0xa: {  	[smem:$0x3FAF] =	sst s2  }
0xb: {  	[smem:$0x3FB0] =	sst s3  }
0xc: {  	[smem:$0x3FB1] =	sst s4  }
0xd: {  	[smem:$0x3FB2] =	sst s5  }
0xe: {  	[smem:$0x3FB3] =	sst s6  }
0xf: {  	[smem:$0x3FB4] =	sst s7  }
0x10: {  	[smem:$0x3FB5] =	sst s8  }
0x11: {  	[smem:$0x3FB6] =	sst s9;
	s0 =	simm.s32 @!p0 $0x0  }
0x12: {  	s1 =	sld [smem:$0x3F9C];
	s0 =	simm.s32 @p0 $0x1  }
0x13: {  	[smem:$0x3FB7] =	sst s0;
	s0 =	simm.s32 @!p1 $0x0  }
0x14: {  	s2 =	sld [smem:$0x3F9B];
	s0 =	simm.s32 @p1 $0x1  }
0x15: {  	[smem:$0x3FB8] =	sst s0;
	s0 =	simm.s32 @!p2 $0x0  }
0x16: {  	s3 =	sld [smem:$0x3FDB];
	s0 =	simm.s32 @p2 $0x1  }
0x17: {  	s4 =	simm.s32 $0x1BF5;
	[smem:$0x3FBA] =	sst s0  }
0x18: {  	s0 =	sld [smem:$0x3F9D];
	_ =	swait.ge [sflag:s4], $0x0  }
0x19: {  	s7 =	sld [smem:$0x3F9E]  }
0x1a: {  	s8 =	sadd.s32 $0xFFFFE003, lr  }
0x1b: {  	s9 =	sadd.s32 $0xFFFFFEF7, lr;
	s5 =	simm.s32 $0xFFFFFFFF;
	p2 =	slt.u32 s8, $0xFFFFF086  }
0x1c: {  	p1 =	slt.u32 s9, $0xF7A;
	s5 =	simm.s32 @!p2 $0x0  }
0x1d: {  	s5 =	simm.s32 @p1 $0x1;
	p0 =	seq.s32 s7, s2  }
0x1e: {  	s7 =	smul.u32 @!p0 $0xF7A, s2;
	p2 =	seq.s32 @!p0 s5, $0x0  }
0x1f: {  	s9 =	smul.u32 $0xF7A, s1;
	s8 =	simm.s32 @!p0 $0x1BF5;
	p2 =	por !p2, p0  }
0x20: {  	[sflag:s8] =	ssyncset.s32 @!p0 $0xFFFFF086;
	s6 =	sadd.s32 @!p0 s3, s7;
	s7 =	simm.s32 @!p0 $0x108  }
0x21: {  	s3 =	sadd.s32 s3, s9;
	s6 =	sadd.s32 @!p0 $0x88, s6;
	s7 =	simm.s32 @p2 $0x1082  }
0x22: {  	[simem:s7], [sflag:s8] =	dma.local @!p0 [hbm:s6], $0xF7A  }
0x23: {  	s9 =	sor.u32 $0xD0000000, s2;
	s6 =	simm.s32 $0x108;
	_ =	swait.ge @!p0 [sflag:s8], $0x0  }
0x24: {  	s3 =	sadd.s32 $0x88, s3;
	s6 =	simm.s32 @!p1 $0x1082;
	[sflag:s4] =	ssyncset.s32 $0xFFFFF086  }
0x25: {  	[simem:s6], [sflag:s4] =	dma.local [hbm:s3], $0xF7A  }
0x26: {  	[smem:$0x3F9E] =	sst s1;
	(tag) =	ssettag s2;
	_ =	strace s9  }
0x27: {  	s1 =	sld [smem:$0x3FAE]  }
0x28: {  	s2 =	sld [smem:$0x3FAF]  }
0x29: {  	s4 =	sld [smem:$0x3FB1]  }
0x2a: {  	p0 =	seq.s32 s5, $0x0;
	s5 =	sld [smem:$0x3FB2]  }
0x2b: {  	s6 =	sld [smem:$0x3FB3]  }
0x2c: {  	s7 =	sld [smem:$0x3FB4]  }
0x2d: {  	s3 =	simm.s32 $0x108;
	s8 =	sld [smem:$0x3FB5]  }
0x2e: {  	s3 =	simm.s32 @!p0 $0x1082;
	s9 =	sld [smem:$0x3FB6]  }
0x2f: {  	lr =	sadd.s32 s0, s3;
	s0 =	sld [smem:$0x3FAD]  }
0x30: {  	s3 =	sld [smem:$0x3FB0]  }
0x31: {  	[smem:$0x3FB9] =	sst s10  }
0x32: {  	s10 =	sld [smem:$0x3FB7];
	_ =	sdelay $0x3  }
0x33: {  	p0 =	seq.s32 s10, $0x1;
	s10 =	sld [smem:$0x3FB9];
	_ =	sdelay $0x3  }
0x34: {  	[smem:$0x3FB9] =	sst s10  }
0x35: {  	s10 =	sld [smem:$0x3FB8];
	_ =	sdelay $0x3  }
0x36: {  	p1 =	seq.s32 s10, $0x1;
	s10 =	sld [smem:$0x3FB9];
	_ =	sdelay $0x3  }
0x37: {  	[smem:$0x3FB9] =	sst s10  }
0x38: {  	s10 =	sld [smem:$0x3FBA]  }
0x39: {  	_ = 	snop;
	(pc) =	sbr.ind lr, $3  }
0x3a: {  	_ = 	snop  }
0x3b: {  	_ = 	snop  }
0x3c: {  	p2 =	seq.s32 s10, $0x1;
	s10 =	sld [smem:$0x3FB9]  }
0x3d: {  	_ =	shalt  }
0x3e: {  	_ =	shalt  }
0x3f: {  	_ =	shalt  }
0x40: {  	_ =	shalt  }
0x41: {  	_ =	shalt  }
0x42: {  	_ =	shalt  }
0x43: {  	_ =	shalt  }
0x44: {  	_ =	shalt  }
0x45: {  	_ =	shalt  }
0x46: {  	_ =	shalt  }
0x47: {  	_ =	shalt  }
0x48: {  	_ =	shalt  }
0x49: {  	_ =	shalt  }
0x4a: {  	_ =	shalt  }
0x4b: {  	_ =	shalt  }
0x4c: {  	_ =	shalt  }
0x4d: {  	_ =	shalt  }
0x4e: {  	_ =	shalt  }
0x4f: {  	_ =	shalt  }
0x50: {  	_ =	shalt  }
0x51: {  	_ =	shalt  }
0x52: {  	_ =	shalt  }
0x53: {  	_ =	shalt  }
0x54: {  	_ =	shalt  }
0x55: {  	_ =	shalt  }
0x56: {  	_ =	shalt  }
0x57: {  	_ =	shalt  }
0x58: {  	_ =	shalt  }
0x59: {  	_ =	shalt  }
0x5a: {  	_ =	shalt  }
0x5b: {  	_ =	shalt  }
0x5c: {  	_ =	shalt  }
0x5d: {  	_ =	shalt  }
0x5e: {  	_ =	shalt  }
0x5f: {  	_ =	shalt  }
0x60: {  	_ =	shalt  }
0x61: {  	_ =	shalt  }
0x62: {  	_ =	shalt  }
0x63: {  	_ =	shalt  }
0x64: {  	_ =	shalt  }
0x65: {  	_ =	shalt  }
0x66: {  	_ =	shalt  }
0x67: {  	_ =	shalt  }
0x68: {  	_ =	shalt  }
0x69: {  	_ =	shalt  }
0x6a: {  	_ =	shalt  }
0x6b: {  	_ =	shalt  }
0x6c: {  	_ =	shalt  }
0x6d: {  	_ =	shalt  }
0x6e: {  	_ =	shalt  }
0x6f: {  	_ =	shalt  }
0x70: {  	_ =	shalt  }
0x71: {  	_ =	shalt  }
0x72: {  	_ =	shalt  }
0x73: {  	_ =	shalt  }
0x74: {  	_ =	shalt  }
0x75: {  	_ =	shalt  }
0x76: {  	_ =	shalt  }
0x77: {  	_ =	shalt  }
0x78: {  	_ =	shalt  }
0x79: {  	_ =	shalt  }
0x7a: {  	_ =	shalt  }
0x7b: {  	_ =	shalt  }
0x7c: {  	_ =	shalt  }
0x7d: {  	_ =	shalt  }
0x7e: {  	_ =	shalt  }
0x7f: {  	_ =	shalt  }
0x80: {  	_ =	shalt  }
0x81: {  	_ =	shalt  }
0x82: {  	_ =	shalt  }
0x83: {  	_ =	shalt  }
0x84: {  	_ =	shalt  }
0x85: {  	_ =	shalt  }
0x86: {  	_ =	shalt  }
0x87: {  	_ =	shalt  }
.Lfunc_end0:
.L_simem_size_0:
called_computation_lowered:
.L_overlay_start_0:
0x88: {  	s2 =	sld [smem:$0x3FD9]  }
0x89: {  	s3 =	sld [smem:$0x3FFE];
	_ =	sdelay $0x1  }
0x8a: {  	s1 =	srdreg.scid  }
0x8b: {  	s0 =	sand.u32 $0x1, s1  }
0x8c: {  	s15 =	sshll.u32 s0, $0xA;
	s2 =	sadd.s32 s3, s2  }
0x8d: {  	s2 =	sadd.s32 s2, s15  }
0x8e: {  	[smem:$0x3FC5] =	sst s2  }
0x8f: {  	_ = 	snop  }
0x90: {  	s2 =	sld [smem:$0x3FD0];
	_ =	sdelay $0x1  }
0x91: {  	s16 =	sld [smem:$0x3FC8]  }
0x92: {  	s5 =	simm.s32 $0xA;
	s6 =	simm.s32 $0x10;
	s4 =	sld [smem:$0x3FC7]  }
0x93: {  	[smem:s6], [sflag:s5] =	dma.local [hbm:s2], $0x1  }
0x94: {  	_ =	swait.eq [sflag:s5], $0x1  }
0x95: {  	[sflag:s5] =	ssyncset.done $0x0  }
0x96: {  	[sflag:s5] =	ssyncadd.s32 $0xFFFFFFFF  }
0x97: {  	s17 =	sld [smem:$0x11];
	(tm) =	ssettm $0x1  }
0x98: {  	s18 =	sld [smem:$0x3FFB];
	_ =	sdelay $0x3  }
0x99: {  	_ =	strace s18  }
0x9a: {  	s5 =	sld [smem:$0x3FFC];
	_ =	sdelay $0x3  }
0x9b: {  	_ =	strace s5  }
0x9c: {  	s5 =	sld [smem:$0x3FFD];
	_ =	sdelay $0x3  }
0x9d: {  	_ =	strace s5  }
0x9e: {  	_ =	strace $0x8FFFFFFF  }
0x9f: {  	s19 =	sld [smem:$0x3FDB];
	_ =	sdelay $0x1  }
0xa0: {  	s20 =	simm.s32 $_scs_section_size  }
0xa1: {  	s7 =	simm.s32 $_size__tile_overlayer_lowered;
	s8 =	simm.s32 $_tile_overlayer_lowered  }
0xa2: {  	s23 =	simm.s32 $0x1BFF;
	s22 =	sshll.u32 s8, $0x1;
	s5 =	sadd.s32 s20, s19  }
0xa3: {  	s9 =	simm.s32 $0x0;
	s21 =	sshll.u32 s7, $0x1;
	s7 =	sadd.s32 s22, s5  }
0xa4: {  	[timem:s9], [sflag:s23] =	dma.local [hbm:s7], s21  }
0xa5: {  	_ =	swait.ge [sflag:s23], s21  }
0xa6: {  	s6 =	ssub.s32 $0x0, s21;
	[sflag:s23] =	ssyncset.done $0x0  }
0xa7: {  	[sflag:s23] =	ssyncadd.s32 s6;
	_ =	sdelay $0x1  }
0xa8: {  	s24 =	simm.s32 $0x1B8B  }
0xa9: {  	_ =	swait.ge [sflag:s24], $0x1  }
0xaa: {  	[sflag:s24] =	ssyncset.done $0x0  }
0xab: {  	s25 =	simm.s32 $0x1B8E;
	[sflag:s24] =	ssyncadd.s32 $0xFFFFFFFF  }
0xac: {  	s26 =	simm.s32 $execute0_lowered;
	[smem:$0x3FD2] =	sst s25  }
0xad: {  	s6 =	sshll.u32 s26, $0x1;
	_ =	strace $0x80000046;
	[dreg:$0x1] =	wrdreg $0xFFFFFFFF  }
0xae: {  	s28 =	simm.s32 $_size_execute0_lowered;
	s5 =	sadd.s32 s5, s6;
	[dreg:$0x0] =	wrdreg $0x0  }
0xaf: {  	s6 =	sshll.u32 s28, $0x1;
	[dreg:$0x2] =	wrdreg s5  }
0xb0: {  	[dreg:$0x3] =	wrdreg s6  }
0xb1: {  	[dreg:$0x4] =	wrdreg $0xC0  }
0xb2: {  	_ =	task [dreg:s9], $0x5FFFF  }
0xb3: {  	[dreg:$0x1] =	wrdreg $0xFFFFFFFF  }
0xb4: {  	[dreg:$0x0] =	wrdreg $0x60  }
0xb5: {  	[dreg:$0x2] =	wrdreg s16  }
0xb6: {  	[dreg:$0x3] =	wrdreg s4  }
0xb7: {  	[dreg:$0x4] =	wrdreg s17  }
0xb8: {  	[dreg:$0x5] =	wrdreg $0x1CA880  }
0xb9: {  	[dreg:$0x6] =	wrdreg $0x14A800  }
0xba: {  	[dreg:$0x7] =	wrdreg $0x9  }
0xbb: {  	_ =	task.clear_ibuf [dreg:s9], $0x8FFFF;
	_ =	strace $0x90000046  }
0xbc: {  	s29 =	simm.s32 $0x9;
	_ =	strace $0x80000048  }
0xbd: {  	_ =	swait.ge [sflag:s29], $0x1  }
0xbe: {  	[sflag:s29] =	ssyncadd.s32 $0xFFFFFFFF  }
0xbf: {  	_ =	strace $0x90000048  }
0xc0: {  	_ =	sfence  }
0xc1: {  	s30 =	sld [smem:$0x0];
	_ =	sdelay $0x2  }
0xc2: {  	s31 =	sshll.u32 s1, $0xD;
	s1 =	sshrl.u32 s1, $0x2  }
0xc3: {  	s3 =	sand.u32 $0x4000, s31;
	s1 =	sadd.s32 s1, s30  }
0xc4: {  	s0 =	sor.u32 s3, s0;
	s1 =	sshll.u32 s1, $0x11  }
0xc5: {  	s0 =	sor.u32 s1, s0  }
0xc6: {  	s0 =	sadd.s32 $0x8F2B, s0  }
0xc7: {  	[sflag:s0] =	ssyncadd.remote.s32 $0x1  }
0xc8: {  	_ =	sfence.sel $0xFFFF  }
0xc9: {  	[dreg:$0x0] =	wrdreg $0xFFFFFFFF;
	(pc) =	sbr.abs _section_cstart, $3  }
0xca: {  	[dreg:$0x1] =	wrdreg $0xFFFFFFFF  }
0xcb: {  	_ =	task.clear_ibuf [dreg:s9], $0x2FFFF;
	_ =	strace $0x9FFFFFFF  }
0xcc: {  	(tm) =	ssettm $0x7FFFFFFF  }
0xcd: {  	_ =	shalt  }
tec
execute0_lowered:
.L_overlay_start_1:
0x0: {  	(tag) =	ssettag $0x1  }
0x1: {  	s0 =	rddreg [dreg:$0x0]  }
0x2: {  	s1 =	rddreg [dreg:$0x2]  }
0x3: {  	s10 =	rddreg [dreg:$0x3]  }
0x4: {  	s2 =	srdreg.scid;
	s3 =	rddreg [dreg:$0x4];
	s5 =	simm.s32 $0x0  }
0x5: {  	s2 =	sand.u32 $0x1, s2;
	[smem:$0x7FF] =	sst s5  }
0x6: {  	s5 =	stileid.u32;
	s4 =	ssub.s32 $0x2, s2;
	_ =	strace $0x80000047  }
0x7: {  	s9 =	sshll.u32 s5, $0xB;
	s26 =	sshll.u32 s5, $0xC;
	s8 =	sshll.u32 s5, $0x4  }
0x8: {  	s22 =	sshll.u32 s2, $0x2;
	s11 =	sshll.u32 s5, $0xF;
	s12 =	sshll.u32 s2, $0x6  }
0x9: {  	s6 =	sshrl.u32 s4, $0x1;
	s28 =	sadd.s32 s0, s26;
	s10 =	sadd.s32 s8, s10  }
0xa: {  	s29 =	sadd.s32 s11, s3;
	s23 =	sadd.s32 s1, s12;
	s24 =	sor.u32 $0x1, s22  }
0xb: {  	s25 =	sor.u32 $0x2, s22;
	s26 =	sshllo.u32 s2, $0x2;
	s19 =	sor.u32 $0x8000, s9  }
0xc: {  	s18 =	sor.u32 $0x10000, s9;
	s4 =	ssub.s32 s4, s6;
	[dreg:$0x7] =	wrdreg s10  }
0xd: {  	s13 =	sshll.u32 s24, $0x4;
	s14 =	sshll.u32 s25, $0x4;
	s2 =	sshll.u32 s26, $0x4  }
0xe: {  	s16 =	sadd.s32 s9, s23;
	s17 =	sadd.s32 s19, s23;
	[dreg:$0x6] =	wrdreg s28  }
0xf: {  	s21 =	sadd.s32 s1, s13;
	s20 =	sadd.s32 s1, s14;
	[dreg:$0xa] =	wrdreg s16  }
0x10: {  	s0 =	sadd.s32 s1, s2;
	s15 =	smax.u32 s4, $0x1;
	[dreg:$0xb] =	wrdreg s17  }
0x11: {  	s2 =	sadd.s32 s18, s23;
	s17 =	sor.u32 $0x18000, s9;
	[dreg:$0x9] =	wrdreg s15  }
0x12: {  	s16 =	sor.u32 $0x20000, s9;
	[dreg:$0xc] =	wrdreg s2;
	s4 =	sadd.s32 s17, s23  }
0x13: {  	s14 =	sor.u32 $0x30000, s9;
	s6 =	sadd.s32 s16, s23;
	[dreg:$0xd] =	wrdreg s4  }
0x14: {  	s13 =	sor.u32 $0x38000, s9;
	s10 =	sadd.s32 s14, s23;
	[dreg:$0xe] =	wrdreg s6  }
0x15: {  	s12 =	sor.u32 $0x40000, s9;
	s11 =	sadd.s32 s13, s23;
	[dreg:$0x10] =	wrdreg s10  }
0x16: {  	s2 =	sadd.s32 s12, s23;
	[dreg:$0x11] =	wrdreg s11  }
0x17: {  	v2 =	vmov s25;
	s25 =	sadd.s32 s18, s21;
	[dreg:$0x12] =	wrdreg s2  }
0x18: {  	v3 =	vmov s26;
	s26 =	sadd.s32 s17, s21;
	[dreg:$0x1c] =	wrdreg s25  }
0x19: {  	v0 =	vmov s22;
	s15 =	sor.u32 $0x28000, s9;
	s22 =	sadd.s32 s19, s20;
	[dreg:$0x1d] =	wrdreg s26  }
0x1a: {  	s8 =	sadd.s32 s15, s23;
	[smem:$0x7C8] =	sst s22  }
0x1b: {  	s25 =	sadd.s32 s14, s21;
	[dreg:$0xf] =	wrdreg s8  }
0x1c: {  	s26 =	sadd.s32 s13, s21;
	[smem:$0x7BD] =	sst s25  }
0x1d: {  	s11 =	sor.u32 $0x48000, s9;
	s22 =	sadd.s32 s14, s20;
	[smem:$0x7BE] =	sst s26  }
0x1e: {  	s10 =	sor.u32 $0x50000, s9;
	s4 =	sadd.s32 s11, s23;
	[smem:$0x7CD] =	sst s22  }
0x1f: {  	s6 =	sadd.s32 s10, s23;
	[dreg:$0x13] =	wrdreg s4  }
0x20: {  	s8 =	sor.u32 $0x58000, s9;
	s25 =	sadd.s32 s10, s21;
	[dreg:$0x14] =	wrdreg s6  }
0x21: {  	s2 =	sadd.s32 s8, s23;
	[smem:$0x7C1] =	sst s25  }
0x22: {  	s26 =	sadd.s32 s8, s21;
	[dreg:$0x15] =	wrdreg s2  }
0x23: {  	s6 =	sor.u32 $0x60000, s9;
	s22 =	sadd.s32 s8, s20;
	[smem:$0x7C2] =	sst s26  }
0x24: {  	s4 =	sadd.s32 s6, s23;
	[smem:$0x7D2] =	sst s22  }
0x25: {  	s26 =	sadd.s32 s9, s20;
	[dreg:$0x16] =	wrdreg s4  }
0x26: {  	s2 =	sor.u32 $0x70000, s9;
	s22 =	sadd.s32 s18, s3;
	[smem:$0x7C7] =	sst s26  }
0x27: {  	s25 =	sadd.s32 s2, s21;
	[smem:$0x7DB] =	sst s22  }
0x28: {  	s26 =	sadd.s32 s15, s20;
	[smem:$0x7C5] =	sst s25  }
0x29: {  	s4 =	sor.u32 $0x68000, s9;
	s22 =	sadd.s32 s13, s3;
	[smem:$0x7CC] =	sst s26  }
0x2a: {  	s1 =	sadd.s32 s4, s23;
	[smem:$0x7E5] =	sst s22  }
0x2b: {  	s25 =	sadd.s32 s16, s20;
	[dreg:$0x17] =	wrdreg s1  }
0x2c: {  	s26 =	sadd.s32 s10, s20;
	[smem:$0x7CB] =	sst s25  }
0x2d: {  	s22 =	sadd.s32 $0x810, s28;
	[smem:$0x7D1] =	sst s26  }
0x2e: {  	s1 =	sadd.s32 s2, s23;
	[smem:$0x7F9] =	sst s22  }
0x2f: {  	s25 =	sadd.s32 s11, s20;
	[dreg:$0x18] =	wrdreg s1  }
0x30: {  	s26 =	sadd.s32 s9, s3;
	[smem:$0x7D0] =	sst s25  }
0x31: {  	s25 =	sadd.s32 s2, s20;
	[smem:$0x7D7] =	sst s26  }
0x32: {  	s1 =	sor.u32 $0x78000, s9;
	s26 =	sadd.s32 s16, s3;
	[smem:$0x7D5] =	sst s25  }
0x33: {  	v1 =	vmov s24;
	s24 =	sadd.s32 s1, s23;
	[smem:$0x7DF] =	sst s26  }
0x34: {  	s23 =	sadd.s32 s9, s21;
	[dreg:$0x19] =	wrdreg s24  }
0x35: {  	s7 =	sshrl.u32 s9, $0x2;
	s9 =	sadd.s32 s9, s0;
	[dreg:$0x1a] =	wrdreg s23  }
0x36: {  	s25 =	sadd.s32 s17, s0;
	[smem:$0x7D8] =	sst s9  }
0x37: {  	s26 =	sadd.s32 s11, s3;
	[smem:$0x7DE] =	sst s25  }
0x38: {  	s24 =	sadd.s32 s19, s21;
	[smem:$0x7E9] =	sst s26  }
0x39: {  	s23 =	sadd.s32 s16, s21;
	[dreg:$0x1b] =	wrdreg s24  }
0x3a: {  	s25 =	sadd.s32 s12, s0;
	[dreg:$0x1e] =	wrdreg s23  }
0x3b: {  	s26 =	sadd.s32 $0x80000, s3;
	[smem:$0x7E8] =	sst s25  }
0x3c: {  	s24 =	sadd.s32 s15, s21;
	[smem:$0x7FD] =	sst s26  }
0x3d: {  	s23 =	sadd.s32 s12, s21;
	[dreg:$0x1f] =	wrdreg s24  }
0x3e: {  	s25 =	sadd.s32 $0x6000, s29;
	[smem:$0x7BF] =	sst s23  }
0x3f: {  	s24 =	sadd.s32 s11, s21;
	[smem:$0x7FC] =	sst s25  }
0x40: {  	s23 =	sadd.s32 s6, s21;
	[smem:$0x7C0] =	sst s24  }
0x41: {  	[smem:$0x7C3] =	sst s23;
	s24 =	sadd.s32 s4, s21  }
0x42: {  	s21 =	sadd.s32 s1, s21;
	[smem:$0x7C4] =	sst s24  }
0x43: {  	s23 =	sadd.s32 s18, s20;
	[smem:$0x7C6] =	sst s21  }
0x44: {  	[smem:$0x7C9] =	sst s23;
	s24 =	sadd.s32 s17, s20  }
0x45: {  	s23 =	sadd.s32 s13, s20;
	[smem:$0x7CA] =	sst s24  }
0x46: {  	s21 =	sadd.s32 s19, s0;
	[smem:$0x7CE] =	sst s23  }
0x47: {  	s24 =	sadd.s32 s12, s20;
	[smem:$0x7DA] =	sst s21  }
0x48: {  	s23 =	sadd.s32 s6, s20;
	[smem:$0x7CF] =	sst s24  }
0x49: {  	s21 =	sadd.s32 s14, s0;
	[smem:$0x7D3] =	sst s23  }
0x4a: {  	s24 =	sadd.s32 s4, s20;
	[smem:$0x7E4] =	sst s21  }
0x4b: {  	s20 =	sadd.s32 s1, s20;
	[smem:$0x7D4] =	sst s24  }
0x4c: {  	v6 =	vimm.s32 $0x76543210;
	v7 =	vimm.s32 $0xFEDCBA98;
	s23 =	sadd.s32 s18, s0;
	[smem:$0x7D6] =	sst s20  }
0x4d: {  	v8 =	vimm.s32 $0xBA98FEDC;
	v9 =	vimm.s32 $0x32107654;
	s18 =	sadd.s32 s15, s3;
	[smem:$0x7DC] =	sst s23  }
0x4e: {  	v4 =	vimm.f32 $0.0e+00;
	v10 =	vimm.s32 $0xDCFE98BA;
	v11 =	vimm.s32 $0x54761032;
	s21 =	sadd.s32 $0x800, s28;
	[smem:$0x7E1] =	sst s18  }
0x4f: {  	v5 =	vimm.f32 $1.000000000e+00;
	v12 =	vimm.s32 $0xEFCDAB89;
	v13 =	vimm.s32 $0x67452301;
	s20 =	sadd.s32 s19, s3;
	[smem:$0x7F8] =	sst s21  }
0x50: {  	vm0 =	vcmask $0x320;
	vm1 =	vcmask $0x720;
	vm2 =	vcmask $0xB20;
	s24 =	sadd.s32 s17, s3;
	[smem:$0x7D9] =	sst s20  }
0x51: {  	vm3 =	vcmask $0xF20;
	vm4 =	vcmask $0x1320;
	vm5 =	vcmask $0x1720;
	s17 =	sadd.s32 s16, s0;
	[smem:$0x7DD] =	sst s24  }
0x52: {  	vm6 =	vcmask $0x1B20;
	v15 =	vimm.s32 $0xDCBA9876;
	v16 =	vimm.s32 $0xBA987654;
	s19 =	sadd.s32 s15, s0;
	[smem:$0x7E0] =	sst s17  }
0x53: {  	v17 =	vimm.s32 $0x32100000;
	v18 =	vimm.s32 $0xE40000;
	vm7 =	vmmov $0x3;
	s23 =	sadd.s32 s13, s0;
	[smem:$0x7E2] =	sst s19  }
0x54: {  	vm8 =	vmmov $0xf;
	vm9 =	vcmask $0x3F30;
	v6 =	vunpack.c.l.s4.s8 v6;
	s13 =	sadd.s32 s10, s3;
	[smem:$0x7E6] =	sst s23  }
0x55: {  	v7 =	vunpack.c.l.s4.s8 v7;
	v8 =	vunpack.c.l.s4.s8 v8;
	v9 =	vunpack.c.l.s4.s8 v9;
	s15 =	sadd.s32 s8, s3;
	[smem:$0x7EB] =	sst s13  }
0x56: {  	v10 =	vunpack.c.l.s4.s8 v10;
	v11 =	vunpack.c.l.s4.s8 v11;
	v12 =	vunpack.c.l.s4.s8 v12;
	s8 =	sadd.s32 s8, s0;
	[smem:$0x7ED] =	sst s15  }
0x57: {  	v13 =	vunpack.c.l.s4.s8 v13;
	v15 =	vunpack.c.l.s4.s8 v15;
	v16 =	vunpack.c.l.s4.s8 v16;
	s16 =	sadd.s32 s6, s3;
	[smem:$0x7EE] =	sst s8  }
0x58: {  	v17 =	vunpack.c.l.s4.s8 v17;
	v18 =	vunpack.c.l.s2.s4 v18;
	v8 =	vunpack.c.0.s8.s32 v8;
	s6 =	sadd.s32 s6, s0;
	[smem:$0x7EF] =	sst s16  }
0x59: {  	v9 =	vunpack.c.0.s8.s32 v9;
	v10 =	vunpack.c.0.s8.s32 v10;
	v11 =	vunpack.c.0.s8.s32 v11;
	s18 =	sadd.s32 s2, s3;
	[smem:$0x7F0] =	sst s6  }
0x5a: {  	s30 =	simm.s32 $0xE600;
	v7 =	vunpack.c.0.s8.s32 v7;
	v12 =	vunpack.c.0.s8.s32 v12;
	v13 =	vunpack.c.0.s8.s32 v13;
	s2 =	sadd.s32 s2, s0;
	[smem:$0x7F3] =	sst s18  }
0x5b: {  	s31 =	simm.s32 $0x10;
	v14 =	vunpack.c.0.s8.s32 v6;
	v6 =	vimm.s32 $0x0;
	v15 =	vunpack.c.0.s8.s32 v15;
	s20 =	sadd.s32 s14, s3;
	[smem:$0x7F4] =	sst s2  }
0x5c: {  	p0 =	sne.s32 s5, $0x0;
	v16 =	vunpack.c.0.s8.s32 v16;
	v17 =	vunpack.c.0.s8.s32 v17;
	v18 =	vunpack.c.l.s4.s8 v18;
	s24 =	sadd.s32 s12, s3;
	[smem:$0x7E3] =	sst s20  }
0x5d: {  	s7 =	sor.u32 $0x8080, s7;
	v8 =	vcombine.low v9, v8;
	v9 =	vcombine.low v11, v10;
	v7 =	vand.u32 $0xF, v7;
	s12 =	sadd.s32 s11, s0;
	[smem:$0x7E7] =	sst s24  }
0x5e: {  	v10 =	vcombine.low v13, v12;
	v7 =	vcombine.low v7, v14;
	v14 =	vimm.s32 $0x54321000;
	s9 =	simm.s32 $0x2000;
	s14 =	sadd.s32 s10, s0;
	[smem:$0x7EA] =	sst s12  }
0x5f: {  	v11 =	vimm.s32 $0xEDCBA987;
	v12 =	vimm.s32 $0x65432100;
	v14 =	vunpack.c.l.s4.s8 v14;
	s26 =	simm.s32 $0x2;
	s17 =	sadd.s32 s4, s3;
	[smem:$0x7EC] =	sst s14  }
0x60: {  	v15 =	vand.u32 $0xF, v15;
	v18 =	vunpack.c.0.s8.s32 v18;
	v11 =	vunpack.c.l.s4.s8 v11;
	s25 =	simm.s32 $0xA080;
	s4 =	sadd.s32 s4, s0;
	[smem:$0x7F1] =	sst s17  }
0x61: {  	v12 =	vunpack.c.l.s4.s8 v12;
	v8 =	vand.u32 $0xF, v8;
	v14 =	vunpack.c.0.s8.s32 v14;
	s0 =	sadd.s32 s1, s0;
	s19 =	sadd.s32 s1, s3;
	[smem:$0x7F2] =	sst s4  }
0x62: {  	v9 =	vand.u32 $0xF, v9;
	v10 =	vand.u32 $0xF, v10;
	v18 =	vand.u32 $0x3, v18;
	s23 =	sadd.s32 $0x2000, s29;
	s8 =	simm.s32 $0x100;
	[smem:$0x7F5] =	sst s0  }
.Ltmp0:
0x63: {  	v13 =	vunpack.c.0.s8.s32 v11;
	v14 =	vcombine.low v14, v15;
	v15 =	vand.u32 $0xF, v16;
	s1 =	simm.s32 $0x12A00;
	[smem:$0x7F6] =	sst s19;
	(pc) =	sbr.rel .LBB2_1-.Ltmp0, $4  }
0x64: {  	v12 =	vunpack.c.0.s8.s32 v12;
	v15 =	vcombine.low v17, v15;
	v17 =	vimm.s32 $0x7060504;
	s10 =	simm.s32 $0x0;
	s20 =	sadd.s32 $0x10, s28;
	[smem:$0x7FA] =	sst s23  }
0x65: {  	v11 =	vimm.s32 $0x1;
	v13 =	vand.u32 $0xF, v13;
	v17 =	vunpack.c.0.s8.s32 v17;
	s28 =	smov.u32 s29;
	s24 =	sadd.s32 $0x4000, s29;
	[smem:$0x7F7] =	sst s20  }
0x66: {  	v12 =	vcombine.low v12, v13;
	v13 =	vimm.s32 $0x40000000;
	v16 =	vlaneseq.u32;
	s23 =	simm.s32 $0x8080;
	s29 =	simm.s32 $0xA200;
	[smem:$0x7FB] =	sst s24  }
0x67: {  	v17 =	vsel vm9, v17, v18;
	vm9 =	vmmov $0xff;
	v18 =	vimm.s32 $0x80000;
	s20 =	simm.s32 $0x80;
	s24 =	simm.s32 $0x1;
	[dreg:$0x8] =	wrdreg s28  }
.LBB2_101:
0x68: {  	[bflag:$0x0] =	sbarrier.arrive $0xFFFF  }
0x69: {  	s4 =	sld [smem:$0x7D8]  }
0x6a: {  	s8 =	sld [smem:$0x7B8];
	_ =	sdelay $0x2  }
0x6b: {  	[hbm:s4@s20], [sflag:s2] =	dma.strided [spmem:s8@s31], $0x100, s24, $0x10   }
0x6c: {  	s4 =	sld [smem:$0x7DA]  }
0x6d: {  	s8 =	sld [smem:$0x7B9];
	_ =	sdelay $0x2  }
0x6e: {  	[hbm:s4@s20], [sflag:s2] =	dma.strided [spmem:s8@s31], $0x100, s24, $0x10   }
0x6f: {  	s4 =	sld [smem:$0x7DC]  }
0x70: {  	s8 =	sld [smem:$0x7BA];
	_ =	sdelay $0x2  }
0x71: {  	[hbm:s4@s20], [sflag:s2] =	dma.strided [spmem:s8@s31], $0x100, s24, $0x10   }
0x72: {  	s4 =	sld [smem:$0x7DE]  }
0x73: {  	s8 =	sld [smem:$0x7BB];
	_ =	sdelay $0x2  }
0x74: {  	[hbm:s4@s20], [sflag:s2] =	dma.strided [spmem:s8@s31], $0x100, s24, $0x10   }
0x75: {  	s4 =	sld [smem:$0x7E0];
	_ =	sdelay $0x2  }
0x76: {  	[hbm:s4@s20], [sflag:s2] =	dma.strided [spmem:s12@s31], $0x100, s24, $0x10   }
0x77: {  	s4 =	sld [smem:$0x7E2];
	_ =	sdelay $0x2  }
0x78: {  	[hbm:s4@s20], [sflag:s2] =	dma.strided [spmem:s13@s31], $0x100, s24, $0x10   }
0x79: {  	s4 =	sld [smem:$0x7E4];
	_ =	sdelay $0x2  }
0x7a: {  	[hbm:s4@s20], [sflag:s2] =	dma.strided [spmem:s14@s31], $0x100, s24, $0x10   }
0x7b: {  	s4 =	sld [smem:$0x7E6];
	_ =	sdelay $0x2  }
0x7c: {  	[hbm:s4@s20], [sflag:s2] =	dma.strided [spmem:s15@s31], $0x100, s24, $0x10   }
0x7d: {  	s4 =	sld [smem:$0x7E8];
	_ =	sdelay $0x2  }
0x7e: {  	[hbm:s4@s20], [sflag:s2] =	dma.strided [spmem:s6@s31], $0x100, s24, $0x10   }
0x7f: {  	s4 =	sld [smem:$0x7EA];
	_ =	sdelay $0x2  }
0x80: {  	[hbm:s4@s20], [sflag:s2] =	dma.strided [spmem:s21@s31], $0x100, s24, $0x10   }
0x81: {  	s4 =	sld [smem:$0x7EC];
	_ =	sdelay $0x2  }
0x82: {  	[hbm:s4@s20], [sflag:s2] =	dma.strided [spmem:s9@s31], $0x100, s24, $0x10   }
0x83: {  	s4 =	sld [smem:$0x7EE];
	_ =	sdelay $0x2  }
0x84: {  	[hbm:s4@s20], [sflag:s2] =	dma.strided [spmem:s16@s31], $0x100, s24, $0x10   }
0x85: {  	s4 =	sld [smem:$0x7F0];
	_ =	sdelay $0x2  }
0x86: {  	[hbm:s4@s20], [sflag:s2] =	dma.strided [spmem:s17@s31], $0x100, s24, $0x10   }
0x87: {  	s4 =	sld [smem:$0x7F2];
	_ =	sdelay $0x2  }
0x88: {  	[hbm:s4@s20], [sflag:s2] =	dma.strided [spmem:s18@s31], $0x100, s24, $0x10   }
0x89: {  	s4 =	sld [smem:$0x7F4];
	_ =	sdelay $0x2  }
0x8a: {  	[hbm:s4@s20], [sflag:s2] =	dma.strided [spmem:s19@s31], $0x100, s24, $0x10   }
0x8b: {  	s4 =	sld [smem:$0x7F5];
	_ =	sdelay $0x2  }
0x8c: {  	[hbm:s4@s20], [sflag:s2] =	dma.strided [spmem:s0@s31], $0x100, s24, $0x10   }
0x8d: {  	_ =	swait.ge [sflag:s24], $0x100  }
0x8e: {  	[sflag:s24] =	ssyncset.done $0x0  }
0x8f: {  	[sflag:s24] =	ssyncadd.s32 $0xFFFFFF00  }
0x90: {  	_ =	swait.ge [sflag:s24], $0x100  }
0x91: {  	[sflag:s24] =	ssyncset.done $0x0  }
0x92: {  	[sflag:s24] =	ssyncadd.s32 $0xFFFFFF00  }
0x93: {  	_ =	swait.ge [sflag:s24], $0x100  }
0x94: {  	[sflag:s24] =	ssyncset.done $0x0  }
0x95: {  	[sflag:s24] =	ssyncadd.s32 $0xFFFFFF00  }
0x96: {  	_ =	swait.ge [sflag:s24], $0x100  }
0x97: {  	[sflag:s24] =	ssyncset.done $0x0  }
0x98: {  	[sflag:s24] =	ssyncadd.s32 $0xFFFFFF00  }
0x99: {  	_ =	swait.ge [sflag:s24], $0x100  }
0x9a: {  	[sflag:s24] =	ssyncset.done $0x0  }
0x9b: {  	[sflag:s24] =	ssyncadd.s32 $0xFFFFFF00  }
0x9c: {  	_ =	swait.ge [sflag:s24], $0x100  }
0x9d: {  	[sflag:s24] =	ssyncset.done $0x0  }
0x9e: {  	[sflag:s24] =	ssyncadd.s32 $0xFFFFFF00  }
0x9f: {  	_ =	swait.ge [sflag:s24], $0x100  }
0xa0: {  	[sflag:s24] =	ssyncset.done $0x0  }
0xa1: {  	[sflag:s24] =	ssyncadd.s32 $0xFFFFFF00  }
0xa2: {  	_ =	swait.ge [sflag:s24], $0x100  }
0xa3: {  	[sflag:s24] =	ssyncset.done $0x0  }
0xa4: {  	[sflag:s24] =	ssyncadd.s32 $0xFFFFFF00  }
0xa5: {  	_ =	swait.ge [sflag:s24], $0x100  }
0xa6: {  	[sflag:s24] =	ssyncset.done $0x0  }
0xa7: {  	[sflag:s24] =	ssyncadd.s32 $0xFFFFFF00  }
0xa8: {  	_ =	swait.ge [sflag:s24], $0x100  }
0xa9: {  	[sflag:s24] =	ssyncset.done $0x0  }
0xaa: {  	[sflag:s24] =	ssyncadd.s32 $0xFFFFFF00  }
0xab: {  	_ =	swait.ge [sflag:s24], $0x100  }
0xac: {  	[sflag:s24] =	ssyncset.done $0x0  }
0xad: {  	[sflag:s24] =	ssyncadd.s32 $0xFFFFFF00  }
0xae: {  	_ =	swait.ge [sflag:s24], $0x100  }
0xaf: {  	[sflag:s24] =	ssyncset.done $0x0  }
0xb0: {  	[sflag:s24] =	ssyncadd.s32 $0xFFFFFF00  }
0xb1: {  	_ =	swait.ge [sflag:s24], $0x100  }
0xb2: {  	[sflag:s24] =	ssyncset.done $0x0  }
0xb3: {  	[sflag:s24] =	ssyncadd.s32 $0xFFFFFF00  }
0xb4: {  	_ =	swait.ge [sflag:s24], $0x100  }
0xb5: {  	[sflag:s24] =	ssyncset.done $0x0  }
0xb6: {  	[sflag:s24] =	ssyncadd.s32 $0xFFFFFF00  }
0xb7: {  	_ =	swait.ge [sflag:s24], $0x100  }
0xb8: {  	[sflag:s24] =	ssyncset.done $0x0  }
0xb9: {  	[sflag:s24] =	ssyncadd.s32 $0xFFFFFF00  }
0xba: {  	_ =	swait.ge [sflag:s24], $0x100  }
0xbb: {  	s10 =	sld [smem:$0x7BC];
	_ =	sdelay $0x2  }
0xbc: {  	s22 =	rddreg [dreg:$0x9];
	s10 =	sadd.s32 $0x1, s10  }
0xbd: {  	p1 =	sne.s32 s10, s22  }
.Ltmp1:
0xbe: {  	_ = 	snop;
	(pc) =	sbr.rel @!p1 .LBB2_102-.Ltmp1, $4  }
0xbf: {  	[sflag:s24] =	ssyncset.done $0x0  }
0xc0: {  	[sflag:s24] =	ssyncadd.s32 $0xFFFFFF00  }
0xc1: {  	[bflag:$0x0] =	sbarrier.arrive $0xFFFF  }
0xc2: {  	s8 =	simm.s32 $0x100;
	s9 =	simm.s32 $0x2000  }
.LBB2_1:
0xc3: {  	s0 =	rddreg [dreg:$0x6]  }
0xc4: {  	s2 =	simm.s32 $0x0;
	s21 =	sld [smem:$0x7F7]  }
0xc5: {  	[tilespmem:s2], [sflag:$0x1] =	stream.strided.gather [hbm4b:s0+s20], $0x2000, s8, s20, $0x38;
	[tilespmem:$0x1CA98] =	vst v63  }
0xc6: {  	_ = 	snop  }
0xc7: {  	[tilespmem:s9], [sflag:$0x1] =	stream.strided.gather [hbm4b:s21+s20], $0x2000, s8, s20, $0x38;
	[tilespmem:$0x1CA98] =	vst v63  }
0xc8: {  	s22 =	rddreg [dreg:$0x1]  }
0xc9: {  	[tilespmem:s23], [sflag:$0x1] =	stream.linear.gather [hbm4b:s22+s2], $0x2000, $0x38;
	[tilespmem:$0x1CA98] =	vst v63  }
0xca: {  	s0 =	simm.s32 $0x40;
	s2 =	simm.s32 $0x0  }
.LBB2_2:
0xcb: {  	p1 =	sne.s32 s0, $0x7FC0;
	[tilespmem:s2+$0x12A80] =	vst v4;
	s2 =	smov.u32 s0;
	s0 =	sadd.s32 $0x40, s0  }
.Ltmp2:
0xcc: {  	(pc) =	sbr.rel @p1 .LBB2_2-.Ltmp2, $2  }
0xcd: {  	_ =	sdelay $0x2  }
0xce: {  	s2 =	sshra.s32 s2, $0x2  }
0xcf: {  	[tilespmem:s2+$0x12A80] =	vst v4  }
0xd0: {  	[tilespmem:$0x12A00] =	vst v5  }
0xd1: {  	[tilespmem:$0x12A10] =	vst v5  }
0xd2: {  	[tilespmem:$0x12A20] =	vst v5  }
0xd3: {  	[tilespmem:$0x12A30] =	vst v5  }
0xd4: {  	[tilespmem:$0x12A40] =	vst v5  }
0xd5: {  	[tilespmem:$0x12A50] =	vst v5  }
0xd6: {  	[tilespmem:$0x12A60] =	vst v5  }
0xd7: {  	[tilespmem:$0x12A70] =	vst v5  }
0xd8: {  	_ =	swait.ge [sflag:s24], $0x2000  }
0xd9: {  	[sflag:s24] =	ssyncset.done $0x0  }
0xda: {  	[sflag:s24] =	ssyncadd.s32 $0xFFFFE000  }
0xdb: {  	_ =	swait.ge [sflag:s24], $0x2000  }
0xdc: {  	[sflag:s24] =	ssyncset.done $0x0  }
0xdd: {  	s0 =	simm.s32 $0x0;
	[sflag:s24] =	ssyncadd.s32 $0xFFFFE000  }
0xde: {  	s22 =	sand.u32 $0x180, s0;
	_ =	swait.ge [sflag:s24], $0x2000  }
0xdf: {  	s0 =	sand.u32 $0x70, s0;
	s4 =	sadd.s32 s22, s7;
	[sflag:s24] =	ssyncset.done $0x0  }
0xe0: {  	s0 =	sadd.s32 s0, s4;
	[sflag:s24] =	ssyncadd.s32 $0xFFFFE000  }
0xe1: {  	v26 =	vld [tilespmem:s0+$0x0];
	_ =	sdelay $0x1  }
0xe2: {  	v25 =	vimm.s32 $0x0  }
0xe3: {  	s2 =	simm.s32 $0x10;
	v22 =	vimm.s32 $0x0;
	v23 =	vimm.s32 $0x0;
	v21 =	vimm.s32 $0x0  }
0xe4: {  	v24 =	vimm.s32 $0x0;
	v19 =	vimm.s32 $0x0;
	v20 =	vimm.s32 $0x0;
	s4 =	sand.u32 $0x180, s2;
	s0 =	simm.s32 $0x20  }
.LBB2_4:
0xe5: {  	p1 =	sne.s32 s0, $0x1F0;
	s2 =	sand.u32 $0x70, s2;
	s4 =	sadd.s32 s4, s7;
	vm10 =	vlt.s32 v26, $0x1;
	vm11 =	vlt.s32 v26, $0x2;
	vm12 =	vlt.s32 v26, $0x7  }
0xe6: {  	vm13 =	vlt.s32 v26, $0x3;
	vm14 =	vlt.s32 v26, $0x4;
	s4 =	sadd.s32 s2, s4;
	v27 =	vsel vm12, $0x1, v6;
	s2 =	smov.u32 s0  }
.Ltmp3:
0xe7: {  	vm15 =	vlt.s32 v26, $0x6;
	vm12 =	vlt.s32 v26, $0x5;
	v26 =	vld [tilespmem:s4+$0x0];
	v25 =	vadd.s32 v27, v25;
	(pc) =	sbr.rel @p1 .LBB2_4-.Ltmp3, $4  }
0xe8: {  	v28 =	vsel vm11, $0x1, v6;
	v29 =	vsel vm13, $0x1, v6;
	v27 =	vsel vm10, $0x1, v6  }
0xe9: {  	v30 =	vsel vm14, $0x1, v6;
	v32 =	vsel vm15, $0x1, v6;
	v31 =	vsel vm12, $0x1, v6  }
0xea: {  	v23 =	vadd.s32 v28, v23;
	v21 =	vadd.s32 v29, v21;
	v22 =	vadd.s32 v27, v22  }
0xeb: {  	s0 =	sadd.s32 $0x10, s0;
	s4 =	sand.u32 $0x180, s2;
	v24 =	vadd.s32 v30, v24;
	v20 =	vadd.s32 v32, v20;
	v19 =	vadd.s32 v31, v19  }
0xec: {  	s0 =	sand.u32 $0x70, s2;
	s17 =	sadd.s32 s4, s7  }
0xed: {  	vm10 =	vlt.s32 v26, $0x1;
	s0 =	sadd.s32 s0, s17  }
0xee: {  	vm11 =	vlt.s32 v26, $0x2;
	vm12 =	vlt.s32 v26, $0x7;
	vm13 =	vlt.s32 v26, $0x3;
	v27 =	vld [tilespmem:s0+$0x0]  }
0xef: {  	vm14 =	vlt.s32 v26, $0x4;
	vm15 =	vlt.s32 v26, $0x6;
	v28 =	vsel vm12, $0x1, v6  }
0xf0: {  	vm12 =	vlt.s32 v26, $0x5;
	v62 =	vsel vm10, $0x1, v6;
	v63 =	vsel vm11, $0x1, v6  }
0xf1: {  	v29 =	vsel vm13, $0x1, v6;
	v30 =	vsel vm14, $0x1, v6;
	v32 =	vsel vm15, $0x1, v6  }
0xf2: {  	v25 =	vadd.s32 v28, v25;
	v31 =	vsel vm12, $0x1, v6;
	v22 =	vadd.s32 v62, v22  }
0xf3: {  	v23 =	vadd.s32 v63, v23;
	v21 =	vadd.s32 v29, v21;
	vm10 =	vlt.s32 v27, $0x1  }
0xf4: {  	v24 =	vadd.s32 v30, v24;
	v36 =	vsel vm10, $0x1, v6;
	vm10 =	vlt.s32 v27, $0x2  }
0xf5: {  	v20 =	vadd.s32 v32, v20;
	v22 =	vadd.s32 v36, v22;
	v37 =	vsel vm10, $0x1, v6  }
0xf6: {  	v19 =	vadd.s32 v31, v19;
	v38 =	vperm.xlane v22, v7;
	v23 =	vadd.s32 v37, v23  }
0xf7: {  	vm11 =	vlt.s32 v27, $0x3;
	vm12 =	vlt.s32 v27, $0x4;
	v26 =	vperm.xlane v23, v7  }
0xf8: {  	v40 =	vsel vm11, $0x1, v6;
	vm11 =	vlt.s32 v27, $0x6;
	v22 =	vadd.s32 v22, v38  }
0xf9: {  	v44 =	vsel vm12, $0x1, v6;
	v28 =	vperm.xlane v22, v8;
	v23 =	vadd.s32 v23, v26  }
0xfa: {  	vm10 =	vlt.s32 v27, $0x7;
	v21 =	vadd.s32 v40, v21;
	v41 =	vperm.xlane v23, v8  }
0xfb: {  	v48 =	vsel vm11, $0x1, v6;
	v24 =	vadd.s32 v44, v24;
	v22 =	vadd.s32 v28, v22  }
0xfc: {  	v39 =	vsel vm10, $0x1, v6;
	v42 =	vperm.xlane v22, v9;
	v23 =	vadd.s32 v41, v23  }
0xfd: {  	vm10 =	vlt.s32 v27, $0x5;
	v43 =	vperm.xlane v21, v7;
	v45 =	vperm.xlane v23, v9  }
0xfe: {  	v51 =	vperm.xlane v24, v7;
	v20 =	vadd.s32 v48, v20;
	v22 =	vadd.s32 v42, v22  }
0xff: {  	v46 =	vsel vm10, $0x1, v6;
	v47 =	vperm.xlane v22, v10;
	v23 =	vadd.s32 v45, v23  }
0x100: {  	v21 =	vadd.s32 v21, v43;
	v19 =	vadd.s32 v46, v19;
	v50 =	vperm.xlane v23, v10  }
0x101: {  	v24 =	vadd.s32 v24, v51;
	v49 =	vperm.xlane v21, v8;
	v22 =	vadd.s32 v47, v22  }
0x102: {  	v53 =	vperm.xlane v24, v8;
	v22 =	vsel vm0, $0x0, v22;
	v23 =	vadd.s32 v50, v23  }
0x103: {  	v25 =	vadd.s32 v39, v25;
	v22 =	vsel vm1, v22, v23;
	v23 =	vperm.xlane v19, v7  }
0x104: {  	v52 =	vperm.xlane v20, v7;
	v21 =	vadd.s32 v49, v21;
	v24 =	vadd.s32 v53, v24  }
0x105: {  	v26 =	vperm.xlane v21, v9;
	v19 =	vadd.s32 v19, v23;
	v23 =	vperm.xlane v25, v7  }
0x106: {  	v20 =	vadd.s32 v20, v52;
	v56 =	vperm.xlane v24, v9;
	v55 =	vperm.xlane v19, v8  }
0x107: {  	v21 =	vadd.s32 v26, v21;
	v26 =	vperm.xlane v20, v8;
	v23 =	vadd.s32 v25, v23  }
0x108: {  	v24 =	vadd.s32 v56, v24;
	v19 =	vadd.s32 v55, v19;
	v57 =	vperm.xlane v23, v8  }
0x109: {  	v54 =	vperm.xlane v21, v10;
	v20 =	vadd.s32 v26, v20;
	v58 =	vperm.xlane v19, v9  }
0x10a: {  	v60 =	vperm.xlane v24, v10;
	v59 =	vperm.xlane v20, v9;
	v23 =	vadd.s32 v57, v23  }
0x10b: {  	v21 =	vadd.s32 v54, v21;
	v19 =	vadd.s32 v58, v19;
	v27 =	vperm.xlane v23, v9  }
0x10c: {  	v20 =	vadd.s32 v59, v20;
	v21 =	vsel vm2, v22, v21;
	v22 =	vperm.xlane v19, v10  }
0x10d: {  	v24 =	vadd.s32 v60, v24;
	v25 =	vperm.xlane v20, v10;
	v23 =	vadd.s32 v27, v23  }
0x10e: {  	v21 =	vsel vm3, v21, v24;
	v19 =	vadd.s32 v22, v19;
	v22 =	vperm.xlane v23, v10  }
0x10f: {  	v20 =	vadd.s32 v25, v20;
	v19 =	vsel vm4, v21, v19  }
0x110: {  	v19 =	vsel vm5, v19, v20;
	v20 =	vadd.s32 v22, v23  }
0x111: {  	v19 =	vsel vm6, v19, v20  }
0x112: {  	s18 =	rddreg [dreg:$0x7];
	[tilespmem:$0xA080] =	vst v19  }
0x113: {  	[spmem:s18] =	stream.linear.scatter [tilespmem:s25], [sflag:$0x2], $0x10, $0x38;
	[tilespmem:$0x1CA98] =	vst v63  }
0x114: {  	_ =	swait.ge [sflag:s26], $0x10  }
0x115: {  	[sflag:s26] =	ssyncset.done $0x0  }
0x116: {  	[sflag:s26] =	ssyncadd.s32 $0xFFFFFFF0  }
0x117: {  	[bflag:$0x0] =	sbarrier.arrive $0xFFFF  }
0x118: {  	s21 =	simm.s32 $0xA100;
	s19 =	rddreg [dreg:$0x3]  }
0x119: {  	[tilespmem:s21], [sflag:$0x2] =	stream.linear.gather [spmem:s19], $0x100, $0x38;
	[tilespmem:$0x1CA98] =	vst v63  }
0x11a: {  	_ =	swait.ge [sflag:s26], $0x100  }
0x11b: {  	[sflag:s26] =	ssyncset.done $0x0  }
0x11c: {  	[sflag:s26] =	ssyncadd.s32 $0xFFFFFF00  }
0x11d: {  	v19 =	vld [tilespmem:$0xA100]  }
0x11e: {  	v20 =	vld [tilespmem:$0xA110]  }
0x11f: {  	v21 =	vld [tilespmem:$0xA120]  }
0x120: {  	v22 =	vld [tilespmem:$0xA130]  }
0x121: {  	v23 =	vld [tilespmem:$0xA140]  }
0x122: {  	v61 =	vld [tilespmem:$0xA150]  }
0x123: {  	v19 =	vadd.s32 v19, v20;
	v20 =	vld [tilespmem:$0xA160]  }
0x124: {  	v19 =	vadd.s32 v21, v19;
	v21 =	vld [tilespmem:$0xA170]  }
0x125: {  	v19 =	vadd.s32 v22, v19;
	v22 =	vld [tilespmem:$0xA180]  }
0x126: {  	v19 =	vadd.s32 v23, v19;
	v23 =	vld [tilespmem:$0xA190]  }
0x127: {  	v62 =	vld [tilespmem:$0xA1A0];
	v19 =	vadd.s32 v61, v19  }
0x128: {  	v19 =	vadd.s32 v20, v19;
	v20 =	vld [tilespmem:$0xA1B0]  }
0x129: {  	v19 =	vadd.s32 v21, v19;
	v21 =	vld [tilespmem:$0xA1C0]  }
0x12a: {  	v19 =	vadd.s32 v22, v19;
	v22 =	vld [tilespmem:$0xA1D0]  }
0x12b: {  	v19 =	vadd.s32 v23, v19;
	v23 =	vld [tilespmem:$0xA1E0]  }
0x12c: {  	v63 =	vld [tilespmem:$0xA1F0];
	v19 =	vadd.s32 v62, v19  }
0x12d: {  	v19 =	vadd.s32 v20, v19  }
0x12e: {  	v19 =	vadd.s32 v21, v19  }
0x12f: {  	v19 =	vadd.s32 v22, v19  }
0x130: {  	v19 =	vadd.s32 v23, v19  }
0x131: {  	v19 =	vadd.s32 v63, v19  }
0x132: {  	s22 =	simm.s32 $0x0;
	[tilespmem:$0xA080] =	vst v19  }
0x133: {  	v20 =	vld [tilespmem:s22+$0x2000];
	_ =	sdelay $0x7  }
0x134: {  	v21 =	vld.idx.msk [tilespmem:v20+s23+$0x0], $0xffff;
	_ =	sdelay $0x7  }
0x135: {  	v21 =	vld.idx.msk [tilespmem:v21+s25+$0x0], $0xffff  }
0x136: {  	v22 =	vld [tilespmem:s22+$0x0]  }
0x137: {  	v19 =	vperm.xlane v19, v11;
	_ =	sdelay $0x1  }
0x138: {  	vm10 =	vlt.s32 v19, $0x800  }
0x139: {  	v19 =	vnsel vm10, $0x800, v19;
	v20 =	vsub.s32 v20, v21  }
0x13a: {  	vm10 =	vlt.s32 v22, v19;
	v21 =	vshll.u32 v22, $0xB;
	vm11 =	vlt.s32 v20, $0x800  }
0x13b: {  	s0 =	simm.s32 $0x0;
	v20 =	vadd.s32 v21, v20;
	vm10 =	vmand vm10, vm11  }
0x13c: {  	s4 =	simm.s32 $0x10;
	[tilespmem:s0+$0x4000] =	vst.msk vm10, v20;
	v21 =	vmpcnt.ones.xlane vm10  }
0x13d: {  	v20 =	vld [tilespmem:s4+$0x2000]  }
0x13e: {  	(v2sf) =	vpush v21, $0x0;
	_ =	sdelay $0x6  }
0x13f: {  	v21 =	vld.idx.msk [tilespmem:v20+s23+$0x0], $0xffff;
	_ =	sdelay $0x7  }
0x140: {  	s2 =	simm.s32 $0x80;
	v21 =	vld.idx.msk [tilespmem:v21+s25+$0x0], $0xffff;
	s6 =	spop (v2sf)  }
.LBB2_6:
0x141: {  	p1 =	sne.s32 s2, $0x7FC0  }
0x142: {  	s0 =	sadd.s32 s0, s6;
	s6 =	smov.u32 s2;
	s2 =	sadd.s32 $0x40, s2  }
0x143: {  	v22 =	vld [tilespmem:s4+$0x0];
	_ =	sdelay $0x3  }
0x144: {  	v20 =	vsub.s32 v20, v21  }
0x145: {  	vm11 =	vlt.s32 v20, $0x800;
	vm10 =	vlt.s32 v22, v19;
	v21 =	vshll.u32 v22, $0xB  }
0x146: {  	vm10 =	vmand vm10, vm11;
	v20 =	vadd.s32 v21, v20  }
0x147: {  	s4 =	sshra.s32 s6, $0x2;
	[tilespmem:s0+$0x4000] =	vst.msk vm10, v20;
	v21 =	vmpcnt.ones.xlane vm10  }
0x148: {  	v20 =	vld [tilespmem:s4+$0x2000]  }
0x149: {  	(v2sf) =	vpush v21, $0x0;
	_ =	sdelay $0x6  }
0x14a: {  	v21 =	vld.idx.msk [tilespmem:v20+s23+$0x0], $0xffff;
	_ =	sdelay $0x3  }
.Ltmp4:
0x14b: {  	(pc) =	sbr.rel @p1 .LBB2_6-.Ltmp4, $2  }
0x14c: {  	_ =	sdelay $0x2  }
0x14d: {  	v21 =	vld.idx.msk [tilespmem:v21+s25+$0x0], $0xffff;
	s6 =	spop (v2sf)  }
0x14e: {  	v22 =	vld [tilespmem:s4+$0x0];
	_ =	sdelay $0x3  }
0x14f: {  	v20 =	vsub.s32 v20, v21  }
0x150: {  	vm10 =	vlt.s32 v22, v19;
	vm11 =	vlt.s32 v20, $0x800  }
0x151: {  	vm10 =	vmand vm10, vm11  }
0x152: {  	v21 =	vmpcnt.ones.xlane vm10;
	_ =	sdelay $0x1  }
0x153: {  	(v2sf) =	vpush v21, $0x0;
	_ =	sdelay $0xa  }
0x154: {  	s19 =	sld [smem:$0x7F8];
	v21 =	vshll.u32 v22, $0xB  }
0x155: {  	s0 =	sadd.s32 s0, s6;
	v20 =	vadd.s32 v21, v20  }
0x156: {  	s18 =	simm.s32 $0x0;
	[tilespmem:s0+$0x4000] =	vst.msk vm10, v20  }
0x157: {  	[tilespmem:s18], [sflag:$0x2] =	stream.strided.gather [hbm4b:s19+s20], $0x2000, s8, s20, $0x38;
	[tilespmem:$0x1CA98] =	vst v63  }
0x158: {  	s2 =	spop (v2sf)  }
0x159: {  	_ =	swait.ge [sflag:s26], $0x2000  }
0x15a: {  	s21 =	sld [smem:$0x7F9]  }
0x15b: {  	[sflag:s26] =	ssyncset.done $0x0  }
0x15c: {  	[sflag:s26] =	ssyncadd.s32 $0xFFFFE000  }
0x15d: {  	[tilespmem:s9], [sflag:$0x2] =	stream.strided.gather [hbm4b:s21+s20], $0x2000, s8, s20, $0x38;
	[tilespmem:$0x1CA98] =	vst v63  }
0x15e: {  	_ =	swait.ge [sflag:s26], $0x2000  }
0x15f: {  	[sflag:s26] =	ssyncset.done $0x0  }
0x160: {  	s22 =	simm.s32 $0x0;
	[sflag:s26] =	ssyncadd.s32 $0xFFFFE000  }
0x161: {  	v20 =	vld [tilespmem:s22+$0x2000];
	_ =	sdelay $0x7  }
0x162: {  	v21 =	vld.idx.msk [tilespmem:v20+s23+$0x0], $0xffff;
	_ =	sdelay $0x7  }
0x163: {  	v21 =	vld.idx.msk [tilespmem:v21+s25+$0x0], $0xffff  }
0x164: {  	v22 =	vld [tilespmem:s22+$0x0];
	_ =	sdelay $0x3  }
0x165: {  	v20 =	vsub.s32 v20, v21  }
0x166: {  	vm10 =	vlt.s32 v22, v19;
	v21 =	vshll.u32 v22, $0xB;
	vm11 =	vlt.s32 v20, $0x800  }
0x167: {  	s0 =	sadd.s32 s0, s2;
	v20 =	vadd.s32 v21, v20;
	vm10 =	vmand vm10, vm11  }
0x168: {  	s4 =	simm.s32 $0x10;
	[tilespmem:s0+$0x4000] =	vst.msk vm10, v20;
	v21 =	vmpcnt.ones.xlane vm10  }
0x169: {  	v20 =	vld [tilespmem:s4+$0x2000]  }
0x16a: {  	(v2sf) =	vpush v21, $0x0;
	_ =	sdelay $0x6  }
0x16b: {  	v21 =	vld.idx.msk [tilespmem:v20+s23+$0x0], $0xffff;
	_ =	sdelay $0x7  }
0x16c: {  	s2 =	simm.s32 $0x80;
	v21 =	vld.idx.msk [tilespmem:v21+s25+$0x0], $0xffff;
	s6 =	spop (v2sf)  }
.LBB2_8:
0x16d: {  	p1 =	sne.s32 s2, $0x7FC0  }
0x16e: {  	s0 =	sadd.s32 s0, s6;
	s6 =	smov.u32 s2;
	s2 =	sadd.s32 $0x40, s2  }
0x16f: {  	v22 =	vld [tilespmem:s4+$0x0];
	_ =	sdelay $0x3  }
0x170: {  	v20 =	vsub.s32 v20, v21  }
0x171: {  	vm11 =	vlt.s32 v20, $0x800;
	vm10 =	vlt.s32 v22, v19;
	v21 =	vshll.u32 v22, $0xB  }
0x172: {  	vm10 =	vmand vm10, vm11;
	v20 =	vadd.s32 v21, v20  }
0x173: {  	s4 =	sshra.s32 s6, $0x2;
	[tilespmem:s0+$0x4000] =	vst.msk vm10, v20;
	v21 =	vmpcnt.ones.xlane vm10  }
0x174: {  	v20 =	vld [tilespmem:s4+$0x2000]  }
0x175: {  	(v2sf) =	vpush v21, $0x0;
	_ =	sdelay $0x6  }
0x176: {  	v21 =	vld.idx.msk [tilespmem:v20+s23+$0x0], $0xffff;
	_ =	sdelay $0x3  }
.Ltmp5:
0x177: {  	(pc) =	sbr.rel @p1 .LBB2_8-.Ltmp5, $2  }
0x178: {  	_ =	sdelay $0x2  }
0x179: {  	v21 =	vld.idx.msk [tilespmem:v21+s25+$0x0], $0xffff;
	s6 =	spop (v2sf)  }
0x17a: {  	v22 =	vld [tilespmem:s4+$0x0];
	_ =	sdelay $0x3  }
0x17b: {  	v20 =	vsub.s32 v20, v21  }
0x17c: {  	vm10 =	vlt.s32 v22, v19;
	vm11 =	vlt.s32 v20, $0x800  }
0x17d: {  	vm10 =	vmand vm10, vm11  }
0x17e: {  	v19 =	vmpcnt.ones.xlane vm10;
	_ =	sdelay $0x1  }
0x17f: {  	(v2sf) =	vpush v19, $0x0;
	_ =	sdelay $0xe  }
0x180: {  	s0 =	sadd.s32 s0, s6;
	v19 =	vshll.u32 v22, $0xB;
	s2 =	spop (v2sf)  }
0x181: {  	v19 =	vadd.s32 v19, v20;
	s2 =	sadd.s32 s0, s2  }
0x182: {  	s19 =	sld [smem:$0x7FA];
	[tilespmem:s0+$0x4000] =	vst.msk vm10, v19;
	s14 =	sadd.s32 $0xF, s2  }
0x183: {  	s17 =	simm.s32 $0x12A80;
	s21 =	sld [smem:$0x7FB];
	[tilespmem:s2+$0x4000] =	vst v13;
	s15 =	sand.u32 $0xF, s14  }
0x184: {  	[spmem:s28] =	stream.linear.scatter [tilespmem:s17], [sflag:$0x1], $0x2000, $0x38;
	[tilespmem:$0x1CA98] =	vst v63  }
0x185: {  	s16 =	sshra.s32 s14, $0x1F;
	p1 =	slt.s32 s14, $0x1;
	p2 =	sne.s32 s15, $0x0  }
0x186: {  	s22 =	sld [smem:$0x7FC];
	s18 =	sshrl.u32 s16, $0x1C;
	p1 =	por !p1, !p2  }
0x187: {  	[spmem:s19] =	stream.linear.scatter [tilespmem:s17], [sflag:$0x1], $0x2000, $0x38;
	[tilespmem:$0x1CA98] =	vst v63  }
0x188: {  	s2 =	simm.s32 $0x1;
	s0 =	sadd.s32 s18, s14;
	p1 =	por !p1, !p1  }
0x189: {  	[spmem:s21] =	stream.linear.scatter [tilespmem:s17], [sflag:$0x1], $0x2000, $0x38;
	[tilespmem:$0x1CA98] =	vst v63  }
0x18a: {  	s0 =	sshra.s32 s0, $0x4;
	s2 =	simm.s32 @!p1 $0x0  }
0x18b: {  	[spmem:s22] =	stream.linear.scatter [tilespmem:s17], [sflag:$0x1], $0x2000, $0x38;
	[tilespmem:$0x1CA98] =	vst v63  }
0x18c: {  	s22 =	ssub.s32 s0, s2  }
0x18d: {  	p1 =	slt.s32 s22, $0x1  }
.Ltmp6:
0x18e: {  	s2 =	sld [smem:$0x7FD];
	(pc) =	sbr.rel @p1 .LBB2_10-.Ltmp6, $4  }
0x18f: {  	_ = 	snop  }
0x190: {  	s0 =	simm.s32 @!p0 $0x12A80  }
0x191: {  	[spmem:s2] =	stream.linear.scatter @!p0 [tilespmem:s0], [sflag:$0x1], $0x40, $0x38;
	[tilespmem:$0x1CA98] =	vst v63  }
0x192: {  	v26 =	vimm.s32 $0x0;
	s0 =	simm.s32 $0x4000  }
0x193: {  	p2 =	sne.s32 s22, $0x1  }
.Ltmp7:
0x194: {  	_ = 	snop;
	(pc) =	sbr.rel @!p2 .LBB2_13-.Ltmp7, $3  }
0x195: {  	_ =	sdelay $0x1  }
0x196: {  	v21 =	vld [tilespmem:s0+$0x0]  }
0x197: {  	s2 =	sadd.s32 $0xFFFFFFFF, s22;
	v19 =	vimm.s32 $0x0;
	v22 =	vimm.s32 $0x0;
	v20 =	vimm.s32 $0x0  }
.LBB2_12:
0x198: {  	p2 =	sne.s32 s2, $0x1;
	_ =	sdelay $0x2  }
0x199: {  	v23 =	vshrl.u32 v21, $0xB  }
0x19a: {  	v23 =	vand.u32 $0x7, v23  }
0x19b: {  	vm11 =	vlt.u32 v21, $0x400000;
	vm10 =	veq.s32 v23, v0;
	v23 =	vand.u32 $0x1, v21  }
0x19c: {  	vm10 =	vmand vm11, vm10;
	vm11 =	veq.s32 v23, $0x0;
	vm12 =	veq.s32 v23, $0x1  }
0x19d: {  	vm11 =	vmand vm11, vm10;
	vm10 =	vmand vm10, vm12  }
0x19e: {  	v23 =	vsel vm11, $0x1, v6;
	v24 =	vmpcnt.ones.xlane vm11;
	v25 =	vmpcnt.ones.xlane vm10  }
0x19f: {  	vm12 =	veq.s32 v16, $0x0;
	v27 =	vperm.xlane v23, v12  }
0x1a0: {  	v28 =	vsel vm10, $0x1, v6;
	v26 =	vadd.s32 v26, v24;
	v19 =	vadd.s32 v19, v25  }
0x1a1: {  	v25 =	vperm.xlane v28, v12;
	v24 =	vsel vm12, $0x0, v27  }
0x1a2: {  	v23 =	vadd.s32 v23, v24  }
0x1a3: {  	v25 =	vsel vm12, $0x0, v25;
	v24 =	vperm.xlane v23, v14  }
0x1a4: {  	v25 =	vadd.s32 v28, v25  }
0x1a5: {  	v27 =	vperm.xlane v25, v14;
	v24 =	vsel vm7, $0x0, v24  }
0x1a6: {  	v23 =	vadd.s32 v24, v23  }
0x1a7: {  	v27 =	vsel vm7, $0x0, v27;
	v24 =	vperm.xlane v23, v15  }
0x1a8: {  	v25 =	vadd.s32 v27, v25  }
0x1a9: {  	v27 =	vperm.xlane v25, v15;
	v24 =	vsel vm8, $0x0, v24  }
0x1aa: {  	v23 =	vadd.s32 v24, v23  }
0x1ab: {  	v27 =	vsel vm8, $0x0, v27;
	v24 =	vperm.xlane v23, v17  }
0x1ac: {  	v25 =	vadd.s32 v27, v25  }
0x1ad: {  	v27 =	vperm.xlane v25, v17;
	v24 =	vsel vm9, $0x0, v24  }
0x1ae: {  	v29 =	vsel vm10, $0xFFFFFFFF, v6;
	v28 =	vsel vm11, $0xFFFFFFFF, v6;
	v24 =	vadd.s32 v22, v24;
	v22 =	vmovc v26  }
0x1af: {  	v27 =	vsel vm9, $0x0, v27;
	v24 =	vadd.s32 v28, v24;
	v28 =	vadd.s32 v29, v20;
	v20 =	vmovc v19  }
0x1b0: {  	v23 =	vadd.s32 v23, v24;
	v24 =	vadd.s32 v27, v28  }
0x1b1: {  	v24 =	vadd.s32 v25, v24  }
0x1b2: {  	v25 =	vshrl.u32 v21, $0x3  }
0x1b3: {  	v21 =	vand.u32 $0x7FF, v21;
	v25 =	vand.u32 $0x1FFFF800, v25  }
.Ltmp8:
0x1b4: {  	v21 =	vor.u32 v21, v25;
	(pc) =	sbr.rel @p2 .LBB2_12-.Ltmp8, $4  }
0x1b5: {  	[tilespmem:v23+s29+$0x0] =	vst.idx.msk vm11, v21  }
0x1b6: {  	s0 =	sadd.s32 $0x10, s0;
	[tilespmem:v24+s30+$0x0] =	vst.idx.msk vm10, v21  }
0x1b7: {  	v21 =	vld [tilespmem:s0+$0x0]  }
0x1b8: {  	s2 =	sadd.s32 $0xFFFFFFFF, s2  }
.LBB2_13:
0x1b9: {  	_ =	sdelay $0x2  }
0x1ba: {  	v23 =	vshrl.u32 v21, $0xB  }
0x1bb: {  	v23 =	vand.u32 $0x7, v23  }
0x1bc: {  	vm11 =	vlt.u32 v21, $0x400000;
	v60 =	vand.u32 $0x1, v21;
	vm10 =	veq.s32 v23, v0  }
0x1bd: {  	vm11 =	vmand vm11, vm10;
	vm10 =	veq.s32 v60, $0x0  }
0x1be: {  	vm10 =	vmand vm10, vm11  }
0x1bf: {  	vm12 =	veq.s32 v60, $0x1;
	v61 =	vsel vm10, $0x1, v6  }
0x1c0: {  	vm11 =	vmand vm11, vm12;
	v24 =	vperm.xlane v61, v12  }
0x1c1: {  	vm12 =	veq.s32 v16, $0x0;
	v25 =	vsel vm11, $0x1, v6  }
0x1c2: {  	v27 =	vperm.xlane v25, v12;
	v24 =	vsel vm12, $0x0, v24  }
0x1c3: {  	v23 =	vadd.s32 v61, v24  }
0x1c4: {  	v27 =	vsel vm12, $0x0, v27;
	v24 =	vperm.xlane v23, v14  }
0x1c5: {  	v25 =	vadd.s32 v25, v27  }
0x1c6: {  	v27 =	vperm.xlane v25, v14;
	v24 =	vsel vm7, $0x0, v24  }
0x1c7: {  	v23 =	vadd.s32 v24, v23  }
0x1c8: {  	v27 =	vsel vm7, $0x0, v27;
	v24 =	vperm.xlane v23, v15  }
0x1c9: {  	v25 =	vadd.s32 v27, v25  }
0x1ca: {  	v27 =	vperm.xlane v25, v15;
	v24 =	vsel vm8, $0x0, v24  }
0x1cb: {  	v23 =	vadd.s32 v24, v23  }
0x1cc: {  	v27 =	vsel vm8, $0x0, v27;
	v24 =	vperm.xlane v23, v17  }
0x1cd: {  	v25 =	vadd.s32 v27, v25  }
0x1ce: {  	v27 =	vperm.xlane v25, v17;
	v24 =	vsel vm9, $0x0, v24  }
0x1cf: {  	v28 =	vsel vm10, $0xFFFFFFFF, v6;
	v22 =	vadd.s32 v22, v24;
	v24 =	vsel vm11, $0xFFFFFFFF, v6  }
0x1d0: {  	v27 =	vsel vm9, $0x0, v27;
	v22 =	vadd.s32 v28, v22;
	v20 =	vadd.s32 v24, v20  }
0x1d1: {  	v22 =	vadd.s32 v23, v22;
	v20 =	vadd.s32 v27, v20  }
0x1d2: {  	v20 =	vadd.s32 v25, v20  }
.Ltmp9:
0x1d3: {  	v62 =	vshrl.u32 v21, $0x3;
	(pc) =	sbr.rel .LBB2_14-.Ltmp9, $4  }
0x1d4: {  	v63 =	vand.u32 $0x7FF, v21;
	v23 =	vand.u32 $0x1FFFF800, v62  }
0x1d5: {  	v24 =	vmpcnt.ones.xlane vm10;
	v25 =	vmpcnt.ones.xlane vm11;
	v21 =	vor.u32 v63, v23  }
0x1d6: {  	[tilespmem:v22+s29+$0x0] =	vst.idx.msk vm10, v21  }
0x1d7: {  	v26 =	vadd.s32 v26, v24;
	v27 =	vadd.s32 v19, v25;
	[tilespmem:v20+s30+$0x0] =	vst.idx.msk vm11, v21  }
.LBB2_10:
0x1d8: {  	v27 =	vimm.s32 $0x0  }
.LBB2_14:
0x1d9: {  	v24 =	vadd.s32 v16, v26;
	v19 =	vor.u32 $0x10, v16  }
0x1da: {  	v20 =	vor.u32 $0x20, v16;
	v25 =	vadd.s32 v19, v26  }
0x1db: {  	v21 =	vor.u32 $0x30, v16;
	v28 =	vadd.s32 v20, v26  }
0x1dc: {  	v22 =	vor.u32 $0x40, v16;
	v29 =	vadd.s32 v21, v26  }
0x1dd: {  	v23 =	vor.u32 $0x50, v16;
	(v2sf) =	vpush v26, $0x0;
	v30 =	vadd.s32 v22, v26  }
0x1de: {  	v31 =	vadd.s32 v23, v26;
	(v2sf) =	vpush v27, $0x0;
	[tilespmem:v24+s29+$0x0] =	vst.idx.msk $0xffff, v18;
	v24 =	vor.u32 $0x60, v16  }
0x1df: {  	[tilespmem:v25+s29+$0x0] =	vst.idx.msk $0xffff, v18;
	v32 =	vadd.s32 v24, v26;
	v25 =	vor.u32 $0x70, v16  }
0x1e0: {  	[tilespmem:v28+s29+$0x0] =	vst.idx.msk $0xffff, v18;
	v26 =	vadd.s32 v25, v26  }
0x1e1: {  	v58 =	vadd.s32 v16, v27;
	[tilespmem:v29+s29+$0x0] =	vst.idx.msk $0xffff, v18  }
0x1e2: {  	v59 =	vadd.s32 v19, v27;
	[tilespmem:v30+s29+$0x0] =	vst.idx.msk $0xffff, v18  }
0x1e3: {  	v60 =	vadd.s32 v20, v27;
	[tilespmem:v31+s29+$0x0] =	vst.idx.msk $0xffff, v18  }
0x1e4: {  	v61 =	vadd.s32 v21, v27;
	[tilespmem:v32+s29+$0x0] =	vst.idx.msk $0xffff, v18  }
0x1e5: {  	[tilespmem:v26+s29+$0x0] =	vst.idx.msk $0xffff, v18;
	v26 =	vadd.s32 v22, v27  }
0x1e6: {  	v62 =	vadd.s32 v23, v27;
	[tilespmem:v58+s30+$0x0] =	vst.idx.msk $0xffff, v18  }
0x1e7: {  	v63 =	vadd.s32 v24, v27;
	[tilespmem:v59+s30+$0x0] =	vst.idx.msk $0xffff, v18  }
0x1e8: {  	v27 =	vadd.s32 v25, v27;
	[tilespmem:v60+s30+$0x0] =	vst.idx.msk $0xffff, v18  }
0x1e9: {  	[tilespmem:v61+s30+$0x0] =	vst.idx.msk $0xffff, v18  }
0x1ea: {  	[tilespmem:v26+s30+$0x0] =	vst.idx.msk $0xffff, v18  }
0x1eb: {  	[tilespmem:v62+s30+$0x0] =	vst.idx.msk $0xffff, v18  }
0x1ec: {  	s0 =	spop (v2sf);
	[tilespmem:v63+s30+$0x0] =	vst.idx.msk $0xffff, v18  }
0x1ed: {  	s2 =	spop (v2sf);
	[tilespmem:v27+s30+$0x0] =	vst.idx.msk $0xffff, v18  }
0x1ee: {  	_ =	swait.ge [sflag:s24], $0x2000  }
0x1ef: {  	[sflag:s24] =	ssyncset.done $0x0  }
0x1f0: {  	s0 =	sadd.s32 $0x7F, s0;
	[sflag:s24] =	ssyncadd.s32 $0xFFFFE000  }
0x1f1: {  	s4 =	sshra.s32 s0, $0x1F;
	s6 =	sand.u32 $0x7F, s0;
	_ =	swait.ge [sflag:s24], $0x2000  }
0x1f2: {  	p2 =	slt.s32 s0, $0x1;
	s2 =	sadd.s32 $0x7F, s2;
	[sflag:s24] =	ssyncset.done $0x0  }
0x1f3: {  	s4 =	sshrl.u32 s4, $0x19;
	p3 =	sne.s32 s6, $0x0;
	[sflag:s24] =	ssyncadd.s32 $0xFFFFE000  }
0x1f4: {  	s18 =	sshra.s32 s2, $0x1F;
	p5 =	slt.s32 s2, $0x1;
	_ =	swait.ge [sflag:s24], $0x2000  }
0x1f5: {  	s21 =	sand.u32 $0x7F, s2;
	s6 =	simm.s32 @!p0 $0x1;
	[sflag:s24] =	ssyncset.done $0x0  }
0x1f6: {  	s0 =	sadd.s32 s4, s0;
	p2 =	por !p2, !p3;
	[sflag:s24] =	ssyncadd.s32 $0xFFFFE000  }
0x1f7: {  	s4 =	simm.s32 $0x1;
	s19 =	sshrl.u32 s18, $0x19;
	_ =	swait.ge [sflag:s24], $0x2000  }
0x1f8: {  	p6 =	sne.s32 s21, $0x0;
	s0 =	sshra.s32 s0, $0x7;
	[sflag:s24] =	ssyncset.done $0x0  }
0x1f9: {  	p2 =	por !p2, !p2;
	s2 =	sadd.s32 s19, s2;
	[sflag:s24] =	ssyncadd.s32 $0xFFFFE000  }
.Ltmp10:
0x1fa: {  	s4 =	simm.s32 @!p2 $0x0;
	_ =	swait.ge @!p0 [sflag:s6], $0x40;
	(pc) =	sbr.rel .LBB2_15-.Ltmp10, $4  }
0x1fb: {  	p2 =	por !p5, !p6;
	s0 =	ssub.s32 s0, s4;
	[sflag:s6] =	ssyncset.done @!p0 $0x0  }
0x1fc: {  	p2 =	por !p2, !p2;
	s4 =	simm.s32 $0x1;
	[sflag:s6] =	ssyncadd.s32 @!p0 $0xFFFFFFC0  }
0x1fd: {  	s2 =	sshra.s32 s2, $0x7;
	s4 =	simm.s32 @!p2 $0x0;
	[bflag:$0x0] =	sbarrier.arrive $0xFFFF  }
0x1fe: {  	s2 =	ssub.s32 s2, s4;
	s4 =	simm.s32 $0x0  }
.LBB2_30:
0x1ff: {  	[sflag:s26] =	ssyncadd.s32 $0xFFFFFF80  }
.LBB2_31:
0x200: {  	s4 =	sadd.s32 $0x1, s4  }
0x201: {  	p2 =	sne.s32 s4, $0x8  }
.Ltmp11:
0x202: {  	_ = 	snop;
	(pc) =	sbr.rel @!p2 .LBB2_32-.Ltmp11, $2  }
0x203: {  	_ =	sdelay $0x1  }
0x204: {  	[bflag:$0x0] =	sbarrier.arrive $0xFFFF;
	_ =	sdelay $0x1  }
.LBB2_15:
0x205: {  	p2 =	sne.s32 s5, s4  }
0x206: {  	p3 =	slt.s32 @!p2 s0, $0x1  }
0x207: {  	p3 =	por p2, p3  }
.Ltmp12:
0x208: {  	_ = 	snop;
	(pc) =	sbr.rel @p3 .LBB2_19-.Ltmp12, $2  }
0x209: {  	_ =	sdelay $0x2  }
0x20a: {  	s6 =	simm.s32 $0xA200  }
0x20b: {  	p3 =	sne.s32 s0, $0x1  }
.Ltmp13:
0x20c: {  	_ = 	snop;
	(pc) =	sbr.rel @!p3 .LBB2_18-.Ltmp13, $4  }
0x20d: {  	_ = 	snop  }
0x20e: {  	[spmem:s3] =	stream.indirect.scatter.add.f32 [tilespmem:s1], [sflag:$0x2], $0x1, s6, s20, $0xb8;
	[tilespmem:$0x1CA98] =	vst v63  }
0x20f: {  	_ =	swait.ge [sflag:s26], $0x80  }
0x210: {  	s8 =	sadd.s32 $0xFFFFFFFF, s0;
	[sflag:s26] =	ssyncset.done $0x0  }
.LBB2_17:
0x211: {  	p3 =	sne.s32 s8, $0x1;
	[sflag:s26] =	ssyncadd.s32 $0xFFFFFF80;
	s6 =	sadd.s32 $0x80, s6  }
.Ltmp14:
0x212: {  	s8 =	sadd.s32 $0xFFFFFFFF, s8;
	(pc) =	sbr.rel @p3 .LBB2_17-.Ltmp14, $4  }
0x213: {  	_ = 	snop  }
0x214: {  	[spmem:s3] =	stream.indirect.scatter.add.f32 [tilespmem:s1], [sflag:$0x2], $0x1, s6, s20, $0xb8;
	[tilespmem:$0x1CA98] =	vst v63  }
0x215: {  	_ =	swait.ge [sflag:s26], $0x80  }
0x216: {  	[sflag:s26] =	ssyncset.done $0x0  }
.LBB2_18:
0x217: {  	[sflag:s26] =	ssyncadd.s32 $0xFFFFFF80  }
.LBB2_19:
0x218: {  	s6 =	sor.u32 $0x8, s4  }
0x219: {  	p3 =	sne.s32 s5, s6  }
0x21a: {  	p4 =	slt.s32 @!p3 s2, $0x1  }
0x21b: {  	p4 =	por p3, p4  }
.Ltmp15:
0x21c: {  	_ = 	snop;
	(pc) =	sbr.rel @p4 .LBB2_23-.Ltmp15, $2  }
0x21d: {  	_ =	sdelay $0x2  }
0x21e: {  	s6 =	simm.s32 $0xE600  }
0x21f: {  	p4 =	sne.s32 s2, $0x1  }
.Ltmp16:
0x220: {  	_ = 	snop;
	(pc) =	sbr.rel @!p4 .LBB2_22-.Ltmp16, $4  }
0x221: {  	_ = 	snop  }
0x222: {  	[spmem:s3] =	stream.indirect.scatter.add.f32 [tilespmem:s1], [sflag:$0x2], $0x1, s6, s20, $0xb8;
	[tilespmem:$0x1CA98] =	vst v63  }
0x223: {  	_ =	swait.ge [sflag:s26], $0x80  }
0x224: {  	s8 =	sadd.s32 $0xFFFFFFFF, s2;
	[sflag:s26] =	ssyncset.done $0x0  }
.LBB2_21:
0x225: {  	p4 =	sne.s32 s8, $0x1;
	[sflag:s26] =	ssyncadd.s32 $0xFFFFFF80;
	s6 =	sadd.s32 $0x80, s6  }
.Ltmp17:
0x226: {  	s8 =	sadd.s32 $0xFFFFFFFF, s8;
	(pc) =	sbr.rel @p4 .LBB2_21-.Ltmp17, $4  }
0x227: {  	_ = 	snop  }
0x228: {  	[spmem:s3] =	stream.indirect.scatter.add.f32 [tilespmem:s1], [sflag:$0x2], $0x1, s6, s20, $0xb8;
	[tilespmem:$0x1CA98] =	vst v63  }
0x229: {  	_ =	swait.ge [sflag:s26], $0x80  }
0x22a: {  	[sflag:s26] =	ssyncset.done $0x0  }
.LBB2_22:
0x22b: {  	[sflag:s26] =	ssyncadd.s32 $0xFFFFFF80  }
.LBB2_23:
0x22c: {  	p4 =	slt.s32 @!p2 s2, $0x1  }
0x22d: {  	p2 =	por p2, p4  }
.Ltmp18:
0x22e: {  	_ = 	snop;
	(pc) =	sbr.rel @p2 .LBB2_27-.Ltmp18, $3  }
0x22f: {  	_ =	sdelay $0x1  }
0x230: {  	[bflag:$0x0] =	sbarrier.arrive $0xFFFF  }
0x231: {  	s6 =	simm.s32 $0xE600  }
0x232: {  	p2 =	sne.s32 s2, $0x1  }
.Ltmp19:
0x233: {  	_ = 	snop;
	(pc) =	sbr.rel @!p2 .LBB2_26-.Ltmp19, $4  }
0x234: {  	_ = 	snop  }
0x235: {  	[spmem:s3] =	stream.indirect.scatter.add.f32 [tilespmem:s1], [sflag:$0x2], $0x1, s6, s20, $0xb8;
	[tilespmem:$0x1CA98] =	vst v63  }
0x236: {  	_ =	swait.ge [sflag:s26], $0x80  }
0x237: {  	s8 =	sadd.s32 $0xFFFFFFFF, s2;
	[sflag:s26] =	ssyncset.done $0x0  }
.LBB2_25:
0x238: {  	p2 =	sne.s32 s8, $0x1;
	[sflag:s26] =	ssyncadd.s32 $0xFFFFFF80;
	s6 =	sadd.s32 $0x80, s6  }
.Ltmp20:
0x239: {  	s8 =	sadd.s32 $0xFFFFFFFF, s8;
	(pc) =	sbr.rel @p2 .LBB2_25-.Ltmp20, $4  }
0x23a: {  	_ = 	snop  }
0x23b: {  	[spmem:s3] =	stream.indirect.scatter.add.f32 [tilespmem:s1], [sflag:$0x2], $0x1, s6, s20, $0xb8;
	[tilespmem:$0x1CA98] =	vst v63  }
0x23c: {  	_ =	swait.ge [sflag:s26], $0x80  }
0x23d: {  	[sflag:s26] =	ssyncset.done $0x0  }
.LBB2_26:
0x23e: {  	[sflag:s26] =	ssyncadd.s32 $0xFFFFFF80  }
.LBB2_27:
0x23f: {  	p2 =	slt.s32 @!p3 s0, $0x1  }
0x240: {  	p2 =	por p3, p2  }
.Ltmp21:
0x241: {  	_ = 	snop;
	(pc) =	sbr.rel @p2 .LBB2_31-.Ltmp21, $2  }
0x242: {  	_ =	sdelay $0x2  }
0x243: {  	s6 =	simm.s32 $0xA200  }
0x244: {  	p2 =	sne.s32 s0, $0x1  }
.Ltmp22:
0x245: {  	_ = 	snop;
	(pc) =	sbr.rel @!p2 .LBB2_30-.Ltmp22, $4  }
0x246: {  	_ = 	snop  }
0x247: {  	[spmem:s3] =	stream.indirect.scatter.add.f32 [tilespmem:s1], [sflag:$0x2], $0x1, s6, s20, $0xb8;
	[tilespmem:$0x1CA98] =	vst v63  }
0x248: {  	_ =	swait.ge [sflag:s26], $0x80  }
0x249: {  	s8 =	sadd.s32 $0xFFFFFFFF, s0;
	[sflag:s26] =	ssyncset.done $0x0  }
.LBB2_29:
0x24a: {  	p2 =	sne.s32 s8, $0x1;
	[sflag:s26] =	ssyncadd.s32 $0xFFFFFF80;
	s6 =	sadd.s32 $0x80, s6  }
.Ltmp23:
0x24b: {  	s8 =	sadd.s32 $0xFFFFFFFF, s8;
	(pc) =	sbr.rel @p2 .LBB2_29-.Ltmp23, $4  }
0x24c: {  	_ = 	snop  }
0x24d: {  	[spmem:s3] =	stream.indirect.scatter.add.f32 [tilespmem:s1], [sflag:$0x2], $0x1, s6, s20, $0xb8;
	[tilespmem:$0x1CA98] =	vst v63  }
0x24e: {  	_ =	swait.ge [sflag:s26], $0x80  }
0x24f: {  	[sflag:s26] =	ssyncset.done $0x0  }
.Ltmp24:
0x250: {  	_ = 	snop;
	(pc) =	sbr.rel .LBB2_30-.Ltmp24, $1  }
0x251: {  	_ =	sdelay $0x3  }
.LBB2_32:
0x252: {  	[bflag:$0x0] =	sbarrier.arrive $0xFFFF  }
0x253: {  	s13 =	sld [smem:$0x7D7];
	_ =	sdelay $0x2  }
0x254: {  	s0 =	sshll.u32 s5, $0x6;
	s14 =	rddreg [dreg:$0xa];
	s4 =	sshrl.u32 s13, $0x3  }
0x255: {  	s2 =	sor.u32 $0x1C01, s0;
	[smem:$0x7B8] =	sst s4  }
0x256: {  	[hbm:s14@s20], [sflag:s2] =	dma.strided [spmem:s4@s31], $0x100, s24, $0x10   }
0x257: {  	s0 =	sld [smem:$0x7D9];
	_ =	sdelay $0x2  }
0x258: {  	s16 =	rddreg [dreg:$0xb];
	s15 =	sshrl.u32 s0, $0x3  }
0x259: {  	[smem:$0x7B9] =	sst s15  }
0x25a: {  	[hbm:s16@s20], [sflag:s2] =	dma.strided [spmem:s15@s31], $0x100, s24, $0x10   }
0x25b: {  	s0 =	sld [smem:$0x7DB];
	_ =	sdelay $0x2  }
0x25c: {  	s18 =	rddreg [dreg:$0xc];
	s17 =	sshrl.u32 s0, $0x3  }
0x25d: {  	[smem:$0x7BA] =	sst s17  }
0x25e: {  	[hbm:s18@s20], [sflag:s2] =	dma.strided [spmem:s17@s31], $0x100, s24, $0x10   }
0x25f: {  	s0 =	sld [smem:$0x7DD];
	_ =	sdelay $0x2  }
0x260: {  	s21 =	rddreg [dreg:$0xd];
	s19 =	sshrl.u32 s0, $0x3  }
0x261: {  	[smem:$0x7BB] =	sst s19  }
0x262: {  	[hbm:s21@s20], [sflag:s2] =	dma.strided [spmem:s19@s31], $0x100, s24, $0x10   }
0x263: {  	s0 =	sld [smem:$0x7DF];
	_ =	sdelay $0x2  }
0x264: {  	s4 =	rddreg [dreg:$0xe];
	s12 =	sshrl.u32 s0, $0x3  }
0x265: {  	[hbm:s4@s20], [sflag:s2] =	dma.strided [spmem:s12@s31], $0x100, s24, $0x10   }
0x266: {  	s0 =	sld [smem:$0x7E1];
	_ =	sdelay $0x2  }
0x267: {  	s6 =	rddreg [dreg:$0xf];
	s13 =	sshrl.u32 s0, $0x3  }
0x268: {  	[hbm:s6@s20], [sflag:s2] =	dma.strided [spmem:s13@s31], $0x100, s24, $0x10   }
0x269: {  	s0 =	sld [smem:$0x7E3];
	_ =	sdelay $0x2  }
0x26a: {  	s8 =	rddreg [dreg:$0x10];
	s14 =	sshrl.u32 s0, $0x3  }
0x26b: {  	[hbm:s8@s20], [sflag:s2] =	dma.strided [spmem:s14@s31], $0x100, s24, $0x10   }
0x26c: {  	s0 =	sld [smem:$0x7E5];
	_ =	sdelay $0x2  }
0x26d: {  	s9 =	rddreg [dreg:$0x11];
	s15 =	sshrl.u32 s0, $0x3  }
0x26e: {  	[hbm:s9@s20], [sflag:s2] =	dma.strided [spmem:s15@s31], $0x100, s24, $0x10   }
0x26f: {  	s0 =	sld [smem:$0x7E7];
	_ =	sdelay $0x2  }
0x270: {  	s11 =	rddreg [dreg:$0x12];
	s6 =	sshrl.u32 s0, $0x3  }
0x271: {  	[hbm:s11@s20], [sflag:s2] =	dma.strided [spmem:s6@s31], $0x100, s24, $0x10   }
0x272: {  	s0 =	sld [smem:$0x7E9];
	_ =	sdelay $0x2  }
0x273: {  	s16 =	rddreg [dreg:$0x13];
	s21 =	sshrl.u32 s0, $0x3  }
0x274: {  	[hbm:s16@s20], [sflag:s2] =	dma.strided [spmem:s21@s31], $0x100, s24, $0x10   }
0x275: {  	s0 =	sld [smem:$0x7EB];
	_ =	sdelay $0x2  }
0x276: {  	s17 =	rddreg [dreg:$0x14];
	s9 =	sshrl.u32 s0, $0x3  }
0x277: {  	[hbm:s17@s20], [sflag:s2] =	dma.strided [spmem:s9@s31], $0x100, s24, $0x10   }
0x278: {  	s0 =	sld [smem:$0x7ED];
	_ =	sdelay $0x2  }
0x279: {  	s18 =	rddreg [dreg:$0x15];
	s16 =	sshrl.u32 s0, $0x3  }
0x27a: {  	[hbm:s18@s20], [sflag:s2] =	dma.strided [spmem:s16@s31], $0x100, s24, $0x10   }
0x27b: {  	s0 =	sld [smem:$0x7EF];
	_ =	sdelay $0x2  }
0x27c: {  	s19 =	rddreg [dreg:$0x16];
	s17 =	sshrl.u32 s0, $0x3  }
0x27d: {  	[hbm:s19@s20], [sflag:s2] =	dma.strided [spmem:s17@s31], $0x100, s24, $0x10   }
0x27e: {  	s0 =	sld [smem:$0x7F1];
	_ =	sdelay $0x2  }
0x27f: {  	s4 =	rddreg [dreg:$0x17];
	s18 =	sshrl.u32 s0, $0x3  }
0x280: {  	[hbm:s4@s20], [sflag:s2] =	dma.strided [spmem:s18@s31], $0x100, s24, $0x10   }
0x281: {  	s0 =	sld [smem:$0x7F3];
	_ =	sdelay $0x2  }
0x282: {  	s8 =	rddreg [dreg:$0x18];
	s19 =	sshrl.u32 s0, $0x3  }
0x283: {  	[hbm:s8@s20], [sflag:s2] =	dma.strided [spmem:s19@s31], $0x100, s24, $0x10   }
0x284: {  	s0 =	sld [smem:$0x7F6];
	_ =	sdelay $0x2  }
0x285: {  	s11 =	rddreg [dreg:$0x19];
	s0 =	sshrl.u32 s0, $0x3  }
0x286: {  	[hbm:s11@s20], [sflag:s2] =	dma.strided [spmem:s0@s31], $0x100, s24, $0x10   }
0x287: {  	_ =	swait.ge [sflag:s24], $0x100  }
0x288: {  	[sflag:s24] =	ssyncset.done $0x0  }
0x289: {  	[sflag:s24] =	ssyncadd.s32 $0xFFFFFF00  }
0x28a: {  	_ =	swait.ge [sflag:s24], $0x100  }
0x28b: {  	[sflag:s24] =	ssyncset.done $0x0  }
0x28c: {  	[sflag:s24] =	ssyncadd.s32 $0xFFFFFF00  }
0x28d: {  	_ =	swait.ge [sflag:s24], $0x100  }
0x28e: {  	[sflag:s24] =	ssyncset.done $0x0  }
0x28f: {  	[sflag:s24] =	ssyncadd.s32 $0xFFFFFF00  }
0x290: {  	_ =	swait.ge [sflag:s24], $0x100  }
0x291: {  	[sflag:s24] =	ssyncset.done $0x0  }
0x292: {  	[sflag:s24] =	ssyncadd.s32 $0xFFFFFF00  }
0x293: {  	_ =	swait.ge [sflag:s24], $0x100  }
0x294: {  	[sflag:s24] =	ssyncset.done $0x0  }
0x295: {  	[sflag:s24] =	ssyncadd.s32 $0xFFFFFF00  }
0x296: {  	_ =	swait.ge [sflag:s24], $0x100  }
0x297: {  	[sflag:s24] =	ssyncset.done $0x0  }
0x298: {  	[sflag:s24] =	ssyncadd.s32 $0xFFFFFF00  }
0x299: {  	_ =	swait.ge [sflag:s24], $0x100  }
0x29a: {  	[sflag:s24] =	ssyncset.done $0x0  }
0x29b: {  	[sflag:s24] =	ssyncadd.s32 $0xFFFFFF00  }
0x29c: {  	_ =	swait.ge [sflag:s24], $0x100  }
0x29d: {  	[sflag:s24] =	ssyncset.done $0x0  }
0x29e: {  	[sflag:s24] =	ssyncadd.s32 $0xFFFFFF00  }
0x29f: {  	_ =	swait.ge [sflag:s24], $0x100  }
0x2a0: {  	[sflag:s24] =	ssyncset.done $0x0  }
0x2a1: {  	[sflag:s24] =	ssyncadd.s32 $0xFFFFFF00  }
0x2a2: {  	_ =	swait.ge [sflag:s24], $0x100  }
0x2a3: {  	[sflag:s24] =	ssyncset.done $0x0  }
0x2a4: {  	[sflag:s24] =	ssyncadd.s32 $0xFFFFFF00  }
0x2a5: {  	_ =	swait.ge [sflag:s24], $0x100  }
0x2a6: {  	[sflag:s24] =	ssyncset.done $0x0  }
0x2a7: {  	[sflag:s24] =	ssyncadd.s32 $0xFFFFFF00  }
0x2a8: {  	_ =	swait.ge [sflag:s24], $0x100  }
0x2a9: {  	[sflag:s24] =	ssyncset.done $0x0  }
0x2aa: {  	[sflag:s24] =	ssyncadd.s32 $0xFFFFFF00  }
0x2ab: {  	_ =	swait.ge [sflag:s24], $0x100  }
0x2ac: {  	[sflag:s24] =	ssyncset.done $0x0  }
0x2ad: {  	[sflag:s24] =	ssyncadd.s32 $0xFFFFFF00  }
0x2ae: {  	_ =	swait.ge [sflag:s24], $0x100  }
0x2af: {  	[sflag:s24] =	ssyncset.done $0x0  }
0x2b0: {  	[sflag:s24] =	ssyncadd.s32 $0xFFFFFF00  }
0x2b1: {  	_ =	swait.ge [sflag:s24], $0x100  }
0x2b2: {  	[sflag:s24] =	ssyncset.done $0x0  }
0x2b3: {  	[sflag:s24] =	ssyncadd.s32 $0xFFFFFF00  }
0x2b4: {  	_ =	swait.ge [sflag:s24], $0x100  }
0x2b5: {  	[sflag:s24] =	ssyncset.done $0x0  }
0x2b6: {  	[sflag:s24] =	ssyncadd.s32 $0xFFFFFF00  }
0x2b7: {  	s8 =	simm.s32 $0x12A80;
	[bflag:$0x0] =	sbarrier.arrive $0xFFFF  }
0x2b8: {  	[spmem:s28] =	stream.linear.scatter [tilespmem:s8], [sflag:$0x1], $0x2000, $0x38;
	[tilespmem:$0x1CA98] =	vst v63  }
0x2b9: {  	s28 =	sld [smem:$0x7FA];
	_ =	sdelay $0x1  }
0x2ba: {  	s11 =	sld [smem:$0x7FB]  }
0x2bb: {  	[spmem:s28] =	stream.linear.scatter [tilespmem:s8], [sflag:$0x1], $0x2000, $0x38;
	[tilespmem:$0x1CA98] =	vst v63  }
0x2bc: {  	s28 =	sld [smem:$0x7FC]  }
0x2bd: {  	[spmem:s11] =	stream.linear.scatter [tilespmem:s8], [sflag:$0x1], $0x2000, $0x38;
	[tilespmem:$0x1CA98] =	vst v63  }
0x2be: {  	_ = 	snop  }
0x2bf: {  	[spmem:s28] =	stream.linear.scatter [tilespmem:s8], [sflag:$0x1], $0x2000, $0x38;
	[tilespmem:$0x1CA98] =	vst v63  }
.Ltmp25:
0x2c0: {  	s8 =	sld [smem:$0x7FD];
	(pc) =	sbr.rel @p1 .LBB2_33-.Ltmp25, $4  }
0x2c1: {  	_ = 	snop  }
0x2c2: {  	s4 =	simm.s32 @!p0 $0x12A80  }
0x2c3: {  	[spmem:s8] =	stream.linear.scatter @!p0 [tilespmem:s4], [sflag:$0x1], $0x40, $0x38;
	[tilespmem:$0x1CA98] =	vst v63  }
0x2c4: {  	v26 =	vimm.s32 $0x0;
	[smem:$0x7BC] =	sst s10;
	s4 =	simm.s32 $0x4000  }
0x2c5: {  	p2 =	sne.s32 s22, $0x1  }
.Ltmp26:
0x2c6: {  	_ = 	snop;
	(pc) =	sbr.rel @!p2 .LBB2_36-.Ltmp26, $3  }
0x2c7: {  	_ =	sdelay $0x1  }
0x2c8: {  	v29 =	vld [tilespmem:s4+$0x0]  }
0x2c9: {  	s8 =	sadd.s32 $0xFFFFFFFF, s22;
	v27 =	vimm.s32 $0x0;
	v30 =	vimm.s32 $0x0;
	v28 =	vimm.s32 $0x0  }
.LBB2_35:
0x2ca: {  	p2 =	sne.s32 s8, $0x1;
	_ =	sdelay $0x2  }
0x2cb: {  	v31 =	vshrl.u32 v29, $0xB  }
0x2cc: {  	v31 =	vand.u32 $0x7, v31  }
0x2cd: {  	vm11 =	vlt.u32 v29, $0x400000;
	vm10 =	veq.s32 v31, v1;
	v31 =	vand.u32 $0x1, v29  }
0x2ce: {  	vm10 =	vmand vm11, vm10;
	vm11 =	veq.s32 v31, $0x0;
	vm12 =	veq.s32 v31, $0x1  }
0x2cf: {  	vm11 =	vmand vm11, vm10;
	vm10 =	vmand vm10, vm12  }
0x2d0: {  	v31 =	vsel vm11, $0x1, v6;
	v32 =	vmpcnt.ones.xlane vm11;
	v33 =	vmpcnt.ones.xlane vm10  }
0x2d1: {  	vm12 =	veq.s32 v16, $0x0;
	v34 =	vperm.xlane v31, v12  }
0x2d2: {  	v35 =	vsel vm10, $0x1, v6;
	v26 =	vadd.s32 v26, v32;
	v27 =	vadd.s32 v27, v33  }
0x2d3: {  	v33 =	vperm.xlane v35, v12;
	v32 =	vsel vm12, $0x0, v34  }
0x2d4: {  	v31 =	vadd.s32 v31, v32  }
0x2d5: {  	v33 =	vsel vm12, $0x0, v33;
	v32 =	vperm.xlane v31, v14  }
0x2d6: {  	v33 =	vadd.s32 v35, v33  }
0x2d7: {  	v34 =	vperm.xlane v33, v14;
	v32 =	vsel vm7, $0x0, v32  }
0x2d8: {  	v31 =	vadd.s32 v32, v31  }
0x2d9: {  	v34 =	vsel vm7, $0x0, v34;
	v32 =	vperm.xlane v31, v15  }
0x2da: {  	v33 =	vadd.s32 v34, v33  }
0x2db: {  	v34 =	vperm.xlane v33, v15;
	v32 =	vsel vm8, $0x0, v32  }
0x2dc: {  	v31 =	vadd.s32 v32, v31  }
0x2dd: {  	v34 =	vsel vm8, $0x0, v34;
	v32 =	vperm.xlane v31, v17  }
0x2de: {  	v33 =	vadd.s32 v34, v33  }
0x2df: {  	v34 =	vperm.xlane v33, v17;
	v32 =	vsel vm9, $0x0, v32  }
0x2e0: {  	v36 =	vsel vm10, $0xFFFFFFFF, v6;
	v35 =	vsel vm11, $0xFFFFFFFF, v6;
	v32 =	vadd.s32 v30, v32;
	v30 =	vmovc v26  }
0x2e1: {  	v34 =	vsel vm9, $0x0, v34;
	v32 =	vadd.s32 v35, v32;
	v35 =	vadd.s32 v36, v28;
	v28 =	vmovc v27  }
0x2e2: {  	v31 =	vadd.s32 v31, v32;
	v32 =	vadd.s32 v34, v35  }
0x2e3: {  	v32 =	vadd.s32 v33, v32  }
0x2e4: {  	v33 =	vshrl.u32 v29, $0x3  }
0x2e5: {  	v29 =	vand.u32 $0x7FF, v29;
	v33 =	vand.u32 $0x1FFFF800, v33  }
.Ltmp27:
0x2e6: {  	v29 =	vor.u32 v29, v33;
	(pc) =	sbr.rel @p2 .LBB2_35-.Ltmp27, $4  }
0x2e7: {  	[tilespmem:v31+s29+$0x0] =	vst.idx.msk vm11, v29  }
0x2e8: {  	s4 =	sadd.s32 $0x10, s4;
	[tilespmem:v32+s30+$0x0] =	vst.idx.msk vm10, v29  }
0x2e9: {  	v29 =	vld [tilespmem:s4+$0x0]  }
0x2ea: {  	s8 =	sadd.s32 $0xFFFFFFFF, s8  }
.LBB2_36:
0x2eb: {  	_ =	sdelay $0x2  }
0x2ec: {  	v31 =	vshrl.u32 v29, $0xB  }
0x2ed: {  	v31 =	vand.u32 $0x7, v31  }
0x2ee: {  	vm11 =	vlt.u32 v29, $0x400000;
	v58 =	vand.u32 $0x1, v29;
	vm10 =	veq.s32 v31, v1  }
0x2ef: {  	vm11 =	vmand vm11, vm10;
	vm10 =	veq.s32 v58, $0x0  }
0x2f0: {  	vm10 =	vmand vm10, vm11  }
0x2f1: {  	vm12 =	veq.s32 v58, $0x1;
	v59 =	vsel vm10, $0x1, v6  }
0x2f2: {  	vm11 =	vmand vm11, vm12;
	v32 =	vperm.xlane v59, v12  }
0x2f3: {  	vm12 =	veq.s32 v16, $0x0;
	v33 =	vsel vm11, $0x1, v6  }
0x2f4: {  	v34 =	vperm.xlane v33, v12;
	v32 =	vsel vm12, $0x0, v32  }
0x2f5: {  	v31 =	vadd.s32 v59, v32  }
0x2f6: {  	v34 =	vsel vm12, $0x0, v34;
	v32 =	vperm.xlane v31, v14  }
0x2f7: {  	v33 =	vadd.s32 v33, v34  }
0x2f8: {  	v34 =	vperm.xlane v33, v14;
	v32 =	vsel vm7, $0x0, v32  }
0x2f9: {  	v31 =	vadd.s32 v32, v31  }
0x2fa: {  	v34 =	vsel vm7, $0x0, v34;
	v32 =	vperm.xlane v31, v15  }
0x2fb: {  	v33 =	vadd.s32 v34, v33  }
0x2fc: {  	v34 =	vperm.xlane v33, v15;
	v32 =	vsel vm8, $0x0, v32  }
0x2fd: {  	v31 =	vadd.s32 v32, v31  }
0x2fe: {  	v34 =	vsel vm8, $0x0, v34;
	v32 =	vperm.xlane v31, v17  }
0x2ff: {  	v33 =	vadd.s32 v34, v33  }
0x300: {  	v34 =	vperm.xlane v33, v17;
	v32 =	vsel vm9, $0x0, v32  }
0x301: {  	v35 =	vsel vm10, $0xFFFFFFFF, v6;
	v60 =	vsel vm11, $0xFFFFFFFF, v6;
	v30 =	vadd.s32 v30, v32  }
0x302: {  	v28 =	vadd.s32 v60, v28;
	v34 =	vsel vm9, $0x0, v34;
	v30 =	vadd.s32 v35, v30  }
0x303: {  	v28 =	vadd.s32 v34, v28;
	v30 =	vadd.s32 v31, v30  }
0x304: {  	v28 =	vadd.s32 v33, v28  }
.Ltmp28:
0x305: {  	v61 =	vshrl.u32 v29, $0x3;
	(pc) =	sbr.rel .LBB2_37-.Ltmp28, $4  }
0x306: {  	v29 =	vand.u32 $0x7FF, v29;
	v31 =	vand.u32 $0x1FFFF800, v61  }
0x307: {  	v62 =	vmpcnt.ones.xlane vm10;
	v63 =	vmpcnt.ones.xlane vm11;
	v29 =	vor.u32 v29, v31  }
0x308: {  	[tilespmem:v30+s29+$0x0] =	vst.idx.msk vm10, v29  }
0x309: {  	v26 =	vadd.s32 v26, v62;
	v27 =	vadd.s32 v27, v63;
	[tilespmem:v28+s30+$0x0] =	vst.idx.msk vm11, v29  }
.LBB2_33:
0x30a: {  	v27 =	vimm.s32 $0x0  }
.LBB2_37:
0x30b: {  	v28 =	vadd.s32 v16, v26  }
0x30c: {  	v29 =	vadd.s32 v19, v26  }
0x30d: {  	v30 =	vadd.s32 v20, v26  }
0x30e: {  	v31 =	vadd.s32 v21, v26  }
0x30f: {  	v32 =	vadd.s32 v22, v26;
	(v2sf) =	vpush v26, $0x0  }
0x310: {  	v56 =	vadd.s32 v23, v26;
	(v2sf) =	vpush v27, $0x0;
	[tilespmem:v28+s29+$0x0] =	vst.idx.msk $0xffff, v18  }
0x311: {  	v57 =	vadd.s32 v24, v26;
	[tilespmem:v29+s29+$0x0] =	vst.idx.msk $0xffff, v18  }
0x312: {  	v26 =	vadd.s32 v25, v26;
	[tilespmem:v30+s29+$0x0] =	vst.idx.msk $0xffff, v18  }
0x313: {  	v58 =	vadd.s32 v16, v27;
	[tilespmem:v31+s29+$0x0] =	vst.idx.msk $0xffff, v18  }
0x314: {  	v59 =	vadd.s32 v19, v27;
	[tilespmem:v32+s29+$0x0] =	vst.idx.msk $0xffff, v18  }
0x315: {  	v60 =	vadd.s32 v20, v27;
	[tilespmem:v56+s29+$0x0] =	vst.idx.msk $0xffff, v18  }
0x316: {  	v61 =	vadd.s32 v21, v27;
	[tilespmem:v57+s29+$0x0] =	vst.idx.msk $0xffff, v18  }
0x317: {  	[tilespmem:v26+s29+$0x0] =	vst.idx.msk $0xffff, v18;
	v26 =	vadd.s32 v22, v27  }
0x318: {  	v62 =	vadd.s32 v23, v27;
	[tilespmem:v58+s30+$0x0] =	vst.idx.msk $0xffff, v18  }
0x319: {  	v63 =	vadd.s32 v24, v27;
	[tilespmem:v59+s30+$0x0] =	vst.idx.msk $0xffff, v18  }
0x31a: {  	v27 =	vadd.s32 v25, v27;
	[tilespmem:v60+s30+$0x0] =	vst.idx.msk $0xffff, v18  }
0x31b: {  	[tilespmem:v61+s30+$0x0] =	vst.idx.msk $0xffff, v18  }
0x31c: {  	[tilespmem:v26+s30+$0x0] =	vst.idx.msk $0xffff, v18  }
0x31d: {  	[tilespmem:v62+s30+$0x0] =	vst.idx.msk $0xffff, v18  }
0x31e: {  	s4 =	spop (v2sf);
	[tilespmem:v63+s30+$0x0] =	vst.idx.msk $0xffff, v18  }
0x31f: {  	s8 =	spop (v2sf);
	[tilespmem:v27+s30+$0x0] =	vst.idx.msk $0xffff, v18  }
0x320: {  	_ =	swait.ge [sflag:s24], $0x2000  }
0x321: {  	[sflag:s24] =	ssyncset.done $0x0  }
0x322: {  	s4 =	sadd.s32 $0x7F, s4;
	[sflag:s24] =	ssyncadd.s32 $0xFFFFE000  }
0x323: {  	s10 =	sshra.s32 s4, $0x1F;
	s11 =	sand.u32 $0x7F, s4;
	_ =	swait.ge [sflag:s24], $0x2000  }
0x324: {  	p2 =	slt.s32 s4, $0x1;
	s8 =	sadd.s32 $0x7F, s8;
	[sflag:s24] =	ssyncset.done $0x0  }
0x325: {  	s10 =	sshrl.u32 s10, $0x19;
	p3 =	sne.s32 s11, $0x0;
	[sflag:s24] =	ssyncadd.s32 $0xFFFFE000  }
0x326: {  	s11 =	sshra.s32 s8, $0x1F;
	p5 =	slt.s32 s8, $0x1;
	_ =	swait.ge [sflag:s24], $0x2000  }
0x327: {  	s4 =	sadd.s32 s10, s4;
	p2 =	por !p2, !p3;
	[sflag:s24] =	ssyncset.done $0x0  }
0x328: {  	s10 =	simm.s32 $0x1;
	p2 =	por !p2, !p2;
	[sflag:s24] =	ssyncadd.s32 $0xFFFFE000  }
0x329: {  	s4 =	sshra.s32 s4, $0x7;
	s10 =	simm.s32 @!p2 $0x0;
	_ =	swait.ge [sflag:s24], $0x2000  }
0x32a: {  	s28 =	ssub.s32 s4, s10;
	s4 =	sshrl.u32 s11, $0x19;
	[sflag:s24] =	ssyncset.done $0x0  }
0x32b: {  	s11 =	sand.u32 $0x7F, s8;
	s10 =	simm.s32 @!p0 $0x1;
	[sflag:s24] =	ssyncadd.s32 $0xFFFFE000  }
.Ltmp29:
0x32c: {  	p6 =	sne.s32 s11, $0x0;
	_ =	swait.ge @!p0 [sflag:s10], $0x40;
	(pc) =	sbr.rel .LBB2_38-.Ltmp29, $4  }
0x32d: {  	s4 =	sadd.s32 s4, s8;
	p2 =	por !p5, !p6;
	[sflag:s10] =	ssyncset.done @!p0 $0x0  }
0x32e: {  	s8 =	simm.s32 $0x1;
	p2 =	por !p2, !p2;
	[sflag:s10] =	ssyncadd.s32 @!p0 $0xFFFFFFC0  }
0x32f: {  	s4 =	sshra.s32 s4, $0x7;
	s8 =	simm.s32 @!p2 $0x0;
	[bflag:$0x0] =	sbarrier.arrive $0xFFFF  }
0x330: {  	s4 =	ssub.s32 s4, s8;
	s8 =	simm.s32 $0x0  }
.LBB2_53:
0x331: {  	[sflag:s26] =	ssyncadd.s32 $0xFFFFFF80  }
.LBB2_54:
0x332: {  	s8 =	sadd.s32 $0x1, s8  }
0x333: {  	p2 =	sne.s32 s8, $0x8  }
.Ltmp30:
0x334: {  	_ = 	snop;
	(pc) =	sbr.rel @!p2 .LBB2_55-.Ltmp30, $2  }
0x335: {  	_ =	sdelay $0x1  }
0x336: {  	[bflag:$0x0] =	sbarrier.arrive $0xFFFF;
	_ =	sdelay $0x1  }
.LBB2_38:
0x337: {  	p2 =	sne.s32 s5, s8  }
0x338: {  	p3 =	slt.s32 @!p2 s28, $0x1  }
0x339: {  	p3 =	por p2, p3  }
.Ltmp31:
0x33a: {  	_ = 	snop;
	(pc) =	sbr.rel @p3 .LBB2_42-.Ltmp31, $2  }
0x33b: {  	_ =	sdelay $0x2  }
0x33c: {  	s10 =	simm.s32 $0xA200  }
0x33d: {  	p3 =	sne.s32 s28, $0x1  }
.Ltmp32:
0x33e: {  	_ = 	snop;
	(pc) =	sbr.rel @!p3 .LBB2_41-.Ltmp32, $4  }
0x33f: {  	_ = 	snop  }
0x340: {  	[spmem:s3] =	stream.indirect.scatter.add.f32 [tilespmem:s1], [sflag:$0x2], $0x1, s10, s20, $0xb8;
	[tilespmem:$0x1CA98] =	vst v63  }
0x341: {  	_ =	swait.ge [sflag:s26], $0x80  }
0x342: {  	s11 =	sadd.s32 $0xFFFFFFFF, s28;
	[sflag:s26] =	ssyncset.done $0x0  }
.LBB2_40:
0x343: {  	p3 =	sne.s32 s11, $0x1;
	[sflag:s26] =	ssyncadd.s32 $0xFFFFFF80;
	s10 =	sadd.s32 $0x80, s10  }
.Ltmp33:
0x344: {  	s11 =	sadd.s32 $0xFFFFFFFF, s11;
	(pc) =	sbr.rel @p3 .LBB2_40-.Ltmp33, $4  }
0x345: {  	_ = 	snop  }
0x346: {  	[spmem:s3] =	stream.indirect.scatter.add.f32 [tilespmem:s1], [sflag:$0x2], $0x1, s10, s20, $0xb8;
	[tilespmem:$0x1CA98] =	vst v63  }
0x347: {  	_ =	swait.ge [sflag:s26], $0x80  }
0x348: {  	[sflag:s26] =	ssyncset.done $0x0  }
.LBB2_41:
0x349: {  	[sflag:s26] =	ssyncadd.s32 $0xFFFFFF80  }
.LBB2_42:
0x34a: {  	s10 =	sor.u32 $0x8, s8  }
0x34b: {  	p3 =	sne.s32 s5, s10  }
0x34c: {  	p4 =	slt.s32 @!p3 s4, $0x1  }
0x34d: {  	p4 =	por p3, p4  }
.Ltmp34:
0x34e: {  	_ = 	snop;
	(pc) =	sbr.rel @p4 .LBB2_46-.Ltmp34, $2  }
0x34f: {  	_ =	sdelay $0x2  }
0x350: {  	s10 =	simm.s32 $0xE600  }
0x351: {  	p4 =	sne.s32 s4, $0x1  }
.Ltmp35:
0x352: {  	_ = 	snop;
	(pc) =	sbr.rel @!p4 .LBB2_45-.Ltmp35, $4  }
0x353: {  	_ = 	snop  }
0x354: {  	[spmem:s3] =	stream.indirect.scatter.add.f32 [tilespmem:s1], [sflag:$0x2], $0x1, s10, s20, $0xb8;
	[tilespmem:$0x1CA98] =	vst v63  }
0x355: {  	_ =	swait.ge [sflag:s26], $0x80  }
0x356: {  	s11 =	sadd.s32 $0xFFFFFFFF, s4;
	[sflag:s26] =	ssyncset.done $0x0  }
.LBB2_44:
0x357: {  	p4 =	sne.s32 s11, $0x1;
	[sflag:s26] =	ssyncadd.s32 $0xFFFFFF80;
	s10 =	sadd.s32 $0x80, s10  }
.Ltmp36:
0x358: {  	s11 =	sadd.s32 $0xFFFFFFFF, s11;
	(pc) =	sbr.rel @p4 .LBB2_44-.Ltmp36, $4  }
0x359: {  	_ = 	snop  }
0x35a: {  	[spmem:s3] =	stream.indirect.scatter.add.f32 [tilespmem:s1], [sflag:$0x2], $0x1, s10, s20, $0xb8;
	[tilespmem:$0x1CA98] =	vst v63  }
0x35b: {  	_ =	swait.ge [sflag:s26], $0x80  }
0x35c: {  	[sflag:s26] =	ssyncset.done $0x0  }
.LBB2_45:
0x35d: {  	[sflag:s26] =	ssyncadd.s32 $0xFFFFFF80  }
.LBB2_46:
0x35e: {  	p4 =	slt.s32 @!p2 s4, $0x1  }
0x35f: {  	p2 =	por p2, p4  }
.Ltmp37:
0x360: {  	_ = 	snop;
	(pc) =	sbr.rel @p2 .LBB2_50-.Ltmp37, $3  }
0x361: {  	_ =	sdelay $0x1  }
0x362: {  	[bflag:$0x0] =	sbarrier.arrive $0xFFFF  }
0x363: {  	s10 =	simm.s32 $0xE600  }
0x364: {  	p2 =	sne.s32 s4, $0x1  }
.Ltmp38:
0x365: {  	_ = 	snop;
	(pc) =	sbr.rel @!p2 .LBB2_49-.Ltmp38, $4  }
0x366: {  	_ = 	snop  }
0x367: {  	[spmem:s3] =	stream.indirect.scatter.add.f32 [tilespmem:s1], [sflag:$0x2], $0x1, s10, s20, $0xb8;
	[tilespmem:$0x1CA98] =	vst v63  }
0x368: {  	_ =	swait.ge [sflag:s26], $0x80  }
0x369: {  	s11 =	sadd.s32 $0xFFFFFFFF, s4;
	[sflag:s26] =	ssyncset.done $0x0  }
.LBB2_48:
0x36a: {  	p2 =	sne.s32 s11, $0x1;
	[sflag:s26] =	ssyncadd.s32 $0xFFFFFF80;
	s10 =	sadd.s32 $0x80, s10  }
.Ltmp39:
0x36b: {  	s11 =	sadd.s32 $0xFFFFFFFF, s11;
	(pc) =	sbr.rel @p2 .LBB2_48-.Ltmp39, $4  }
0x36c: {  	_ = 	snop  }
0x36d: {  	[spmem:s3] =	stream.indirect.scatter.add.f32 [tilespmem:s1], [sflag:$0x2], $0x1, s10, s20, $0xb8;
	[tilespmem:$0x1CA98] =	vst v63  }
0x36e: {  	_ =	swait.ge [sflag:s26], $0x80  }
0x36f: {  	[sflag:s26] =	ssyncset.done $0x0  }
.LBB2_49:
0x370: {  	[sflag:s26] =	ssyncadd.s32 $0xFFFFFF80  }
.LBB2_50:
0x371: {  	p2 =	slt.s32 @!p3 s28, $0x1  }
0x372: {  	p2 =	por p3, p2  }
.Ltmp40:
0x373: {  	_ = 	snop;
	(pc) =	sbr.rel @p2 .LBB2_54-.Ltmp40, $2  }
0x374: {  	_ =	sdelay $0x2  }
0x375: {  	s10 =	simm.s32 $0xA200  }
0x376: {  	p2 =	sne.s32 s28, $0x1  }
.Ltmp41:
0x377: {  	_ = 	snop;
	(pc) =	sbr.rel @!p2 .LBB2_53-.Ltmp41, $4  }
0x378: {  	_ = 	snop  }
0x379: {  	[spmem:s3] =	stream.indirect.scatter.add.f32 [tilespmem:s1], [sflag:$0x2], $0x1, s10, s20, $0xb8;
	[tilespmem:$0x1CA98] =	vst v63  }
0x37a: {  	_ =	swait.ge [sflag:s26], $0x80  }
0x37b: {  	s11 =	sadd.s32 $0xFFFFFFFF, s28;
	[sflag:s26] =	ssyncset.done $0x0  }
.LBB2_52:
0x37c: {  	p2 =	sne.s32 s11, $0x1;
	[sflag:s26] =	ssyncadd.s32 $0xFFFFFF80;
	s10 =	sadd.s32 $0x80, s10  }
.Ltmp42:
0x37d: {  	s11 =	sadd.s32 $0xFFFFFFFF, s11;
	(pc) =	sbr.rel @p2 .LBB2_52-.Ltmp42, $4  }
0x37e: {  	_ = 	snop  }
0x37f: {  	[spmem:s3] =	stream.indirect.scatter.add.f32 [tilespmem:s1], [sflag:$0x2], $0x1, s10, s20, $0xb8;
	[tilespmem:$0x1CA98] =	vst v63  }
0x380: {  	_ =	swait.ge [sflag:s26], $0x80  }
0x381: {  	[sflag:s26] =	ssyncset.done $0x0  }
.Ltmp43:
0x382: {  	_ = 	snop;
	(pc) =	sbr.rel .LBB2_53-.Ltmp43, $1  }
0x383: {  	_ =	sdelay $0x3  }
.LBB2_55:
0x384: {  	[bflag:$0x0] =	sbarrier.arrive $0xFFFF  }
0x385: {  	s8 =	sld [smem:$0x7B8];
	_ =	sdelay $0x1  }
0x386: {  	s4 =	rddreg [dreg:$0x1a]  }
0x387: {  	[hbm:s4@s20], [sflag:s2] =	dma.strided [spmem:s8@s31], $0x100, s24, $0x10   }
0x388: {  	s8 =	sld [smem:$0x7B9];
	_ =	sdelay $0x1  }
0x389: {  	s4 =	rddreg [dreg:$0x1b]  }
0x38a: {  	[hbm:s4@s20], [sflag:s2] =	dma.strided [spmem:s8@s31], $0x100, s24, $0x10   }
0x38b: {  	s8 =	sld [smem:$0x7BA];
	_ =	sdelay $0x1  }
0x38c: {  	s4 =	rddreg [dreg:$0x1c]  }
0x38d: {  	[hbm:s4@s20], [sflag:s2] =	dma.strided [spmem:s8@s31], $0x100, s24, $0x10   }
0x38e: {  	s8 =	sld [smem:$0x7BB];
	_ =	sdelay $0x1  }
0x38f: {  	s4 =	rddreg [dreg:$0x1d]  }
0x390: {  	[hbm:s4@s20], [sflag:s2] =	dma.strided [spmem:s8@s31], $0x100, s24, $0x10   }
0x391: {  	s4 =	rddreg [dreg:$0x1e]  }
0x392: {  	[hbm:s4@s20], [sflag:s2] =	dma.strided [spmem:s12@s31], $0x100, s24, $0x10   }
0x393: {  	s4 =	rddreg [dreg:$0x1f]  }
0x394: {  	[hbm:s4@s20], [sflag:s2] =	dma.strided [spmem:s13@s31], $0x100, s24, $0x10   }
0x395: {  	s4 =	sld [smem:$0x7BD];
	_ =	sdelay $0x2  }
0x396: {  	[hbm:s4@s20], [sflag:s2] =	dma.strided [spmem:s14@s31], $0x100, s24, $0x10   }
0x397: {  	s4 =	sld [smem:$0x7BE];
	_ =	sdelay $0x2  }
0x398: {  	[hbm:s4@s20], [sflag:s2] =	dma.strided [spmem:s15@s31], $0x100, s24, $0x10   }
0x399: {  	s4 =	sld [smem:$0x7BF];
	_ =	sdelay $0x2  }
0x39a: {  	[hbm:s4@s20], [sflag:s2] =	dma.strided [spmem:s6@s31], $0x100, s24, $0x10   }
0x39b: {  	s4 =	sld [smem:$0x7C0];
	_ =	sdelay $0x2  }
0x39c: {  	[hbm:s4@s20], [sflag:s2] =	dma.strided [spmem:s21@s31], $0x100, s24, $0x10   }
0x39d: {  	s4 =	sld [smem:$0x7C1];
	_ =	sdelay $0x2  }
0x39e: {  	[hbm:s4@s20], [sflag:s2] =	dma.strided [spmem:s9@s31], $0x100, s24, $0x10   }
0x39f: {  	s4 =	sld [smem:$0x7C2];
	_ =	sdelay $0x2  }
0x3a0: {  	[hbm:s4@s20], [sflag:s2] =	dma.strided [spmem:s16@s31], $0x100, s24, $0x10   }
0x3a1: {  	s4 =	sld [smem:$0x7C3];
	_ =	sdelay $0x2  }
0x3a2: {  	[hbm:s4@s20], [sflag:s2] =	dma.strided [spmem:s17@s31], $0x100, s24, $0x10   }
0x3a3: {  	s4 =	sld [smem:$0x7C4];
	_ =	sdelay $0x2  }
0x3a4: {  	[hbm:s4@s20], [sflag:s2] =	dma.strided [spmem:s18@s31], $0x100, s24, $0x10   }
0x3a5: {  	s4 =	sld [smem:$0x7C5];
	_ =	sdelay $0x2  }
0x3a6: {  	[hbm:s4@s20], [sflag:s2] =	dma.strided [spmem:s19@s31], $0x100, s24, $0x10   }
0x3a7: {  	s4 =	sld [smem:$0x7C6];
	_ =	sdelay $0x2  }
0x3a8: {  	[hbm:s4@s20], [sflag:s2] =	dma.strided [spmem:s0@s31], $0x100, s24, $0x10   }
0x3a9: {  	_ =	swait.ge [sflag:s24], $0x100  }
0x3aa: {  	[sflag:s24] =	ssyncset.done $0x0  }
0x3ab: {  	[sflag:s24] =	ssyncadd.s32 $0xFFFFFF00  }
0x3ac: {  	_ =	swait.ge [sflag:s24], $0x100  }
0x3ad: {  	[sflag:s24] =	ssyncset.done $0x0  }
0x3ae: {  	[sflag:s24] =	ssyncadd.s32 $0xFFFFFF00  }
0x3af: {  	_ =	swait.ge [sflag:s24], $0x100  }
0x3b0: {  	[sflag:s24] =	ssyncset.done $0x0  }
0x3b1: {  	[sflag:s24] =	ssyncadd.s32 $0xFFFFFF00  }
0x3b2: {  	_ =	swait.ge [sflag:s24], $0x100  }
0x3b3: {  	[sflag:s24] =	ssyncset.done $0x0  }
0x3b4: {  	[sflag:s24] =	ssyncadd.s32 $0xFFFFFF00  }
0x3b5: {  	_ =	swait.ge [sflag:s24], $0x100  }
0x3b6: {  	[sflag:s24] =	ssyncset.done $0x0  }
0x3b7: {  	[sflag:s24] =	ssyncadd.s32 $0xFFFFFF00  }
0x3b8: {  	_ =	swait.ge [sflag:s24], $0x100  }
0x3b9: {  	[sflag:s24] =	ssyncset.done $0x0  }
0x3ba: {  	[sflag:s24] =	ssyncadd.s32 $0xFFFFFF00  }
0x3bb: {  	_ =	swait.ge [sflag:s24], $0x100  }
0x3bc: {  	[sflag:s24] =	ssyncset.done $0x0  }
0x3bd: {  	[sflag:s24] =	ssyncadd.s32 $0xFFFFFF00  }
0x3be: {  	_ =	swait.ge [sflag:s24], $0x100  }
0x3bf: {  	[sflag:s24] =	ssyncset.done $0x0  }
0x3c0: {  	[sflag:s24] =	ssyncadd.s32 $0xFFFFFF00  }
0x3c1: {  	_ =	swait.ge [sflag:s24], $0x100  }
0x3c2: {  	[sflag:s24] =	ssyncset.done $0x0  }
0x3c3: {  	[sflag:s24] =	ssyncadd.s32 $0xFFFFFF00  }
0x3c4: {  	_ =	swait.ge [sflag:s24], $0x100  }
0x3c5: {  	[sflag:s24] =	ssyncset.done $0x0  }
0x3c6: {  	[sflag:s24] =	ssyncadd.s32 $0xFFFFFF00  }
0x3c7: {  	_ =	swait.ge [sflag:s24], $0x100  }
0x3c8: {  	[sflag:s24] =	ssyncset.done $0x0  }
0x3c9: {  	[sflag:s24] =	ssyncadd.s32 $0xFFFFFF00  }
0x3ca: {  	_ =	swait.ge [sflag:s24], $0x100  }
0x3cb: {  	[sflag:s24] =	ssyncset.done $0x0  }
0x3cc: {  	[sflag:s24] =	ssyncadd.s32 $0xFFFFFF00  }
0x3cd: {  	_ =	swait.ge [sflag:s24], $0x100  }
0x3ce: {  	[sflag:s24] =	ssyncset.done $0x0  }
0x3cf: {  	[sflag:s24] =	ssyncadd.s32 $0xFFFFFF00  }
0x3d0: {  	_ =	swait.ge [sflag:s24], $0x100  }
0x3d1: {  	[sflag:s24] =	ssyncset.done $0x0  }
0x3d2: {  	[sflag:s24] =	ssyncadd.s32 $0xFFFFFF00  }
0x3d3: {  	_ =	swait.ge [sflag:s24], $0x100  }
0x3d4: {  	[sflag:s24] =	ssyncset.done $0x0  }
0x3d5: {  	[sflag:s24] =	ssyncadd.s32 $0xFFFFFF00  }
0x3d6: {  	_ =	swait.ge [sflag:s24], $0x100  }
0x3d7: {  	[sflag:s24] =	ssyncset.done $0x0  }
0x3d8: {  	[sflag:s24] =	ssyncadd.s32 $0xFFFFFF00  }
0x3d9: {  	[bflag:$0x0] =	sbarrier.arrive $0xFFFF  }
0x3da: {  	s28 =	rddreg [dreg:$0x8]  }
0x3db: {  	s8 =	simm.s32 $0x12A80;
	s10 =	sld [smem:$0x7FA]  }
0x3dc: {  	[spmem:s28] =	stream.linear.scatter [tilespmem:s8], [sflag:$0x1], $0x2000, $0x38;
	[tilespmem:$0x1CA98] =	vst v63  }
0x3dd: {  	s11 =	sld [smem:$0x7FB]  }
0x3de: {  	[spmem:s10] =	stream.linear.scatter [tilespmem:s8], [sflag:$0x1], $0x2000, $0x38;
	[tilespmem:$0x1CA98] =	vst v63  }
0x3df: {  	s28 =	sld [smem:$0x7FC]  }
0x3e0: {  	[spmem:s11] =	stream.linear.scatter [tilespmem:s8], [sflag:$0x1], $0x2000, $0x38;
	[tilespmem:$0x1CA98] =	vst v63  }
0x3e1: {  	_ = 	snop  }
0x3e2: {  	[spmem:s28] =	stream.linear.scatter [tilespmem:s8], [sflag:$0x1], $0x2000, $0x38;
	[tilespmem:$0x1CA98] =	vst v63  }
.Ltmp44:
0x3e3: {  	s8 =	sld [smem:$0x7FD];
	(pc) =	sbr.rel @p1 .LBB2_56-.Ltmp44, $4  }
0x3e4: {  	_ = 	snop  }
0x3e5: {  	s4 =	simm.s32 @!p0 $0x12A80  }
0x3e6: {  	[spmem:s8] =	stream.linear.scatter @!p0 [tilespmem:s4], [sflag:$0x1], $0x40, $0x38;
	[tilespmem:$0x1CA98] =	vst v63  }
0x3e7: {  	v26 =	vimm.s32 $0x0;
	s4 =	simm.s32 $0x4000  }
0x3e8: {  	p2 =	sne.s32 s22, $0x1  }
.Ltmp45:
0x3e9: {  	_ = 	snop;
	(pc) =	sbr.rel @!p2 .LBB2_59-.Ltmp45, $3  }
0x3ea: {  	_ =	sdelay $0x1  }
0x3eb: {  	v29 =	vld [tilespmem:s4+$0x0]  }
0x3ec: {  	s8 =	sadd.s32 $0xFFFFFFFF, s22;
	v27 =	vimm.s32 $0x0;
	v30 =	vimm.s32 $0x0;
	v28 =	vimm.s32 $0x0  }
.LBB2_58:
0x3ed: {  	p2 =	sne.s32 s8, $0x1;
	_ =	sdelay $0x2  }
0x3ee: {  	v31 =	vshrl.u32 v29, $0xB  }
0x3ef: {  	v31 =	vand.u32 $0x7, v31  }
0x3f0: {  	vm11 =	vlt.u32 v29, $0x400000;
	vm10 =	veq.s32 v31, v2;
	v31 =	vand.u32 $0x1, v29  }
0x3f1: {  	vm10 =	vmand vm11, vm10;
	vm11 =	veq.s32 v31, $0x0;
	vm12 =	veq.s32 v31, $0x1  }
0x3f2: {  	vm11 =	vmand vm11, vm10;
	vm10 =	vmand vm10, vm12  }
0x3f3: {  	v31 =	vsel vm11, $0x1, v6;
	v32 =	vmpcnt.ones.xlane vm11;
	v33 =	vmpcnt.ones.xlane vm10  }
0x3f4: {  	vm12 =	veq.s32 v16, $0x0;
	v34 =	vperm.xlane v31, v12  }
0x3f5: {  	v35 =	vsel vm10, $0x1, v6;
	v26 =	vadd.s32 v26, v32;
	v27 =	vadd.s32 v27, v33  }
0x3f6: {  	v33 =	vperm.xlane v35, v12;
	v32 =	vsel vm12, $0x0, v34  }
0x3f7: {  	v31 =	vadd.s32 v31, v32  }
0x3f8: {  	v33 =	vsel vm12, $0x0, v33;
	v32 =	vperm.xlane v31, v14  }
0x3f9: {  	v33 =	vadd.s32 v35, v33  }
0x3fa: {  	v34 =	vperm.xlane v33, v14;
	v32 =	vsel vm7, $0x0, v32  }
0x3fb: {  	v31 =	vadd.s32 v32, v31  }
0x3fc: {  	v34 =	vsel vm7, $0x0, v34;
	v32 =	vperm.xlane v31, v15  }
0x3fd: {  	v33 =	vadd.s32 v34, v33  }
0x3fe: {  	v34 =	vperm.xlane v33, v15;
	v32 =	vsel vm8, $0x0, v32  }
0x3ff: {  	v31 =	vadd.s32 v32, v31  }
0x400: {  	v34 =	vsel vm8, $0x0, v34;
	v32 =	vperm.xlane v31, v17  }
0x401: {  	v33 =	vadd.s32 v34, v33  }
0x402: {  	v34 =	vperm.xlane v33, v17;
	v32 =	vsel vm9, $0x0, v32  }
0x403: {  	v36 =	vsel vm10, $0xFFFFFFFF, v6;
	v35 =	vsel vm11, $0xFFFFFFFF, v6;
	v32 =	vadd.s32 v30, v32;
	v30 =	vmovc v26  }
0x404: {  	v34 =	vsel vm9, $0x0, v34;
	v32 =	vadd.s32 v35, v32;
	v35 =	vadd.s32 v36, v28;
	v28 =	vmovc v27  }
0x405: {  	v31 =	vadd.s32 v31, v32;
	v32 =	vadd.s32 v34, v35  }
0x406: {  	v32 =	vadd.s32 v33, v32  }
0x407: {  	v33 =	vshrl.u32 v29, $0x3  }
0x408: {  	v29 =	vand.u32 $0x7FF, v29;
	v33 =	vand.u32 $0x1FFFF800, v33  }
.Ltmp46:
0x409: {  	v29 =	vor.u32 v29, v33;
	(pc) =	sbr.rel @p2 .LBB2_58-.Ltmp46, $4  }
0x40a: {  	[tilespmem:v31+s29+$0x0] =	vst.idx.msk vm11, v29  }
0x40b: {  	s4 =	sadd.s32 $0x10, s4;
	[tilespmem:v32+s30+$0x0] =	vst.idx.msk vm10, v29  }
0x40c: {  	v29 =	vld [tilespmem:s4+$0x0]  }
0x40d: {  	s8 =	sadd.s32 $0xFFFFFFFF, s8  }
.LBB2_59:
0x40e: {  	_ =	sdelay $0x2  }
0x40f: {  	v31 =	vshrl.u32 v29, $0xB  }
0x410: {  	v31 =	vand.u32 $0x7, v31  }
0x411: {  	vm11 =	vlt.u32 v29, $0x400000;
	v58 =	vand.u32 $0x1, v29;
	vm10 =	veq.s32 v31, v2  }
0x412: {  	vm11 =	vmand vm11, vm10;
	vm10 =	veq.s32 v58, $0x0  }
0x413: {  	vm10 =	vmand vm10, vm11  }
0x414: {  	vm12 =	veq.s32 v58, $0x1;
	v59 =	vsel vm10, $0x1, v6  }
0x415: {  	vm11 =	vmand vm11, vm12;
	v32 =	vperm.xlane v59, v12  }
0x416: {  	vm12 =	veq.s32 v16, $0x0;
	v33 =	vsel vm11, $0x1, v6  }
0x417: {  	v34 =	vperm.xlane v33, v12;
	v32 =	vsel vm12, $0x0, v32  }
0x418: {  	v31 =	vadd.s32 v59, v32  }
0x419: {  	v34 =	vsel vm12, $0x0, v34;
	v32 =	vperm.xlane v31, v14  }
0x41a: {  	v33 =	vadd.s32 v33, v34  }
0x41b: {  	v34 =	vperm.xlane v33, v14;
	v32 =	vsel vm7, $0x0, v32  }
0x41c: {  	v31 =	vadd.s32 v32, v31  }
0x41d: {  	v34 =	vsel vm7, $0x0, v34;
	v32 =	vperm.xlane v31, v15  }
0x41e: {  	v33 =	vadd.s32 v34, v33  }
0x41f: {  	v34 =	vperm.xlane v33, v15;
	v32 =	vsel vm8, $0x0, v32  }
0x420: {  	v31 =	vadd.s32 v32, v31  }
0x421: {  	v34 =	vsel vm8, $0x0, v34;
	v32 =	vperm.xlane v31, v17  }
0x422: {  	v33 =	vadd.s32 v34, v33  }
0x423: {  	v34 =	vperm.xlane v33, v17;
	v32 =	vsel vm9, $0x0, v32  }
0x424: {  	v35 =	vsel vm10, $0xFFFFFFFF, v6;
	v60 =	vsel vm11, $0xFFFFFFFF, v6;
	v30 =	vadd.s32 v30, v32  }
0x425: {  	v28 =	vadd.s32 v60, v28;
	v34 =	vsel vm9, $0x0, v34;
	v30 =	vadd.s32 v35, v30  }
0x426: {  	v28 =	vadd.s32 v34, v28;
	v30 =	vadd.s32 v31, v30  }
0x427: {  	v28 =	vadd.s32 v33, v28  }
.Ltmp47:
0x428: {  	v61 =	vshrl.u32 v29, $0x3;
	(pc) =	sbr.rel .LBB2_60-.Ltmp47, $4  }
0x429: {  	v29 =	vand.u32 $0x7FF, v29;
	v31 =	vand.u32 $0x1FFFF800, v61  }
0x42a: {  	v62 =	vmpcnt.ones.xlane vm10;
	v63 =	vmpcnt.ones.xlane vm11;
	v29 =	vor.u32 v29, v31  }
0x42b: {  	[tilespmem:v30+s29+$0x0] =	vst.idx.msk vm10, v29  }
0x42c: {  	v26 =	vadd.s32 v26, v62;
	v27 =	vadd.s32 v27, v63;
	[tilespmem:v28+s30+$0x0] =	vst.idx.msk vm11, v29  }
.LBB2_56:
0x42d: {  	v27 =	vimm.s32 $0x0  }
.LBB2_60:
0x42e: {  	v28 =	vadd.s32 v16, v26  }
0x42f: {  	v29 =	vadd.s32 v19, v26  }
0x430: {  	v30 =	vadd.s32 v20, v26  }
0x431: {  	v31 =	vadd.s32 v21, v26  }
0x432: {  	v32 =	vadd.s32 v22, v26;
	(v2sf) =	vpush v26, $0x0  }
0x433: {  	v56 =	vadd.s32 v23, v26;
	(v2sf) =	vpush v27, $0x0;
	[tilespmem:v28+s29+$0x0] =	vst.idx.msk $0xffff, v18  }
0x434: {  	v57 =	vadd.s32 v24, v26;
	[tilespmem:v29+s29+$0x0] =	vst.idx.msk $0xffff, v18  }
0x435: {  	v26 =	vadd.s32 v25, v26;
	[tilespmem:v30+s29+$0x0] =	vst.idx.msk $0xffff, v18  }
0x436: {  	v58 =	vadd.s32 v16, v27;
	[tilespmem:v31+s29+$0x0] =	vst.idx.msk $0xffff, v18  }
0x437: {  	v59 =	vadd.s32 v19, v27;
	[tilespmem:v32+s29+$0x0] =	vst.idx.msk $0xffff, v18  }
0x438: {  	v60 =	vadd.s32 v20, v27;
	[tilespmem:v56+s29+$0x0] =	vst.idx.msk $0xffff, v18  }
0x439: {  	v61 =	vadd.s32 v21, v27;
	[tilespmem:v57+s29+$0x0] =	vst.idx.msk $0xffff, v18  }
0x43a: {  	[tilespmem:v26+s29+$0x0] =	vst.idx.msk $0xffff, v18;
	v26 =	vadd.s32 v22, v27  }
0x43b: {  	v62 =	vadd.s32 v23, v27;
	[tilespmem:v58+s30+$0x0] =	vst.idx.msk $0xffff, v18  }
0x43c: {  	v63 =	vadd.s32 v24, v27;
	[tilespmem:v59+s30+$0x0] =	vst.idx.msk $0xffff, v18  }
0x43d: {  	v27 =	vadd.s32 v25, v27;
	[tilespmem:v60+s30+$0x0] =	vst.idx.msk $0xffff, v18  }
0x43e: {  	[tilespmem:v61+s30+$0x0] =	vst.idx.msk $0xffff, v18  }
0x43f: {  	[tilespmem:v26+s30+$0x0] =	vst.idx.msk $0xffff, v18  }
0x440: {  	[tilespmem:v62+s30+$0x0] =	vst.idx.msk $0xffff, v18  }
0x441: {  	s4 =	spop (v2sf);
	[tilespmem:v63+s30+$0x0] =	vst.idx.msk $0xffff, v18  }
0x442: {  	s8 =	spop (v2sf);
	[tilespmem:v27+s30+$0x0] =	vst.idx.msk $0xffff, v18  }
0x443: {  	_ =	swait.ge [sflag:s24], $0x2000  }
0x444: {  	[sflag:s24] =	ssyncset.done $0x0  }
0x445: {  	s4 =	sadd.s32 $0x7F, s4;
	[sflag:s24] =	ssyncadd.s32 $0xFFFFE000  }
0x446: {  	s10 =	sshra.s32 s4, $0x1F;
	s11 =	sand.u32 $0x7F, s4;
	_ =	swait.ge [sflag:s24], $0x2000  }
0x447: {  	p2 =	slt.s32 s4, $0x1;
	s8 =	sadd.s32 $0x7F, s8;
	[sflag:s24] =	ssyncset.done $0x0  }
0x448: {  	s10 =	sshrl.u32 s10, $0x19;
	p3 =	sne.s32 s11, $0x0;
	[sflag:s24] =	ssyncadd.s32 $0xFFFFE000  }
0x449: {  	s11 =	sshra.s32 s8, $0x1F;
	p5 =	slt.s32 s8, $0x1;
	_ =	swait.ge [sflag:s24], $0x2000  }
0x44a: {  	s4 =	sadd.s32 s10, s4;
	p2 =	por !p2, !p3;
	[sflag:s24] =	ssyncset.done $0x0  }
0x44b: {  	s10 =	simm.s32 $0x1;
	p2 =	por !p2, !p2;
	[sflag:s24] =	ssyncadd.s32 $0xFFFFE000  }
0x44c: {  	s4 =	sshra.s32 s4, $0x7;
	s10 =	simm.s32 @!p2 $0x0;
	_ =	swait.ge [sflag:s24], $0x2000  }
0x44d: {  	s28 =	ssub.s32 s4, s10;
	s4 =	sshrl.u32 s11, $0x19;
	[sflag:s24] =	ssyncset.done $0x0  }
0x44e: {  	s11 =	sand.u32 $0x7F, s8;
	s10 =	simm.s32 @!p0 $0x1;
	[sflag:s24] =	ssyncadd.s32 $0xFFFFE000  }
.Ltmp48:
0x44f: {  	p6 =	sne.s32 s11, $0x0;
	_ =	swait.ge @!p0 [sflag:s10], $0x40;
	(pc) =	sbr.rel .LBB2_61-.Ltmp48, $4  }
0x450: {  	s4 =	sadd.s32 s4, s8;
	p2 =	por !p5, !p6;
	[sflag:s10] =	ssyncset.done @!p0 $0x0  }
0x451: {  	s8 =	simm.s32 $0x1;
	p2 =	por !p2, !p2;
	[sflag:s10] =	ssyncadd.s32 @!p0 $0xFFFFFFC0  }
0x452: {  	s4 =	sshra.s32 s4, $0x7;
	s8 =	simm.s32 @!p2 $0x0;
	[bflag:$0x0] =	sbarrier.arrive $0xFFFF  }
0x453: {  	s4 =	ssub.s32 s4, s8;
	s8 =	simm.s32 $0x0  }
.LBB2_76:
0x454: {  	[sflag:s26] =	ssyncadd.s32 $0xFFFFFF80  }
.LBB2_77:
0x455: {  	s8 =	sadd.s32 $0x1, s8  }
0x456: {  	p2 =	sne.s32 s8, $0x8  }
.Ltmp49:
0x457: {  	_ = 	snop;
	(pc) =	sbr.rel @!p2 .LBB2_78-.Ltmp49, $2  }
0x458: {  	_ =	sdelay $0x1  }
0x459: {  	[bflag:$0x0] =	sbarrier.arrive $0xFFFF;
	_ =	sdelay $0x1  }
.LBB2_61:
0x45a: {  	p2 =	sne.s32 s5, s8  }
0x45b: {  	p3 =	slt.s32 @!p2 s28, $0x1  }
0x45c: {  	p3 =	por p2, p3  }
.Ltmp50:
0x45d: {  	_ = 	snop;
	(pc) =	sbr.rel @p3 .LBB2_65-.Ltmp50, $2  }
0x45e: {  	_ =	sdelay $0x2  }
0x45f: {  	s10 =	simm.s32 $0xA200  }
0x460: {  	p3 =	sne.s32 s28, $0x1  }
.Ltmp51:
0x461: {  	_ = 	snop;
	(pc) =	sbr.rel @!p3 .LBB2_64-.Ltmp51, $4  }
0x462: {  	_ = 	snop  }
0x463: {  	[spmem:s3] =	stream.indirect.scatter.add.f32 [tilespmem:s1], [sflag:$0x2], $0x1, s10, s20, $0xb8;
	[tilespmem:$0x1CA98] =	vst v63  }
0x464: {  	_ =	swait.ge [sflag:s26], $0x80  }
0x465: {  	s11 =	sadd.s32 $0xFFFFFFFF, s28;
	[sflag:s26] =	ssyncset.done $0x0  }
.LBB2_63:
0x466: {  	p3 =	sne.s32 s11, $0x1;
	[sflag:s26] =	ssyncadd.s32 $0xFFFFFF80;
	s10 =	sadd.s32 $0x80, s10  }
.Ltmp52:
0x467: {  	s11 =	sadd.s32 $0xFFFFFFFF, s11;
	(pc) =	sbr.rel @p3 .LBB2_63-.Ltmp52, $4  }
0x468: {  	_ = 	snop  }
0x469: {  	[spmem:s3] =	stream.indirect.scatter.add.f32 [tilespmem:s1], [sflag:$0x2], $0x1, s10, s20, $0xb8;
	[tilespmem:$0x1CA98] =	vst v63  }
0x46a: {  	_ =	swait.ge [sflag:s26], $0x80  }
0x46b: {  	[sflag:s26] =	ssyncset.done $0x0  }
.LBB2_64:
0x46c: {  	[sflag:s26] =	ssyncadd.s32 $0xFFFFFF80  }
.LBB2_65:
0x46d: {  	s10 =	sor.u32 $0x8, s8  }
0x46e: {  	p3 =	sne.s32 s5, s10  }
0x46f: {  	p4 =	slt.s32 @!p3 s4, $0x1  }
0x470: {  	p4 =	por p3, p4  }
.Ltmp53:
0x471: {  	_ = 	snop;
	(pc) =	sbr.rel @p4 .LBB2_69-.Ltmp53, $2  }
0x472: {  	_ =	sdelay $0x2  }
0x473: {  	s10 =	simm.s32 $0xE600  }
0x474: {  	p4 =	sne.s32 s4, $0x1  }
.Ltmp54:
0x475: {  	_ = 	snop;
	(pc) =	sbr.rel @!p4 .LBB2_68-.Ltmp54, $4  }
0x476: {  	_ = 	snop  }
0x477: {  	[spmem:s3] =	stream.indirect.scatter.add.f32 [tilespmem:s1], [sflag:$0x2], $0x1, s10, s20, $0xb8;
	[tilespmem:$0x1CA98] =	vst v63  }
0x478: {  	_ =	swait.ge [sflag:s26], $0x80  }
0x479: {  	s11 =	sadd.s32 $0xFFFFFFFF, s4;
	[sflag:s26] =	ssyncset.done $0x0  }
.LBB2_67:
0x47a: {  	p4 =	sne.s32 s11, $0x1;
	[sflag:s26] =	ssyncadd.s32 $0xFFFFFF80;
	s10 =	sadd.s32 $0x80, s10  }
.Ltmp55:
0x47b: {  	s11 =	sadd.s32 $0xFFFFFFFF, s11;
	(pc) =	sbr.rel @p4 .LBB2_67-.Ltmp55, $4  }
0x47c: {  	_ = 	snop  }
0x47d: {  	[spmem:s3] =	stream.indirect.scatter.add.f32 [tilespmem:s1], [sflag:$0x2], $0x1, s10, s20, $0xb8;
	[tilespmem:$0x1CA98] =	vst v63  }
0x47e: {  	_ =	swait.ge [sflag:s26], $0x80  }
0x47f: {  	[sflag:s26] =	ssyncset.done $0x0  }
.LBB2_68:
0x480: {  	[sflag:s26] =	ssyncadd.s32 $0xFFFFFF80  }
.LBB2_69:
0x481: {  	p4 =	slt.s32 @!p2 s4, $0x1  }
0x482: {  	p2 =	por p2, p4  }
.Ltmp56:
0x483: {  	_ = 	snop;
	(pc) =	sbr.rel @p2 .LBB2_73-.Ltmp56, $3  }
0x484: {  	_ =	sdelay $0x1  }
0x485: {  	[bflag:$0x0] =	sbarrier.arrive $0xFFFF  }
0x486: {  	s10 =	simm.s32 $0xE600  }
0x487: {  	p2 =	sne.s32 s4, $0x1  }
.Ltmp57:
0x488: {  	_ = 	snop;
	(pc) =	sbr.rel @!p2 .LBB2_72-.Ltmp57, $4  }
0x489: {  	_ = 	snop  }
0x48a: {  	[spmem:s3] =	stream.indirect.scatter.add.f32 [tilespmem:s1], [sflag:$0x2], $0x1, s10, s20, $0xb8;
	[tilespmem:$0x1CA98] =	vst v63  }
0x48b: {  	_ =	swait.ge [sflag:s26], $0x80  }
0x48c: {  	s11 =	sadd.s32 $0xFFFFFFFF, s4;
	[sflag:s26] =	ssyncset.done $0x0  }
.LBB2_71:
0x48d: {  	p2 =	sne.s32 s11, $0x1;
	[sflag:s26] =	ssyncadd.s32 $0xFFFFFF80;
	s10 =	sadd.s32 $0x80, s10  }
.Ltmp58:
0x48e: {  	s11 =	sadd.s32 $0xFFFFFFFF, s11;
	(pc) =	sbr.rel @p2 .LBB2_71-.Ltmp58, $4  }
0x48f: {  	_ = 	snop  }
0x490: {  	[spmem:s3] =	stream.indirect.scatter.add.f32 [tilespmem:s1], [sflag:$0x2], $0x1, s10, s20, $0xb8;
	[tilespmem:$0x1CA98] =	vst v63  }
0x491: {  	_ =	swait.ge [sflag:s26], $0x80  }
0x492: {  	[sflag:s26] =	ssyncset.done $0x0  }
.LBB2_72:
0x493: {  	[sflag:s26] =	ssyncadd.s32 $0xFFFFFF80  }
.LBB2_73:
0x494: {  	p2 =	slt.s32 @!p3 s28, $0x1  }
0x495: {  	p2 =	por p3, p2  }
.Ltmp59:
0x496: {  	_ = 	snop;
	(pc) =	sbr.rel @p2 .LBB2_77-.Ltmp59, $2  }
0x497: {  	_ =	sdelay $0x2  }
0x498: {  	s10 =	simm.s32 $0xA200  }
0x499: {  	p2 =	sne.s32 s28, $0x1  }
.Ltmp60:
0x49a: {  	_ = 	snop;
	(pc) =	sbr.rel @!p2 .LBB2_76-.Ltmp60, $4  }
0x49b: {  	_ = 	snop  }
0x49c: {  	[spmem:s3] =	stream.indirect.scatter.add.f32 [tilespmem:s1], [sflag:$0x2], $0x1, s10, s20, $0xb8;
	[tilespmem:$0x1CA98] =	vst v63  }
0x49d: {  	_ =	swait.ge [sflag:s26], $0x80  }
0x49e: {  	s11 =	sadd.s32 $0xFFFFFFFF, s28;
	[sflag:s26] =	ssyncset.done $0x0  }
.LBB2_75:
0x49f: {  	p2 =	sne.s32 s11, $0x1;
	[sflag:s26] =	ssyncadd.s32 $0xFFFFFF80;
	s10 =	sadd.s32 $0x80, s10  }
.Ltmp61:
0x4a0: {  	s11 =	sadd.s32 $0xFFFFFFFF, s11;
	(pc) =	sbr.rel @p2 .LBB2_75-.Ltmp61, $4  }
0x4a1: {  	_ = 	snop  }
0x4a2: {  	[spmem:s3] =	stream.indirect.scatter.add.f32 [tilespmem:s1], [sflag:$0x2], $0x1, s10, s20, $0xb8;
	[tilespmem:$0x1CA98] =	vst v63  }
0x4a3: {  	_ =	swait.ge [sflag:s26], $0x80  }
0x4a4: {  	[sflag:s26] =	ssyncset.done $0x0  }
.Ltmp62:
0x4a5: {  	_ = 	snop;
	(pc) =	sbr.rel .LBB2_76-.Ltmp62, $1  }
0x4a6: {  	_ =	sdelay $0x3  }
.LBB2_78:
0x4a7: {  	[bflag:$0x0] =	sbarrier.arrive $0xFFFF  }
0x4a8: {  	s4 =	sld [smem:$0x7C7]  }
0x4a9: {  	s8 =	sld [smem:$0x7B8];
	_ =	sdelay $0x2  }
0x4aa: {  	[hbm:s4@s20], [sflag:s2] =	dma.strided [spmem:s8@s31], $0x100, s24, $0x10   }
0x4ab: {  	s4 =	sld [smem:$0x7C8]  }
0x4ac: {  	s8 =	sld [smem:$0x7B9];
	_ =	sdelay $0x2  }
0x4ad: {  	[hbm:s4@s20], [sflag:s2] =	dma.strided [spmem:s8@s31], $0x100, s24, $0x10   }
0x4ae: {  	s4 =	sld [smem:$0x7C9]  }
0x4af: {  	s8 =	sld [smem:$0x7BA];
	_ =	sdelay $0x2  }
0x4b0: {  	[hbm:s4@s20], [sflag:s2] =	dma.strided [spmem:s8@s31], $0x100, s24, $0x10   }
0x4b1: {  	s4 =	sld [smem:$0x7CA]  }
0x4b2: {  	s8 =	sld [smem:$0x7BB];
	_ =	sdelay $0x2  }
0x4b3: {  	[hbm:s4@s20], [sflag:s2] =	dma.strided [spmem:s8@s31], $0x100, s24, $0x10   }
0x4b4: {  	s4 =	sld [smem:$0x7CB];
	_ =	sdelay $0x2  }
0x4b5: {  	[hbm:s4@s20], [sflag:s2] =	dma.strided [spmem:s12@s31], $0x100, s24, $0x10   }
0x4b6: {  	s4 =	sld [smem:$0x7CC];
	_ =	sdelay $0x2  }
0x4b7: {  	[hbm:s4@s20], [sflag:s2] =	dma.strided [spmem:s13@s31], $0x100, s24, $0x10   }
0x4b8: {  	s4 =	sld [smem:$0x7CD];
	_ =	sdelay $0x2  }
0x4b9: {  	[hbm:s4@s20], [sflag:s2] =	dma.strided [spmem:s14@s31], $0x100, s24, $0x10   }
0x4ba: {  	s4 =	sld [smem:$0x7CE];
	_ =	sdelay $0x2  }
0x4bb: {  	[hbm:s4@s20], [sflag:s2] =	dma.strided [spmem:s15@s31], $0x100, s24, $0x10   }
0x4bc: {  	s4 =	sld [smem:$0x7CF];
	_ =	sdelay $0x2  }
0x4bd: {  	[hbm:s4@s20], [sflag:s2] =	dma.strided [spmem:s6@s31], $0x100, s24, $0x10   }
0x4be: {  	s4 =	sld [smem:$0x7D0];
	_ =	sdelay $0x2  }
0x4bf: {  	[hbm:s4@s20], [sflag:s2] =	dma.strided [spmem:s21@s31], $0x100, s24, $0x10   }
0x4c0: {  	s4 =	sld [smem:$0x7D1];
	_ =	sdelay $0x2  }
0x4c1: {  	[hbm:s4@s20], [sflag:s2] =	dma.strided [spmem:s9@s31], $0x100, s24, $0x10   }
0x4c2: {  	s4 =	sld [smem:$0x7D2];
	_ =	sdelay $0x2  }
0x4c3: {  	[hbm:s4@s20], [sflag:s2] =	dma.strided [spmem:s16@s31], $0x100, s24, $0x10   }
0x4c4: {  	s4 =	sld [smem:$0x7D3];
	_ =	sdelay $0x2  }
0x4c5: {  	[hbm:s4@s20], [sflag:s2] =	dma.strided [spmem:s17@s31], $0x100, s24, $0x10   }
0x4c6: {  	s4 =	sld [smem:$0x7D4];
	_ =	sdelay $0x2  }
0x4c7: {  	[hbm:s4@s20], [sflag:s2] =	dma.strided [spmem:s18@s31], $0x100, s24, $0x10   }
0x4c8: {  	s4 =	sld [smem:$0x7D5];
	_ =	sdelay $0x2  }
0x4c9: {  	[hbm:s4@s20], [sflag:s2] =	dma.strided [spmem:s19@s31], $0x100, s24, $0x10   }
0x4ca: {  	s4 =	sld [smem:$0x7D6];
	_ =	sdelay $0x2  }
0x4cb: {  	[hbm:s4@s20], [sflag:s2] =	dma.strided [spmem:s0@s31], $0x100, s24, $0x10   }
0x4cc: {  	_ =	swait.ge [sflag:s24], $0x100  }
0x4cd: {  	[sflag:s24] =	ssyncset.done $0x0  }
0x4ce: {  	[sflag:s24] =	ssyncadd.s32 $0xFFFFFF00  }
0x4cf: {  	_ =	swait.ge [sflag:s24], $0x100  }
0x4d0: {  	[sflag:s24] =	ssyncset.done $0x0  }
0x4d1: {  	[sflag:s24] =	ssyncadd.s32 $0xFFFFFF00  }
0x4d2: {  	_ =	swait.ge [sflag:s24], $0x100  }
0x4d3: {  	[sflag:s24] =	ssyncset.done $0x0  }
0x4d4: {  	[sflag:s24] =	ssyncadd.s32 $0xFFFFFF00  }
0x4d5: {  	_ =	swait.ge [sflag:s24], $0x100  }
0x4d6: {  	[sflag:s24] =	ssyncset.done $0x0  }
0x4d7: {  	[sflag:s24] =	ssyncadd.s32 $0xFFFFFF00  }
0x4d8: {  	_ =	swait.ge [sflag:s24], $0x100  }
0x4d9: {  	[sflag:s24] =	ssyncset.done $0x0  }
0x4da: {  	[sflag:s24] =	ssyncadd.s32 $0xFFFFFF00  }
0x4db: {  	_ =	swait.ge [sflag:s24], $0x100  }
0x4dc: {  	[sflag:s24] =	ssyncset.done $0x0  }
0x4dd: {  	[sflag:s24] =	ssyncadd.s32 $0xFFFFFF00  }
0x4de: {  	_ =	swait.ge [sflag:s24], $0x100  }
0x4df: {  	[sflag:s24] =	ssyncset.done $0x0  }
0x4e0: {  	[sflag:s24] =	ssyncadd.s32 $0xFFFFFF00  }
0x4e1: {  	_ =	swait.ge [sflag:s24], $0x100  }
0x4e2: {  	[sflag:s24] =	ssyncset.done $0x0  }
0x4e3: {  	[sflag:s24] =	ssyncadd.s32 $0xFFFFFF00  }
0x4e4: {  	_ =	swait.ge [sflag:s24], $0x100  }
0x4e5: {  	[sflag:s24] =	ssyncset.done $0x0  }
0x4e6: {  	[sflag:s24] =	ssyncadd.s32 $0xFFFFFF00  }
0x4e7: {  	_ =	swait.ge [sflag:s24], $0x100  }
0x4e8: {  	[sflag:s24] =	ssyncset.done $0x0  }
0x4e9: {  	[sflag:s24] =	ssyncadd.s32 $0xFFFFFF00  }
0x4ea: {  	_ =	swait.ge [sflag:s24], $0x100  }
0x4eb: {  	[sflag:s24] =	ssyncset.done $0x0  }
0x4ec: {  	[sflag:s24] =	ssyncadd.s32 $0xFFFFFF00  }
0x4ed: {  	_ =	swait.ge [sflag:s24], $0x100  }
0x4ee: {  	[sflag:s24] =	ssyncset.done $0x0  }
0x4ef: {  	[sflag:s24] =	ssyncadd.s32 $0xFFFFFF00  }
0x4f0: {  	_ =	swait.ge [sflag:s24], $0x100  }
0x4f1: {  	[sflag:s24] =	ssyncset.done $0x0  }
0x4f2: {  	[sflag:s24] =	ssyncadd.s32 $0xFFFFFF00  }
0x4f3: {  	_ =	swait.ge [sflag:s24], $0x100  }
0x4f4: {  	[sflag:s24] =	ssyncset.done $0x0  }
0x4f5: {  	[sflag:s24] =	ssyncadd.s32 $0xFFFFFF00  }
0x4f6: {  	_ =	swait.ge [sflag:s24], $0x100  }
0x4f7: {  	[sflag:s24] =	ssyncset.done $0x0  }
0x4f8: {  	[sflag:s24] =	ssyncadd.s32 $0xFFFFFF00  }
0x4f9: {  	_ =	swait.ge [sflag:s24], $0x100  }
0x4fa: {  	[sflag:s24] =	ssyncset.done $0x0  }
0x4fb: {  	[sflag:s24] =	ssyncadd.s32 $0xFFFFFF00  }
0x4fc: {  	[bflag:$0x0] =	sbarrier.arrive $0xFFFF  }
0x4fd: {  	s28 =	rddreg [dreg:$0x8]  }
0x4fe: {  	s8 =	simm.s32 $0x12A80;
	s11 =	sld [smem:$0x7FA]  }
0x4ff: {  	[spmem:s28] =	stream.linear.scatter [tilespmem:s8], [sflag:$0x1], $0x2000, $0x38;
	[tilespmem:$0x1CA98] =	vst v63  }
0x500: {  	s10 =	sld [smem:$0x7FB]  }
0x501: {  	[spmem:s11] =	stream.linear.scatter [tilespmem:s8], [sflag:$0x1], $0x2000, $0x38;
	[tilespmem:$0x1CA98] =	vst v63  }
0x502: {  	s11 =	sld [smem:$0x7FC]  }
0x503: {  	[spmem:s10] =	stream.linear.scatter [tilespmem:s8], [sflag:$0x1], $0x2000, $0x38;
	[tilespmem:$0x1CA98] =	vst v63  }
0x504: {  	_ = 	snop  }
0x505: {  	[spmem:s11] =	stream.linear.scatter [tilespmem:s8], [sflag:$0x1], $0x2000, $0x38;
	[tilespmem:$0x1CA98] =	vst v63  }
.Ltmp63:
0x506: {  	s8 =	sld [smem:$0x7FD];
	(pc) =	sbr.rel @p1 .LBB2_79-.Ltmp63, $4  }
0x507: {  	_ = 	snop  }
0x508: {  	s4 =	simm.s32 @!p0 $0x12A80  }
0x509: {  	[spmem:s8] =	stream.linear.scatter @!p0 [tilespmem:s4], [sflag:$0x1], $0x40, $0x38;
	[tilespmem:$0x1CA98] =	vst v63  }
0x50a: {  	v26 =	vimm.s32 $0x0;
	s4 =	simm.s32 $0x4000  }
0x50b: {  	p1 =	sne.s32 s22, $0x1  }
.Ltmp64:
0x50c: {  	_ = 	snop;
	(pc) =	sbr.rel @!p1 .LBB2_82-.Ltmp64, $3  }
0x50d: {  	_ =	sdelay $0x1  }
0x50e: {  	v29 =	vld [tilespmem:s4+$0x0]  }
0x50f: {  	s8 =	sadd.s32 $0xFFFFFFFF, s22;
	v27 =	vimm.s32 $0x0;
	v30 =	vimm.s32 $0x0;
	v28 =	vimm.s32 $0x0  }
.LBB2_81:
0x510: {  	p1 =	sne.s32 s8, $0x1;
	_ =	sdelay $0x2  }
0x511: {  	v31 =	vshrl.u32 v29, $0xB  }
0x512: {  	v31 =	vand.u32 $0x7, v31  }
0x513: {  	vm11 =	vlt.u32 v29, $0x400000;
	vm10 =	veq.s32 v31, v3;
	v31 =	vand.u32 $0x1, v29  }
0x514: {  	vm10 =	vmand vm11, vm10;
	vm11 =	veq.s32 v31, $0x0;
	vm12 =	veq.s32 v31, $0x1  }
0x515: {  	vm11 =	vmand vm11, vm10;
	vm10 =	vmand vm10, vm12  }
0x516: {  	v31 =	vsel vm11, $0x1, v6;
	v32 =	vmpcnt.ones.xlane vm11;
	v33 =	vmpcnt.ones.xlane vm10  }
0x517: {  	vm12 =	veq.s32 v16, $0x0;
	v34 =	vperm.xlane v31, v12  }
0x518: {  	v35 =	vsel vm10, $0x1, v6;
	v26 =	vadd.s32 v26, v32;
	v27 =	vadd.s32 v27, v33  }
0x519: {  	v33 =	vperm.xlane v35, v12;
	v32 =	vsel vm12, $0x0, v34  }
0x51a: {  	v31 =	vadd.s32 v31, v32  }
0x51b: {  	v33 =	vsel vm12, $0x0, v33;
	v32 =	vperm.xlane v31, v14  }
0x51c: {  	v33 =	vadd.s32 v35, v33  }
0x51d: {  	v34 =	vperm.xlane v33, v14;
	v32 =	vsel vm7, $0x0, v32  }
0x51e: {  	v31 =	vadd.s32 v32, v31  }
0x51f: {  	v34 =	vsel vm7, $0x0, v34;
	v32 =	vperm.xlane v31, v15  }
0x520: {  	v33 =	vadd.s32 v34, v33  }
0x521: {  	v34 =	vperm.xlane v33, v15;
	v32 =	vsel vm8, $0x0, v32  }
0x522: {  	v31 =	vadd.s32 v32, v31  }
0x523: {  	v34 =	vsel vm8, $0x0, v34;
	v32 =	vperm.xlane v31, v17  }
0x524: {  	v33 =	vadd.s32 v34, v33  }
0x525: {  	v34 =	vperm.xlane v33, v17;
	v32 =	vsel vm9, $0x0, v32  }
0x526: {  	v36 =	vsel vm10, $0xFFFFFFFF, v6;
	v35 =	vsel vm11, $0xFFFFFFFF, v6;
	v32 =	vadd.s32 v30, v32;
	v30 =	vmovc v26  }
0x527: {  	v34 =	vsel vm9, $0x0, v34;
	v32 =	vadd.s32 v35, v32;
	v35 =	vadd.s32 v36, v28;
	v28 =	vmovc v27  }
0x528: {  	v31 =	vadd.s32 v31, v32;
	v32 =	vadd.s32 v34, v35  }
0x529: {  	v32 =	vadd.s32 v33, v32  }
0x52a: {  	v33 =	vshrl.u32 v29, $0x3  }
0x52b: {  	v29 =	vand.u32 $0x7FF, v29;
	v33 =	vand.u32 $0x1FFFF800, v33  }
.Ltmp65:
0x52c: {  	v29 =	vor.u32 v29, v33;
	(pc) =	sbr.rel @p1 .LBB2_81-.Ltmp65, $4  }
0x52d: {  	[tilespmem:v31+s29+$0x0] =	vst.idx.msk vm11, v29  }
0x52e: {  	s4 =	sadd.s32 $0x10, s4;
	[tilespmem:v32+s30+$0x0] =	vst.idx.msk vm10, v29  }
0x52f: {  	v29 =	vld [tilespmem:s4+$0x0]  }
0x530: {  	s8 =	sadd.s32 $0xFFFFFFFF, s8  }
.LBB2_82:
0x531: {  	_ =	sdelay $0x2  }
0x532: {  	v31 =	vshrl.u32 v29, $0xB  }
0x533: {  	v31 =	vand.u32 $0x7, v31  }
0x534: {  	vm11 =	vlt.u32 v29, $0x400000;
	v58 =	vand.u32 $0x1, v29;
	vm10 =	veq.s32 v31, v3  }
0x535: {  	vm11 =	vmand vm11, vm10;
	vm10 =	veq.s32 v58, $0x0  }
0x536: {  	vm10 =	vmand vm10, vm11  }
0x537: {  	vm12 =	veq.s32 v58, $0x1;
	v59 =	vsel vm10, $0x1, v6  }
0x538: {  	vm11 =	vmand vm11, vm12;
	v32 =	vperm.xlane v59, v12  }
0x539: {  	vm12 =	veq.s32 v16, $0x0;
	v33 =	vsel vm11, $0x1, v6  }
0x53a: {  	v34 =	vperm.xlane v33, v12;
	v32 =	vsel vm12, $0x0, v32  }
0x53b: {  	v31 =	vadd.s32 v59, v32  }
0x53c: {  	v34 =	vsel vm12, $0x0, v34;
	v32 =	vperm.xlane v31, v14  }
0x53d: {  	v33 =	vadd.s32 v33, v34  }
0x53e: {  	v34 =	vperm.xlane v33, v14;
	v32 =	vsel vm7, $0x0, v32  }
0x53f: {  	v31 =	vadd.s32 v32, v31  }
0x540: {  	v34 =	vsel vm7, $0x0, v34;
	v32 =	vperm.xlane v31, v15  }
0x541: {  	v33 =	vadd.s32 v34, v33  }
0x542: {  	v34 =	vperm.xlane v33, v15;
	v32 =	vsel vm8, $0x0, v32  }
0x543: {  	v31 =	vadd.s32 v32, v31  }
0x544: {  	v34 =	vsel vm8, $0x0, v34;
	v32 =	vperm.xlane v31, v17  }
0x545: {  	v33 =	vadd.s32 v34, v33  }
0x546: {  	v34 =	vperm.xlane v33, v17;
	v32 =	vsel vm9, $0x0, v32  }
0x547: {  	v35 =	vsel vm10, $0xFFFFFFFF, v6;
	v60 =	vsel vm11, $0xFFFFFFFF, v6;
	v30 =	vadd.s32 v30, v32  }
0x548: {  	v28 =	vadd.s32 v60, v28;
	v34 =	vsel vm9, $0x0, v34;
	v30 =	vadd.s32 v35, v30  }
0x549: {  	v28 =	vadd.s32 v34, v28;
	v30 =	vadd.s32 v31, v30  }
0x54a: {  	v28 =	vadd.s32 v33, v28  }
.Ltmp66:
0x54b: {  	v61 =	vshrl.u32 v29, $0x3;
	(pc) =	sbr.rel .LBB2_83-.Ltmp66, $4  }
0x54c: {  	v29 =	vand.u32 $0x7FF, v29;
	v31 =	vand.u32 $0x1FFFF800, v61  }
0x54d: {  	v62 =	vmpcnt.ones.xlane vm10;
	v63 =	vmpcnt.ones.xlane vm11;
	v29 =	vor.u32 v29, v31  }
0x54e: {  	[tilespmem:v30+s29+$0x0] =	vst.idx.msk vm10, v29  }
0x54f: {  	v26 =	vadd.s32 v26, v62;
	v27 =	vadd.s32 v27, v63;
	[tilespmem:v28+s30+$0x0] =	vst.idx.msk vm11, v29  }
.LBB2_79:
0x550: {  	v27 =	vimm.s32 $0x0  }
.LBB2_83:
0x551: {  	v28 =	vadd.s32 v16, v26  }
0x552: {  	v29 =	vadd.s32 v19, v26  }
0x553: {  	v30 =	vadd.s32 v20, v26  }
0x554: {  	v31 =	vadd.s32 v21, v26  }
0x555: {  	v32 =	vadd.s32 v22, v26;
	(v2sf) =	vpush v26, $0x0  }
0x556: {  	v57 =	vadd.s32 v23, v26;
	(v2sf) =	vpush v27, $0x0;
	[tilespmem:v28+s29+$0x0] =	vst.idx.msk $0xffff, v18  }
0x557: {  	v58 =	vadd.s32 v24, v26;
	[tilespmem:v29+s29+$0x0] =	vst.idx.msk $0xffff, v18  }
0x558: {  	v59 =	vadd.s32 v25, v26;
	[tilespmem:v30+s29+$0x0] =	vst.idx.msk $0xffff, v18  }
0x559: {  	v60 =	vadd.s32 v16, v27;
	[tilespmem:v31+s29+$0x0] =	vst.idx.msk $0xffff, v18  }
0x55a: {  	v19 =	vadd.s32 v19, v27;
	[tilespmem:v32+s29+$0x0] =	vst.idx.msk $0xffff, v18  }
0x55b: {  	v20 =	vadd.s32 v20, v27;
	[tilespmem:v57+s29+$0x0] =	vst.idx.msk $0xffff, v18  }
0x55c: {  	v61 =	vadd.s32 v21, v27;
	[tilespmem:v58+s29+$0x0] =	vst.idx.msk $0xffff, v18  }
0x55d: {  	v62 =	vadd.s32 v22, v27;
	[tilespmem:v59+s29+$0x0] =	vst.idx.msk $0xffff, v18  }
0x55e: {  	v63 =	vadd.s32 v23, v27;
	[tilespmem:v60+s30+$0x0] =	vst.idx.msk $0xffff, v18  }
0x55f: {  	[tilespmem:v19+s30+$0x0] =	vst.idx.msk $0xffff, v18;
	v19 =	vadd.s32 v24, v27  }
0x560: {  	[tilespmem:v20+s30+$0x0] =	vst.idx.msk $0xffff, v18;
	v20 =	vadd.s32 v25, v27  }
0x561: {  	[tilespmem:v61+s30+$0x0] =	vst.idx.msk $0xffff, v18  }
0x562: {  	[tilespmem:v62+s30+$0x0] =	vst.idx.msk $0xffff, v18  }
0x563: {  	[tilespmem:v63+s30+$0x0] =	vst.idx.msk $0xffff, v18  }
0x564: {  	s4 =	spop (v2sf);
	[tilespmem:v19+s30+$0x0] =	vst.idx.msk $0xffff, v18  }
0x565: {  	s8 =	spop (v2sf);
	[tilespmem:v20+s30+$0x0] =	vst.idx.msk $0xffff, v18  }
0x566: {  	_ =	swait.ge [sflag:s24], $0x2000  }
0x567: {  	[sflag:s24] =	ssyncset.done $0x0  }
0x568: {  	s4 =	sadd.s32 $0x7F, s4;
	[sflag:s24] =	ssyncadd.s32 $0xFFFFE000  }
0x569: {  	s10 =	sshra.s32 s4, $0x1F;
	s11 =	sand.u32 $0x7F, s4;
	_ =	swait.ge [sflag:s24], $0x2000  }
0x56a: {  	p1 =	slt.s32 s4, $0x1;
	s8 =	sadd.s32 $0x7F, s8;
	[sflag:s24] =	ssyncset.done $0x0  }
0x56b: {  	s10 =	sshrl.u32 s10, $0x19;
	p2 =	sne.s32 s11, $0x0;
	[sflag:s24] =	ssyncadd.s32 $0xFFFFE000  }
0x56c: {  	s11 =	sshra.s32 s8, $0x1F;
	p5 =	slt.s32 s8, $0x1;
	_ =	swait.ge [sflag:s24], $0x2000  }
0x56d: {  	s4 =	sadd.s32 s10, s4;
	p1 =	por !p1, !p2;
	[sflag:s24] =	ssyncset.done $0x0  }
0x56e: {  	s10 =	simm.s32 $0x1;
	p1 =	por !p1, !p1;
	[sflag:s24] =	ssyncadd.s32 $0xFFFFE000  }
0x56f: {  	s4 =	sshra.s32 s4, $0x7;
	s10 =	simm.s32 @!p1 $0x0;
	_ =	swait.ge [sflag:s24], $0x2000  }
0x570: {  	s22 =	ssub.s32 s4, s10;
	s4 =	sshrl.u32 s11, $0x19;
	[sflag:s24] =	ssyncset.done $0x0  }
0x571: {  	s11 =	sand.u32 $0x7F, s8;
	s10 =	simm.s32 @!p0 $0x1;
	[sflag:s24] =	ssyncadd.s32 $0xFFFFE000  }
.Ltmp67:
0x572: {  	p6 =	sne.s32 s11, $0x0;
	_ =	swait.ge @!p0 [sflag:s10], $0x40;
	(pc) =	sbr.rel .LBB2_84-.Ltmp67, $4  }
0x573: {  	s4 =	sadd.s32 s4, s8;
	p1 =	por !p5, !p6;
	[sflag:s10] =	ssyncset.done @!p0 $0x0  }
0x574: {  	s8 =	simm.s32 $0x1;
	p1 =	por !p1, !p1;
	[sflag:s10] =	ssyncadd.s32 @!p0 $0xFFFFFFC0  }
0x575: {  	s4 =	sshra.s32 s4, $0x7;
	s8 =	simm.s32 @!p1 $0x0;
	[bflag:$0x0] =	sbarrier.arrive $0xFFFF  }
0x576: {  	s4 =	ssub.s32 s4, s8;
	s8 =	simm.s32 $0x0  }
.LBB2_99:
0x577: {  	[sflag:s26] =	ssyncadd.s32 $0xFFFFFF80  }
.LBB2_100:
0x578: {  	s8 =	sadd.s32 $0x1, s8  }
0x579: {  	p1 =	sne.s32 s8, $0x8  }
.Ltmp68:
0x57a: {  	_ = 	snop;
	(pc) =	sbr.rel @!p1 .LBB2_101-.Ltmp68, $2  }
0x57b: {  	_ =	sdelay $0x1  }
0x57c: {  	[bflag:$0x0] =	sbarrier.arrive $0xFFFF;
	_ =	sdelay $0x1  }
.LBB2_84:
0x57d: {  	p1 =	sne.s32 s5, s8  }
0x57e: {  	p2 =	slt.s32 @!p1 s22, $0x1  }
0x57f: {  	p2 =	por p1, p2  }
.Ltmp69:
0x580: {  	_ = 	snop;
	(pc) =	sbr.rel @p2 .LBB2_88-.Ltmp69, $2  }
0x581: {  	_ =	sdelay $0x2  }
0x582: {  	s10 =	simm.s32 $0xA200  }
0x583: {  	p2 =	sne.s32 s22, $0x1  }
.Ltmp70:
0x584: {  	_ = 	snop;
	(pc) =	sbr.rel @!p2 .LBB2_87-.Ltmp70, $4  }
0x585: {  	_ = 	snop  }
0x586: {  	[spmem:s3] =	stream.indirect.scatter.add.f32 [tilespmem:s1], [sflag:$0x2], $0x1, s10, s20, $0xb8;
	[tilespmem:$0x1CA98] =	vst v63  }
0x587: {  	_ =	swait.ge [sflag:s26], $0x80  }
0x588: {  	s11 =	sadd.s32 $0xFFFFFFFF, s22;
	[sflag:s26] =	ssyncset.done $0x0  }
.LBB2_86:
0x589: {  	p2 =	sne.s32 s11, $0x1;
	[sflag:s26] =	ssyncadd.s32 $0xFFFFFF80;
	s10 =	sadd.s32 $0x80, s10  }
.Ltmp71:
0x58a: {  	s11 =	sadd.s32 $0xFFFFFFFF, s11;
	(pc) =	sbr.rel @p2 .LBB2_86-.Ltmp71, $4  }
0x58b: {  	_ = 	snop  }
0x58c: {  	[spmem:s3] =	stream.indirect.scatter.add.f32 [tilespmem:s1], [sflag:$0x2], $0x1, s10, s20, $0xb8;
	[tilespmem:$0x1CA98] =	vst v63  }
0x58d: {  	_ =	swait.ge [sflag:s26], $0x80  }
0x58e: {  	[sflag:s26] =	ssyncset.done $0x0  }
.LBB2_87:
0x58f: {  	[sflag:s26] =	ssyncadd.s32 $0xFFFFFF80  }
.LBB2_88:
0x590: {  	s10 =	sor.u32 $0x8, s8  }
0x591: {  	p2 =	sne.s32 s5, s10  }
0x592: {  	p3 =	slt.s32 @!p2 s4, $0x1  }
0x593: {  	p3 =	por p2, p3  }
.Ltmp72:
0x594: {  	_ = 	snop;
	(pc) =	sbr.rel @p3 .LBB2_92-.Ltmp72, $2  }
0x595: {  	_ =	sdelay $0x2  }
0x596: {  	s10 =	simm.s32 $0xE600  }
0x597: {  	p3 =	sne.s32 s4, $0x1  }
.Ltmp73:
0x598: {  	_ = 	snop;
	(pc) =	sbr.rel @!p3 .LBB2_91-.Ltmp73, $4  }
0x599: {  	_ = 	snop  }
0x59a: {  	[spmem:s3] =	stream.indirect.scatter.add.f32 [tilespmem:s1], [sflag:$0x2], $0x1, s10, s20, $0xb8;
	[tilespmem:$0x1CA98] =	vst v63  }
0x59b: {  	_ =	swait.ge [sflag:s26], $0x80  }
0x59c: {  	s11 =	sadd.s32 $0xFFFFFFFF, s4;
	[sflag:s26] =	ssyncset.done $0x0  }
.LBB2_90:
0x59d: {  	p3 =	sne.s32 s11, $0x1;
	[sflag:s26] =	ssyncadd.s32 $0xFFFFFF80;
	s10 =	sadd.s32 $0x80, s10  }
.Ltmp74:
0x59e: {  	s11 =	sadd.s32 $0xFFFFFFFF, s11;
	(pc) =	sbr.rel @p3 .LBB2_90-.Ltmp74, $4  }
0x59f: {  	_ = 	snop  }
0x5a0: {  	[spmem:s3] =	stream.indirect.scatter.add.f32 [tilespmem:s1], [sflag:$0x2], $0x1, s10, s20, $0xb8;
	[tilespmem:$0x1CA98] =	vst v63  }
0x5a1: {  	_ =	swait.ge [sflag:s26], $0x80  }
0x5a2: {  	[sflag:s26] =	ssyncset.done $0x0  }
.LBB2_91:
0x5a3: {  	[sflag:s26] =	ssyncadd.s32 $0xFFFFFF80  }
.LBB2_92:
0x5a4: {  	p3 =	slt.s32 @!p1 s4, $0x1  }
0x5a5: {  	p1 =	por p1, p3  }
.Ltmp75:
0x5a6: {  	_ = 	snop;
	(pc) =	sbr.rel @p1 .LBB2_96-.Ltmp75, $3  }
0x5a7: {  	_ =	sdelay $0x1  }
0x5a8: {  	[bflag:$0x0] =	sbarrier.arrive $0xFFFF  }
0x5a9: {  	s10 =	simm.s32 $0xE600  }
0x5aa: {  	p1 =	sne.s32 s4, $0x1  }
.Ltmp76:
0x5ab: {  	_ = 	snop;
	(pc) =	sbr.rel @!p1 .LBB2_95-.Ltmp76, $4  }
0x5ac: {  	_ = 	snop  }
0x5ad: {  	[spmem:s3] =	stream.indirect.scatter.add.f32 [tilespmem:s1], [sflag:$0x2], $0x1, s10, s20, $0xb8;
	[tilespmem:$0x1CA98] =	vst v63  }
0x5ae: {  	_ =	swait.ge [sflag:s26], $0x80  }
0x5af: {  	s11 =	sadd.s32 $0xFFFFFFFF, s4;
	[sflag:s26] =	ssyncset.done $0x0  }
.LBB2_94:
0x5b0: {  	p1 =	sne.s32 s11, $0x1;
	[sflag:s26] =	ssyncadd.s32 $0xFFFFFF80;
	s10 =	sadd.s32 $0x80, s10  }
.Ltmp77:
0x5b1: {  	s11 =	sadd.s32 $0xFFFFFFFF, s11;
	(pc) =	sbr.rel @p1 .LBB2_94-.Ltmp77, $4  }
0x5b2: {  	_ = 	snop  }
0x5b3: {  	[spmem:s3] =	stream.indirect.scatter.add.f32 [tilespmem:s1], [sflag:$0x2], $0x1, s10, s20, $0xb8;
	[tilespmem:$0x1CA98] =	vst v63  }
0x5b4: {  	_ =	swait.ge [sflag:s26], $0x80  }
0x5b5: {  	[sflag:s26] =	ssyncset.done $0x0  }
.LBB2_95:
0x5b6: {  	[sflag:s26] =	ssyncadd.s32 $0xFFFFFF80  }
.LBB2_96:
0x5b7: {  	p1 =	slt.s32 @!p2 s22, $0x1  }
0x5b8: {  	p1 =	por p2, p1  }
.Ltmp78:
0x5b9: {  	_ = 	snop;
	(pc) =	sbr.rel @p1 .LBB2_100-.Ltmp78, $2  }
0x5ba: {  	_ =	sdelay $0x2  }
0x5bb: {  	s10 =	simm.s32 $0xA200  }
0x5bc: {  	p1 =	sne.s32 s22, $0x1  }
.Ltmp79:
0x5bd: {  	_ = 	snop;
	(pc) =	sbr.rel @!p1 .LBB2_99-.Ltmp79, $4  }
0x5be: {  	_ = 	snop  }
0x5bf: {  	[spmem:s3] =	stream.indirect.scatter.add.f32 [tilespmem:s1], [sflag:$0x2], $0x1, s10, s20, $0xb8;
	[tilespmem:$0x1CA98] =	vst v63  }
0x5c0: {  	_ =	swait.ge [sflag:s26], $0x80  }
0x5c1: {  	s11 =	sadd.s32 $0xFFFFFFFF, s22;
	[sflag:s26] =	ssyncset.done $0x0  }
.LBB2_98:
0x5c2: {  	p1 =	sne.s32 s11, $0x1;
	[sflag:s26] =	ssyncadd.s32 $0xFFFFFF80;
	s10 =	sadd.s32 $0x80, s10  }
.Ltmp80:
0x5c3: {  	s11 =	sadd.s32 $0xFFFFFFFF, s11;
	(pc) =	sbr.rel @p1 .LBB2_98-.Ltmp80, $4  }
0x5c4: {  	_ = 	snop  }
0x5c5: {  	[spmem:s3] =	stream.indirect.scatter.add.f32 [tilespmem:s1], [sflag:$0x2], $0x1, s10, s20, $0xb8;
	[tilespmem:$0x1CA98] =	vst v63  }
0x5c6: {  	_ =	swait.ge [sflag:s26], $0x80  }
0x5c7: {  	[sflag:s26] =	ssyncset.done $0x0  }
.Ltmp81:
0x5c8: {  	_ = 	snop;
	(pc) =	sbr.rel .LBB2_99-.Ltmp81, $1  }
0x5c9: {  	_ =	sdelay $0x3  }
.LBB2_102:
0x5ca: {  	_ =	sfence.sel $0x180000  }
0x5cb: {  	[bflag:$0x0] =	sbarrier.arrive $0xFFFF  }
0x5cc: {  	_ =	strace $0x90000047  }
0x5cd: {  	[bflag:$0x2] =	sbarrier.arrive $0xFFFF  }
0x5ce: {  	s0 =	rddreg [dreg:$0x5]  }
0x5cf: {  	s0 =	sadd.s32 @!p0 $0x100000, s0  }
0x5d0: {  	[sflag:s0] =	ssyncadd.tile.s32 @!p0 $0x1;
	_ =	shalt  }
.Lfunc_end2:
_tile_overlayer_lowered:
.L_overlay_start_2:
0x5d1: {  	(tag) =	ssettag $0x2  }
0x5d2: {  	s0 =	rddreg [dreg:$0x0];
	s2 =	stileid.u32  }
0x5d3: {  	s1 =	rddreg [dreg:$0x1];
	p0 =	sne.s32 s2, $0x0  }
0x5d4: {  	s3 =	rddreg [dreg:$0x2];
	[bflag:$0x3] =	sbarrier.arrive $0xFFFF;
	s2 =	simm.s32 @!p0 $0x1C02  }
0x5d5: {  	[timem:s3], [sflag:s2] =	dma.local @!p0 [hbm:s0], s1  }
0x5d6: {  	s0 =	simm.s32 @!p0 $0x2  }
0x5d7: {  	_ =	swait.ge @!p0 [sflag:s0], s1  }
0x5d8: {  	s1 =	ssub.s32 @!p0 $0x0, s1;
	[sflag:s0] =	ssyncset.done @!p0 $0x0  }
0x5d9: {  	[sflag:s0] =	ssyncadd.s32 @!p0 s1  }
0x5da: {  	[bflag:$0x3] =	sbarrier.arrive $0xFFFF  }
0x5db: {  	_ =	shalt  }

</sc_bundles>
